<compile_context>
chip_gen: v7x
topology: tpu7x:2x2x1
jax: 0.10.2.dev20260603
libtpu: 0.0.44.dev20260713+nightly
codegen_flags: <defaults>
</compile_context>

<pallas_src>
import functools

import jax
import jax.numpy as jnp
from jax import lax
from jax.experimental import pallas as pl
from jax.experimental.pallas import tpu as pltpu
from jax.experimental.pallas import tpu_sc as plsc

N = 10000
E = 320000
D = 128
G = 256
C = 2

NC = 2
NS = 16
CH = 128
KE = 160
SLAB = 32
NSLAB = KE // SLAB
EPAD = NS * KE * CH
N8 = 10240
NPW = N8 // NS
KG = 5
G8 = 512
GPW = G8 // NS
F32 = jnp.float32
I32 = jnp.int32

_BR = 1280


def _sc_degrees_body(src_hbm, dst_hbm, gid_hbm, ones_hbm, zeros_hbm,
                     dego_hbm, degi_hbm, gcnt_hbm,
                     src_v, dst_v, gid_v, ones_v, zeros_v,
                     dego_s, degi_s, gcnt_s):
    c = lax.axis_index("c")
    s = lax.axis_index("s")
    pltpu.sync_copy(src_hbm.at[c, s], src_v)
    pltpu.sync_copy(dst_hbm.at[c, s], dst_v)
    pltpu.sync_copy(gid_hbm.at[c, s], gid_v)
    pltpu.sync_copy(ones_hbm, ones_v)
    pltpu.sync_copy(zeros_hbm, zeros_v)
    base = s * NPW
    sl = pl.ds(base, NPW)
    pltpu.sync_copy(zeros_v, dego_s.at[sl])
    pltpu.sync_copy(zeros_v, degi_s.at[sl])
    pltpu.sync_copy(zeros_v.at[pl.ds(0, GPW)], gcnt_s.at[pl.ds(s * GPW, GPW)])
    plsc.subcore_barrier()

    def edge_body(j, carry):
        pltpu.sync_copy(ones_v, dego_s.at[src_v.at[j]], add=True)
        pltpu.sync_copy(ones_v, degi_s.at[dst_v.at[j]], add=True)
        return carry

    lax.fori_loop(0, KE, edge_body, 0)

    def gid_body(j, carry):
        pltpu.sync_copy(ones_v, gcnt_s.at[gid_v.at[j]], add=True)
        return carry

    lax.fori_loop(0, KG, gid_body, 0)
    plsc.subcore_barrier()
    pltpu.sync_copy(dego_s.at[sl], zeros_v)
    pltpu.sync_copy(zeros_v, dego_hbm.at[c, sl])
    pltpu.sync_copy(degi_s.at[sl], zeros_v)
    pltpu.sync_copy(zeros_v, degi_hbm.at[c, sl])

    @pl.when(s < G8 // CH)
    def _():
        gsl_in = pl.ds(s * CH, CH)
        pltpu.sync_copy(gcnt_s.at[gsl_in], zeros_v.at[pl.ds(0, CH)])
        pltpu.sync_copy(zeros_v.at[pl.ds(0, CH)], gcnt_hbm.at[c, gsl_in])


def _sc_scatter_body(table_hbm, src_hbm, dst_hbm, zeros_hbm, out_hbm,
                     src_v, dst_v, gbufa, gbufb, acc_s, sema, semb):
    c = lax.axis_index("c")
    s = lax.axis_index("s")
    pltpu.sync_copy(zeros_hbm, gbufa)
    base = s * NPW
    for k in range(NPW // CH):
        pltpu.sync_copy(gbufa, acc_s.at[pl.ds(base + k * CH, CH)])
    plsc.subcore_barrier()

    for t in range(NSLAB):
        pltpu.sync_copy(src_hbm.at[c, s, pl.ds(t * SLAB, SLAB)], src_v)
        pltpu.sync_copy(dst_hbm.at[c, s, pl.ds(t * SLAB, SLAB)], dst_v)
        pltpu.async_copy(table_hbm.at[src_v.at[0]], gbufa, sema)

        def body2(jj, carry):
            j0 = 2 * jj
            pltpu.async_copy(table_hbm.at[src_v.at[j0 + 1]], gbufb, semb)
            pltpu.make_async_copy(table_hbm.at[src_v.at[j0]],
                                  gbufa, sema).wait()
            pltpu.sync_copy(gbufa, acc_s.at[dst_v.at[j0]], add=True)

            @pl.when(jj < SLAB // 2 - 1)
            def _():
                pltpu.async_copy(table_hbm.at[src_v.at[j0 + 2]], gbufa, sema)

            pltpu.make_async_copy(table_hbm.at[src_v.at[j0 + 1]],
                                  gbufb, semb).wait()
            pltpu.sync_copy(gbufb, acc_s.at[dst_v.at[j0 + 1]], add=True)
            return carry

        lax.fori_loop(0, SLAB // 2, body2, 0)
    plsc.subcore_barrier()
    for k in range(NPW // CH):
        sl = pl.ds(base + k * CH, CH)
        pltpu.sync_copy(acc_s.at[sl], gbufa)
        pltpu.sync_copy(gbufa, out_hbm.at[c, sl])


@functools.lru_cache(maxsize=None)
def _sc_kernels():
    mesh = plsc.VectorSubcoreMesh(core_axis_name="c", subcore_axis_name="s")
    degrees = pl.kernel(
        _sc_degrees_body,
        out_type=(jax.ShapeDtypeStruct((NC, N8), F32),
                  jax.ShapeDtypeStruct((NC, N8), F32),
                  jax.ShapeDtypeStruct((NC, G8), F32)),
        mesh=mesh,
        scratch_types=[
            pltpu.VMEM((KE, CH), I32),
            pltpu.VMEM((KE, CH), I32),
            pltpu.VMEM((KG, CH), I32),
            pltpu.VMEM((CH,), F32),
            pltpu.VMEM((NPW,), F32),
            pltpu.VMEM_SHARED((N8,), F32),
            pltpu.VMEM_SHARED((N8,), F32),
            pltpu.VMEM_SHARED((G8,), F32),
        ],
    )
    scatter = pl.kernel(
        _sc_scatter_body,
        out_type=jax.ShapeDtypeStruct((NC, N8, D), F32),
        mesh=mesh,
        scratch_types=[
            pltpu.VMEM((SLAB, CH), I32),
            pltpu.VMEM((SLAB, CH), I32),
            pltpu.VMEM((CH, D), F32),
            pltpu.VMEM((CH, D), F32),
            pltpu.VMEM_SHARED((N8, D), F32),
            pltpu.SemaphoreType.DMA,
            pltpu.SemaphoreType.DMA,
        ],
    )
    return degrees, scatter


def _col(v):
    return jnp.reshape(v, (v.shape[-1], 1))


def _tc_norm_body(x_ref, rso_ref, xs_ref):
    xs_ref[0] = x_ref[0] * _col(rso_ref[...])


_tc_norm = pl.pallas_call(
    _tc_norm_body,
    grid=(NC, N8 // _BR),
    in_specs=[pl.BlockSpec((1, _BR, D), lambda c, r: (c, r, 0)),
              pl.BlockSpec((1, 1, _BR), lambda c, r: (c, 0, r))],
    out_specs=pl.BlockSpec((1, _BR, D), lambda c, r: (c, r, 0)),
    out_shape=jax.ShapeDtypeStruct((NC, N8, D), F32),
)


def _tc_mid_body(m_ref, rsi_ref, rso_ref, w_ref, b_ref, out_ref):
    rsdi = _col(rsi_ref[...])
    rsdo = _col(rso_ref[...])
    h = jnp.dot(m_ref[0] * rsdi, w_ref[...], preferred_element_type=F32)
    h = jnp.maximum(h + b_ref[...], 0.0)
    out_ref[0] = h * rsdo


_tc_mid = pl.pallas_call(
    _tc_mid_body,
    grid=(NC, N8 // _BR),
    in_specs=[pl.BlockSpec((1, _BR, D), lambda c, r: (c, r, 0)),
              pl.BlockSpec((1, 1, _BR), lambda c, r: (c, 0, r)),
              pl.BlockSpec((1, 1, _BR), lambda c, r: (c, 0, r)),
              pl.BlockSpec((D, D), lambda c, r: (0, 0)),
              pl.BlockSpec((1, D), lambda c, r: (0, 0))],
    out_specs=pl.BlockSpec((1, _BR, D), lambda c, r: (c, r, 0)),
    out_shape=jax.ShapeDtypeStruct((NC, N8, D), F32),
)


def _tc_pool_body(m_ref, rsi_ref, w_ref, b_ref, gid_ref, out_ref):
    r = pl.program_id(1)
    rsdi = _col(rsi_ref[...])
    h = jnp.dot(m_ref[0] * rsdi, w_ref[...], preferred_element_type=F32)
    h = jnp.maximum(h + b_ref[...], 0.0)
    gid = jnp.reshape(gid_ref[...], (1, _BR))
    oh = (lax.broadcasted_iota(I32, (G, _BR), 0) == gid).astype(F32)
    contrib = jnp.dot(oh, h, preferred_element_type=F32,
                      precision=lax.Precision.HIGHEST)

    @pl.when(r == 0)
    def _():
        out_ref[0] = contrib

    @pl.when(r != 0)
    def _():
        out_ref[0] += contrib


_tc_pool = pl.pallas_call(
    _tc_pool_body,
    grid=(NC, N8 // _BR),
    in_specs=[pl.BlockSpec((1, _BR, D), lambda c, r: (c, r, 0)),
              pl.BlockSpec((1, 1, _BR), lambda c, r: (c, 0, r)),
              pl.BlockSpec((D, D), lambda c, r: (0, 0)),
              pl.BlockSpec((1, D), lambda c, r: (0, 0)),
              pl.BlockSpec((1, 1, _BR), lambda c, r: (c, 0, r))],
    out_specs=pl.BlockSpec((1, G, D), lambda c, r: (c, 0, 0)),
    out_shape=jax.ShapeDtypeStruct((NC, G, D), F32),
    compiler_params=pltpu.CompilerParams(
        dimension_semantics=("arbitrary", "arbitrary")),
)


def _tc_mlp_body(p_ref, gcnt_ref, w1, b1, w2, b2, w3, b3, w4, b4, out_ref):
    cnt = gcnt_ref[...]
    c1 = _col(jnp.maximum(cnt[0, :, :G], 1.0))
    c2 = _col(jnp.maximum(cnt[1, :, :G], 1.0))
    hg = jnp.concatenate([p_ref[0] / c1, p_ref[1] / c2], axis=1)
    o = jnp.maximum(jnp.dot(hg, w1[...], preferred_element_type=F32) + b1[...], 0.0)
    o = jnp.maximum(jnp.dot(o, w2[...], preferred_element_type=F32) + b2[...], 0.0)
    o = jnp.maximum(jnp.dot(o, w3[...], preferred_element_type=F32) + b3[...], 0.0)
    out_ref[...] = jnp.dot(o, w4[...], preferred_element_type=F32) + b4[...]


_tc_mlp = pl.pallas_call(
    _tc_mlp_body,
    out_shape=jax.ShapeDtypeStruct((G, D), F32),
)


def kernel(x1, x2, edge_index1, edge_index2, graph_id1, graph_id2,
           Wc1, bc1, Wc2, bc2, W1, B1, W2, B2, W3, B3, W4, B4):
    def prep(ei):
        srcp = jnp.concatenate([ei[0], jnp.full((EPAD - E,), N, I32)])
        dstp = jnp.concatenate([ei[1], jnp.full((EPAD - E,), N, I32)])
        return srcp.reshape(NS, KE, CH), dstp.reshape(NS, KE, CH)

    s1, d1 = prep(edge_index1)
    s2, d2 = prep(edge_index2)
    src_l = jnp.stack([s1, s2])
    dst_l = jnp.stack([d1, d2])
    src_g = src_l + (jnp.arange(NC, dtype=I32) * N8)[:, None, None, None]
    gidp = jnp.stack([
        jnp.concatenate([graph_id1, jnp.full((N8 - N,), G, I32)]),
        jnp.concatenate([graph_id2, jnp.full((N8 - N,), G, I32)])])
    gid_sc = gidp.reshape(NC, NS, KG, CH)
    gid_tc = gidp
    x_all = jnp.zeros((NC, N8, D), F32).at[:, :N, :].set(jnp.stack([x1, x2]))
    ones1 = jnp.ones((CH,), F32)
    zeros1 = jnp.zeros((NPW,), F32)
    zeros128 = jnp.zeros((CH, D), F32)
    W4p = jnp.zeros((D, D), F32).at[:, :C].set(W4)
    B4p = jnp.zeros((1, D), F32).at[0, :C].set(B4)

    def b_(v):
        return v.reshape(1, -1)

    _sc_degrees, _sc_scatter = _sc_kernels()
    dego, degi, gcnt = _sc_degrees(src_l, dst_l, gid_sc, ones1, zeros1)
    rso3 = (jnp.clip(dego, 1.0, None) ** -0.5).reshape(NC, 1, N8)
    rsi3 = (jnp.clip(degi, 1.0, None) ** -0.5).reshape(NC, 1, N8)
    gcnt3 = gcnt.reshape(NC, 1, G8)
    gid3 = gid_tc.reshape(NC, 1, N8)
    xs = _tc_norm(x_all, rso3)
    m1 = _sc_scatter(xs.reshape(NC * N8, D), src_g, dst_l, zeros128)
    hs = _tc_mid(m1, rsi3, rso3, Wc1, b_(bc1))
    m2 = _sc_scatter(hs.reshape(NC * N8, D), src_g, dst_l, zeros128)
    pools = _tc_pool(m2, rsi3, Wc2, b_(bc2), gid3)
    out = _tc_mlp(pools, gcnt3, W1, b_(B1), W2, b_(B2), W3, b_(B3), W4p, B4p)
    return out[:, :C]

# --- scband reference (transcript-rebuilt; emitter-appended) ---
"""Pipeline reference for scband-gcnreg-binary-33243046871480 (READ-ONLY COPY).

The authoritative reference and input builder live on the scoring server;
editing this copy changes nothing except your own understanding.
"""

import jax, jax.numpy as jnp
import numpy as np

N = 10000
E = 320000
D = 128
H = 128
C = 2
G = 256


def gcn_conv(x, src, dst, W, b, n):
    # DGL GraphConv with norm='both': h = D_in^{-1/2} A D_out^{-1/2} x W + b
    deg_out = jnp.zeros((n,), jnp.float32).at[src].add(1.0)
    deg_out = jnp.clip(deg_out, 1.0, None)
    h = x * (deg_out ** -0.5)[:, None]
    m = jnp.zeros((n, x.shape[1]), x.dtype).at[dst].add(h[src])
    deg_in = jnp.zeros((n,), jnp.float32).at[dst].add(1.0)
    deg_in = jnp.clip(deg_in, 1.0, None)
    m = m * (deg_in ** -0.5)[:, None]
    return m @ W + b


def mean_nodes(h, gid, g):
    sums = jax.ops.segment_sum(h, gid, num_segments=g)
    cnt = jax.ops.segment_sum(jnp.ones((h.shape[0],), h.dtype), gid, num_segments=g)
    return sums / jnp.clip(cnt, 1.0, None)[:, None]


def setup_inputs(seed: int = 0):
    key = jax.random.key(seed)
    ks = jax.random.split(key, 24)
    inp = {}
    inp['x1'] = jax.random.normal(ks[0], (N, D), jnp.float32)
    inp['x2'] = jax.random.normal(ks[1], (N, D), jnp.float32)
    inp['edge_index1'] = jax.random.randint(ks[2], (2, E), 0, N, dtype=jnp.int32)
    inp['edge_index2'] = jax.random.randint(ks[3], (2, E), 0, N, dtype=jnp.int32)
    inp['graph_id1'] = jnp.sort(jax.random.randint(ks[4], (N,), 0, G, dtype=jnp.int32))
    inp['graph_id2'] = jnp.sort(jax.random.randint(ks[5], (N,), 0, G, dtype=jnp.int32))
    # shared GraphConv weights (conv1 and conv2 are shared across the two graphs)
    inp['Wc1'] = jax.random.normal(ks[6], (D, H), jnp.float32) * 0.05
    inp['bc1'] = jnp.zeros((H,), jnp.float32)
    inp['Wc2'] = jax.random.normal(ks[7], (H, H), jnp.float32) * 0.05
    inp['bc2'] = jnp.zeros((H,), jnp.float32)
    inp['W1'] = jax.random.normal(ks[8], (2 * H, 2 * H), jnp.float32) * 0.05
    inp['B1'] = jnp.zeros((2 * H,), jnp.float32)
    inp['W2'] = jax.random.normal(ks[9], (2 * H, H), jnp.float32) * 0.05
    inp['B2'] = jnp.zeros((H,), jnp.float32)
    inp['W3'] = jax.random.normal(ks[10], (H, H), jnp.float32) * 0.05
    inp['B3'] = jnp.zeros((H,), jnp.float32)
    inp['W4'] = jax.random.normal(ks[11], (H, C), jnp.float32) * 0.05
    inp['B4'] = jnp.zeros((C,), jnp.float32)
    return inp


def reference(x1, x2, edge_index1, edge_index2, graph_id1, graph_id2, Wc1, bc1, Wc2, bc2, W1, B1, W2, B2, W3, B3, W4, B4):
    s1, d1 = edge_index1[0], edge_index1[1]
    s2, d2 = edge_index2[0], edge_index2[1]
    h1 = jax.nn.relu(gcn_conv(x1, s1, d1, Wc1, bc1, N))
    h1 = jax.nn.relu(gcn_conv(h1, s1, d1, Wc2, bc2, N))
    h2 = jax.nn.relu(gcn_conv(x2, s2, d2, Wc1, bc1, N))
    h2 = jax.nn.relu(gcn_conv(h2, s2, d2, Wc2, bc2, N))
    hg1 = mean_nodes(h1, graph_id1, G)
    hg2 = mean_nodes(h2, graph_id2, G)
    hg = jnp.concatenate([hg1, hg2], axis=1)
    o = jax.nn.relu(hg @ W1 + B1)
    o = jax.nn.relu(o @ W2 + B2)
    o = jax.nn.relu(o @ W3 + B3)
    o = o @ W4 + B4
    return o

if __name__ == "__main__":
    import jax
    _d = setup_inputs()
    print(jax.jit(kernel)(*tuple(_d.values())))

</pallas_src>

<mosaic_0001>
#map = affine_map<(d0, d1) -> (0, 0)>
#map1 = affine_map<(d0, d1) -> (0, 0, 0, 0)>
#map2 = affine_map<(d0, d1) -> (0, 0, 0)>
module attributes {stable_mosaic.version = 14 : i64} {
  func.func @_sc_scatter_body(%arg0: i32, %arg1: i32, %arg2: memref<20480x128xf32, #tpu.memory_space<hbm>>, %arg3: memref<2x16x160x128xi32, #tpu.memory_space<hbm>>, %arg4: memref<2x16x160x128xi32, #tpu.memory_space<hbm>>, %arg5: memref<128x128xf32, #tpu.memory_space<hbm>>, %arg6: memref<2x10240x128xf32, #tpu.memory_space<hbm>>, %arg7: memref<32x128xi32, #tpu.memory_space<vmem>>, %arg8: memref<32x128xi32, #tpu.memory_space<vmem>>, %arg9: memref<128x128xf32, #tpu.memory_space<vmem>>, %arg10: memref<128x128xf32, #tpu.memory_space<vmem>>, %arg11: memref<10240x128xf32, #tpu.memory_space<vmem_shared>>, %arg12: memref<!tpu.dma_semaphore, #tpu.memory_space<semaphore_mem>>, %arg13: memref<!tpu.dma_semaphore, #tpu.memory_space<semaphore_mem>>) attributes {dimension_semantics = [#tpu.dimension_semantics<core_parallel>, #tpu.dimension_semantics<subcore_parallel>], iteration_bounds = array<i64: 2, 16>, scalar_prefetch = 0 : i64, scratch_operands = 7 : i64, tpu.core_type = #tpu.core_type<sc_vector_subcore>, window_params = [{transform_indices = #map}, {transform_indices = #map1}, {transform_indices = #map1}, {transform_indices = #map}, {transform_indices = #map2}]} {
    "tpu.region"() ({
      %run_scoped3A = tpu.sem_alloc : memref<!tpu.dma_semaphore, #tpu.memory_space<semaphore_mem>>
      tpu.enqueue_dma source(%arg5 : memref<128x128xf32, #tpu.memory_space<hbm>>) target(%arg9 : memref<128x128xf32, #tpu.memory_space<vmem>>) target_semaphore(%run_scoped3A : memref<!tpu.dma_semaphore, #tpu.memory_space<semaphore_mem>>)
      tpu.wait_dma2 semaphore(%run_scoped3A : memref<!tpu.dma_semaphore, #tpu.memory_space<semaphore_mem>>) src(%arg5 : memref<128x128xf32, #tpu.memory_space<hbm>>) dst(%arg9 : memref<128x128xf32, #tpu.memory_space<vmem>>)
      tpu.yield
    }) : () -> ()
    %mul3A = arith.constant 640 : i32
    %mul3A_0 = arith.muli %arg1, %mul3A : i32
    %add3A = arith.constant 0 : i32
    %add3A_1 = arith.addi %mul3A_0, %add3A : i32
    "tpu.region"() ({
      %run_scoped3A = tpu.sem_alloc : memref<!tpu.dma_semaphore, #tpu.memory_space<semaphore_mem>>
      %dma_start3A_84 = arith.constant 0 : i32
      %dma_start3A_85 = tpu.memref_slice %arg11[%add3A_1, %dma_start3A_84] : memref<10240x128xf32, #tpu.memory_space<vmem_shared>> -> memref<128x128xf32, #tpu.memory_space<vmem_shared>>
      %dma_start3A_86 = arith.constant 0 : i32
      %dma_start3A_87 = tpu.memref_slice %arg11[%add3A_1, %dma_start3A_86] : memref<10240x128xf32, #tpu.memory_space<vmem_shared>> -> memref<128x128xf32, #tpu.memory_space<vmem_shared>>
      tpu.enqueue_dma source(%arg9 : memref<128x128xf32, #tpu.memory_space<vmem>>) target(%dma_start3A_87 : memref<128x128xf32, #tpu.memory_space<vmem_shared>>) target_semaphore(%run_scoped3A : memref<!tpu.dma_semaphore, #tpu.memory_space<semaphore_mem>>)
      %dma_wait3A = arith.constant 0 : i32
      %dma_wait3A_88 = tpu.memref_slice %arg11[%add3A_1, %dma_wait3A] : memref<10240x128xf32, #tpu.memory_space<vmem_shared>> -> memref<128x128xf32, #tpu.memory_space<vmem_shared>>
      %dma_wait3A_89 = arith.constant 0 : i32
      %dma_wait3A_90 = tpu.memref_slice %arg11[%add3A_1, %dma_wait3A_89] : memref<10240x128xf32, #tpu.memory_space<vmem_shared>> -> memref<128x128xf32, #tpu.memory_space<vmem_shared>>
      tpu.wait_dma2 semaphore(%run_scoped3A : memref<!tpu.dma_semaphore, #tpu.memory_space<semaphore_mem>>) src(%arg9 : memref<128x128xf32, #tpu.memory_space<vmem>>) dst(%dma_wait3A_90 : memref<128x128xf32, #tpu.memory_space<vmem_shared>>)
      tpu.yield
    }) : () -> ()
    %add3A_2 = arith.constant 128 : i32
    %add3A_3 = arith.addi %mul3A_0, %add3A_2 : i32
    "tpu.region"() ({
      %run_scoped3A = tpu.sem_alloc : memref<!tpu.dma_semaphore, #tpu.memory_space<semaphore_mem>>
      %dma_start3A_84 = arith.constant 0 : i32
      %dma_start3A_85 = tpu.memref_slice %arg11[%add3A_3, %dma_start3A_84] : memref<10240x128xf32, #tpu.memory_space<vmem_shared>> -> memref<128x128xf32, #tpu.memory_space<vmem_shared>>
      %dma_start3A_86 = arith.constant 0 : i32
      %dma_start3A_87 = tpu.memref_slice %arg11[%add3A_3, %dma_start3A_86] : memref<10240x128xf32, #tpu.memory_space<vmem_shared>> -> memref<128x128xf32, #tpu.memory_space<vmem_shared>>
      tpu.enqueue_dma source(%arg9 : memref<128x128xf32, #tpu.memory_space<vmem>>) target(%dma_start3A_87 : memref<128x128xf32, #tpu.memory_space<vmem_shared>>) target_semaphore(%run_scoped3A : memref<!tpu.dma_semaphore, #tpu.memory_space<semaphore_mem>>)
      %dma_wait3A = arith.constant 0 : i32
      %dma_wait3A_88 = tpu.memref_slice %arg11[%add3A_3, %dma_wait3A] : memref<10240x128xf32, #tpu.memory_space<vmem_shared>> -> memref<128x128xf32, #tpu.memory_space<vmem_shared>>
      %dma_wait3A_89 = arith.constant 0 : i32
      %dma_wait3A_90 = tpu.memref_slice %arg11[%add3A_3, %dma_wait3A_89] : memref<10240x128xf32, #tpu.memory_space<vmem_shared>> -> memref<128x128xf32, #tpu.memory_space<vmem_shared>>
      tpu.wait_dma2 semaphore(%run_scoped3A : memref<!tpu.dma_semaphore, #tpu.memory_space<semaphore_mem>>) src(%arg9 : memref<128x128xf32, #tpu.memory_space<vmem>>) dst(%dma_wait3A_90 : memref<128x128xf32, #tpu.memory_space<vmem_shared>>)
      tpu.yield
    }) : () -> ()
    %add3A_4 = arith.constant 256 : i32
    %add3A_5 = arith.addi %mul3A_0, %add3A_4 : i32
    "tpu.region"() ({
      %run_scoped3A = tpu.sem_alloc : memref<!tpu.dma_semaphore, #tpu.memory_space<semaphore_mem>>
      %dma_start3A_84 = arith.constant 0 : i32
      %dma_start3A_85 = tpu.memref_slice %arg11[%add3A_5, %dma_start3A_84] : memref<10240x128xf32, #tpu.memory_space<vmem_shared>> -> memref<128x128xf32, #tpu.memory_space<vmem_shared>>
      %dma_start3A_86 = arith.constant 0 : i32
      %dma_start3A_87 = tpu.memref_slice %arg11[%add3A_5, %dma_start3A_86] : memref<10240x128xf32, #tpu.memory_space<vmem_shared>> -> memref<128x128xf32, #tpu.memory_space<vmem_shared>>
      tpu.enqueue_dma source(%arg9 : memref<128x128xf32, #tpu.memory_space<vmem>>) target(%dma_start3A_87 : memref<128x128xf32, #tpu.memory_space<vmem_shared>>) target_semaphore(%run_scoped3A : memref<!tpu.dma_semaphore, #tpu.memory_space<semaphore_mem>>)
      %dma_wait3A = arith.constant 0 : i32
      %dma_wait3A_88 = tpu.memref_slice %arg11[%add3A_5, %dma_wait3A] : memref<10240x128xf32, #tpu.memory_space<vmem_shared>> -> memref<128x128xf32, #tpu.memory_space<vmem_shared>>
      %dma_wait3A_89 = arith.constant 0 : i32
      %dma_wait3A_90 = tpu.memref_slice %arg11[%add3A_5, %dma_wait3A_89] : memref<10240x128xf32, #tpu.memory_space<vmem_shared>> -> memref<128x128xf32, #tpu.memory_space<vmem_shared>>
      tpu.wait_dma2 semaphore(%run_scoped3A : memref<!tpu.dma_semaphore, #tpu.memory_space<semaphore_mem>>) src(%arg9 : memref<128x128xf32, #tpu.memory_space<vmem>>) dst(%dma_wait3A_90 : memref<128x128xf32, #tpu.memory_space<vmem_shared>>)
      tpu.yield
    }) : () -> ()
    %add3A_6 = arith.constant 384 : i32
    %add3A_7 = arith.addi %mul3A_0, %add3A_6 : i32
    "tpu.region"() ({
      %run_scoped3A = tpu.sem_alloc : memref<!tpu.dma_semaphore, #tpu.memory_space<semaphore_mem>>
      %dma_start3A_84 = arith.constant 0 : i32
      %dma_start3A_85 = tpu.memref_slice %arg11[%add3A_7, %dma_start3A_84] : memref<10240x128xf32, #tpu.memory_space<vmem_shared>> -> memref<128x128xf32, #tpu.memory_space<vmem_shared>>
      %dma_start3A_86 = arith.constant 0 : i32
      %dma_start3A_87 = tpu.memref_slice %arg11[%add3A_7, %dma_start3A_86] : memref<10240x128xf32, #tpu.memory_space<vmem_shared>> -> memref<128x128xf32, #tpu.memory_space<vmem_shared>>
      tpu.enqueue_dma source(%arg9 : memref<128x128xf32, #tpu.memory_space<vmem>>) target(%dma_start3A_87 : memref<128x128xf32, #tpu.memory_space<vmem_shared>>) target_semaphore(%run_scoped3A : memref<!tpu.dma_semaphore, #tpu.memory_space<semaphore_mem>>)
      %dma_wait3A = arith.constant 0 : i32
      %dma_wait3A_88 = tpu.memref_slice %arg11[%add3A_7, %dma_wait3A] : memref<10240x128xf32, #tpu.memory_space<vmem_shared>> -> memref<128x128xf32, #tpu.memory_space<vmem_shared>>
      %dma_wait3A_89 = arith.constant 0 : i32
      %dma_wait3A_90 = tpu.memref_slice %arg11[%add3A_7, %dma_wait3A_89] : memref<10240x128xf32, #tpu.memory_space<vmem_shared>> -> memref<128x128xf32, #tpu.memory_space<vmem_shared>>
      tpu.wait_dma2 semaphore(%run_scoped3A : memref<!tpu.dma_semaphore, #tpu.memory_space<semaphore_mem>>) src(%arg9 : memref<128x128xf32, #tpu.memory_space<vmem>>) dst(%dma_wait3A_90 : memref<128x128xf32, #tpu.memory_space<vmem_shared>>)
      tpu.yield
    }) : () -> ()
    %add3A_8 = arith.constant 512 : i32
    %add3A_9 = arith.addi %mul3A_0, %add3A_8 : i32
    "tpu.region"() ({
      %run_scoped3A = tpu.sem_alloc : memref<!tpu.dma_semaphore, #tpu.memory_space<semaphore_mem>>
      %dma_start3A_84 = arith.constant 0 : i32
      %dma_start3A_85 = tpu.memref_slice %arg11[%add3A_9, %dma_start3A_84] : memref<10240x128xf32, #tpu.memory_space<vmem_shared>> -> memref<128x128xf32, #tpu.memory_space<vmem_shared>>
      %dma_start3A_86 = arith.constant 0 : i32
      %dma_start3A_87 = tpu.memref_slice %arg11[%add3A_9, %dma_start3A_86] : memref<10240x128xf32, #tpu.memory_space<vmem_shared>> -> memref<128x128xf32, #tpu.memory_space<vmem_shared>>
      tpu.enqueue_dma source(%arg9 : memref<128x128xf32, #tpu.memory_space<vmem>>) target(%dma_start3A_87 : memref<128x128xf32, #tpu.memory_space<vmem_shared>>) target_semaphore(%run_scoped3A : memref<!tpu.dma_semaphore, #tpu.memory_space<semaphore_mem>>)
      %dma_wait3A = arith.constant 0 : i32
      %dma_wait3A_88 = tpu.memref_slice %arg11[%add3A_9, %dma_wait3A] : memref<10240x128xf32, #tpu.memory_space<vmem_shared>> -> memref<128x128xf32, #tpu.memory_space<vmem_shared>>
      %dma_wait3A_89 = arith.constant 0 : i32
      %dma_wait3A_90 = tpu.memref_slice %arg11[%add3A_9, %dma_wait3A_89] : memref<10240x128xf32, #tpu.memory_space<vmem_shared>> -> memref<128x128xf32, #tpu.memory_space<vmem_shared>>
      tpu.wait_dma2 semaphore(%run_scoped3A : memref<!tpu.dma_semaphore, #tpu.memory_space<semaphore_mem>>) src(%arg9 : memref<128x128xf32, #tpu.memory_space<vmem>>) dst(%dma_wait3A_90 : memref<128x128xf32, #tpu.memory_space<vmem_shared>>)
      tpu.yield
    }) : () -> ()
    %barrier3A = arith.constant 0 : index
    tpu.barrier barrier_id(%barrier3A)
    "tpu.region"() ({
      %run_scoped3A = tpu.sem_alloc : memref<!tpu.dma_semaphore, #tpu.memory_space<semaphore_mem>>
      %dma_start3A_84 = arith.constant 0 : i32
      %dma_start3A_85 = arith.constant 0 : i32
      %dma_start3A_86 = tpu.memref_slice %arg3[%arg0, %arg1, %dma_start3A_84, %dma_start3A_85] : memref<2x16x160x128xi32, #tpu.memory_space<hbm>> -> memref<1x1x32x128xi32, #tpu.memory_space<hbm>>
      %dma_start3A_87 = tpu.memref_squeeze %dma_start3A_86 : memref<1x1x32x128xi32, #tpu.memory_space<hbm>> -> memref<32x128xi32, #tpu.memory_space<hbm>>
      %dma_start3A_88 = arith.constant 0 : i32
      %dma_start3A_89 = arith.constant 0 : i32
      %dma_start3A_90 = tpu.memref_slice %arg3[%arg0, %arg1, %dma_start3A_88, %dma_start3A_89] : memref<2x16x160x128xi32, #tpu.memory_space<hbm>> -> memref<1x1x32x128xi32, #tpu.memory_space<hbm>>
      %dma_start3A_91 = tpu.memref_squeeze %dma_start3A_90 : memref<1x1x32x128xi32, #tpu.memory_space<hbm>> -> memref<32x128xi32, #tpu.memory_space<hbm>>
      tpu.enqueue_dma source(%dma_start3A_91 : memref<32x128xi32, #tpu.memory_space<hbm>>) target(%arg7 : memref<32x128xi32, #tpu.memory_space<vmem>>) target_semaphore(%run_scoped3A : memref<!tpu.dma_semaphore, #tpu.memory_space<semaphore_mem>>)
      %dma_wait3A = arith.constant 0 : i32
      %dma_wait3A_92 = arith.constant 0 : i32
      %dma_wait3A_93 = tpu.memref_slice %arg3[%arg0, %arg1, %dma_wait3A, %dma_wait3A_92] : memref<2x16x160x128xi32, #tpu.memory_space<hbm>> -> memref<1x1x32x128xi32, #tpu.memory_space<hbm>>
      %dma_wait3A_94 = tpu.memref_squeeze %dma_wait3A_93 : memref<1x1x32x128xi32, #tpu.memory_space<hbm>> -> memref<32x128xi32, #tpu.memory_space<hbm>>
      %dma_wait3A_95 = arith.constant 0 : i32
      %dma_wait3A_96 = arith.constant 0 : i32
      %dma_wait3A_97 = tpu.memref_slice %arg3[%arg0, %arg1, %dma_wait3A_95, %dma_wait3A_96] : memref<2x16x160x128xi32, #tpu.memory_space<hbm>> -> memref<1x1x32x128xi32, #tpu.memory_space<hbm>>
      %dma_wait3A_98 = tpu.memref_squeeze %dma_wait3A_97 : memref<1x1x32x128xi32, #tpu.memory_space<hbm>> -> memref<32x128xi32, #tpu.memory_space<hbm>>
      tpu.wait_dma2 semaphore(%run_scoped3A : memref<!tpu.dma_semaphore, #tpu.memory_space<semaphore_mem>>) src(%dma_wait3A_98 : memref<32x128xi32, #tpu.memory_space<hbm>>) dst(%arg7 : memref<32x128xi32, #tpu.memory_space<vmem>>)
      tpu.yield
    }) : () -> ()
    "tpu.region"() ({
      %run_scoped3A = tpu.sem_alloc : memref<!tpu.dma_semaphore, #tpu.memory_space<semaphore_mem>>
      %dma_start3A_84 = arith.constant 0 : i32
      %dma_start3A_85 = arith.constant 0 : i32
      %dma_start3A_86 = tpu.memref_slice %arg4[%arg0, %arg1, %dma_start3A_84, %dma_start3A_85] : memref<2x16x160x128xi32, #tpu.memory_space<hbm>> -> memref<1x1x32x128xi32, #tpu.memory_space<hbm>>
      %dma_start3A_87 = tpu.memref_squeeze %dma_start3A_86 : memref<1x1x32x128xi32, #tpu.memory_space<hbm>> -> memref<32x128xi32, #tpu.memory_space<hbm>>
      %dma_start3A_88 = arith.constant 0 : i32
      %dma_start3A_89 = arith.constant 0 : i32
      %dma_start3A_90 = tpu.memref_slice %arg4[%arg0, %arg1, %dma_start3A_88, %dma_start3A_89] : memref<2x16x160x128xi32, #tpu.memory_space<hbm>> -> memref<1x1x32x128xi32, #tpu.memory_space<hbm>>
      %dma_start3A_91 = tpu.memref_squeeze %dma_start3A_90 : memref<1x1x32x128xi32, #tpu.memory_space<hbm>> -> memref<32x128xi32, #tpu.memory_space<hbm>>
      tpu.enqueue_dma source(%dma_start3A_91 : memref<32x128xi32, #tpu.memory_space<hbm>>) target(%arg8 : memref<32x128xi32, #tpu.memory_space<vmem>>) target_semaphore(%run_scoped3A : memref<!tpu.dma_semaphore, #tpu.memory_space<semaphore_mem>>)
      %dma_wait3A = arith.constant 0 : i32
      %dma_wait3A_92 = arith.constant 0 : i32
      %dma_wait3A_93 = tpu.memref_slice %arg4[%arg0, %arg1, %dma_wait3A, %dma_wait3A_92] : memref<2x16x160x128xi32, #tpu.memory_space<hbm>> -> memref<1x1x32x128xi32, #tpu.memory_space<hbm>>
      %dma_wait3A_94 = tpu.memref_squeeze %dma_wait3A_93 : memref<1x1x32x128xi32, #tpu.memory_space<hbm>> -> memref<32x128xi32, #tpu.memory_space<hbm>>
      %dma_wait3A_95 = arith.constant 0 : i32
      %dma_wait3A_96 = arith.constant 0 : i32
      %dma_wait3A_97 = tpu.memref_slice %arg4[%arg0, %arg1, %dma_wait3A_95, %dma_wait3A_96] : memref<2x16x160x128xi32, #tpu.memory_space<hbm>> -> memref<1x1x32x128xi32, #tpu.memory_space<hbm>>
      %dma_wait3A_98 = tpu.memref_squeeze %dma_wait3A_97 : memref<1x1x32x128xi32, #tpu.memory_space<hbm>> -> memref<32x128xi32, #tpu.memory_space<hbm>>
      tpu.wait_dma2 semaphore(%run_scoped3A : memref<!tpu.dma_semaphore, #tpu.memory_space<semaphore_mem>>) src(%dma_wait3A_98 : memref<32x128xi32, #tpu.memory_space<hbm>>) dst(%arg8 : memref<32x128xi32, #tpu.memory_space<vmem>>)
      tpu.yield
    }) : () -> ()
    %dma_start3A = arith.constant 0 : i32
    %dma_start3A_10 = arith.constant 0 : i32
    %dma_start3A_11 = tpu.memref_slice %arg7[%dma_start3A, %dma_start3A_10] : memref<32x128xi32, #tpu.memory_space<vmem>> -> memref<1x128xi32, #tpu.memory_space<vmem>>
    %dma_start3A_12 = tpu.memref_squeeze %dma_start3A_11 : memref<1x128xi32, #tpu.memory_space<vmem>> -> memref<128xi32, #tpu.memory_space<vmem>>
    %dma_start3A_13 = arith.constant 0 : i32
    %dma_start3A_14 = arith.constant 0 : i32
    %dma_start3A_15 = tpu.memref_slice %arg2[%dma_start3A_13, %dma_start3A_14] : memref<20480x128xf32, #tpu.memory_space<hbm>> -> memref<20480x128xf32, #tpu.memory_space<hbm>>
    tpu.enqueue_indirect_dma source(%dma_start3A_15 : memref<20480x128xf32, #tpu.memory_space<hbm>>) target(%arg9 : memref<128x128xf32, #tpu.memory_space<vmem>>) offsets(%dma_start3A_12 : memref<128xi32, #tpu.memory_space<vmem>>) semaphore(%arg12 : memref<!tpu.dma_semaphore, #tpu.memory_space<semaphore_mem>>)
    %scan3A = arith.constant 0 : i32
    %scan3A_16 = arith.constant 0 : i32
    %scan3A_17 = arith.constant 16 : i32
    %scan3A_18 = arith.addi %scan3A_16, %scan3A_17 : i32
    %scan3A_19 = arith.constant 1 : i32
    scf.for %scan3A_84 = %scan3A_16 to %scan3A_18 step %scan3A_19  : i32 {
      %mul3A_85 = arith.constant 2 : i32
      %mul3A_86 = arith.muli %mul3A_85, %scan3A_84 : i32
      %add3A_87 = arith.constant 1 : i32
      %add3A_88 = arith.addi %mul3A_86, %add3A_87 : i32
      %dma_start3A_89 = arith.constant 0 : i32
      %dma_start3A_90 = tpu.memref_slice %arg7[%add3A_88, %dma_start3A_89] : memref<32x128xi32, #tpu.memory_space<vmem>> -> memref<1x128xi32, #tpu.memory_space<vmem>>
      %dma_start3A_91 = tpu.memref_squeeze %dma_start3A_90 : memref<1x128xi32, #tpu.memory_space<vmem>> -> memref<128xi32, #tpu.memory_space<vmem>>
      %dma_start3A_92 = arith.constant 0 : i32
      %dma_start3A_93 = arith.constant 0 : i32
      %dma_start3A_94 = tpu.memref_slice %arg2[%dma_start3A_92, %dma_start3A_93] : memref<20480x128xf32, #tpu.memory_space<hbm>> -> memref<20480x128xf32, #tpu.memory_space<hbm>>
      tpu.enqueue_indirect_dma source(%dma_start3A_94 : memref<20480x128xf32, #tpu.memory_space<hbm>>) target(%arg10 : memref<128x128xf32, #tpu.memory_space<vmem>>) offsets(%dma_start3A_91 : memref<128xi32, #tpu.memory_space<vmem>>) semaphore(%arg13 : memref<!tpu.dma_semaphore, #tpu.memory_space<semaphore_mem>>)
      %dma_wait3A = arith.constant 0 : i32
      %dma_wait3A_95 = tpu.memref_slice %arg7[%mul3A_86, %dma_wait3A] : memref<32x128xi32, #tpu.memory_space<vmem>> -> memref<1x128xi32, #tpu.memory_space<vmem>>
      %dma_wait3A_96 = tpu.memref_squeeze %dma_wait3A_95 : memref<1x128xi32, #tpu.memory_space<vmem>> -> memref<128xi32, #tpu.memory_space<vmem>>
      %dma_wait3A_97 = arith.constant 0 : i32
      %dma_wait3A_98 = arith.constant 0 : i32
      %dma_wait3A_99 = tpu.memref_slice %arg2[%dma_wait3A_97, %dma_wait3A_98] : memref<20480x128xf32, #tpu.memory_space<hbm>> -> memref<20480x128xf32, #tpu.memory_space<hbm>>
      tpu.wait_indirect_dma semaphore(%arg12 : memref<!tpu.dma_semaphore, #tpu.memory_space<semaphore_mem>>) src(%dma_wait3A_99 : memref<20480x128xf32, #tpu.memory_space<hbm>>) dst(%arg9 : memref<128x128xf32, #tpu.memory_space<vmem>>)
      "tpu.region"() ({
        %run_scoped3A = tpu.sem_alloc : memref<!tpu.dma_semaphore, #tpu.memory_space<semaphore_mem>>
        %dma_start3A_112 = arith.constant 0 : i32
        %dma_start3A_113 = tpu.memref_slice %arg8[%mul3A_86, %dma_start3A_112] : memref<32x128xi32, #tpu.memory_space<vmem>> -> memref<1x128xi32, #tpu.memory_space<vmem>>
        %dma_start3A_114 = tpu.memref_squeeze %dma_start3A_113 : memref<1x128xi32, #tpu.memory_space<vmem>> -> memref<128xi32, #tpu.memory_space<vmem>>
        %dma_start3A_115 = arith.constant 0 : i32
        %dma_start3A_116 = arith.constant 0 : i32
        %dma_start3A_117 = tpu.memref_slice %arg11[%dma_start3A_115, %dma_start3A_116] : memref<10240x128xf32, #tpu.memory_space<vmem_shared>> -> memref<10240x128xf32, #tpu.memory_space<vmem_shared>>
        tpu.enqueue_indirect_dma source(%arg9 : memref<128x128xf32, #tpu.memory_space<vmem>>) target(%dma_start3A_117 : memref<10240x128xf32, #tpu.memory_space<vmem_shared>>) offsets(%dma_start3A_114 : memref<128xi32, #tpu.memory_space<vmem>>) semaphore(%run_scoped3A : memref<!tpu.dma_semaphore, #tpu.memory_space<semaphore_mem>>) {add = true}
        %dma_wait3A_118 = arith.constant 0 : i32
        %dma_wait3A_119 = tpu.memref_slice %arg8[%mul3A_86, %dma_wait3A_118] : memref<32x128xi32, #tpu.memory_space<vmem>> -> memref<1x128xi32, #tpu.memory_space<vmem>>
        %dma_wait3A_120 = tpu.memref_squeeze %dma_wait3A_119 : memref<1x128xi32, #tpu.memory_space<vmem>> -> memref<128xi32, #tpu.memory_space<vmem>>
        %dma_wait3A_121 = arith.constant 0 : i32
        %dma_wait3A_122 = arith.constant 0 : i32
        %dma_wait3A_123 = tpu.memref_slice %arg11[%dma_wait3A_121, %dma_wait3A_122] : memref<10240x128xf32, #tpu.memory_space<vmem_shared>> -> memref<10240x128xf32, #tpu.memory_space<vmem_shared>>
        tpu.wait_indirect_dma semaphore(%run_scoped3A : memref<!tpu.dma_semaphore, #tpu.memory_space<semaphore_mem>>) src(%arg9 : memref<128x128xf32, #tpu.memory_space<vmem>>) dst(%dma_wait3A_123 : memref<10240x128xf32, #tpu.memory_space<vmem_shared>>)
        tpu.yield
      }) : () -> ()
      %lt3A = arith.constant 15 : i32
      %lt3A_100 = arith.cmpi slt, %scan3A_84, %lt3A : i32
      %convert_element_type3A = arith.extui %lt3A_100 : i1 to i32
      %cond3A = arith.constant 0 : i32
      %cond3A_101 = arith.cmpi ne, %convert_element_type3A, %cond3A : i32
      scf.if %cond3A_101 {
        %add3A_112 = arith.constant 2 : i32
        %add3A_113 = arith.addi %mul3A_86, %add3A_112 : i32
        %dma_start3A_114 = arith.constant 0 : i32
        %dma_start3A_115 = tpu.memref_slice %arg7[%add3A_113, %dma_start3A_114] : memref<32x128xi32, #tpu.memory_space<vmem>> -> memref<1x128xi32, #tpu.memory_space<vmem>>
        %dma_start3A_116 = tpu.memref_squeeze %dma_start3A_115 : memref<1x128xi32, #tpu.memory_space<vmem>> -> memref<128xi32, #tpu.memory_space<vmem>>
        %dma_start3A_117 = arith.constant 0 : i32
        %dma_start3A_118 = arith.constant 0 : i32
        %dma_start3A_119 = tpu.memref_slice %arg2[%dma_start3A_117, %dma_start3A_118] : memref<20480x128xf32, #tpu.memory_space<hbm>> -> memref<20480x128xf32, #tpu.memory_space<hbm>>
        tpu.enqueue_indirect_dma source(%dma_start3A_119 : memref<20480x128xf32, #tpu.memory_space<hbm>>) target(%arg9 : memref<128x128xf32, #tpu.memory_space<vmem>>) offsets(%dma_start3A_116 : memref<128xi32, #tpu.memory_space<vmem>>) semaphore(%arg12 : memref<!tpu.dma_semaphore, #tpu.memory_space<semaphore_mem>>)
      } else {
      }
      %add3A_102 = arith.constant 1 : i32
      %add3A_103 = arith.addi %mul3A_86, %add3A_102 : i32
      %dma_wait3A_104 = arith.constant 0 : i32
      %dma_wait3A_105 = tpu.memref_slice %arg7[%add3A_103, %dma_wait3A_104] : memref<32x128xi32, #tpu.memory_space<vmem>> -> memref<1x128xi32, #tpu.memory_space<vmem>>
      %dma_wait3A_106 = tpu.memref_squeeze %dma_wait3A_105 : memref<1x128xi32, #tpu.memory_space<vmem>> -> memref<128xi32, #tpu.memory_space<vmem>>
      %dma_wait3A_107 = arith.constant 0 : i32
      %dma_wait3A_108 = arith.constant 0 : i32
      %dma_wait3A_109 = tpu.memref_slice %arg2[%dma_wait3A_107, %dma_wait3A_108] : memref<20480x128xf32, #tpu.memory_space<hbm>> -> memref<20480x128xf32, #tpu.memory_space<hbm>>
      tpu.wait_indirect_dma semaphore(%arg13 : memref<!tpu.dma_semaphore, #tpu.memory_space<semaphore_mem>>) src(%dma_wait3A_109 : memref<20480x128xf32, #tpu.memory_space<hbm>>) dst(%arg10 : memref<128x128xf32, #tpu.memory_space<vmem>>)
      %add3A_110 = arith.constant 1 : i32
      %add3A_111 = arith.addi %mul3A_86, %add3A_110 : i32
      "tpu.region"() ({
        %run_scoped3A = tpu.sem_alloc : memref<!tpu.dma_semaphore, #tpu.memory_space<semaphore_mem>>
        %dma_start3A_112 = arith.constant 0 : i32
        %dma_start3A_113 = tpu.memref_slice %arg8[%add3A_111, %dma_start3A_112] : memref<32x128xi32, #tpu.memory_space<vmem>> -> memref<1x128xi32, #tpu.memory_space<vmem>>
        %dma_start3A_114 = tpu.memref_squeeze %dma_start3A_113 : memref<1x128xi32, #tpu.memory_space<vmem>> -> memref<128xi32, #tpu.memory_space<vmem>>
        %dma_start3A_115 = arith.constant 0 : i32
        %dma_start3A_116 = arith.constant 0 : i32
        %dma_start3A_117 = tpu.memref_slice %arg11[%dma_start3A_115, %dma_start3A_116] : memref<10240x128xf32, #tpu.memory_space<vmem_shared>> -> memref<10240x128xf32, #tpu.memory_space<vmem_shared>>
        tpu.enqueue_indirect_dma source(%arg10 : memref<128x128xf32, #tpu.memory_space<vmem>>) target(%dma_start3A_117 : memref<10240x128xf32, #tpu.memory_space<vmem_shared>>) offsets(%dma_start3A_114 : memref<128xi32, #tpu.memory_space<vmem>>) semaphore(%run_scoped3A : memref<!tpu.dma_semaphore, #tpu.memory_space<semaphore_mem>>) {add = true}
        %dma_wait3A_118 = arith.constant 0 : i32
        %dma_wait3A_119 = tpu.memref_slice %arg8[%add3A_111, %dma_wait3A_118] : memref<32x128xi32, #tpu.memory_space<vmem>> -> memref<1x128xi32, #tpu.memory_space<vmem>>
        %dma_wait3A_120 = tpu.memref_squeeze %dma_wait3A_119 : memref<1x128xi32, #tpu.memory_space<vmem>> -> memref<128xi32, #tpu.memory_space<vmem>>
        %dma_wait3A_121 = arith.constant 0 : i32
        %dma_wait3A_122 = arith.constant 0 : i32
        %dma_wait3A_123 = tpu.memref_slice %arg11[%dma_wait3A_121, %dma_wait3A_122] : memref<10240x128xf32, #tpu.memory_space<vmem_shared>> -> memref<10240x128xf32, #tpu.memory_space<vmem_shared>>
        tpu.wait_indirect_dma semaphore(%run_scoped3A : memref<!tpu.dma_semaphore, #tpu.memory_space<semaphore_mem>>) src(%arg10 : memref<128x128xf32, #tpu.memory_space<vmem>>) dst(%dma_wait3A_123 : memref<10240x128xf32, #tpu.memory_space<vmem_shared>>)
        tpu.yield
      }) : () -> ()
    }
    %scan3A_20 = arith.constant 16 : i32
    "tpu.region"() ({
      %run_scoped3A = tpu.sem_alloc : memref<!tpu.dma_semaphore, #tpu.memory_space<semaphore_mem>>
      %dma_start3A_84 = arith.constant 32 : i32
      %dma_start3A_85 = arith.constant 0 : i32
      %dma_start3A_86 = tpu.memref_slice %arg3[%arg0, %arg1, %dma_start3A_84, %dma_start3A_85] : memref<2x16x160x128xi32, #tpu.memory_space<hbm>> -> memref<1x1x32x128xi32, #tpu.memory_space<hbm>>
      %dma_start3A_87 = tpu.memref_squeeze %dma_start3A_86 : memref<1x1x32x128xi32, #tpu.memory_space<hbm>> -> memref<32x128xi32, #tpu.memory_space<hbm>>
      %dma_start3A_88 = arith.constant 32 : i32
      %dma_start3A_89 = arith.constant 0 : i32
      %dma_start3A_90 = tpu.memref_slice %arg3[%arg0, %arg1, %dma_start3A_88, %dma_start3A_89] : memref<2x16x160x128xi32, #tpu.memory_space<hbm>> -> memref<1x1x32x128xi32, #tpu.memory_space<hbm>>
      %dma_start3A_91 = tpu.memref_squeeze %dma_start3A_90 : memref<1x1x32x128xi32, #tpu.memory_space<hbm>> -> memref<32x128xi32, #tpu.memory_space<hbm>>
      tpu.enqueue_dma source(%dma_start3A_91 : memref<32x128xi32, #tpu.memory_space<hbm>>) target(%arg7 : memref<32x128xi32, #tpu.memory_space<vmem>>) target_semaphore(%run_scoped3A : memref<!tpu.dma_semaphore, #tpu.memory_space<semaphore_mem>>)
      %dma_wait3A = arith.constant 32 : i32
      %dma_wait3A_92 = arith.constant 0 : i32
      %dma_wait3A_93 = tpu.memref_slice %arg3[%arg0, %arg1, %dma_wait3A, %dma_wait3A_92] : memref<2x16x160x128xi32, #tpu.memory_space<hbm>> -> memref<1x1x32x128xi32, #tpu.memory_space<hbm>>
      %dma_wait3A_94 = tpu.memref_squeeze %dma_wait3A_93 : memref<1x1x32x128xi32, #tpu.memory_space<hbm>> -> memref<32x128xi32, #tpu.memory_space<hbm>>
      %dma_wait3A_95 = arith.constant 32 : i32
      %dma_wait3A_96 = arith.constant 0 : i32
      %dma_wait3A_97 = tpu.memref_slice %arg3[%arg0, %arg1, %dma_wait3A_95, %dma_wait3A_96] : memref<2x16x160x128xi32, #tpu.memory_space<hbm>> -> memref<1x1x32x128xi32, #tpu.memory_space<hbm>>
      %dma_wait3A_98 = tpu.memref_squeeze %dma_wait3A_97 : memref<1x1x32x128xi32, #tpu.memory_space<hbm>> -> memref<32x128xi32, #tpu.memory_space<hbm>>
      tpu.wait_dma2 semaphore(%run_scoped3A : memref<!tpu.dma_semaphore, #tpu.memory_space<semaphore_mem>>) src(%dma_wait3A_98 : memref<32x128xi32, #tpu.memory_space<hbm>>) dst(%arg7 : memref<32x128xi32, #tpu.memory_space<vmem>>)
      tpu.yield
    }) : () -> ()
    "tpu.region"() ({
      %run_scoped3A = tpu.sem_alloc : memref<!tpu.dma_semaphore, #tpu.memory_space<semaphore_mem>>
      %dma_start3A_84 = arith.constant 32 : i32
      %dma_start3A_85 = arith.constant 0 : i32
      %dma_start3A_86 = tpu.memref_slice %arg4[%arg0, %arg1, %dma_start3A_84, %dma_start3A_85] : memref<2x16x160x128xi32, #tpu.memory_space<hbm>> -> memref<1x1x32x128xi32, #tpu.memory_space<hbm>>
      %dma_start3A_87 = tpu.memref_squeeze %dma_start3A_86 : memref<1x1x32x128xi32, #tpu.memory_space<hbm>> -> memref<32x128xi32, #tpu.memory_space<hbm>>
      %dma_start3A_88 = arith.constant 32 : i32
      %dma_start3A_89 = arith.constant 0 : i32
      %dma_start3A_90 = tpu.memref_slice %arg4[%arg0, %arg1, %dma_start3A_88, %dma_start3A_89] : memref<2x16x160x128xi32, #tpu.memory_space<hbm>> -> memref<1x1x32x128xi32, #tpu.memory_space<hbm>>
      %dma_start3A_91 = tpu.memref_squeeze %dma_start3A_90 : memref<1x1x32x128xi32, #tpu.memory_space<hbm>> -> memref<32x128xi32, #tpu.memory_space<hbm>>
      tpu.enqueue_dma source(%dma_start3A_91 : memref<32x128xi32, #tpu.memory_space<hbm>>) target(%arg8 : memref<32x128xi32, #tpu.memory_space<vmem>>) target_semaphore(%run_scoped3A : memref<!tpu.dma_semaphore, #tpu.memory_space<semaphore_mem>>)
      %dma_wait3A = arith.constant 32 : i32
      %dma_wait3A_92 = arith.constant 0 : i32
      %dma_wait3A_93 = tpu.memref_slice %arg4[%arg0, %arg1, %dma_wait3A, %dma_wait3A_92] : memref<2x16x160x128xi32, #tpu.memory_space<hbm>> -> memref<1x1x32x128xi32, #tpu.memory_space<hbm>>
      %dma_wait3A_94 = tpu.memref_squeeze %dma_wait3A_93 : memref<1x1x32x128xi32, #tpu.memory_space<hbm>> -> memref<32x128xi32, #tpu.memory_space<hbm>>
      %dma_wait3A_95 = arith.constant 32 : i32
      %dma_wait3A_96 = arith.constant 0 : i32
      %dma_wait3A_97 = tpu.memref_slice %arg4[%arg0, %arg1, %dma_wait3A_95, %dma_wait3A_96] : memref<2x16x160x128xi32, #tpu.memory_space<hbm>> -> memref<1x1x32x128xi32, #tpu.memory_space<hbm>>
      %dma_wait3A_98 = tpu.memref_squeeze %dma_wait3A_97 : memref<1x1x32x128xi32, #tpu.memory_space<hbm>> -> memref<32x128xi32, #tpu.memory_space<hbm>>
      tpu.wait_dma2 semaphore(%run_scoped3A : memref<!tpu.dma_semaphore, #tpu.memory_space<semaphore_mem>>) src(%dma_wait3A_98 : memref<32x128xi32, #tpu.memory_space<hbm>>) dst(%arg8 : memref<32x128xi32, #tpu.memory_space<vmem>>)
      tpu.yield
    }) : () -> ()
    %dma_start3A_21 = arith.constant 0 : i32
    %dma_start3A_22 = arith.constant 0 : i32
    %dma_start3A_23 = tpu.memref_slice %arg7[%dma_start3A_21, %dma_start3A_22] : memref<32x128xi32, #tpu.memory_space<vmem>> -> memref<1x128xi32, #tpu.memory_space<vmem>>
    %dma_start3A_24 = tpu.memref_squeeze %dma_start3A_23 : memref<1x128xi32, #tpu.memory_space<vmem>> -> memref<128xi32, #tpu.memory_space<vmem>>
    %dma_start3A_25 = arith.constant 0 : i32
    %dma_start3A_26 = arith.constant 0 : i32
    %dma_start3A_27 = tpu.memref_slice %arg2[%dma_start3A_25, %dma_start3A_26] : memref<20480x128xf32, #tpu.memory_space<hbm>> -> memref<20480x128xf32, #tpu.memory_space<hbm>>
    tpu.enqueue_indirect_dma source(%dma_start3A_27 : memref<20480x128xf32, #tpu.memory_space<hbm>>) target(%arg9 : memref<128x128xf32, #tpu.memory_space<vmem>>) offsets(%dma_start3A_24 : memref<128xi32, #tpu.memory_space<vmem>>) semaphore(%arg12 : memref<!tpu.dma_semaphore, #tpu.memory_space<semaphore_mem>>)
    %scan3A_28 = arith.constant 0 : i32
    %scan3A_29 = arith.constant 0 : i32
    %scan3A_30 = arith.constant 16 : i32
    %scan3A_31 = arith.addi %scan3A_29, %scan3A_30 : i32
    %scan3A_32 = arith.constant 1 : i32
    scf.for %scan3A_84 = %scan3A_29 to %scan3A_31 step %scan3A_32  : i32 {
      %mul3A_85 = arith.constant 2 : i32
      %mul3A_86 = arith.muli %mul3A_85, %scan3A_84 : i32
      %add3A_87 = arith.constant 1 : i32
      %add3A_88 = arith.addi %mul3A_86, %add3A_87 : i32
      %dma_start3A_89 = arith.constant 0 : i32
      %dma_start3A_90 = tpu.memref_slice %arg7[%add3A_88, %dma_start3A_89] : memref<32x128xi32, #tpu.memory_space<vmem>> -> memref<1x128xi32, #tpu.memory_space<vmem>>
      %dma_start3A_91 = tpu.memref_squeeze %dma_start3A_90 : memref<1x128xi32, #tpu.memory_space<vmem>> -> memref<128xi32, #tpu.memory_space<vmem>>
      %dma_start3A_92 = arith.constant 0 : i32
      %dma_start3A_93 = arith.constant 0 : i32
      %dma_start3A_94 = tpu.memref_slice %arg2[%dma_start3A_92, %dma_start3A_93] : memref<20480x128xf32, #tpu.memory_space<hbm>> -> memref<20480x128xf32, #tpu.memory_space<hbm>>
      tpu.enqueue_indirect_dma source(%dma_start3A_94 : memref<20480x128xf32, #tpu.memory_space<hbm>>) target(%arg10 : memref<128x128xf32, #tpu.memory_space<vmem>>) offsets(%dma_start3A_91 : memref<128xi32, #tpu.memory_space<vmem>>) semaphore(%arg13 : memref<!tpu.dma_semaphore, #tpu.memory_space<semaphore_mem>>)
      %dma_wait3A = arith.constant 0 : i32
      %dma_wait3A_95 = tpu.memref_slice %arg7[%mul3A_86, %dma_wait3A] : memref<32x128xi32, #tpu.memory_space<vmem>> -> memref<1x128xi32, #tpu.memory_space<vmem>>
      %dma_wait3A_96 = tpu.memref_squeeze %dma_wait3A_95 : memref<1x128xi32, #tpu.memory_space<vmem>> -> memref<128xi32, #tpu.memory_space<vmem>>
      %dma_wait3A_97 = arith.constant 0 : i32
      %dma_wait3A_98 = arith.constant 0 : i32
      %dma_wait3A_99 = tpu.memref_slice %arg2[%dma_wait3A_97, %dma_wait3A_98] : memref<20480x128xf32, #tpu.memory_space<hbm>> -> memref<20480x128xf32, #tpu.memory_space<hbm>>
      tpu.wait_indirect_dma semaphore(%arg12 : memref<!tpu.dma_semaphore, #tpu.memory_space<semaphore_mem>>) src(%dma_wait3A_99 : memref<20480x128xf32, #tpu.memory_space<hbm>>) dst(%arg9 : memref<128x128xf32, #tpu.memory_space<vmem>>)
      "tpu.region"() ({
        %run_scoped3A = tpu.sem_alloc : memref<!tpu.dma_semaphore, #tpu.memory_space<semaphore_mem>>
        %dma_start3A_112 = arith.constant 0 : i32
        %dma_start3A_113 = tpu.memref_slice %arg8[%mul3A_86, %dma_start3A_112] : memref<32x128xi32, #tpu.memory_space<vmem>> -> memref<1x128xi32, #tpu.memory_space<vmem>>
        %dma_start3A_114 = tpu.memref_squeeze %dma_start3A_113 : memref<1x128xi32, #tpu.memory_space<vmem>> -> memref<128xi32, #tpu.memory_space<vmem>>
        %dma_start3A_115 = arith.constant 0 : i32
        %dma_start3A_116 = arith.constant 0 : i32
        %dma_start3A_117 = tpu.memref_slice %arg11[%dma_start3A_115, %dma_start3A_116] : memref<10240x128xf32, #tpu.memory_space<vmem_shared>> -> memref<10240x128xf32, #tpu.memory_space<vmem_shared>>
        tpu.enqueue_indirect_dma source(%arg9 : memref<128x128xf32, #tpu.memory_space<vmem>>) target(%dma_start3A_117 : memref<10240x128xf32, #tpu.memory_space<vmem_shared>>) offsets(%dma_start3A_114 : memref<128xi32, #tpu.memory_space<vmem>>) semaphore(%run_scoped3A : memref<!tpu.dma_semaphore, #tpu.memory_space<semaphore_mem>>) {add = true}
        %dma_wait3A_118 = arith.constant 0 : i32
        %dma_wait3A_119 = tpu.memref_slice %arg8[%mul3A_86, %dma_wait3A_118] : memref<32x128xi32, #tpu.memory_space<vmem>> -> memref<1x128xi32, #tpu.memory_space<vmem>>
        %dma_wait3A_120 = tpu.memref_squeeze %dma_wait3A_119 : memref<1x128xi32, #tpu.memory_space<vmem>> -> memref<128xi32, #tpu.memory_space<vmem>>
        %dma_wait3A_121 = arith.constant 0 : i32
        %dma_wait3A_122 = arith.constant 0 : i32
        %dma_wait3A_123 = tpu.memref_slice %arg11[%dma_wait3A_121, %dma_wait3A_122] : memref<10240x128xf32, #tpu.memory_space<vmem_shared>> -> memref<10240x128xf32, #tpu.memory_space<vmem_shared>>
        tpu.wait_indirect_dma semaphore(%run_scoped3A : memref<!tpu.dma_semaphore, #tpu.memory_space<semaphore_mem>>) src(%arg9 : memref<128x128xf32, #tpu.memory_space<vmem>>) dst(%dma_wait3A_123 : memref<10240x128xf32, #tpu.memory_space<vmem_shared>>)
        tpu.yield
      }) : () -> ()
      %lt3A = arith.constant 15 : i32
      %lt3A_100 = arith.cmpi slt, %scan3A_84, %lt3A : i32
      %convert_element_type3A = arith.extui %lt3A_100 : i1 to i32
      %cond3A = arith.constant 0 : i32
      %cond3A_101 = arith.cmpi ne, %convert_element_type3A, %cond3A : i32
      scf.if %cond3A_101 {
        %add3A_112 = arith.constant 2 : i32
        %add3A_113 = arith.addi %mul3A_86, %add3A_112 : i32
        %dma_start3A_114 = arith.constant 0 : i32
        %dma_start3A_115 = tpu.memref_slice %arg7[%add3A_113, %dma_start3A_114] : memref<32x128xi32, #tpu.memory_space<vmem>> -> memref<1x128xi32, #tpu.memory_space<vmem>>
        %dma_start3A_116 = tpu.memref_squeeze %dma_start3A_115 : memref<1x128xi32, #tpu.memory_space<vmem>> -> memref<128xi32, #tpu.memory_space<vmem>>
        %dma_start3A_117 = arith.constant 0 : i32
        %dma_start3A_118 = arith.constant 0 : i32
        %dma_start3A_119 = tpu.memref_slice %arg2[%dma_start3A_117, %dma_start3A_118] : memref<20480x128xf32, #tpu.memory_space<hbm>> -> memref<20480x128xf32, #tpu.memory_space<hbm>>
        tpu.enqueue_indirect_dma source(%dma_start3A_119 : memref<20480x128xf32, #tpu.memory_space<hbm>>) target(%arg9 : memref<128x128xf32, #tpu.memory_space<vmem>>) offsets(%dma_start3A_116 : memref<128xi32, #tpu.memory_space<vmem>>) semaphore(%arg12 : memref<!tpu.dma_semaphore, #tpu.memory_space<semaphore_mem>>)
      } else {
      }
      %add3A_102 = arith.constant 1 : i32
      %add3A_103 = arith.addi %mul3A_86, %add3A_102 : i32
      %dma_wait3A_104 = arith.constant 0 : i32
      %dma_wait3A_105 = tpu.memref_slice %arg7[%add3A_103, %dma_wait3A_104] : memref<32x128xi32, #tpu.memory_space<vmem>> -> memref<1x128xi32, #tpu.memory_space<vmem>>
      %dma_wait3A_106 = tpu.memref_squeeze %dma_wait3A_105 : memref<1x128xi32, #tpu.memory_space<vmem>> -> memref<128xi32, #tpu.memory_space<vmem>>
      %dma_wait3A_107 = arith.constant 0 : i32
      %dma_wait3A_108 = arith.constant 0 : i32
      %dma_wait3A_109 = tpu.memref_slice %arg2[%dma_wait3A_107, %dma_wait3A_108] : memref<20480x128xf32, #tpu.memory_space<hbm>> -> memref<20480x128xf32, #tpu.memory_space<hbm>>
      tpu.wait_indirect_dma semaphore(%arg13 : memref<!tpu.dma_semaphore, #tpu.memory_space<semaphore_mem>>) src(%dma_wait3A_109 : memref<20480x128xf32, #tpu.memory_space<hbm>>) dst(%arg10 : memref<128x128xf32, #tpu.memory_space<vmem>>)
      %add3A_110 = arith.constant 1 : i32
      %add3A_111 = arith.addi %mul3A_86, %add3A_110 : i32
      "tpu.region"() ({
        %run_scoped3A = tpu.sem_alloc : memref<!tpu.dma_semaphore, #tpu.memory_space<semaphore_mem>>
        %dma_start3A_112 = arith.constant 0 : i32
        %dma_start3A_113 = tpu.memref_slice %arg8[%add3A_111, %dma_start3A_112] : memref<32x128xi32, #tpu.memory_space<vmem>> -> memref<1x128xi32, #tpu.memory_space<vmem>>
        %dma_start3A_114 = tpu.memref_squeeze %dma_start3A_113 : memref<1x128xi32, #tpu.memory_space<vmem>> -> memref<128xi32, #tpu.memory_space<vmem>>
        %dma_start3A_115 = arith.constant 0 : i32
        %dma_start3A_116 = arith.constant 0 : i32
        %dma_start3A_117 = tpu.memref_slice %arg11[%dma_start3A_115, %dma_start3A_116] : memref<10240x128xf32, #tpu.memory_space<vmem_shared>> -> memref<10240x128xf32, #tpu.memory_space<vmem_shared>>
        tpu.enqueue_indirect_dma source(%arg10 : memref<128x128xf32, #tpu.memory_space<vmem>>) target(%dma_start3A_117 : memref<10240x128xf32, #tpu.memory_space<vmem_shared>>) offsets(%dma_start3A_114 : memref<128xi32, #tpu.memory_space<vmem>>) semaphore(%run_scoped3A : memref<!tpu.dma_semaphore, #tpu.memory_space<semaphore_mem>>) {add = true}
        %dma_wait3A_118 = arith.constant 0 : i32
        %dma_wait3A_119 = tpu.memref_slice %arg8[%add3A_111, %dma_wait3A_118] : memref<32x128xi32, #tpu.memory_space<vmem>> -> memref<1x128xi32, #tpu.memory_space<vmem>>
        %dma_wait3A_120 = tpu.memref_squeeze %dma_wait3A_119 : memref<1x128xi32, #tpu.memory_space<vmem>> -> memref<128xi32, #tpu.memory_space<vmem>>
        %dma_wait3A_121 = arith.constant 0 : i32
        %dma_wait3A_122 = arith.constant 0 : i32
        %dma_wait3A_123 = tpu.memref_slice %arg11[%dma_wait3A_121, %dma_wait3A_122] : memref<10240x128xf32, #tpu.memory_space<vmem_shared>> -> memref<10240x128xf32, #tpu.memory_space<vmem_shared>>
        tpu.wait_indirect_dma semaphore(%run_scoped3A : memref<!tpu.dma_semaphore, #tpu.memory_space<semaphore_mem>>) src(%arg10 : memref<128x128xf32, #tpu.memory_space<vmem>>) dst(%dma_wait3A_123 : memref<10240x128xf32, #tpu.memory_space<vmem_shared>>)
        tpu.yield
      }) : () -> ()
    }
    %scan3A_33 = arith.constant 16 : i32
    "tpu.region"() ({
      %run_scoped3A = tpu.sem_alloc : memref<!tpu.dma_semaphore, #tpu.memory_space<semaphore_mem>>
      %dma_start3A_84 = arith.constant 64 : i32
      %dma_start3A_85 = arith.constant 0 : i32
      %dma_start3A_86 = tpu.memref_slice %arg3[%arg0, %arg1, %dma_start3A_84, %dma_start3A_85] : memref<2x16x160x128xi32, #tpu.memory_space<hbm>> -> memref<1x1x32x128xi32, #tpu.memory_space<hbm>>
      %dma_start3A_87 = tpu.memref_squeeze %dma_start3A_86 : memref<1x1x32x128xi32, #tpu.memory_space<hbm>> -> memref<32x128xi32, #tpu.memory_space<hbm>>
      %dma_start3A_88 = arith.constant 64 : i32
      %dma_start3A_89 = arith.constant 0 : i32
      %dma_start3A_90 = tpu.memref_slice %arg3[%arg0, %arg1, %dma_start3A_88, %dma_start3A_89] : memref<2x16x160x128xi32, #tpu.memory_space<hbm>> -> memref<1x1x32x128xi32, #tpu.memory_space<hbm>>
      %dma_start3A_91 = tpu.memref_squeeze %dma_start3A_90 : memref<1x1x32x128xi32, #tpu.memory_space<hbm>> -> memref<32x128xi32, #tpu.memory_space<hbm>>
      tpu.enqueue_dma source(%dma_start3A_91 : memref<32x128xi32, #tpu.memory_space<hbm>>) target(%arg7 : memref<32x128xi32, #tpu.memory_space<vmem>>) target_semaphore(%run_scoped3A : memref<!tpu.dma_semaphore, #tpu.memory_space<semaphore_mem>>)
      %dma_wait3A = arith.constant 64 : i32
      %dma_wait3A_92 = arith.constant 0 : i32
      %dma_wait3A_93 = tpu.memref_slice %arg3[%arg0, %arg1, %dma_wait3A, %dma_wait3A_92] : memref<2x16x160x128xi32, #tpu.memory_space<hbm>> -> memref<1x1x32x128xi32, #tpu.memory_space<hbm>>
      %dma_wait3A_94 = tpu.memref_squeeze %dma_wait3A_93 : memref<1x1x32x128xi32, #tpu.memory_space<hbm>> -> memref<32x128xi32, #tpu.memory_space<hbm>>
      %dma_wait3A_95 = arith.constant 64 : i32
      %dma_wait3A_96 = arith.constant 0 : i32
      %dma_wait3A_97 = tpu.memref_slice %arg3[%arg0, %arg1, %dma_wait3A_95, %dma_wait3A_96] : memref<2x16x160x128xi32, #tpu.memory_space<hbm>> -> memref<1x1x32x128xi32, #tpu.memory_space<hbm>>
      %dma_wait3A_98 = tpu.memref_squeeze %dma_wait3A_97 : memref<1x1x32x128xi32, #tpu.memory_space<hbm>> -> memref<32x128xi32, #tpu.memory_space<hbm>>
      tpu.wait_dma2 semaphore(%run_scoped3A : memref<!tpu.dma_semaphore, #tpu.memory_space<semaphore_mem>>) src(%dma_wait3A_98 : memref<32x128xi32, #tpu.memory_space<hbm>>) dst(%arg7 : memref<32x128xi32, #tpu.memory_space<vmem>>)
      tpu.yield
    }) : () -> ()
    "tpu.region"() ({
      %run_scoped3A = tpu.sem_alloc : memref<!tpu.dma_semaphore, #tpu.memory_space<semaphore_mem>>
      %dma_start3A_84 = arith.constant 64 : i32
      %dma_start3A_85 = arith.constant 0 : i32
      %dma_start3A_86 = tpu.memref_slice %arg4[%arg0, %arg1, %dma_start3A_84, %dma_start3A_85] : memref<2x16x160x128xi32, #tpu.memory_space<hbm>> -> memref<1x1x32x128xi32, #tpu.memory_space<hbm>>
      %dma_start3A_87 = tpu.memref_squeeze %dma_start3A_86 : memref<1x1x32x128xi32, #tpu.memory_space<hbm>> -> memref<32x128xi32, #tpu.memory_space<hbm>>
      %dma_start3A_88 = arith.constant 64 : i32
      %dma_start3A_89 = arith.constant 0 : i32
      %dma_start3A_90 = tpu.memref_slice %arg4[%arg0, %arg1, %dma_start3A_88, %dma_start3A_89] : memref<2x16x160x128xi32, #tpu.memory_space<hbm>> -> memref<1x1x32x128xi32, #tpu.memory_space<hbm>>
      %dma_start3A_91 = tpu.memref_squeeze %dma_start3A_90 : memref<1x1x32x128xi32, #tpu.memory_space<hbm>> -> memref<32x128xi32, #tpu.memory_space<hbm>>
      tpu.enqueue_dma source(%dma_start3A_91 : memref<32x128xi32, #tpu.memory_space<hbm>>) target(%arg8 : memref<32x128xi32, #tpu.memory_space<vmem>>) target_semaphore(%run_scoped3A : memref<!tpu.dma_semaphore, #tpu.memory_space<semaphore_mem>>)
      %dma_wait3A = arith.constant 64 : i32
      %dma_wait3A_92 = arith.constant 0 : i32
      %dma_wait3A_93 = tpu.memref_slice %arg4[%arg0, %arg1, %dma_wait3A, %dma_wait3A_92] : memref<2x16x160x128xi32, #tpu.memory_space<hbm>> -> memref<1x1x32x128xi32, #tpu.memory_space<hbm>>
      %dma_wait3A_94 = tpu.memref_squeeze %dma_wait3A_93 : memref<1x1x32x128xi32, #tpu.memory_space<hbm>> -> memref<32x128xi32, #tpu.memory_space<hbm>>
      %dma_wait3A_95 = arith.constant 64 : i32
      %dma_wait3A_96 = arith.constant 0 : i32
      %dma_wait3A_97 = tpu.memref_slice %arg4[%arg0, %arg1, %dma_wait3A_95, %dma_wait3A_96] : memref<2x16x160x128xi32, #tpu.memory_space<hbm>> -> memref<1x1x32x128xi32, #tpu.memory_space<hbm>>
      %dma_wait3A_98 = tpu.memref_squeeze %dma_wait3A_97 : memref<1x1x32x128xi32, #tpu.memory_space<hbm>> -> memref<32x128xi32, #tpu.memory_space<hbm>>
      tpu.wait_dma2 semaphore(%run_scoped3A : memref<!tpu.dma_semaphore, #tpu.memory_space<semaphore_mem>>) src(%dma_wait3A_98 : memref<32x128xi32, #tpu.memory_space<hbm>>) dst(%arg8 : memref<32x128xi32, #tpu.memory_space<vmem>>)
      tpu.yield
    }) : () -> ()
    %dma_start3A_34 = arith.constant 0 : i32
    %dma_start3A_35 = arith.constant 0 : i32
    %dma_start3A_36 = tpu.memref_slice %arg7[%dma_start3A_34, %dma_start3A_35] : memref<32x128xi32, #tpu.memory_space<vmem>> -> memref<1x128xi32, #tpu.memory_space<vmem>>
    %dma_start3A_37 = tpu.memref_squeeze %dma_start3A_36 : memref<1x128xi32, #tpu.memory_space<vmem>> -> memref<128xi32, #tpu.memory_space<vmem>>
    %dma_start3A_38 = arith.constant 0 : i32
    %dma_start3A_39 = arith.constant 0 : i32
    %dma_start3A_40 = tpu.memref_slice %arg2[%dma_start3A_38, %dma_start3A_39] : memref<20480x128xf32, #tpu.memory_space<hbm>> -> memref<20480x128xf32, #tpu.memory_space<hbm>>
    tpu.enqueue_indirect_dma source(%dma_start3A_40 : memref<20480x128xf32, #tpu.memory_space<hbm>>) target(%arg9 : memref<128x128xf32, #tpu.memory_space<vmem>>) offsets(%dma_start3A_37 : memref<128xi32, #tpu.memory_space<vmem>>) semaphore(%arg12 : memref<!tpu.dma_semaphore, #tpu.memory_space<semaphore_mem>>)
    %scan3A_41 = arith.constant 0 : i32
    %scan3A_42 = arith.constant 0 : i32
    %scan3A_43 = arith.constant 16 : i32
    %scan3A_44 = arith.addi %scan3A_42, %scan3A_43 : i32
    %scan3A_45 = arith.constant 1 : i32
    scf.for %scan3A_84 = %scan3A_42 to %scan3A_44 step %scan3A_45  : i32 {
      %mul3A_85 = arith.constant 2 : i32
      %mul3A_86 = arith.muli %mul3A_85, %scan3A_84 : i32
      %add3A_87 = arith.constant 1 : i32
      %add3A_88 = arith.addi %mul3A_86, %add3A_87 : i32
      %dma_start3A_89 = arith.constant 0 : i32
      %dma_start3A_90 = tpu.memref_slice %arg7[%add3A_88, %dma_start3A_89] : memref<32x128xi32, #tpu.memory_space<vmem>> -> memref<1x128xi32, #tpu.memory_space<vmem>>
      %dma_start3A_91 = tpu.memref_squeeze %dma_start3A_90 : memref<1x128xi32, #tpu.memory_space<vmem>> -> memref<128xi32, #tpu.memory_space<vmem>>
      %dma_start3A_92 = arith.constant 0 : i32
      %dma_start3A_93 = arith.constant 0 : i32
      %dma_start3A_94 = tpu.memref_slice %arg2[%dma_start3A_92, %dma_start3A_93] : memref<20480x128xf32, #tpu.memory_space<hbm>> -> memref<20480x128xf32, #tpu.memory_space<hbm>>
      tpu.enqueue_indirect_dma source(%dma_start3A_94 : memref<20480x128xf32, #tpu.memory_space<hbm>>) target(%arg10 : memref<128x128xf32, #tpu.memory_space<vmem>>) offsets(%dma_start3A_91 : memref<128xi32, #tpu.memory_space<vmem>>) semaphore(%arg13 : memref<!tpu.dma_semaphore, #tpu.memory_space<semaphore_mem>>)
      %dma_wait3A = arith.constant 0 : i32
      %dma_wait3A_95 = tpu.memref_slice %arg7[%mul3A_86, %dma_wait3A] : memref<32x128xi32, #tpu.memory_space<vmem>> -> memref<1x128xi32, #tpu.memory_space<vmem>>
      %dma_wait3A_96 = tpu.memref_squeeze %dma_wait3A_95 : memref<1x128xi32, #tpu.memory_space<vmem>> -> memref<128xi32, #tpu.memory_space<vmem>>
      %dma_wait3A_97 = arith.constant 0 : i32
      %dma_wait3A_98 = arith.constant 0 : i32
      %dma_wait3A_99 = tpu.memref_slice %arg2[%dma_wait3A_97, %dma_wait3A_98] : memref<20480x128xf32, #tpu.memory_space<hbm>> -> memref<20480x128xf32, #tpu.memory_space<hbm>>
      tpu.wait_indirect_dma semaphore(%arg12 : memref<!tpu.dma_semaphore, #tpu.memory_space<semaphore_mem>>) src(%dma_wait3A_99 : memref<20480x128xf32, #tpu.memory_space<hbm>>) dst(%arg9 : memref<128x128xf32, #tpu.memory_space<vmem>>)
      "tpu.region"() ({
        %run_scoped3A = tpu.sem_alloc : memref<!tpu.dma_semaphore, #tpu.memory_space<semaphore_mem>>
        %dma_start3A_112 = arith.constant 0 : i32
        %dma_start3A_113 = tpu.memref_slice %arg8[%mul3A_86, %dma_start3A_112] : memref<32x128xi32, #tpu.memory_space<vmem>> -> memref<1x128xi32, #tpu.memory_space<vmem>>
        %dma_start3A_114 = tpu.memref_squeeze %dma_start3A_113 : memref<1x128xi32, #tpu.memory_space<vmem>> -> memref<128xi32, #tpu.memory_space<vmem>>
        %dma_start3A_115 = arith.constant 0 : i32
        %dma_start3A_116 = arith.constant 0 : i32
        %dma_start3A_117 = tpu.memref_slice %arg11[%dma_start3A_115, %dma_start3A_116] : memref<10240x128xf32, #tpu.memory_space<vmem_shared>> -> memref<10240x128xf32, #tpu.memory_space<vmem_shared>>
        tpu.enqueue_indirect_dma source(%arg9 : memref<128x128xf32, #tpu.memory_space<vmem>>) target(%dma_start3A_117 : memref<10240x128xf32, #tpu.memory_space<vmem_shared>>) offsets(%dma_start3A_114 : memref<128xi32, #tpu.memory_space<vmem>>) semaphore(%run_scoped3A : memref<!tpu.dma_semaphore, #tpu.memory_space<semaphore_mem>>) {add = true}
        %dma_wait3A_118 = arith.constant 0 : i32
        %dma_wait3A_119 = tpu.memref_slice %arg8[%mul3A_86, %dma_wait3A_118] : memref<32x128xi32, #tpu.memory_space<vmem>> -> memref<1x128xi32, #tpu.memory_space<vmem>>
        %dma_wait3A_120 = tpu.memref_squeeze %dma_wait3A_119 : memref<1x128xi32, #tpu.memory_space<vmem>> -> memref<128xi32, #tpu.memory_space<vmem>>
        %dma_wait3A_121 = arith.constant 0 : i32
        %dma_wait3A_122 = arith.constant 0 : i32
        %dma_wait3A_123 = tpu.memref_slice %arg11[%dma_wait3A_121, %dma_wait3A_122] : memref<10240x128xf32, #tpu.memory_space<vmem_shared>> -> memref<10240x128xf32, #tpu.memory_space<vmem_shared>>
        tpu.wait_indirect_dma semaphore(%run_scoped3A : memref<!tpu.dma_semaphore, #tpu.memory_space<semaphore_mem>>) src(%arg9 : memref<128x128xf32, #tpu.memory_space<vmem>>) dst(%dma_wait3A_123 : memref<10240x128xf32, #tpu.memory_space<vmem_shared>>)
        tpu.yield
      }) : () -> ()
      %lt3A = arith.constant 15 : i32
      %lt3A_100 = arith.cmpi slt, %scan3A_84, %lt3A : i32
      %convert_element_type3A = arith.extui %lt3A_100 : i1 to i32
      %cond3A = arith.constant 0 : i32
      %cond3A_101 = arith.cmpi ne, %convert_element_type3A, %cond3A : i32
      scf.if %cond3A_101 {
        %add3A_112 = arith.constant 2 : i32
        %add3A_113 = arith.addi %mul3A_86, %add3A_112 : i32
        %dma_start3A_114 = arith.constant 0 : i32
        %dma_start3A_115 = tpu.memref_slice %arg7[%add3A_113, %dma_start3A_114] : memref<32x128xi32, #tpu.memory_space<vmem>> -> memref<1x128xi32, #tpu.memory_space<vmem>>
        %dma_start3A_116 = tpu.memref_squeeze %dma_start3A_115 : memref<1x128xi32, #tpu.memory_space<vmem>> -> memref<128xi32, #tpu.memory_space<vmem>>
        %dma_start3A_117 = arith.constant 0 : i32
        %dma_start3A_118 = arith.constant 0 : i32
        %dma_start3A_119 = tpu.memref_slice %arg2[%dma_start3A_117, %dma_start3A_118] : memref<20480x128xf32, #tpu.memory_space<hbm>> -> memref<20480x128xf32, #tpu.memory_space<hbm>>
        tpu.enqueue_indirect_dma source(%dma_start3A_119 : memref<20480x128xf32, #tpu.memory_space<hbm>>) target(%arg9 : memref<128x128xf32, #tpu.memory_space<vmem>>) offsets(%dma_start3A_116 : memref<128xi32, #tpu.memory_space<vmem>>) semaphore(%arg12 : memref<!tpu.dma_semaphore, #tpu.memory_space<semaphore_mem>>)
      } else {
      }
      %add3A_102 = arith.constant 1 : i32
      %add3A_103 = arith.addi %mul3A_86, %add3A_102 : i32
      %dma_wait3A_104 = arith.constant 0 : i32
      %dma_wait3A_105 = tpu.memref_slice %arg7[%add3A_103, %dma_wait3A_104] : memref<32x128xi32, #tpu.memory_space<vmem>> -> memref<1x128xi32, #tpu.memory_space<vmem>>
      %dma_wait3A_106 = tpu.memref_squeeze %dma_wait3A_105 : memref<1x128xi32, #tpu.memory_space<vmem>> -> memref<128xi32, #tpu.memory_space<vmem>>
      %dma_wait3A_107 = arith.constant 0 : i32
      %dma_wait3A_108 = arith.constant 0 : i32
      %dma_wait3A_109 = tpu.memref_slice %arg2[%dma_wait3A_107, %dma_wait3A_108] : memref<20480x128xf32, #tpu.memory_space<hbm>> -> memref<20480x128xf32, #tpu.memory_space<hbm>>
      tpu.wait_indirect_dma semaphore(%arg13 : memref<!tpu.dma_semaphore, #tpu.memory_space<semaphore_mem>>) src(%dma_wait3A_109 : memref<20480x128xf32, #tpu.memory_space<hbm>>) dst(%arg10 : memref<128x128xf32, #tpu.memory_space<vmem>>)
      %add3A_110 = arith.constant 1 : i32
      %add3A_111 = arith.addi %mul3A_86, %add3A_110 : i32
      "tpu.region"() ({
        %run_scoped3A = tpu.sem_alloc : memref<!tpu.dma_semaphore, #tpu.memory_space<semaphore_mem>>
        %dma_start3A_112 = arith.constant 0 : i32
        %dma_start3A_113 = tpu.memref_slice %arg8[%add3A_111, %dma_start3A_112] : memref<32x128xi32, #tpu.memory_space<vmem>> -> memref<1x128xi32, #tpu.memory_space<vmem>>
        %dma_start3A_114 = tpu.memref_squeeze %dma_start3A_113 : memref<1x128xi32, #tpu.memory_space<vmem>> -> memref<128xi32, #tpu.memory_space<vmem>>
        %dma_start3A_115 = arith.constant 0 : i32
        %dma_start3A_116 = arith.constant 0 : i32
        %dma_start3A_117 = tpu.memref_slice %arg11[%dma_start3A_115, %dma_start3A_116] : memref<10240x128xf32, #tpu.memory_space<vmem_shared>> -> memref<10240x128xf32, #tpu.memory_space<vmem_shared>>
        tpu.enqueue_indirect_dma source(%arg10 : memref<128x128xf32, #tpu.memory_space<vmem>>) target(%dma_start3A_117 : memref<10240x128xf32, #tpu.memory_space<vmem_shared>>) offsets(%dma_start3A_114 : memref<128xi32, #tpu.memory_space<vmem>>) semaphore(%run_scoped3A : memref<!tpu.dma_semaphore, #tpu.memory_space<semaphore_mem>>) {add = true}
        %dma_wait3A_118 = arith.constant 0 : i32
        %dma_wait3A_119 = tpu.memref_slice %arg8[%add3A_111, %dma_wait3A_118] : memref<32x128xi32, #tpu.memory_space<vmem>> -> memref<1x128xi32, #tpu.memory_space<vmem>>
        %dma_wait3A_120 = tpu.memref_squeeze %dma_wait3A_119 : memref<1x128xi32, #tpu.memory_space<vmem>> -> memref<128xi32, #tpu.memory_space<vmem>>
        %dma_wait3A_121 = arith.constant 0 : i32
        %dma_wait3A_122 = arith.constant 0 : i32
        %dma_wait3A_123 = tpu.memref_slice %arg11[%dma_wait3A_121, %dma_wait3A_122] : memref<10240x128xf32, #tpu.memory_space<vmem_shared>> -> memref<10240x128xf32, #tpu.memory_space<vmem_shared>>
        tpu.wait_indirect_dma semaphore(%run_scoped3A : memref<!tpu.dma_semaphore, #tpu.memory_space<semaphore_mem>>) src(%arg10 : memref<128x128xf32, #tpu.memory_space<vmem>>) dst(%dma_wait3A_123 : memref<10240x128xf32, #tpu.memory_space<vmem_shared>>)
        tpu.yield
      }) : () -> ()
    }
    %scan3A_46 = arith.constant 16 : i32
    "tpu.region"() ({
      %run_scoped3A = tpu.sem_alloc : memref<!tpu.dma_semaphore, #tpu.memory_space<semaphore_mem>>
      %dma_start3A_84 = arith.constant 96 : i32
      %dma_start3A_85 = arith.constant 0 : i32
      %dma_start3A_86 = tpu.memref_slice %arg3[%arg0, %arg1, %dma_start3A_84, %dma_start3A_85] : memref<2x16x160x128xi32, #tpu.memory_space<hbm>> -> memref<1x1x32x128xi32, #tpu.memory_space<hbm>>
      %dma_start3A_87 = tpu.memref_squeeze %dma_start3A_86 : memref<1x1x32x128xi32, #tpu.memory_space<hbm>> -> memref<32x128xi32, #tpu.memory_space<hbm>>
      %dma_start3A_88 = arith.constant 96 : i32
      %dma_start3A_89 = arith.constant 0 : i32
      %dma_start3A_90 = tpu.memref_slice %arg3[%arg0, %arg1, %dma_start3A_88, %dma_start3A_89] : memref<2x16x160x128xi32, #tpu.memory_space<hbm>> -> memref<1x1x32x128xi32, #tpu.memory_space<hbm>>
      %dma_start3A_91 = tpu.memref_squeeze %dma_start3A_90 : memref<1x1x32x128xi32, #tpu.memory_space<hbm>> -> memref<32x128xi32, #tpu.memory_space<hbm>>
      tpu.enqueue_dma source(%dma_start3A_91 : memref<32x128xi32, #tpu.memory_space<hbm>>) target(%arg7 : memref<32x128xi32, #tpu.memory_space<vmem>>) target_semaphore(%run_scoped3A : memref<!tpu.dma_semaphore, #tpu.memory_space<semaphore_mem>>)
      %dma_wait3A = arith.constant 96 : i32
      %dma_wait3A_92 = arith.constant 0 : i32
      %dma_wait3A_93 = tpu.memref_slice %arg3[%arg0, %arg1, %dma_wait3A, %dma_wait3A_92] : memref<2x16x160x128xi32, #tpu.memory_space<hbm>> -> memref<1x1x32x128xi32, #tpu.memory_space<hbm>>
      %dma_wait3A_94 = tpu.memref_squeeze %dma_wait3A_93 : memref<1x1x32x128xi32, #tpu.memory_space<hbm>> -> memref<32x128xi32, #tpu.memory_space<hbm>>
      %dma_wait3A_95 = arith.constant 96 : i32
      %dma_wait3A_96 = arith.constant 0 : i32
      %dma_wait3A_97 = tpu.memref_slice %arg3[%arg0, %arg1, %dma_wait3A_95, %dma_wait3A_96] : memref<2x16x160x128xi32, #tpu.memory_space<hbm>> -> memref<1x1x32x128xi32, #tpu.memory_space<hbm>>
      %dma_wait3A_98 = tpu.memref_squeeze %dma_wait3A_97 : memref<1x1x32x128xi32, #tpu.memory_space<hbm>> -> memref<32x128xi32, #tpu.memory_space<hbm>>
      tpu.wait_dma2 semaphore(%run_scoped3A : memref<!tpu.dma_semaphore, #tpu.memory_space<semaphore_mem>>) src(%dma_wait3A_98 : memref<32x128xi32, #tpu.memory_space<hbm>>) dst(%arg7 : memref<32x128xi32, #tpu.memory_space<vmem>>)
      tpu.yield
    }) : () -> ()
    "tpu.region"() ({
      %run_scoped3A = tpu.sem_alloc : memref<!tpu.dma_semaphore, #tpu.memory_space<semaphore_mem>>
      %dma_start3A_84 = arith.constant 96 : i32
      %dma_start3A_85 = arith.constant 0 : i32
      %dma_start3A_86 = tpu.memref_slice %arg4[%arg0, %arg1, %dma_start3A_84, %dma_start3A_85] : memref<2x16x160x128xi32, #tpu.memory_space<hbm>> -> memref<1x1x32x128xi32, #tpu.memory_space<hbm>>
      %dma_start3A_87 = tpu.memref_squeeze %dma_start3A_86 : memref<1x1x32x128xi32, #tpu.memory_space<hbm>> -> memref<32x128xi32, #tpu.memory_space<hbm>>
      %dma_start3A_88 = arith.constant 96 : i32
      %dma_start3A_89 = arith.constant 0 : i32
      %dma_start3A_90 = tpu.memref_slice %arg4[%arg0, %arg1, %dma_start3A_88, %dma_start3A_89] : memref<2x16x160x128xi32, #tpu.memory_space<hbm>> -> memref<1x1x32x128xi32, #tpu.memory_space<hbm>>
      %dma_start3A_91 = tpu.memref_squeeze %dma_start3A_90 : memref<1x1x32x128xi32, #tpu.memory_space<hbm>> -> memref<32x128xi32, #tpu.memory_space<hbm>>
      tpu.enqueue_dma source(%dma_start3A_91 : memref<32x128xi32, #tpu.memory_space<hbm>>) target(%arg8 : memref<32x128xi32, #tpu.memory_space<vmem>>) target_semaphore(%run_scoped3A : memref<!tpu.dma_semaphore, #tpu.memory_space<semaphore_mem>>)
      %dma_wait3A = arith.constant 96 : i32
      %dma_wait3A_92 = arith.constant 0 : i32
      %dma_wait3A_93 = tpu.memref_slice %arg4[%arg0, %arg1, %dma_wait3A, %dma_wait3A_92] : memref<2x16x160x128xi32, #tpu.memory_space<hbm>> -> memref<1x1x32x128xi32, #tpu.memory_space<hbm>>
      %dma_wait3A_94 = tpu.memref_squeeze %dma_wait3A_93 : memref<1x1x32x128xi32, #tpu.memory_space<hbm>> -> memref<32x128xi32, #tpu.memory_space<hbm>>
      %dma_wait3A_95 = arith.constant 96 : i32
      %dma_wait3A_96 = arith.constant 0 : i32
      %dma_wait3A_97 = tpu.memref_slice %arg4[%arg0, %arg1, %dma_wait3A_95, %dma_wait3A_96] : memref<2x16x160x128xi32, #tpu.memory_space<hbm>> -> memref<1x1x32x128xi32, #tpu.memory_space<hbm>>
      %dma_wait3A_98 = tpu.memref_squeeze %dma_wait3A_97 : memref<1x1x32x128xi32, #tpu.memory_space<hbm>> -> memref<32x128xi32, #tpu.memory_space<hbm>>
      tpu.wait_dma2 semaphore(%run_scoped3A : memref<!tpu.dma_semaphore, #tpu.memory_space<semaphore_mem>>) src(%dma_wait3A_98 : memref<32x128xi32, #tpu.memory_space<hbm>>) dst(%arg8 : memref<32x128xi32, #tpu.memory_space<vmem>>)
      tpu.yield
    }) : () -> ()
    %dma_start3A_47 = arith.constant 0 : i32
    %dma_start3A_48 = arith.constant 0 : i32
    %dma_start3A_49 = tpu.memref_slice %arg7[%dma_start3A_47, %dma_start3A_48] : memref<32x128xi32, #tpu.memory_space<vmem>> -> memref<1x128xi32, #tpu.memory_space<vmem>>
    %dma_start3A_50 = tpu.memref_squeeze %dma_start3A_49 : memref<1x128xi32, #tpu.memory_space<vmem>> -> memref<128xi32, #tpu.memory_space<vmem>>
    %dma_start3A_51 = arith.constant 0 : i32
    %dma_start3A_52 = arith.constant 0 : i32
    %dma_start3A_53 = tpu.memref_slice %arg2[%dma_start3A_51, %dma_start3A_52] : memref<20480x128xf32, #tpu.memory_space<hbm>> -> memref<20480x128xf32, #tpu.memory_space<hbm>>
    tpu.enqueue_indirect_dma source(%dma_start3A_53 : memref<20480x128xf32, #tpu.memory_space<hbm>>) target(%arg9 : memref<128x128xf32, #tpu.memory_space<vmem>>) offsets(%dma_start3A_50 : memref<128xi32, #tpu.memory_space<vmem>>) semaphore(%arg12 : memref<!tpu.dma_semaphore, #tpu.memory_space<semaphore_mem>>)
    %scan3A_54 = arith.constant 0 : i32
    %scan3A_55 = arith.constant 0 : i32
    %scan3A_56 = arith.constant 16 : i32
    %scan3A_57 = arith.addi %scan3A_55, %scan3A_56 : i32
    %scan3A_58 = arith.constant 1 : i32
    scf.for %scan3A_84 = %scan3A_55 to %scan3A_57 step %scan3A_58  : i32 {
      %mul3A_85 = arith.constant 2 : i32
      %mul3A_86 = arith.muli %mul3A_85, %scan3A_84 : i32
      %add3A_87 = arith.constant 1 : i32
      %add3A_88 = arith.addi %mul3A_86, %add3A_87 : i32
      %dma_start3A_89 = arith.constant 0 : i32
      %dma_start3A_90 = tpu.memref_slice %arg7[%add3A_88, %dma_start3A_89] : memref<32x128xi32, #tpu.memory_space<vmem>> -> memref<1x128xi32, #tpu.memory_space<vmem>>
      %dma_start3A_91 = tpu.memref_squeeze %dma_start3A_90 : memref<1x128xi32, #tpu.memory_space<vmem>> -> memref<128xi32, #tpu.memory_space<vmem>>
      %dma_start3A_92 = arith.constant 0 : i32
      %dma_start3A_93 = arith.constant 0 : i32
      %dma_start3A_94 = tpu.memref_slice %arg2[%dma_start3A_92, %dma_start3A_93] : memref<20480x128xf32, #tpu.memory_space<hbm>> -> memref<20480x128xf32, #tpu.memory_space<hbm>>
      tpu.enqueue_indirect_dma source(%dma_start3A_94 : memref<20480x128xf32, #tpu.memory_space<hbm>>) target(%arg10 : memref<128x128xf32, #tpu.memory_space<vmem>>) offsets(%dma_start3A_91 : memref<128xi32, #tpu.memory_space<vmem>>) semaphore(%arg13 : memref<!tpu.dma_semaphore, #tpu.memory_space<semaphore_mem>>)
      %dma_wait3A = arith.constant 0 : i32
      %dma_wait3A_95 = tpu.memref_slice %arg7[%mul3A_86, %dma_wait3A] : memref<32x128xi32, #tpu.memory_space<vmem>> -> memref<1x128xi32, #tpu.memory_space<vmem>>
      %dma_wait3A_96 = tpu.memref_squeeze %dma_wait3A_95 : memref<1x128xi32, #tpu.memory_space<vmem>> -> memref<128xi32, #tpu.memory_space<vmem>>
      %dma_wait3A_97 = arith.constant 0 : i32
      %dma_wait3A_98 = arith.constant 0 : i32
      %dma_wait3A_99 = tpu.memref_slice %arg2[%dma_wait3A_97, %dma_wait3A_98] : memref<20480x128xf32, #tpu.memory_space<hbm>> -> memref<20480x128xf32, #tpu.memory_space<hbm>>
      tpu.wait_indirect_dma semaphore(%arg12 : memref<!tpu.dma_semaphore, #tpu.memory_space<semaphore_mem>>) src(%dma_wait3A_99 : memref<20480x128xf32, #tpu.memory_space<hbm>>) dst(%arg9 : memref<128x128xf32, #tpu.memory_space<vmem>>)
      "tpu.region"() ({
        %run_scoped3A = tpu.sem_alloc : memref<!tpu.dma_semaphore, #tpu.memory_space<semaphore_mem>>
        %dma_start3A_112 = arith.constant 0 : i32
        %dma_start3A_113 = tpu.memref_slice %arg8[%mul3A_86, %dma_start3A_112] : memref<32x128xi32, #tpu.memory_space<vmem>> -> memref<1x128xi32, #tpu.memory_space<vmem>>
        %dma_start3A_114 = tpu.memref_squeeze %dma_start3A_113 : memref<1x128xi32, #tpu.memory_space<vmem>> -> memref<128xi32, #tpu.memory_space<vmem>>
        %dma_start3A_115 = arith.constant 0 : i32
        %dma_start3A_116 = arith.constant 0 : i32
        %dma_start3A_117 = tpu.memref_slice %arg11[%dma_start3A_115, %dma_start3A_116] : memref<10240x128xf32, #tpu.memory_space<vmem_shared>> -> memref<10240x128xf32, #tpu.memory_space<vmem_shared>>
        tpu.enqueue_indirect_dma source(%arg9 : memref<128x128xf32, #tpu.memory_space<vmem>>) target(%dma_start3A_117 : memref<10240x128xf32, #tpu.memory_space<vmem_shared>>) offsets(%dma_start3A_114 : memref<128xi32, #tpu.memory_space<vmem>>) semaphore(%run_scoped3A : memref<!tpu.dma_semaphore, #tpu.memory_space<semaphore_mem>>) {add = true}
        %dma_wait3A_118 = arith.constant 0 : i32
        %dma_wait3A_119 = tpu.memref_slice %arg8[%mul3A_86, %dma_wait3A_118] : memref<32x128xi32, #tpu.memory_space<vmem>> -> memref<1x128xi32, #tpu.memory_space<vmem>>
        %dma_wait3A_120 = tpu.memref_squeeze %dma_wait3A_119 : memref<1x128xi32, #tpu.memory_space<vmem>> -> memref<128xi32, #tpu.memory_space<vmem>>
        %dma_wait3A_121 = arith.constant 0 : i32
        %dma_wait3A_122 = arith.constant 0 : i32
        %dma_wait3A_123 = tpu.memref_slice %arg11[%dma_wait3A_121, %dma_wait3A_122] : memref<10240x128xf32, #tpu.memory_space<vmem_shared>> -> memref<10240x128xf32, #tpu.memory_space<vmem_shared>>
        tpu.wait_indirect_dma semaphore(%run_scoped3A : memref<!tpu.dma_semaphore, #tpu.memory_space<semaphore_mem>>) src(%arg9 : memref<128x128xf32, #tpu.memory_space<vmem>>) dst(%dma_wait3A_123 : memref<10240x128xf32, #tpu.memory_space<vmem_shared>>)
        tpu.yield
      }) : () -> ()
      %lt3A = arith.constant 15 : i32
      %lt3A_100 = arith.cmpi slt, %scan3A_84, %lt3A : i32
      %convert_element_type3A = arith.extui %lt3A_100 : i1 to i32
      %cond3A = arith.constant 0 : i32
      %cond3A_101 = arith.cmpi ne, %convert_element_type3A, %cond3A : i32
      scf.if %cond3A_101 {
        %add3A_112 = arith.constant 2 : i32
        %add3A_113 = arith.addi %mul3A_86, %add3A_112 : i32
        %dma_start3A_114 = arith.constant 0 : i32
        %dma_start3A_115 = tpu.memref_slice %arg7[%add3A_113, %dma_start3A_114] : memref<32x128xi32, #tpu.memory_space<vmem>> -> memref<1x128xi32, #tpu.memory_space<vmem>>
        %dma_start3A_116 = tpu.memref_squeeze %dma_start3A_115 : memref<1x128xi32, #tpu.memory_space<vmem>> -> memref<128xi32, #tpu.memory_space<vmem>>
        %dma_start3A_117 = arith.constant 0 : i32
        %dma_start3A_118 = arith.constant 0 : i32
        %dma_start3A_119 = tpu.memref_slice %arg2[%dma_start3A_117, %dma_start3A_118] : memref<20480x128xf32, #tpu.memory_space<hbm>> -> memref<20480x128xf32, #tpu.memory_space<hbm>>
        tpu.enqueue_indirect_dma source(%dma_start3A_119 : memref<20480x128xf32, #tpu.memory_space<hbm>>) target(%arg9 : memref<128x128xf32, #tpu.memory_space<vmem>>) offsets(%dma_start3A_116 : memref<128xi32, #tpu.memory_space<vmem>>) semaphore(%arg12 : memref<!tpu.dma_semaphore, #tpu.memory_space<semaphore_mem>>)
      } else {
      }
      %add3A_102 = arith.constant 1 : i32
      %add3A_103 = arith.addi %mul3A_86, %add3A_102 : i32
      %dma_wait3A_104 = arith.constant 0 : i32
      %dma_wait3A_105 = tpu.memref_slice %arg7[%add3A_103, %dma_wait3A_104] : memref<32x128xi32, #tpu.memory_space<vmem>> -> memref<1x128xi32, #tpu.memory_space<vmem>>
      %dma_wait3A_106 = tpu.memref_squeeze %dma_wait3A_105 : memref<1x128xi32, #tpu.memory_space<vmem>> -> memref<128xi32, #tpu.memory_space<vmem>>
      %dma_wait3A_107 = arith.constant 0 : i32
      %dma_wait3A_108 = arith.constant 0 : i32
      %dma_wait3A_109 = tpu.memref_slice %arg2[%dma_wait3A_107, %dma_wait3A_108] : memref<20480x128xf32, #tpu.memory_space<hbm>> -> memref<20480x128xf32, #tpu.memory_space<hbm>>
      tpu.wait_indirect_dma semaphore(%arg13 : memref<!tpu.dma_semaphore, #tpu.memory_space<semaphore_mem>>) src(%dma_wait3A_109 : memref<20480x128xf32, #tpu.memory_space<hbm>>) dst(%arg10 : memref<128x128xf32, #tpu.memory_space<vmem>>)
      %add3A_110 = arith.constant 1 : i32
      %add3A_111 = arith.addi %mul3A_86, %add3A_110 : i32
      "tpu.region"() ({
        %run_scoped3A = tpu.sem_alloc : memref<!tpu.dma_semaphore, #tpu.memory_space<semaphore_mem>>
        %dma_start3A_112 = arith.constant 0 : i32
        %dma_start3A_113 = tpu.memref_slice %arg8[%add3A_111, %dma_start3A_112] : memref<32x128xi32, #tpu.memory_space<vmem>> -> memref<1x128xi32, #tpu.memory_space<vmem>>
        %dma_start3A_114 = tpu.memref_squeeze %dma_start3A_113 : memref<1x128xi32, #tpu.memory_space<vmem>> -> memref<128xi32, #tpu.memory_space<vmem>>
        %dma_start3A_115 = arith.constant 0 : i32
        %dma_start3A_116 = arith.constant 0 : i32
        %dma_start3A_117 = tpu.memref_slice %arg11[%dma_start3A_115, %dma_start3A_116] : memref<10240x128xf32, #tpu.memory_space<vmem_shared>> -> memref<10240x128xf32, #tpu.memory_space<vmem_shared>>
        tpu.enqueue_indirect_dma source(%arg10 : memref<128x128xf32, #tpu.memory_space<vmem>>) target(%dma_start3A_117 : memref<10240x128xf32, #tpu.memory_space<vmem_shared>>) offsets(%dma_start3A_114 : memref<128xi32, #tpu.memory_space<vmem>>) semaphore(%run_scoped3A : memref<!tpu.dma_semaphore, #tpu.memory_space<semaphore_mem>>) {add = true}
        %dma_wait3A_118 = arith.constant 0 : i32
        %dma_wait3A_119 = tpu.memref_slice %arg8[%add3A_111, %dma_wait3A_118] : memref<32x128xi32, #tpu.memory_space<vmem>> -> memref<1x128xi32, #tpu.memory_space<vmem>>
        %dma_wait3A_120 = tpu.memref_squeeze %dma_wait3A_119 : memref<1x128xi32, #tpu.memory_space<vmem>> -> memref<128xi32, #tpu.memory_space<vmem>>
        %dma_wait3A_121 = arith.constant 0 : i32
        %dma_wait3A_122 = arith.constant 0 : i32
        %dma_wait3A_123 = tpu.memref_slice %arg11[%dma_wait3A_121, %dma_wait3A_122] : memref<10240x128xf32, #tpu.memory_space<vmem_shared>> -> memref<10240x128xf32, #tpu.memory_space<vmem_shared>>
        tpu.wait_indirect_dma semaphore(%run_scoped3A : memref<!tpu.dma_semaphore, #tpu.memory_space<semaphore_mem>>) src(%arg10 : memref<128x128xf32, #tpu.memory_space<vmem>>) dst(%dma_wait3A_123 : memref<10240x128xf32, #tpu.memory_space<vmem_shared>>)
        tpu.yield
      }) : () -> ()
    }
    %scan3A_59 = arith.constant 16 : i32
    "tpu.region"() ({
      %run_scoped3A = tpu.sem_alloc : memref<!tpu.dma_semaphore, #tpu.memory_space<semaphore_mem>>
      %dma_start3A_84 = arith.constant 128 : i32
      %dma_start3A_85 = arith.constant 0 : i32
      %dma_start3A_86 = tpu.memref_slice %arg3[%arg0, %arg1, %dma_start3A_84, %dma_start3A_85] : memref<2x16x160x128xi32, #tpu.memory_space<hbm>> -> memref<1x1x32x128xi32, #tpu.memory_space<hbm>>
      %dma_start3A_87 = tpu.memref_squeeze %dma_start3A_86 : memref<1x1x32x128xi32, #tpu.memory_space<hbm>> -> memref<32x128xi32, #tpu.memory_space<hbm>>
      %dma_start3A_88 = arith.constant 128 : i32
      %dma_start3A_89 = arith.constant 0 : i32
      %dma_start3A_90 = tpu.memref_slice %arg3[%arg0, %arg1, %dma_start3A_88, %dma_start3A_89] : memref<2x16x160x128xi32, #tpu.memory_space<hbm>> -> memref<1x1x32x128xi32, #tpu.memory_space<hbm>>
      %dma_start3A_91 = tpu.memref_squeeze %dma_start3A_90 : memref<1x1x32x128xi32, #tpu.memory_space<hbm>> -> memref<32x128xi32, #tpu.memory_space<hbm>>
      tpu.enqueue_dma source(%dma_start3A_91 : memref<32x128xi32, #tpu.memory_space<hbm>>) target(%arg7 : memref<32x128xi32, #tpu.memory_space<vmem>>) target_semaphore(%run_scoped3A : memref<!tpu.dma_semaphore, #tpu.memory_space<semaphore_mem>>)
      %dma_wait3A = arith.constant 128 : i32
      %dma_wait3A_92 = arith.constant 0 : i32
      %dma_wait3A_93 = tpu.memref_slice %arg3[%arg0, %arg1, %dma_wait3A, %dma_wait3A_92] : memref<2x16x160x128xi32, #tpu.memory_space<hbm>> -> memref<1x1x32x128xi32, #tpu.memory_space<hbm>>
      %dma_wait3A_94 = tpu.memref_squeeze %dma_wait3A_93 : memref<1x1x32x128xi32, #tpu.memory_space<hbm>> -> memref<32x128xi32, #tpu.memory_space<hbm>>
      %dma_wait3A_95 = arith.constant 128 : i32
      %dma_wait3A_96 = arith.constant 0 : i32
      %dma_wait3A_97 = tpu.memref_slice %arg3[%arg0, %arg1, %dma_wait3A_95, %dma_wait3A_96] : memref<2x16x160x128xi32, #tpu.memory_space<hbm>> -> memref<1x1x32x128xi32, #tpu.memory_space<hbm>>
      %dma_wait3A_98 = tpu.memref_squeeze %dma_wait3A_97 : memref<1x1x32x128xi32, #tpu.memory_space<hbm>> -> memref<32x128xi32, #tpu.memory_space<hbm>>
      tpu.wait_dma2 semaphore(%run_scoped3A : memref<!tpu.dma_semaphore, #tpu.memory_space<semaphore_mem>>) src(%dma_wait3A_98 : memref<32x128xi32, #tpu.memory_space<hbm>>) dst(%arg7 : memref<32x128xi32, #tpu.memory_space<vmem>>)
      tpu.yield
    }) : () -> ()
    "tpu.region"() ({
      %run_scoped3A = tpu.sem_alloc : memref<!tpu.dma_semaphore, #tpu.memory_space<semaphore_mem>>
      %dma_start3A_84 = arith.constant 128 : i32
      %dma_start3A_85 = arith.constant 0 : i32
      %dma_start3A_86 = tpu.memref_slice %arg4[%arg0, %arg1, %dma_start3A_84, %dma_start3A_85] : memref<2x16x160x128xi32, #tpu.memory_space<hbm>> -> memref<1x1x32x128xi32, #tpu.memory_space<hbm>>
      %dma_start3A_87 = tpu.memref_squeeze %dma_start3A_86 : memref<1x1x32x128xi32, #tpu.memory_space<hbm>> -> memref<32x128xi32, #tpu.memory_space<hbm>>
      %dma_start3A_88 = arith.constant 128 : i32
      %dma_start3A_89 = arith.constant 0 : i32
      %dma_start3A_90 = tpu.memref_slice %arg4[%arg0, %arg1, %dma_start3A_88, %dma_start3A_89] : memref<2x16x160x128xi32, #tpu.memory_space<hbm>> -> memref<1x1x32x128xi32, #tpu.memory_space<hbm>>
      %dma_start3A_91 = tpu.memref_squeeze %dma_start3A_90 : memref<1x1x32x128xi32, #tpu.memory_space<hbm>> -> memref<32x128xi32, #tpu.memory_space<hbm>>
      tpu.enqueue_dma source(%dma_start3A_91 : memref<32x128xi32, #tpu.memory_space<hbm>>) target(%arg8 : memref<32x128xi32, #tpu.memory_space<vmem>>) target_semaphore(%run_scoped3A : memref<!tpu.dma_semaphore, #tpu.memory_space<semaphore_mem>>)
      %dma_wait3A = arith.constant 128 : i32
      %dma_wait3A_92 = arith.constant 0 : i32
      %dma_wait3A_93 = tpu.memref_slice %arg4[%arg0, %arg1, %dma_wait3A, %dma_wait3A_92] : memref<2x16x160x128xi32, #tpu.memory_space<hbm>> -> memref<1x1x32x128xi32, #tpu.memory_space<hbm>>
      %dma_wait3A_94 = tpu.memref_squeeze %dma_wait3A_93 : memref<1x1x32x128xi32, #tpu.memory_space<hbm>> -> memref<32x128xi32, #tpu.memory_space<hbm>>
      %dma_wait3A_95 = arith.constant 128 : i32
      %dma_wait3A_96 = arith.constant 0 : i32
      %dma_wait3A_97 = tpu.memref_slice %arg4[%arg0, %arg1, %dma_wait3A_95, %dma_wait3A_96] : memref<2x16x160x128xi32, #tpu.memory_space<hbm>> -> memref<1x1x32x128xi32, #tpu.memory_space<hbm>>
      %dma_wait3A_98 = tpu.memref_squeeze %dma_wait3A_97 : memref<1x1x32x128xi32, #tpu.memory_space<hbm>> -> memref<32x128xi32, #tpu.memory_space<hbm>>
      tpu.wait_dma2 semaphore(%run_scoped3A : memref<!tpu.dma_semaphore, #tpu.memory_space<semaphore_mem>>) src(%dma_wait3A_98 : memref<32x128xi32, #tpu.memory_space<hbm>>) dst(%arg8 : memref<32x128xi32, #tpu.memory_space<vmem>>)
      tpu.yield
    }) : () -> ()
    %dma_start3A_60 = arith.constant 0 : i32
    %dma_start3A_61 = arith.constant 0 : i32
    %dma_start3A_62 = tpu.memref_slice %arg7[%dma_start3A_60, %dma_start3A_61] : memref<32x128xi32, #tpu.memory_space<vmem>> -> memref<1x128xi32, #tpu.memory_space<vmem>>
    %dma_start3A_63 = tpu.memref_squeeze %dma_start3A_62 : memref<1x128xi32, #tpu.memory_space<vmem>> -> memref<128xi32, #tpu.memory_space<vmem>>
    %dma_start3A_64 = arith.constant 0 : i32
    %dma_start3A_65 = arith.constant 0 : i32
    %dma_start3A_66 = tpu.memref_slice %arg2[%dma_start3A_64, %dma_start3A_65] : memref<20480x128xf32, #tpu.memory_space<hbm>> -> memref<20480x128xf32, #tpu.memory_space<hbm>>
    tpu.enqueue_indirect_dma source(%dma_start3A_66 : memref<20480x128xf32, #tpu.memory_space<hbm>>) target(%arg9 : memref<128x128xf32, #tpu.memory_space<vmem>>) offsets(%dma_start3A_63 : memref<128xi32, #tpu.memory_space<vmem>>) semaphore(%arg12 : memref<!tpu.dma_semaphore, #tpu.memory_space<semaphore_mem>>)
    %scan3A_67 = arith.constant 0 : i32
    %scan3A_68 = arith.constant 0 : i32
    %scan3A_69 = arith.constant 16 : i32
    %scan3A_70 = arith.addi %scan3A_68, %scan3A_69 : i32
    %scan3A_71 = arith.constant 1 : i32
    scf.for %scan3A_84 = %scan3A_68 to %scan3A_70 step %scan3A_71  : i32 {
      %mul3A_85 = arith.constant 2 : i32
      %mul3A_86 = arith.muli %mul3A_85, %scan3A_84 : i32
      %add3A_87 = arith.constant 1 : i32
      %add3A_88 = arith.addi %mul3A_86, %add3A_87 : i32
      %dma_start3A_89 = arith.constant 0 : i32
      %dma_start3A_90 = tpu.memref_slice %arg7[%add3A_88, %dma_start3A_89] : memref<32x128xi32, #tpu.memory_space<vmem>> -> memref<1x128xi32, #tpu.memory_space<vmem>>
      %dma_start3A_91 = tpu.memref_squeeze %dma_start3A_90 : memref<1x128xi32, #tpu.memory_space<vmem>> -> memref<128xi32, #tpu.memory_space<vmem>>
      %dma_start3A_92 = arith.constant 0 : i32
      %dma_start3A_93 = arith.constant 0 : i32
      %dma_start3A_94 = tpu.memref_slice %arg2[%dma_start3A_92, %dma_start3A_93] : memref<20480x128xf32, #tpu.memory_space<hbm>> -> memref<20480x128xf32, #tpu.memory_space<hbm>>
      tpu.enqueue_indirect_dma source(%dma_start3A_94 : memref<20480x128xf32, #tpu.memory_space<hbm>>) target(%arg10 : memref<128x128xf32, #tpu.memory_space<vmem>>) offsets(%dma_start3A_91 : memref<128xi32, #tpu.memory_space<vmem>>) semaphore(%arg13 : memref<!tpu.dma_semaphore, #tpu.memory_space<semaphore_mem>>)
      %dma_wait3A = arith.constant 0 : i32
      %dma_wait3A_95 = tpu.memref_slice %arg7[%mul3A_86, %dma_wait3A] : memref<32x128xi32, #tpu.memory_space<vmem>> -> memref<1x128xi32, #tpu.memory_space<vmem>>
      %dma_wait3A_96 = tpu.memref_squeeze %dma_wait3A_95 : memref<1x128xi32, #tpu.memory_space<vmem>> -> memref<128xi32, #tpu.memory_space<vmem>>
      %dma_wait3A_97 = arith.constant 0 : i32
      %dma_wait3A_98 = arith.constant 0 : i32
      %dma_wait3A_99 = tpu.memref_slice %arg2[%dma_wait3A_97, %dma_wait3A_98] : memref<20480x128xf32, #tpu.memory_space<hbm>> -> memref<20480x128xf32, #tpu.memory_space<hbm>>
      tpu.wait_indirect_dma semaphore(%arg12 : memref<!tpu.dma_semaphore, #tpu.memory_space<semaphore_mem>>) src(%dma_wait3A_99 : memref<20480x128xf32, #tpu.memory_space<hbm>>) dst(%arg9 : memref<128x128xf32, #tpu.memory_space<vmem>>)
      "tpu.region"() ({
        %run_scoped3A = tpu.sem_alloc : memref<!tpu.dma_semaphore, #tpu.memory_space<semaphore_mem>>
        %dma_start3A_112 = arith.constant 0 : i32
        %dma_start3A_113 = tpu.memref_slice %arg8[%mul3A_86, %dma_start3A_112] : memref<32x128xi32, #tpu.memory_space<vmem>> -> memref<1x128xi32, #tpu.memory_space<vmem>>
        %dma_start3A_114 = tpu.memref_squeeze %dma_start3A_113 : memref<1x128xi32, #tpu.memory_space<vmem>> -> memref<128xi32, #tpu.memory_space<vmem>>
        %dma_start3A_115 = arith.constant 0 : i32
        %dma_start3A_116 = arith.constant 0 : i32
        %dma_start3A_117 = tpu.memref_slice %arg11[%dma_start3A_115, %dma_start3A_116] : memref<10240x128xf32, #tpu.memory_space<vmem_shared>> -> memref<10240x128xf32, #tpu.memory_space<vmem_shared>>
        tpu.enqueue_indirect_dma source(%arg9 : memref<128x128xf32, #tpu.memory_space<vmem>>) target(%dma_start3A_117 : memref<10240x128xf32, #tpu.memory_space<vmem_shared>>) offsets(%dma_start3A_114 : memref<128xi32, #tpu.memory_space<vmem>>) semaphore(%run_scoped3A : memref<!tpu.dma_semaphore, #tpu.memory_space<semaphore_mem>>) {add = true}
        %dma_wait3A_118 = arith.constant 0 : i32
        %dma_wait3A_119 = tpu.memref_slice %arg8[%mul3A_86, %dma_wait3A_118] : memref<32x128xi32, #tpu.memory_space<vmem>> -> memref<1x128xi32, #tpu.memory_space<vmem>>
        %dma_wait3A_120 = tpu.memref_squeeze %dma_wait3A_119 : memref<1x128xi32, #tpu.memory_space<vmem>> -> memref<128xi32, #tpu.memory_space<vmem>>
        %dma_wait3A_121 = arith.constant 0 : i32
        %dma_wait3A_122 = arith.constant 0 : i32
        %dma_wait3A_123 = tpu.memref_slice %arg11[%dma_wait3A_121, %dma_wait3A_122] : memref<10240x128xf32, #tpu.memory_space<vmem_shared>> -> memref<10240x128xf32, #tpu.memory_space<vmem_shared>>
        tpu.wait_indirect_dma semaphore(%run_scoped3A : memref<!tpu.dma_semaphore, #tpu.memory_space<semaphore_mem>>) src(%arg9 : memref<128x128xf32, #tpu.memory_space<vmem>>) dst(%dma_wait3A_123 : memref<10240x128xf32, #tpu.memory_space<vmem_shared>>)
        tpu.yield
      }) : () -> ()
      %lt3A = arith.constant 15 : i32
      %lt3A_100 = arith.cmpi slt, %scan3A_84, %lt3A : i32
      %convert_element_type3A = arith.extui %lt3A_100 : i1 to i32
      %cond3A = arith.constant 0 : i32
      %cond3A_101 = arith.cmpi ne, %convert_element_type3A, %cond3A : i32
      scf.if %cond3A_101 {
        %add3A_112 = arith.constant 2 : i32
        %add3A_113 = arith.addi %mul3A_86, %add3A_112 : i32
        %dma_start3A_114 = arith.constant 0 : i32
        %dma_start3A_115 = tpu.memref_slice %arg7[%add3A_113, %dma_start3A_114] : memref<32x128xi32, #tpu.memory_space<vmem>> -> memref<1x128xi32, #tpu.memory_space<vmem>>
        %dma_start3A_116 = tpu.memref_squeeze %dma_start3A_115 : memref<1x128xi32, #tpu.memory_space<vmem>> -> memref<128xi32, #tpu.memory_space<vmem>>
        %dma_start3A_117 = arith.constant 0 : i32
        %dma_start3A_118 = arith.constant 0 : i32
        %dma_start3A_119 = tpu.memref_slice %arg2[%dma_start3A_117, %dma_start3A_118] : memref<20480x128xf32, #tpu.memory_space<hbm>> -> memref<20480x128xf32, #tpu.memory_space<hbm>>
        tpu.enqueue_indirect_dma source(%dma_start3A_119 : memref<20480x128xf32, #tpu.memory_space<hbm>>) target(%arg9 : memref<128x128xf32, #tpu.memory_space<vmem>>) offsets(%dma_start3A_116 : memref<128xi32, #tpu.memory_space<vmem>>) semaphore(%arg12 : memref<!tpu.dma_semaphore, #tpu.memory_space<semaphore_mem>>)
      } else {
      }
      %add3A_102 = arith.constant 1 : i32
      %add3A_103 = arith.addi %mul3A_86, %add3A_102 : i32
      %dma_wait3A_104 = arith.constant 0 : i32
      %dma_wait3A_105 = tpu.memref_slice %arg7[%add3A_103, %dma_wait3A_104] : memref<32x128xi32, #tpu.memory_space<vmem>> -> memref<1x128xi32, #tpu.memory_space<vmem>>
      %dma_wait3A_106 = tpu.memref_squeeze %dma_wait3A_105 : memref<1x128xi32, #tpu.memory_space<vmem>> -> memref<128xi32, #tpu.memory_space<vmem>>
      %dma_wait3A_107 = arith.constant 0 : i32
      %dma_wait3A_108 = arith.constant 0 : i32
      %dma_wait3A_109 = tpu.memref_slice %arg2[%dma_wait3A_107, %dma_wait3A_108] : memref<20480x128xf32, #tpu.memory_space<hbm>> -> memref<20480x128xf32, #tpu.memory_space<hbm>>
      tpu.wait_indirect_dma semaphore(%arg13 : memref<!tpu.dma_semaphore, #tpu.memory_space<semaphore_mem>>) src(%dma_wait3A_109 : memref<20480x128xf32, #tpu.memory_space<hbm>>) dst(%arg10 : memref<128x128xf32, #tpu.memory_space<vmem>>)
      %add3A_110 = arith.constant 1 : i32
      %add3A_111 = arith.addi %mul3A_86, %add3A_110 : i32
      "tpu.region"() ({
        %run_scoped3A = tpu.sem_alloc : memref<!tpu.dma_semaphore, #tpu.memory_space<semaphore_mem>>
        %dma_start3A_112 = arith.constant 0 : i32
        %dma_start3A_113 = tpu.memref_slice %arg8[%add3A_111, %dma_start3A_112] : memref<32x128xi32, #tpu.memory_space<vmem>> -> memref<1x128xi32, #tpu.memory_space<vmem>>
        %dma_start3A_114 = tpu.memref_squeeze %dma_start3A_113 : memref<1x128xi32, #tpu.memory_space<vmem>> -> memref<128xi32, #tpu.memory_space<vmem>>
        %dma_start3A_115 = arith.constant 0 : i32
        %dma_start3A_116 = arith.constant 0 : i32
        %dma_start3A_117 = tpu.memref_slice %arg11[%dma_start3A_115, %dma_start3A_116] : memref<10240x128xf32, #tpu.memory_space<vmem_shared>> -> memref<10240x128xf32, #tpu.memory_space<vmem_shared>>
        tpu.enqueue_indirect_dma source(%arg10 : memref<128x128xf32, #tpu.memory_space<vmem>>) target(%dma_start3A_117 : memref<10240x128xf32, #tpu.memory_space<vmem_shared>>) offsets(%dma_start3A_114 : memref<128xi32, #tpu.memory_space<vmem>>) semaphore(%run_scoped3A : memref<!tpu.dma_semaphore, #tpu.memory_space<semaphore_mem>>) {add = true}
        %dma_wait3A_118 = arith.constant 0 : i32
        %dma_wait3A_119 = tpu.memref_slice %arg8[%add3A_111, %dma_wait3A_118] : memref<32x128xi32, #tpu.memory_space<vmem>> -> memref<1x128xi32, #tpu.memory_space<vmem>>
        %dma_wait3A_120 = tpu.memref_squeeze %dma_wait3A_119 : memref<1x128xi32, #tpu.memory_space<vmem>> -> memref<128xi32, #tpu.memory_space<vmem>>
        %dma_wait3A_121 = arith.constant 0 : i32
        %dma_wait3A_122 = arith.constant 0 : i32
        %dma_wait3A_123 = tpu.memref_slice %arg11[%dma_wait3A_121, %dma_wait3A_122] : memref<10240x128xf32, #tpu.memory_space<vmem_shared>> -> memref<10240x128xf32, #tpu.memory_space<vmem_shared>>
        tpu.wait_indirect_dma semaphore(%run_scoped3A : memref<!tpu.dma_semaphore, #tpu.memory_space<semaphore_mem>>) src(%arg10 : memref<128x128xf32, #tpu.memory_space<vmem>>) dst(%dma_wait3A_123 : memref<10240x128xf32, #tpu.memory_space<vmem_shared>>)
        tpu.yield
      }) : () -> ()
    }
    %scan3A_72 = arith.constant 16 : i32
    %barrier3A_73 = arith.constant 0 : index
    tpu.barrier barrier_id(%barrier3A_73)
    %add3A_74 = arith.constant 0 : i32
    %add3A_75 = arith.addi %mul3A_0, %add3A_74 : i32
    "tpu.region"() ({
      %run_scoped3A = tpu.sem_alloc : memref<!tpu.dma_semaphore, #tpu.memory_space<semaphore_mem>>
      %dma_start3A_84 = arith.constant 0 : i32
      %dma_start3A_85 = tpu.memref_slice %arg11[%add3A_75, %dma_start3A_84] : memref<10240x128xf32, #tpu.memory_space<vmem_shared>> -> memref<128x128xf32, #tpu.memory_space<vmem_shared>>
      %dma_start3A_86 = arith.constant 0 : i32
      %dma_start3A_87 = tpu.memref_slice %arg11[%add3A_75, %dma_start3A_86] : memref<10240x128xf32, #tpu.memory_space<vmem_shared>> -> memref<128x128xf32, #tpu.memory_space<vmem_shared>>
      tpu.enqueue_dma source(%dma_start3A_87 : memref<128x128xf32, #tpu.memory_space<vmem_shared>>) target(%arg9 : memref<128x128xf32, #tpu.memory_space<vmem>>) target_semaphore(%run_scoped3A : memref<!tpu.dma_semaphore, #tpu.memory_space<semaphore_mem>>)
      %dma_wait3A = arith.constant 0 : i32
      %dma_wait3A_88 = tpu.memref_slice %arg11[%add3A_75, %dma_wait3A] : memref<10240x128xf32, #tpu.memory_space<vmem_shared>> -> memref<128x128xf32, #tpu.memory_space<vmem_shared>>
      %dma_wait3A_89 = arith.constant 0 : i32
      %dma_wait3A_90 = tpu.memref_slice %arg11[%add3A_75, %dma_wait3A_89] : memref<10240x128xf32, #tpu.memory_space<vmem_shared>> -> memref<128x128xf32, #tpu.memory_space<vmem_shared>>
      tpu.wait_dma2 semaphore(%run_scoped3A : memref<!tpu.dma_semaphore, #tpu.memory_space<semaphore_mem>>) src(%dma_wait3A_90 : memref<128x128xf32, #tpu.memory_space<vmem_shared>>) dst(%arg9 : memref<128x128xf32, #tpu.memory_space<vmem>>)
      tpu.yield
    }) : () -> ()
    "tpu.region"() ({
      %run_scoped3A = tpu.sem_alloc : memref<!tpu.dma_semaphore, #tpu.memory_space<semaphore_mem>>
      %dma_start3A_84 = arith.constant 0 : i32
      %dma_start3A_85 = tpu.memref_slice %arg6[%arg0, %add3A_75, %dma_start3A_84] : memref<2x10240x128xf32, #tpu.memory_space<hbm>> -> memref<1x128x128xf32, #tpu.memory_space<hbm>>
      %dma_start3A_86 = tpu.memref_squeeze %dma_start3A_85 : memref<1x128x128xf32, #tpu.memory_space<hbm>> -> memref<128x128xf32, #tpu.memory_space<hbm>>
      %dma_start3A_87 = arith.constant 0 : i32
      %dma_start3A_88 = tpu.memref_slice %arg6[%arg0, %add3A_75, %dma_start3A_87] : memref<2x10240x128xf32, #tpu.memory_space<hbm>> -> memref<1x128x128xf32, #tpu.memory_space<hbm>>
      %dma_start3A_89 = tpu.memref_squeeze %dma_start3A_88 : memref<1x128x128xf32, #tpu.memory_space<hbm>> -> memref<128x128xf32, #tpu.memory_space<hbm>>
      tpu.enqueue_dma source(%arg9 : memref<128x128xf32, #tpu.memory_space<vmem>>) target(%dma_start3A_89 : memref<128x128xf32, #tpu.memory_space<hbm>>) target_semaphore(%run_scoped3A : memref<!tpu.dma_semaphore, #tpu.memory_space<semaphore_mem>>)
      %dma_wait3A = arith.constant 0 : i32
      %dma_wait3A_90 = tpu.memref_slice %arg6[%arg0, %add3A_75, %dma_wait3A] : memref<2x10240x128xf32, #tpu.memory_space<hbm>> -> memref<1x128x128xf32, #tpu.memory_space<hbm>>
      %dma_wait3A_91 = tpu.memref_squeeze %dma_wait3A_90 : memref<1x128x128xf32, #tpu.memory_space<hbm>> -> memref<128x128xf32, #tpu.memory_space<hbm>>
      %dma_wait3A_92 = arith.constant 0 : i32
      %dma_wait3A_93 = tpu.memref_slice %arg6[%arg0, %add3A_75, %dma_wait3A_92] : memref<2x10240x128xf32, #tpu.memory_space<hbm>> -> memref<1x128x128xf32, #tpu.memory_space<hbm>>
      %dma_wait3A_94 = tpu.memref_squeeze %dma_wait3A_93 : memref<1x128x128xf32, #tpu.memory_space<hbm>> -> memref<128x128xf32, #tpu.memory_space<hbm>>
      tpu.wait_dma2 semaphore(%run_scoped3A : memref<!tpu.dma_semaphore, #tpu.memory_space<semaphore_mem>>) src(%arg9 : memref<128x128xf32, #tpu.memory_space<vmem>>) dst(%dma_wait3A_94 : memref<128x128xf32, #tpu.memory_space<hbm>>)
      tpu.yield
    }) : () -> ()
    %add3A_76 = arith.constant 128 : i32
    %add3A_77 = arith.addi %mul3A_0, %add3A_76 : i32
    "tpu.region"() ({
      %run_scoped3A = tpu.sem_alloc : memref<!tpu.dma_semaphore, #tpu.memory_space<semaphore_mem>>
      %dma_start3A_84 = arith.constant 0 : i32
      %dma_start3A_85 = tpu.memref_slice %arg11[%add3A_77, %dma_start3A_84] : memref<10240x128xf32, #tpu.memory_space<vmem_shared>> -> memref<128x128xf32, #tpu.memory_space<vmem_shared>>
      %dma_start3A_86 = arith.constant 0 : i32
      %dma_start3A_87 = tpu.memref_slice %arg11[%add3A_77, %dma_start3A_86] : memref<10240x128xf32, #tpu.memory_space<vmem_shared>> -> memref<128x128xf32, #tpu.memory_space<vmem_shared>>
      tpu.enqueue_dma source(%dma_start3A_87 : memref<128x128xf32, #tpu.memory_space<vmem_shared>>) target(%arg9 : memref<128x128xf32, #tpu.memory_space<vmem>>) target_semaphore(%run_scoped3A : memref<!tpu.dma_semaphore, #tpu.memory_space<semaphore_mem>>)
      %dma_wait3A = arith.constant 0 : i32
      %dma_wait3A_88 = tpu.memref_slice %arg11[%add3A_77, %dma_wait3A] : memref<10240x128xf32, #tpu.memory_space<vmem_shared>> -> memref<128x128xf32, #tpu.memory_space<vmem_shared>>
      %dma_wait3A_89 = arith.constant 0 : i32
      %dma_wait3A_90 = tpu.memref_slice %arg11[%add3A_77, %dma_wait3A_89] : memref<10240x128xf32, #tpu.memory_space<vmem_shared>> -> memref<128x128xf32, #tpu.memory_space<vmem_shared>>
      tpu.wait_dma2 semaphore(%run_scoped3A : memref<!tpu.dma_semaphore, #tpu.memory_space<semaphore_mem>>) src(%dma_wait3A_90 : memref<128x128xf32, #tpu.memory_space<vmem_shared>>) dst(%arg9 : memref<128x128xf32, #tpu.memory_space<vmem>>)
      tpu.yield
    }) : () -> ()
    "tpu.region"() ({
      %run_scoped3A = tpu.sem_alloc : memref<!tpu.dma_semaphore, #tpu.memory_space<semaphore_mem>>
      %dma_start3A_84 = arith.constant 0 : i32
      %dma_start3A_85 = tpu.memref_slice %arg6[%arg0, %add3A_77, %dma_start3A_84] : memref<2x10240x128xf32, #tpu.memory_space<hbm>> -> memref<1x128x128xf32, #tpu.memory_space<hbm>>
      %dma_start3A_86 = tpu.memref_squeeze %dma_start3A_85 : memref<1x128x128xf32, #tpu.memory_space<hbm>> -> memref<128x128xf32, #tpu.memory_space<hbm>>
      %dma_start3A_87 = arith.constant 0 : i32
      %dma_start3A_88 = tpu.memref_slice %arg6[%arg0, %add3A_77, %dma_start3A_87] : memref<2x10240x128xf32, #tpu.memory_space<hbm>> -> memref<1x128x128xf32, #tpu.memory_space<hbm>>
      %dma_start3A_89 = tpu.memref_squeeze %dma_start3A_88 : memref<1x128x128xf32, #tpu.memory_space<hbm>> -> memref<128x128xf32, #tpu.memory_space<hbm>>
      tpu.enqueue_dma source(%arg9 : memref<128x128xf32, #tpu.memory_space<vmem>>) target(%dma_start3A_89 : memref<128x128xf32, #tpu.memory_space<hbm>>) target_semaphore(%run_scoped3A : memref<!tpu.dma_semaphore, #tpu.memory_space<semaphore_mem>>)
      %dma_wait3A = arith.constant 0 : i32
      %dma_wait3A_90 = tpu.memref_slice %arg6[%arg0, %add3A_77, %dma_wait3A] : memref<2x10240x128xf32, #tpu.memory_space<hbm>> -> memref<1x128x128xf32, #tpu.memory_space<hbm>>
      %dma_wait3A_91 = tpu.memref_squeeze %dma_wait3A_90 : memref<1x128x128xf32, #tpu.memory_space<hbm>> -> memref<128x128xf32, #tpu.memory_space<hbm>>
      %dma_wait3A_92 = arith.constant 0 : i32
      %dma_wait3A_93 = tpu.memref_slice %arg6[%arg0, %add3A_77, %dma_wait3A_92] : memref<2x10240x128xf32, #tpu.memory_space<hbm>> -> memref<1x128x128xf32, #tpu.memory_space<hbm>>
      %dma_wait3A_94 = tpu.memref_squeeze %dma_wait3A_93 : memref<1x128x128xf32, #tpu.memory_space<hbm>> -> memref<128x128xf32, #tpu.memory_space<hbm>>
      tpu.wait_dma2 semaphore(%run_scoped3A : memref<!tpu.dma_semaphore, #tpu.memory_space<semaphore_mem>>) src(%arg9 : memref<128x128xf32, #tpu.memory_space<vmem>>) dst(%dma_wait3A_94 : memref<128x128xf32, #tpu.memory_space<hbm>>)
      tpu.yield
    }) : () -> ()
    %add3A_78 = arith.constant 256 : i32
    %add3A_79 = arith.addi %mul3A_0, %add3A_78 : i32
    "tpu.region"() ({
      %run_scoped3A = tpu.sem_alloc : memref<!tpu.dma_semaphore, #tpu.memory_space<semaphore_mem>>
      %dma_start3A_84 = arith.constant 0 : i32
      %dma_start3A_85 = tpu.memref_slice %arg11[%add3A_79, %dma_start3A_84] : memref<10240x128xf32, #tpu.memory_space<vmem_shared>> -> memref<128x128xf32, #tpu.memory_space<vmem_shared>>
      %dma_start3A_86 = arith.constant 0 : i32
      %dma_start3A_87 = tpu.memref_slice %arg11[%add3A_79, %dma_start3A_86] : memref<10240x128xf32, #tpu.memory_space<vmem_shared>> -> memref<128x128xf32, #tpu.memory_space<vmem_shared>>
      tpu.enqueue_dma source(%dma_start3A_87 : memref<128x128xf32, #tpu.memory_space<vmem_shared>>) target(%arg9 : memref<128x128xf32, #tpu.memory_space<vmem>>) target_semaphore(%run_scoped3A : memref<!tpu.dma_semaphore, #tpu.memory_space<semaphore_mem>>)
      %dma_wait3A = arith.constant 0 : i32
      %dma_wait3A_88 = tpu.memref_slice %arg11[%add3A_79, %dma_wait3A] : memref<10240x128xf32, #tpu.memory_space<vmem_shared>> -> memref<128x128xf32, #tpu.memory_space<vmem_shared>>
      %dma_wait3A_89 = arith.constant 0 : i32
      %dma_wait3A_90 = tpu.memref_slice %arg11[%add3A_79, %dma_wait3A_89] : memref<10240x128xf32, #tpu.memory_space<vmem_shared>> -> memref<128x128xf32, #tpu.memory_space<vmem_shared>>
      tpu.wait_dma2 semaphore(%run_scoped3A : memref<!tpu.dma_semaphore, #tpu.memory_space<semaphore_mem>>) src(%dma_wait3A_90 : memref<128x128xf32, #tpu.memory_space<vmem_shared>>) dst(%arg9 : memref<128x128xf32, #tpu.memory_space<vmem>>)
      tpu.yield
    }) : () -> ()
    "tpu.region"() ({
      %run_scoped3A = tpu.sem_alloc : memref<!tpu.dma_semaphore, #tpu.memory_space<semaphore_mem>>
      %dma_start3A_84 = arith.constant 0 : i32
      %dma_start3A_85 = tpu.memref_slice %arg6[%arg0, %add3A_79, %dma_start3A_84] : memref<2x10240x128xf32, #tpu.memory_space<hbm>> -> memref<1x128x128xf32, #tpu.memory_space<hbm>>
      %dma_start3A_86 = tpu.memref_squeeze %dma_start3A_85 : memref<1x128x128xf32, #tpu.memory_space<hbm>> -> memref<128x128xf32, #tpu.memory_space<hbm>>
      %dma_start3A_87 = arith.constant 0 : i32
      %dma_start3A_88 = tpu.memref_slice %arg6[%arg0, %add3A_79, %dma_start3A_87] : memref<2x10240x128xf32, #tpu.memory_space<hbm>> -> memref<1x128x128xf32, #tpu.memory_space<hbm>>
      %dma_start3A_89 = tpu.memref_squeeze %dma_start3A_88 : memref<1x128x128xf32, #tpu.memory_space<hbm>> -> memref<128x128xf32, #tpu.memory_space<hbm>>
      tpu.enqueue_dma source(%arg9 : memref<128x128xf32, #tpu.memory_space<vmem>>) target(%dma_start3A_89 : memref<128x128xf32, #tpu.memory_space<hbm>>) target_semaphore(%run_scoped3A : memref<!tpu.dma_semaphore, #tpu.memory_space<semaphore_mem>>)
      %dma_wait3A = arith.constant 0 : i32
      %dma_wait3A_90 = tpu.memref_slice %arg6[%arg0, %add3A_79, %dma_wait3A] : memref<2x10240x128xf32, #tpu.memory_space<hbm>> -> memref<1x128x128xf32, #tpu.memory_space<hbm>>
      %dma_wait3A_91 = tpu.memref_squeeze %dma_wait3A_90 : memref<1x128x128xf32, #tpu.memory_space<hbm>> -> memref<128x128xf32, #tpu.memory_space<hbm>>
      %dma_wait3A_92 = arith.constant 0 : i32
      %dma_wait3A_93 = tpu.memref_slice %arg6[%arg0, %add3A_79, %dma_wait3A_92] : memref<2x10240x128xf32, #tpu.memory_space<hbm>> -> memref<1x128x128xf32, #tpu.memory_space<hbm>>
      %dma_wait3A_94 = tpu.memref_squeeze %dma_wait3A_93 : memref<1x128x128xf32, #tpu.memory_space<hbm>> -> memref<128x128xf32, #tpu.memory_space<hbm>>
      tpu.wait_dma2 semaphore(%run_scoped3A : memref<!tpu.dma_semaphore, #tpu.memory_space<semaphore_mem>>) src(%arg9 : memref<128x128xf32, #tpu.memory_space<vmem>>) dst(%dma_wait3A_94 : memref<128x128xf32, #tpu.memory_space<hbm>>)
      tpu.yield
    }) : () -> ()
    %add3A_80 = arith.constant 384 : i32
    %add3A_81 = arith.addi %mul3A_0, %add3A_80 : i32
    "tpu.region"() ({
      %run_scoped3A = tpu.sem_alloc : memref<!tpu.dma_semaphore, #tpu.memory_space<semaphore_mem>>
      %dma_start3A_84 = arith.constant 0 : i32
      %dma_start3A_85 = tpu.memref_slice %arg11[%add3A_81, %dma_start3A_84] : memref<10240x128xf32, #tpu.memory_space<vmem_shared>> -> memref<128x128xf32, #tpu.memory_space<vmem_shared>>
      %dma_start3A_86 = arith.constant 0 : i32
      %dma_start3A_87 = tpu.memref_slice %arg11[%add3A_81, %dma_start3A_86] : memref<10240x128xf32, #tpu.memory_space<vmem_shared>> -> memref<128x128xf32, #tpu.memory_space<vmem_shared>>
      tpu.enqueue_dma source(%dma_start3A_87 : memref<128x128xf32, #tpu.memory_space<vmem_shared>>) target(%arg9 : memref<128x128xf32, #tpu.memory_space<vmem>>) target_semaphore(%run_scoped3A : memref<!tpu.dma_semaphore, #tpu.memory_space<semaphore_mem>>)
      %dma_wait3A = arith.constant 0 : i32
      %dma_wait3A_88 = tpu.memref_slice %arg11[%add3A_81, %dma_wait3A] : memref<10240x128xf32, #tpu.memory_space<vmem_shared>> -> memref<128x128xf32, #tpu.memory_space<vmem_shared>>
      %dma_wait3A_89 = arith.constant 0 : i32
      %dma_wait3A_90 = tpu.memref_slice %arg11[%add3A_81, %dma_wait3A_89] : memref<10240x128xf32, #tpu.memory_space<vmem_shared>> -> memref<128x128xf32, #tpu.memory_space<vmem_shared>>
      tpu.wait_dma2 semaphore(%run_scoped3A : memref<!tpu.dma_semaphore, #tpu.memory_space<semaphore_mem>>) src(%dma_wait3A_90 : memref<128x128xf32, #tpu.memory_space<vmem_shared>>) dst(%arg9 : memref<128x128xf32, #tpu.memory_space<vmem>>)
      tpu.yield
    }) : () -> ()
    "tpu.region"() ({
      %run_scoped3A = tpu.sem_alloc : memref<!tpu.dma_semaphore, #tpu.memory_space<semaphore_mem>>
      %dma_start3A_84 = arith.constant 0 : i32
      %dma_start3A_85 = tpu.memref_slice %arg6[%arg0, %add3A_81, %dma_start3A_84] : memref<2x10240x128xf32, #tpu.memory_space<hbm>> -> memref<1x128x128xf32, #tpu.memory_space<hbm>>
      %dma_start3A_86 = tpu.memref_squeeze %dma_start3A_85 : memref<1x128x128xf32, #tpu.memory_space<hbm>> -> memref<128x128xf32, #tpu.memory_space<hbm>>
      %dma_start3A_87 = arith.constant 0 : i32
      %dma_start3A_88 = tpu.memref_slice %arg6[%arg0, %add3A_81, %dma_start3A_87] : memref<2x10240x128xf32, #tpu.memory_space<hbm>> -> memref<1x128x128xf32, #tpu.memory_space<hbm>>
      %dma_start3A_89 = tpu.memref_squeeze %dma_start3A_88 : memref<1x128x128xf32, #tpu.memory_space<hbm>> -> memref<128x128xf32, #tpu.memory_space<hbm>>
      tpu.enqueue_dma source(%arg9 : memref<128x128xf32, #tpu.memory_space<vmem>>) target(%dma_start3A_89 : memref<128x128xf32, #tpu.memory_space<hbm>>) target_semaphore(%run_scoped3A : memref<!tpu.dma_semaphore, #tpu.memory_space<semaphore_mem>>)
      %dma_wait3A = arith.constant 0 : i32
      %dma_wait3A_90 = tpu.memref_slice %arg6[%arg0, %add3A_81, %dma_wait3A] : memref<2x10240x128xf32, #tpu.memory_space<hbm>> -> memref<1x128x128xf32, #tpu.memory_space<hbm>>
      %dma_wait3A_91 = tpu.memref_squeeze %dma_wait3A_90 : memref<1x128x128xf32, #tpu.memory_space<hbm>> -> memref<128x128xf32, #tpu.memory_space<hbm>>
      %dma_wait3A_92 = arith.constant 0 : i32
      %dma_wait3A_93 = tpu.memref_slice %arg6[%arg0, %add3A_81, %dma_wait3A_92] : memref<2x10240x128xf32, #tpu.memory_space<hbm>> -> memref<1x128x128xf32, #tpu.memory_space<hbm>>
      %dma_wait3A_94 = tpu.memref_squeeze %dma_wait3A_93 : memref<1x128x128xf32, #tpu.memory_space<hbm>> -> memref<128x128xf32, #tpu.memory_space<hbm>>
      tpu.wait_dma2 semaphore(%run_scoped3A : memref<!tpu.dma_semaphore, #tpu.memory_space<semaphore_mem>>) src(%arg9 : memref<128x128xf32, #tpu.memory_space<vmem>>) dst(%dma_wait3A_94 : memref<128x128xf32, #tpu.memory_space<hbm>>)
      tpu.yield
    }) : () -> ()
    %add3A_82 = arith.constant 512 : i32
    %add3A_83 = arith.addi %mul3A_0, %add3A_82 : i32
    "tpu.region"() ({
      %run_scoped3A = tpu.sem_alloc : memref<!tpu.dma_semaphore, #tpu.memory_space<semaphore_mem>>
      %dma_start3A_84 = arith.constant 0 : i32
      %dma_start3A_85 = tpu.memref_slice %arg11[%add3A_83, %dma_start3A_84] : memref<10240x128xf32, #tpu.memory_space<vmem_shared>> -> memref<128x128xf32, #tpu.memory_space<vmem_shared>>
      %dma_start3A_86 = arith.constant 0 : i32
      %dma_start3A_87 = tpu.memref_slice %arg11[%add3A_83, %dma_start3A_86] : memref<10240x128xf32, #tpu.memory_space<vmem_shared>> -> memref<128x128xf32, #tpu.memory_space<vmem_shared>>
      tpu.enqueue_dma source(%dma_start3A_87 : memref<128x128xf32, #tpu.memory_space<vmem_shared>>) target(%arg9 : memref<128x128xf32, #tpu.memory_space<vmem>>) target_semaphore(%run_scoped3A : memref<!tpu.dma_semaphore, #tpu.memory_space<semaphore_mem>>)
      %dma_wait3A = arith.constant 0 : i32
      %dma_wait3A_88 = tpu.memref_slice %arg11[%add3A_83, %dma_wait3A] : memref<10240x128xf32, #tpu.memory_space<vmem_shared>> -> memref<128x128xf32, #tpu.memory_space<vmem_shared>>
      %dma_wait3A_89 = arith.constant 0 : i32
      %dma_wait3A_90 = tpu.memref_slice %arg11[%add3A_83, %dma_wait3A_89] : memref<10240x128xf32, #tpu.memory_space<vmem_shared>> -> memref<128x128xf32, #tpu.memory_space<vmem_shared>>
      tpu.wait_dma2 semaphore(%run_scoped3A : memref<!tpu.dma_semaphore, #tpu.memory_space<semaphore_mem>>) src(%dma_wait3A_90 : memref<128x128xf32, #tpu.memory_space<vmem_shared>>) dst(%arg9 : memref<128x128xf32, #tpu.memory_space<vmem>>)
      tpu.yield
    }) : () -> ()
    "tpu.region"() ({
      %run_scoped3A = tpu.sem_alloc : memref<!tpu.dma_semaphore, #tpu.memory_space<semaphore_mem>>
      %dma_start3A_84 = arith.constant 0 : i32
      %dma_start3A_85 = tpu.memref_slice %arg6[%arg0, %add3A_83, %dma_start3A_84] : memref<2x10240x128xf32, #tpu.memory_space<hbm>> -> memref<1x128x128xf32, #tpu.memory_space<hbm>>
      %dma_start3A_86 = tpu.memref_squeeze %dma_start3A_85 : memref<1x128x128xf32, #tpu.memory_space<hbm>> -> memref<128x128xf32, #tpu.memory_space<hbm>>
      %dma_start3A_87 = arith.constant 0 : i32
      %dma_start3A_88 = tpu.memref_slice %arg6[%arg0, %add3A_83, %dma_start3A_87] : memref<2x10240x128xf32, #tpu.memory_space<hbm>> -> memref<1x128x128xf32, #tpu.memory_space<hbm>>
      %dma_start3A_89 = tpu.memref_squeeze %dma_start3A_88 : memref<1x128x128xf32, #tpu.memory_space<hbm>> -> memref<128x128xf32, #tpu.memory_space<hbm>>
      tpu.enqueue_dma source(%arg9 : memref<128x128xf32, #tpu.memory_space<vmem>>) target(%dma_start3A_89 : memref<128x128xf32, #tpu.memory_space<hbm>>) target_semaphore(%run_scoped3A : memref<!tpu.dma_semaphore, #tpu.memory_space<semaphore_mem>>)
      %dma_wait3A = arith.constant 0 : i32
      %dma_wait3A_90 = tpu.memref_slice %arg6[%arg0, %add3A_83, %dma_wait3A] : memref<2x10240x128xf32, #tpu.memory_space<hbm>> -> memref<1x128x128xf32, #tpu.memory_space<hbm>>
      %dma_wait3A_91 = tpu.memref_squeeze %dma_wait3A_90 : memref<1x128x128xf32, #tpu.memory_space<hbm>> -> memref<128x128xf32, #tpu.memory_space<hbm>>
      %dma_wait3A_92 = arith.constant 0 : i32
      %dma_wait3A_93 = tpu.memref_slice %arg6[%arg0, %add3A_83, %dma_wait3A_92] : memref<2x10240x128xf32, #tpu.memory_space<hbm>> -> memref<1x128x128xf32, #tpu.memory_space<hbm>>
      %dma_wait3A_94 = tpu.memref_squeeze %dma_wait3A_93 : memref<1x128x128xf32, #tpu.memory_space<hbm>> -> memref<128x128xf32, #tpu.memory_space<hbm>>
      tpu.wait_dma2 semaphore(%run_scoped3A : memref<!tpu.dma_semaphore, #tpu.memory_space<semaphore_mem>>) src(%arg9 : memref<128x128xf32, #tpu.memory_space<vmem>>) dst(%dma_wait3A_94 : memref<128x128xf32, #tpu.memory_space<hbm>>)
      tpu.yield
    }) : () -> ()
    return
  }
}

#map = affine_map<(d0, d1) -> (0, 0, 0, 0)>
#map1 = affine_map<(d0, d1) -> (0)>
#map2 = affine_map<(d0, d1) -> (0, 0)>
module attributes {stable_mosaic.version = 14 : i64} {
  func.func @_sc_degrees_body(%arg0: i32, %arg1: i32, %arg2: memref<2x16x160x128xi32, #tpu.memory_space<hbm>>, %arg3: memref<2x16x160x128xi32, #tpu.memory_space<hbm>>, %arg4: memref<2x16x5x128xi32, #tpu.memory_space<hbm>>, %arg5: memref<128xf32, #tpu.memory_space<hbm>>, %arg6: memref<640xf32, #tpu.memory_space<hbm>>, %arg7: memref<2x10240xf32, #tpu.memory_space<hbm>>, %arg8: memref<2x10240xf32, #tpu.memory_space<hbm>>, %arg9: memref<2x512xf32, #tpu.memory_space<hbm>>, %arg10: memref<160x128xi32, #tpu.memory_space<vmem>>, %arg11: memref<160x128xi32, #tpu.memory_space<vmem>>, %arg12: memref<5x128xi32, #tpu.memory_space<vmem>>, %arg13: memref<128xf32, #tpu.memory_space<vmem>>, %arg14: memref<640xf32, #tpu.memory_space<vmem>>, %arg15: memref<10240xf32, #tpu.memory_space<vmem_shared>>, %arg16: memref<10240xf32, #tpu.memory_space<vmem_shared>>, %arg17: memref<512xf32, #tpu.memory_space<vmem_shared>>) attributes {dimension_semantics = [#tpu.dimension_semantics<core_parallel>, #tpu.dimension_semantics<subcore_parallel>], iteration_bounds = array<i64: 2, 16>, scalar_prefetch = 0 : i64, scratch_operands = 8 : i64, tpu.core_type = #tpu.core_type<sc_vector_subcore>, window_params = [{transform_indices = #map}, {transform_indices = #map}, {transform_indices = #map}, {transform_indices = #map1}, {transform_indices = #map1}, {transform_indices = #map2}, {transform_indices = #map2}, {transform_indices = #map2}]} {
    "tpu.region"() ({
      %run_scoped3A = tpu.sem_alloc : memref<!tpu.dma_semaphore, #tpu.memory_space<semaphore_mem>>
      %dma_start3A = arith.constant 0 : i32
      %dma_start3A_17 = arith.constant 0 : i32
      %dma_start3A_18 = tpu.memref_slice %arg2[%arg0, %arg1, %dma_start3A, %dma_start3A_17] : memref<2x16x160x128xi32, #tpu.memory_space<hbm>> -> memref<1x1x160x128xi32, #tpu.memory_space<hbm>>
      %dma_start3A_19 = tpu.memref_squeeze %dma_start3A_18 : memref<1x1x160x128xi32, #tpu.memory_space<hbm>> -> memref<160x128xi32, #tpu.memory_space<hbm>>
      %dma_start3A_20 = arith.constant 0 : i32
      %dma_start3A_21 = arith.constant 0 : i32
      %dma_start3A_22 = tpu.memref_slice %arg2[%arg0, %arg1, %dma_start3A_20, %dma_start3A_21] : memref<2x16x160x128xi32, #tpu.memory_space<hbm>> -> memref<1x1x160x128xi32, #tpu.memory_space<hbm>>
      %dma_start3A_23 = tpu.memref_squeeze %dma_start3A_22 : memref<1x1x160x128xi32, #tpu.memory_space<hbm>> -> memref<160x128xi32, #tpu.memory_space<hbm>>
      tpu.enqueue_dma source(%dma_start3A_23 : memref<160x128xi32, #tpu.memory_space<hbm>>) target(%arg10 : memref<160x128xi32, #tpu.memory_space<vmem>>) target_semaphore(%run_scoped3A : memref<!tpu.dma_semaphore, #tpu.memory_space<semaphore_mem>>)
      %dma_wait3A = arith.constant 0 : i32
      %dma_wait3A_24 = arith.constant 0 : i32
      %dma_wait3A_25 = tpu.memref_slice %arg2[%arg0, %arg1, %dma_wait3A, %dma_wait3A_24] : memref<2x16x160x128xi32, #tpu.memory_space<hbm>> -> memref<1x1x160x128xi32, #tpu.memory_space<hbm>>
      %dma_wait3A_26 = tpu.memref_squeeze %dma_wait3A_25 : memref<1x1x160x128xi32, #tpu.memory_space<hbm>> -> memref<160x128xi32, #tpu.memory_space<hbm>>
      %dma_wait3A_27 = arith.constant 0 : i32
      %dma_wait3A_28 = arith.constant 0 : i32
      %dma_wait3A_29 = tpu.memref_slice %arg2[%arg0, %arg1, %dma_wait3A_27, %dma_wait3A_28] : memref<2x16x160x128xi32, #tpu.memory_space<hbm>> -> memref<1x1x160x128xi32, #tpu.memory_space<hbm>>
      %dma_wait3A_30 = tpu.memref_squeeze %dma_wait3A_29 : memref<1x1x160x128xi32, #tpu.memory_space<hbm>> -> memref<160x128xi32, #tpu.memory_space<hbm>>
      tpu.wait_dma2 semaphore(%run_scoped3A : memref<!tpu.dma_semaphore, #tpu.memory_space<semaphore_mem>>) src(%dma_wait3A_30 : memref<160x128xi32, #tpu.memory_space<hbm>>) dst(%arg10 : memref<160x128xi32, #tpu.memory_space<vmem>>)
      tpu.yield
    }) : () -> ()
    "tpu.region"() ({
      %run_scoped3A = tpu.sem_alloc : memref<!tpu.dma_semaphore, #tpu.memory_space<semaphore_mem>>
      %dma_start3A = arith.constant 0 : i32
      %dma_start3A_17 = arith.constant 0 : i32
      %dma_start3A_18 = tpu.memref_slice %arg3[%arg0, %arg1, %dma_start3A, %dma_start3A_17] : memref<2x16x160x128xi32, #tpu.memory_space<hbm>> -> memref<1x1x160x128xi32, #tpu.memory_space<hbm>>
      %dma_start3A_19 = tpu.memref_squeeze %dma_start3A_18 : memref<1x1x160x128xi32, #tpu.memory_space<hbm>> -> memref<160x128xi32, #tpu.memory_space<hbm>>
      %dma_start3A_20 = arith.constant 0 : i32
      %dma_start3A_21 = arith.constant 0 : i32
      %dma_start3A_22 = tpu.memref_slice %arg3[%arg0, %arg1, %dma_start3A_20, %dma_start3A_21] : memref<2x16x160x128xi32, #tpu.memory_space<hbm>> -> memref<1x1x160x128xi32, #tpu.memory_space<hbm>>
      %dma_start3A_23 = tpu.memref_squeeze %dma_start3A_22 : memref<1x1x160x128xi32, #tpu.memory_space<hbm>> -> memref<160x128xi32, #tpu.memory_space<hbm>>
      tpu.enqueue_dma source(%dma_start3A_23 : memref<160x128xi32, #tpu.memory_space<hbm>>) target(%arg11 : memref<160x128xi32, #tpu.memory_space<vmem>>) target_semaphore(%run_scoped3A : memref<!tpu.dma_semaphore, #tpu.memory_space<semaphore_mem>>)
      %dma_wait3A = arith.constant 0 : i32
      %dma_wait3A_24 = arith.constant 0 : i32
      %dma_wait3A_25 = tpu.memref_slice %arg3[%arg0, %arg1, %dma_wait3A, %dma_wait3A_24] : memref<2x16x160x128xi32, #tpu.memory_space<hbm>> -> memref<1x1x160x128xi32, #tpu.memory_space<hbm>>
      %dma_wait3A_26 = tpu.memref_squeeze %dma_wait3A_25 : memref<1x1x160x128xi32, #tpu.memory_space<hbm>> -> memref<160x128xi32, #tpu.memory_space<hbm>>
      %dma_wait3A_27 = arith.constant 0 : i32
      %dma_wait3A_28 = arith.constant 0 : i32
      %dma_wait3A_29 = tpu.memref_slice %arg3[%arg0, %arg1, %dma_wait3A_27, %dma_wait3A_28] : memref<2x16x160x128xi32, #tpu.memory_space<hbm>> -> memref<1x1x160x128xi32, #tpu.memory_space<hbm>>
      %dma_wait3A_30 = tpu.memref_squeeze %dma_wait3A_29 : memref<1x1x160x128xi32, #tpu.memory_space<hbm>> -> memref<160x128xi32, #tpu.memory_space<hbm>>
      tpu.wait_dma2 semaphore(%run_scoped3A : memref<!tpu.dma_semaphore, #tpu.memory_space<semaphore_mem>>) src(%dma_wait3A_30 : memref<160x128xi32, #tpu.memory_space<hbm>>) dst(%arg11 : memref<160x128xi32, #tpu.memory_space<vmem>>)
      tpu.yield
    }) : () -> ()
    "tpu.region"() ({
      %run_scoped3A = tpu.sem_alloc : memref<!tpu.dma_semaphore, #tpu.memory_space<semaphore_mem>>
      %dma_start3A = arith.constant 0 : i32
      %dma_start3A_17 = arith.constant 0 : i32
      %dma_start3A_18 = tpu.memref_slice %arg4[%arg0, %arg1, %dma_start3A, %dma_start3A_17] : memref<2x16x5x128xi32, #tpu.memory_space<hbm>> -> memref<1x1x5x128xi32, #tpu.memory_space<hbm>>
      %dma_start3A_19 = tpu.memref_squeeze %dma_start3A_18 : memref<1x1x5x128xi32, #tpu.memory_space<hbm>> -> memref<5x128xi32, #tpu.memory_space<hbm>>
      %dma_start3A_20 = arith.constant 0 : i32
      %dma_start3A_21 = arith.constant 0 : i32
      %dma_start3A_22 = tpu.memref_slice %arg4[%arg0, %arg1, %dma_start3A_20, %dma_start3A_21] : memref<2x16x5x128xi32, #tpu.memory_space<hbm>> -> memref<1x1x5x128xi32, #tpu.memory_space<hbm>>
      %dma_start3A_23 = tpu.memref_squeeze %dma_start3A_22 : memref<1x1x5x128xi32, #tpu.memory_space<hbm>> -> memref<5x128xi32, #tpu.memory_space<hbm>>
      tpu.enqueue_dma source(%dma_start3A_23 : memref<5x128xi32, #tpu.memory_space<hbm>>) target(%arg12 : memref<5x128xi32, #tpu.memory_space<vmem>>) target_semaphore(%run_scoped3A : memref<!tpu.dma_semaphore, #tpu.memory_space<semaphore_mem>>)
      %dma_wait3A = arith.constant 0 : i32
      %dma_wait3A_24 = arith.constant 0 : i32
      %dma_wait3A_25 = tpu.memref_slice %arg4[%arg0, %arg1, %dma_wait3A, %dma_wait3A_24] : memref<2x16x5x128xi32, #tpu.memory_space<hbm>> -> memref<1x1x5x128xi32, #tpu.memory_space<hbm>>
      %dma_wait3A_26 = tpu.memref_squeeze %dma_wait3A_25 : memref<1x1x5x128xi32, #tpu.memory_space<hbm>> -> memref<5x128xi32, #tpu.memory_space<hbm>>
      %dma_wait3A_27 = arith.constant 0 : i32
      %dma_wait3A_28 = arith.constant 0 : i32
      %dma_wait3A_29 = tpu.memref_slice %arg4[%arg0, %arg1, %dma_wait3A_27, %dma_wait3A_28] : memref<2x16x5x128xi32, #tpu.memory_space<hbm>> -> memref<1x1x5x128xi32, #tpu.memory_space<hbm>>
      %dma_wait3A_30 = tpu.memref_squeeze %dma_wait3A_29 : memref<1x1x5x128xi32, #tpu.memory_space<hbm>> -> memref<5x128xi32, #tpu.memory_space<hbm>>
      tpu.wait_dma2 semaphore(%run_scoped3A : memref<!tpu.dma_semaphore, #tpu.memory_space<semaphore_mem>>) src(%dma_wait3A_30 : memref<5x128xi32, #tpu.memory_space<hbm>>) dst(%arg12 : memref<5x128xi32, #tpu.memory_space<vmem>>)
      tpu.yield
    }) : () -> ()
    "tpu.region"() ({
      %run_scoped3A = tpu.sem_alloc : memref<!tpu.dma_semaphore, #tpu.memory_space<semaphore_mem>>
      tpu.enqueue_dma source(%arg5 : memref<128xf32, #tpu.memory_space<hbm>>) target(%arg13 : memref<128xf32, #tpu.memory_space<vmem>>) target_semaphore(%run_scoped3A : memref<!tpu.dma_semaphore, #tpu.memory_space<semaphore_mem>>)
      tpu.wait_dma2 semaphore(%run_scoped3A : memref<!tpu.dma_semaphore, #tpu.memory_space<semaphore_mem>>) src(%arg5 : memref<128xf32, #tpu.memory_space<hbm>>) dst(%arg13 : memref<128xf32, #tpu.memory_space<vmem>>)
      tpu.yield
    }) : () -> ()
    "tpu.region"() ({
      %run_scoped3A = tpu.sem_alloc : memref<!tpu.dma_semaphore, #tpu.memory_space<semaphore_mem>>
      tpu.enqueue_dma source(%arg6 : memref<640xf32, #tpu.memory_space<hbm>>) target(%arg14 : memref<640xf32, #tpu.memory_space<vmem>>) target_semaphore(%run_scoped3A : memref<!tpu.dma_semaphore, #tpu.memory_space<semaphore_mem>>)
      tpu.wait_dma2 semaphore(%run_scoped3A : memref<!tpu.dma_semaphore, #tpu.memory_space<semaphore_mem>>) src(%arg6 : memref<640xf32, #tpu.memory_space<hbm>>) dst(%arg14 : memref<640xf32, #tpu.memory_space<vmem>>)
      tpu.yield
    }) : () -> ()
    %mul3A = arith.constant 640 : i32
    %mul3A_0 = arith.muli %arg1, %mul3A : i32
    "tpu.region"() ({
      %run_scoped3A = tpu.sem_alloc : memref<!tpu.dma_semaphore, #tpu.memory_space<semaphore_mem>>
      %dma_start3A = tpu.memref_slice %arg15[%mul3A_0] : memref<10240xf32, #tpu.memory_space<vmem_shared>> -> memref<640xf32, #tpu.memory_space<vmem_shared>>
      %dma_start3A_17 = tpu.memref_slice %arg15[%mul3A_0] : memref<10240xf32, #tpu.memory_space<vmem_shared>> -> memref<640xf32, #tpu.memory_space<vmem_shared>>
      tpu.enqueue_dma source(%arg14 : memref<640xf32, #tpu.memory_space<vmem>>) target(%dma_start3A_17 : memref<640xf32, #tpu.memory_space<vmem_shared>>) target_semaphore(%run_scoped3A : memref<!tpu.dma_semaphore, #tpu.memory_space<semaphore_mem>>)
      %dma_wait3A = tpu.memref_slice %arg15[%mul3A_0] : memref<10240xf32, #tpu.memory_space<vmem_shared>> -> memref<640xf32, #tpu.memory_space<vmem_shared>>
      %dma_wait3A_18 = tpu.memref_slice %arg15[%mul3A_0] : memref<10240xf32, #tpu.memory_space<vmem_shared>> -> memref<640xf32, #tpu.memory_space<vmem_shared>>
      tpu.wait_dma2 semaphore(%run_scoped3A : memref<!tpu.dma_semaphore, #tpu.memory_space<semaphore_mem>>) src(%arg14 : memref<640xf32, #tpu.memory_space<vmem>>) dst(%dma_wait3A_18 : memref<640xf32, #tpu.memory_space<vmem_shared>>)
      tpu.yield
    }) : () -> ()
    "tpu.region"() ({
      %run_scoped3A = tpu.sem_alloc : memref<!tpu.dma_semaphore, #tpu.memory_space<semaphore_mem>>
      %dma_start3A = tpu.memref_slice %arg16[%mul3A_0] : memref<10240xf32, #tpu.memory_space<vmem_shared>> -> memref<640xf32, #tpu.memory_space<vmem_shared>>
      %dma_start3A_17 = tpu.memref_slice %arg16[%mul3A_0] : memref<10240xf32, #tpu.memory_space<vmem_shared>> -> memref<640xf32, #tpu.memory_space<vmem_shared>>
      tpu.enqueue_dma source(%arg14 : memref<640xf32, #tpu.memory_space<vmem>>) target(%dma_start3A_17 : memref<640xf32, #tpu.memory_space<vmem_shared>>) target_semaphore(%run_scoped3A : memref<!tpu.dma_semaphore, #tpu.memory_space<semaphore_mem>>)
      %dma_wait3A = tpu.memref_slice %arg16[%mul3A_0] : memref<10240xf32, #tpu.memory_space<vmem_shared>> -> memref<640xf32, #tpu.memory_space<vmem_shared>>
      %dma_wait3A_18 = tpu.memref_slice %arg16[%mul3A_0] : memref<10240xf32, #tpu.memory_space<vmem_shared>> -> memref<640xf32, #tpu.memory_space<vmem_shared>>
      tpu.wait_dma2 semaphore(%run_scoped3A : memref<!tpu.dma_semaphore, #tpu.memory_space<semaphore_mem>>) src(%arg14 : memref<640xf32, #tpu.memory_space<vmem>>) dst(%dma_wait3A_18 : memref<640xf32, #tpu.memory_space<vmem_shared>>)
      tpu.yield
    }) : () -> ()
    %mul3A_1 = arith.constant 32 : i32
    %mul3A_2 = arith.muli %arg1, %mul3A_1 : i32
    "tpu.region"() ({
      %run_scoped3A = tpu.sem_alloc : memref<!tpu.dma_semaphore, #tpu.memory_space<semaphore_mem>>
      %dma_start3A = arith.constant 0 : i32
      %dma_start3A_17 = tpu.memref_slice %arg14[%dma_start3A] : memref<640xf32, #tpu.memory_space<vmem>> -> memref<32xf32, #tpu.memory_space<vmem>>
      %dma_start3A_18 = tpu.memref_slice %arg17[%mul3A_2] : memref<512xf32, #tpu.memory_space<vmem_shared>> -> memref<32xf32, #tpu.memory_space<vmem_shared>>
      %dma_start3A_19 = tpu.memref_slice %arg17[%mul3A_2] : memref<512xf32, #tpu.memory_space<vmem_shared>> -> memref<32xf32, #tpu.memory_space<vmem_shared>>
      %dma_start3A_20 = arith.constant 0 : i32
      %dma_start3A_21 = tpu.memref_slice %arg14[%dma_start3A_20] : memref<640xf32, #tpu.memory_space<vmem>> -> memref<32xf32, #tpu.memory_space<vmem>>
      tpu.enqueue_dma source(%dma_start3A_21 : memref<32xf32, #tpu.memory_space<vmem>>) target(%dma_start3A_19 : memref<32xf32, #tpu.memory_space<vmem_shared>>) target_semaphore(%run_scoped3A : memref<!tpu.dma_semaphore, #tpu.memory_space<semaphore_mem>>)
      %dma_wait3A = arith.constant 0 : i32
      %dma_wait3A_22 = tpu.memref_slice %arg14[%dma_wait3A] : memref<640xf32, #tpu.memory_space<vmem>> -> memref<32xf32, #tpu.memory_space<vmem>>
      %dma_wait3A_23 = tpu.memref_slice %arg17[%mul3A_2] : memref<512xf32, #tpu.memory_space<vmem_shared>> -> memref<32xf32, #tpu.memory_space<vmem_shared>>
      %dma_wait3A_24 = tpu.memref_slice %arg17[%mul3A_2] : memref<512xf32, #tpu.memory_space<vmem_shared>> -> memref<32xf32, #tpu.memory_space<vmem_shared>>
      %dma_wait3A_25 = arith.constant 0 : i32
      %dma_wait3A_26 = tpu.memref_slice %arg14[%dma_wait3A_25] : memref<640xf32, #tpu.memory_space<vmem>> -> memref<32xf32, #tpu.memory_space<vmem>>
      tpu.wait_dma2 semaphore(%run_scoped3A : memref<!tpu.dma_semaphore, #tpu.memory_space<semaphore_mem>>) src(%dma_wait3A_26 : memref<32xf32, #tpu.memory_space<vmem>>) dst(%dma_wait3A_24 : memref<32xf32, #tpu.memory_space<vmem_shared>>)
      tpu.yield
    }) : () -> ()
    %barrier3A = arith.constant 0 : index
    tpu.barrier barrier_id(%barrier3A)
    %scan3A = arith.constant 0 : i32
    %scan3A_3 = arith.constant 0 : i32
    %scan3A_4 = arith.constant 160 : i32
    %scan3A_5 = arith.addi %scan3A_3, %scan3A_4 : i32
    %scan3A_6 = arith.constant 1 : i32
    scf.for %scan3A_17 = %scan3A_3 to %scan3A_5 step %scan3A_6  : i32 {
      "tpu.region"() ({
        %run_scoped3A = tpu.sem_alloc : memref<!tpu.dma_semaphore, #tpu.memory_space<semaphore_mem>>
        %dma_start3A = arith.constant 0 : i32
        %dma_start3A_18 = tpu.memref_slice %arg10[%scan3A_17, %dma_start3A] : memref<160x128xi32, #tpu.memory_space<vmem>> -> memref<1x128xi32, #tpu.memory_space<vmem>>
        %dma_start3A_19 = tpu.memref_squeeze %dma_start3A_18 : memref<1x128xi32, #tpu.memory_space<vmem>> -> memref<128xi32, #tpu.memory_space<vmem>>
        %dma_start3A_20 = arith.constant 0 : i32
        %dma_start3A_21 = tpu.memref_slice %arg15[%dma_start3A_20] : memref<10240xf32, #tpu.memory_space<vmem_shared>> -> memref<10240xf32, #tpu.memory_space<vmem_shared>>
        tpu.enqueue_indirect_dma source(%arg13 : memref<128xf32, #tpu.memory_space<vmem>>) target(%dma_start3A_21 : memref<10240xf32, #tpu.memory_space<vmem_shared>>) offsets(%dma_start3A_19 : memref<128xi32, #tpu.memory_space<vmem>>) semaphore(%run_scoped3A : memref<!tpu.dma_semaphore, #tpu.memory_space<semaphore_mem>>) {add = true}
        %dma_wait3A = arith.constant 0 : i32
        %dma_wait3A_22 = tpu.memref_slice %arg10[%scan3A_17, %dma_wait3A] : memref<160x128xi32, #tpu.memory_space<vmem>> -> memref<1x128xi32, #tpu.memory_space<vmem>>
        %dma_wait3A_23 = tpu.memref_squeeze %dma_wait3A_22 : memref<1x128xi32, #tpu.memory_space<vmem>> -> memref<128xi32, #tpu.memory_space<vmem>>
        %dma_wait3A_24 = arith.constant 0 : i32
        %dma_wait3A_25 = tpu.memref_slice %arg15[%dma_wait3A_24] : memref<10240xf32, #tpu.memory_space<vmem_shared>> -> memref<10240xf32, #tpu.memory_space<vmem_shared>>
        tpu.wait_indirect_dma semaphore(%run_scoped3A : memref<!tpu.dma_semaphore, #tpu.memory_space<semaphore_mem>>) src(%arg13 : memref<128xf32, #tpu.memory_space<vmem>>) dst(%dma_wait3A_25 : memref<10240xf32, #tpu.memory_space<vmem_shared>>)
        tpu.yield
      }) : () -> ()
      "tpu.region"() ({
        %run_scoped3A = tpu.sem_alloc : memref<!tpu.dma_semaphore, #tpu.memory_space<semaphore_mem>>
        %dma_start3A = arith.constant 0 : i32
        %dma_start3A_18 = tpu.memref_slice %arg11[%scan3A_17, %dma_start3A] : memref<160x128xi32, #tpu.memory_space<vmem>> -> memref<1x128xi32, #tpu.memory_space<vmem>>
        %dma_start3A_19 = tpu.memref_squeeze %dma_start3A_18 : memref<1x128xi32, #tpu.memory_space<vmem>> -> memref<128xi32, #tpu.memory_space<vmem>>
        %dma_start3A_20 = arith.constant 0 : i32
        %dma_start3A_21 = tpu.memref_slice %arg16[%dma_start3A_20] : memref<10240xf32, #tpu.memory_space<vmem_shared>> -> memref<10240xf32, #tpu.memory_space<vmem_shared>>
        tpu.enqueue_indirect_dma source(%arg13 : memref<128xf32, #tpu.memory_space<vmem>>) target(%dma_start3A_21 : memref<10240xf32, #tpu.memory_space<vmem_shared>>) offsets(%dma_start3A_19 : memref<128xi32, #tpu.memory_space<vmem>>) semaphore(%run_scoped3A : memref<!tpu.dma_semaphore, #tpu.memory_space<semaphore_mem>>) {add = true}
        %dma_wait3A = arith.constant 0 : i32
        %dma_wait3A_22 = tpu.memref_slice %arg11[%scan3A_17, %dma_wait3A] : memref<160x128xi32, #tpu.memory_space<vmem>> -> memref<1x128xi32, #tpu.memory_space<vmem>>
        %dma_wait3A_23 = tpu.memref_squeeze %dma_wait3A_22 : memref<1x128xi32, #tpu.memory_space<vmem>> -> memref<128xi32, #tpu.memory_space<vmem>>
        %dma_wait3A_24 = arith.constant 0 : i32
        %dma_wait3A_25 = tpu.memref_slice %arg16[%dma_wait3A_24] : memref<10240xf32, #tpu.memory_space<vmem_shared>> -> memref<10240xf32, #tpu.memory_space<vmem_shared>>
        tpu.wait_indirect_dma semaphore(%run_scoped3A : memref<!tpu.dma_semaphore, #tpu.memory_space<semaphore_mem>>) src(%arg13 : memref<128xf32, #tpu.memory_space<vmem>>) dst(%dma_wait3A_25 : memref<10240xf32, #tpu.memory_space<vmem_shared>>)
        tpu.yield
      }) : () -> ()
    }
    %scan3A_7 = arith.constant 160 : i32
    %scan3A_8 = arith.constant 0 : i32
    %scan3A_9 = arith.constant 0 : i32
    %scan3A_10 = arith.constant 5 : i32
    %scan3A_11 = arith.addi %scan3A_9, %scan3A_10 : i32
    %scan3A_12 = arith.constant 1 : i32
    scf.for %scan3A_17 = %scan3A_9 to %scan3A_11 step %scan3A_12  : i32 {
      "tpu.region"() ({
        %run_scoped3A = tpu.sem_alloc : memref<!tpu.dma_semaphore, #tpu.memory_space<semaphore_mem>>
        %dma_start3A = arith.constant 0 : i32
        %dma_start3A_18 = tpu.memref_slice %arg12[%scan3A_17, %dma_start3A] : memref<5x128xi32, #tpu.memory_space<vmem>> -> memref<1x128xi32, #tpu.memory_space<vmem>>
        %dma_start3A_19 = tpu.memref_squeeze %dma_start3A_18 : memref<1x128xi32, #tpu.memory_space<vmem>> -> memref<128xi32, #tpu.memory_space<vmem>>
        %dma_start3A_20 = arith.constant 0 : i32
        %dma_start3A_21 = tpu.memref_slice %arg17[%dma_start3A_20] : memref<512xf32, #tpu.memory_space<vmem_shared>> -> memref<512xf32, #tpu.memory_space<vmem_shared>>
        tpu.enqueue_indirect_dma source(%arg13 : memref<128xf32, #tpu.memory_space<vmem>>) target(%dma_start3A_21 : memref<512xf32, #tpu.memory_space<vmem_shared>>) offsets(%dma_start3A_19 : memref<128xi32, #tpu.memory_space<vmem>>) semaphore(%run_scoped3A : memref<!tpu.dma_semaphore, #tpu.memory_space<semaphore_mem>>) {add = true}
        %dma_wait3A = arith.constant 0 : i32
        %dma_wait3A_22 = tpu.memref_slice %arg12[%scan3A_17, %dma_wait3A] : memref<5x128xi32, #tpu.memory_space<vmem>> -> memref<1x128xi32, #tpu.memory_space<vmem>>
        %dma_wait3A_23 = tpu.memref_squeeze %dma_wait3A_22 : memref<1x128xi32, #tpu.memory_space<vmem>> -> memref<128xi32, #tpu.memory_space<vmem>>
        %dma_wait3A_24 = arith.constant 0 : i32
        %dma_wait3A_25 = tpu.memref_slice %arg17[%dma_wait3A_24] : memref<512xf32, #tpu.memory_space<vmem_shared>> -> memref<512xf32, #tpu.memory_space<vmem_shared>>
        tpu.wait_indirect_dma semaphore(%run_scoped3A : memref<!tpu.dma_semaphore, #tpu.memory_space<semaphore_mem>>) src(%arg13 : memref<128xf32, #tpu.memory_space<vmem>>) dst(%dma_wait3A_25 : memref<512xf32, #tpu.memory_space<vmem_shared>>)
        tpu.yield
      }) : () -> ()
    }
    %scan3A_13 = arith.constant 5 : i32
    %barrier3A_14 = arith.constant 0 : index
    tpu.barrier barrier_id(%barrier3A_14)
    "tpu.region"() ({
      %run_scoped3A = tpu.sem_alloc : memref<!tpu.dma_semaphore, #tpu.memory_space<semaphore_mem>>
      %dma_start3A = tpu.memref_slice %arg15[%mul3A_0] : memref<10240xf32, #tpu.memory_space<vmem_shared>> -> memref<640xf32, #tpu.memory_space<vmem_shared>>
      %dma_start3A_17 = tpu.memref_slice %arg15[%mul3A_0] : memref<10240xf32, #tpu.memory_space<vmem_shared>> -> memref<640xf32, #tpu.memory_space<vmem_shared>>
      tpu.enqueue_dma source(%dma_start3A_17 : memref<640xf32, #tpu.memory_space<vmem_shared>>) target(%arg14 : memref<640xf32, #tpu.memory_space<vmem>>) target_semaphore(%run_scoped3A : memref<!tpu.dma_semaphore, #tpu.memory_space<semaphore_mem>>)
      %dma_wait3A = tpu.memref_slice %arg15[%mul3A_0] : memref<10240xf32, #tpu.memory_space<vmem_shared>> -> memref<640xf32, #tpu.memory_space<vmem_shared>>
      %dma_wait3A_18 = tpu.memref_slice %arg15[%mul3A_0] : memref<10240xf32, #tpu.memory_space<vmem_shared>> -> memref<640xf32, #tpu.memory_space<vmem_shared>>
      tpu.wait_dma2 semaphore(%run_scoped3A : memref<!tpu.dma_semaphore, #tpu.memory_space<semaphore_mem>>) src(%dma_wait3A_18 : memref<640xf32, #tpu.memory_space<vmem_shared>>) dst(%arg14 : memref<640xf32, #tpu.memory_space<vmem>>)
      tpu.yield
    }) : () -> ()
    "tpu.region"() ({
      %run_scoped3A = tpu.sem_alloc : memref<!tpu.dma_semaphore, #tpu.memory_space<semaphore_mem>>
      %dma_start3A = tpu.memref_slice %arg7[%arg0, %mul3A_0] : memref<2x10240xf32, #tpu.memory_space<hbm>> -> memref<1x640xf32, #tpu.memory_space<hbm>>
      %dma_start3A_17 = tpu.memref_squeeze %dma_start3A : memref<1x640xf32, #tpu.memory_space<hbm>> -> memref<640xf32, #tpu.memory_space<hbm>>
      %dma_start3A_18 = tpu.memref_slice %arg7[%arg0, %mul3A_0] : memref<2x10240xf32, #tpu.memory_space<hbm>> -> memref<1x640xf32, #tpu.memory_space<hbm>>
      %dma_start3A_19 = tpu.memref_squeeze %dma_start3A_18 : memref<1x640xf32, #tpu.memory_space<hbm>> -> memref<640xf32, #tpu.memory_space<hbm>>
      tpu.enqueue_dma source(%arg14 : memref<640xf32, #tpu.memory_space<vmem>>) target(%dma_start3A_19 : memref<640xf32, #tpu.memory_space<hbm>>) target_semaphore(%run_scoped3A : memref<!tpu.dma_semaphore, #tpu.memory_space<semaphore_mem>>)
      %dma_wait3A = tpu.memref_slice %arg7[%arg0, %mul3A_0] : memref<2x10240xf32, #tpu.memory_space<hbm>> -> memref<1x640xf32, #tpu.memory_space<hbm>>
      %dma_wait3A_20 = tpu.memref_squeeze %dma_wait3A : memref<1x640xf32, #tpu.memory_space<hbm>> -> memref<640xf32, #tpu.memory_space<hbm>>
      %dma_wait3A_21 = tpu.memref_slice %arg7[%arg0, %mul3A_0] : memref<2x10240xf32, #tpu.memory_space<hbm>> -> memref<1x640xf32, #tpu.memory_space<hbm>>
      %dma_wait3A_22 = tpu.memref_squeeze %dma_wait3A_21 : memref<1x640xf32, #tpu.memory_space<hbm>> -> memref<640xf32, #tpu.memory_space<hbm>>
      tpu.wait_dma2 semaphore(%run_scoped3A : memref<!tpu.dma_semaphore, #tpu.memory_space<semaphore_mem>>) src(%arg14 : memref<640xf32, #tpu.memory_space<vmem>>) dst(%dma_wait3A_22 : memref<640xf32, #tpu.memory_space<hbm>>)
      tpu.yield
    }) : () -> ()
    "tpu.region"() ({
      %run_scoped3A = tpu.sem_alloc : memref<!tpu.dma_semaphore, #tpu.memory_space<semaphore_mem>>
      %dma_start3A = tpu.memref_slice %arg16[%mul3A_0] : memref<10240xf32, #tpu.memory_space<vmem_shared>> -> memref<640xf32, #tpu.memory_space<vmem_shared>>
      %dma_start3A_17 = tpu.memref_slice %arg16[%mul3A_0] : memref<10240xf32, #tpu.memory_space<vmem_shared>> -> memref<640xf32, #tpu.memory_space<vmem_shared>>
      tpu.enqueue_dma source(%dma_start3A_17 : memref<640xf32, #tpu.memory_space<vmem_shared>>) target(%arg14 : memref<640xf32, #tpu.memory_space<vmem>>) target_semaphore(%run_scoped3A : memref<!tpu.dma_semaphore, #tpu.memory_space<semaphore_mem>>)
      %dma_wait3A = tpu.memref_slice %arg16[%mul3A_0] : memref<10240xf32, #tpu.memory_space<vmem_shared>> -> memref<640xf32, #tpu.memory_space<vmem_shared>>
      %dma_wait3A_18 = tpu.memref_slice %arg16[%mul3A_0] : memref<10240xf32, #tpu.memory_space<vmem_shared>> -> memref<640xf32, #tpu.memory_space<vmem_shared>>
      tpu.wait_dma2 semaphore(%run_scoped3A : memref<!tpu.dma_semaphore, #tpu.memory_space<semaphore_mem>>) src(%dma_wait3A_18 : memref<640xf32, #tpu.memory_space<vmem_shared>>) dst(%arg14 : memref<640xf32, #tpu.memory_space<vmem>>)
      tpu.yield
    }) : () -> ()
    "tpu.region"() ({
      %run_scoped3A = tpu.sem_alloc : memref<!tpu.dma_semaphore, #tpu.memory_space<semaphore_mem>>
      %dma_start3A = tpu.memref_slice %arg8[%arg0, %mul3A_0] : memref<2x10240xf32, #tpu.memory_space<hbm>> -> memref<1x640xf32, #tpu.memory_space<hbm>>
      %dma_start3A_17 = tpu.memref_squeeze %dma_start3A : memref<1x640xf32, #tpu.memory_space<hbm>> -> memref<640xf32, #tpu.memory_space<hbm>>
      %dma_start3A_18 = tpu.memref_slice %arg8[%arg0, %mul3A_0] : memref<2x10240xf32, #tpu.memory_space<hbm>> -> memref<1x640xf32, #tpu.memory_space<hbm>>
      %dma_start3A_19 = tpu.memref_squeeze %dma_start3A_18 : memref<1x640xf32, #tpu.memory_space<hbm>> -> memref<640xf32, #tpu.memory_space<hbm>>
      tpu.enqueue_dma source(%arg14 : memref<640xf32, #tpu.memory_space<vmem>>) target(%dma_start3A_19 : memref<640xf32, #tpu.memory_space<hbm>>) target_semaphore(%run_scoped3A : memref<!tpu.dma_semaphore, #tpu.memory_space<semaphore_mem>>)
      %dma_wait3A = tpu.memref_slice %arg8[%arg0, %mul3A_0] : memref<2x10240xf32, #tpu.memory_space<hbm>> -> memref<1x640xf32, #tpu.memory_space<hbm>>
      %dma_wait3A_20 = tpu.memref_squeeze %dma_wait3A : memref<1x640xf32, #tpu.memory_space<hbm>> -> memref<640xf32, #tpu.memory_space<hbm>>
      %dma_wait3A_21 = tpu.memref_slice %arg8[%arg0, %mul3A_0] : memref<2x10240xf32, #tpu.memory_space<hbm>> -> memref<1x640xf32, #tpu.memory_space<hbm>>
      %dma_wait3A_22 = tpu.memref_squeeze %dma_wait3A_21 : memref<1x640xf32, #tpu.memory_space<hbm>> -> memref<640xf32, #tpu.memory_space<hbm>>
      tpu.wait_dma2 semaphore(%run_scoped3A : memref<!tpu.dma_semaphore, #tpu.memory_space<semaphore_mem>>) src(%arg14 : memref<640xf32, #tpu.memory_space<vmem>>) dst(%dma_wait3A_22 : memref<640xf32, #tpu.memory_space<hbm>>)
      tpu.yield
    }) : () -> ()
    %lt3A = arith.constant 4 : i32
    %lt3A_15 = arith.cmpi slt, %arg1, %lt3A : i32
    %convert_element_type3A = arith.extui %lt3A_15 : i1 to i32
    %cond3A = arith.constant 0 : i32
    %cond3A_16 = arith.cmpi ne, %convert_element_type3A, %cond3A : i32
    scf.if %cond3A_16 {
      %mul3A_17 = arith.constant 128 : i32
      %mul3A_18 = arith.muli %arg1, %mul3A_17 : i32
      "tpu.region"() ({
        %run_scoped3A = tpu.sem_alloc : memref<!tpu.dma_semaphore, #tpu.memory_space<semaphore_mem>>
        %dma_start3A = arith.constant 0 : i32
        %dma_start3A_19 = tpu.memref_slice %arg14[%dma_start3A] : memref<640xf32, #tpu.memory_space<vmem>> -> memref<128xf32, #tpu.memory_space<vmem>>
        %dma_start3A_20 = tpu.memref_slice %arg17[%mul3A_18] : memref<512xf32, #tpu.memory_space<vmem_shared>> -> memref<128xf32, #tpu.memory_space<vmem_shared>>
        %dma_start3A_21 = arith.constant 0 : i32
        %dma_start3A_22 = tpu.memref_slice %arg14[%dma_start3A_21] : memref<640xf32, #tpu.memory_space<vmem>> -> memref<128xf32, #tpu.memory_space<vmem>>
        %dma_start3A_23 = tpu.memref_slice %arg17[%mul3A_18] : memref<512xf32, #tpu.memory_space<vmem_shared>> -> memref<128xf32, #tpu.memory_space<vmem_shared>>
        tpu.enqueue_dma source(%dma_start3A_23 : memref<128xf32, #tpu.memory_space<vmem_shared>>) target(%dma_start3A_22 : memref<128xf32, #tpu.memory_space<vmem>>) target_semaphore(%run_scoped3A : memref<!tpu.dma_semaphore, #tpu.memory_space<semaphore_mem>>)
        %dma_wait3A = arith.constant 0 : i32
        %dma_wait3A_24 = tpu.memref_slice %arg14[%dma_wait3A] : memref<640xf32, #tpu.memory_space<vmem>> -> memref<128xf32, #tpu.memory_space<vmem>>
        %dma_wait3A_25 = tpu.memref_slice %arg17[%mul3A_18] : memref<512xf32, #tpu.memory_space<vmem_shared>> -> memref<128xf32, #tpu.memory_space<vmem_shared>>
        %dma_wait3A_26 = arith.constant 0 : i32
        %dma_wait3A_27 = tpu.memref_slice %arg14[%dma_wait3A_26] : memref<640xf32, #tpu.memory_space<vmem>> -> memref<128xf32, #tpu.memory_space<vmem>>
        %dma_wait3A_28 = tpu.memref_slice %arg17[%mul3A_18] : memref<512xf32, #tpu.memory_space<vmem_shared>> -> memref<128xf32, #tpu.memory_space<vmem_shared>>
        tpu.wait_dma2 semaphore(%run_scoped3A : memref<!tpu.dma_semaphore, #tpu.memory_space<semaphore_mem>>) src(%dma_wait3A_28 : memref<128xf32, #tpu.memory_space<vmem_shared>>) dst(%dma_wait3A_27 : memref<128xf32, #tpu.memory_space<vmem>>)
        tpu.yield
      }) : () -> ()
      "tpu.region"() ({
        %run_scoped3A = tpu.sem_alloc : memref<!tpu.dma_semaphore, #tpu.memory_space<semaphore_mem>>
        %dma_start3A = arith.constant 0 : i32
        %dma_start3A_19 = tpu.memref_slice %arg14[%dma_start3A] : memref<640xf32, #tpu.memory_space<vmem>> -> memref<128xf32, #tpu.memory_space<vmem>>
        %dma_start3A_20 = tpu.memref_slice %arg9[%arg0, %mul3A_18] : memref<2x512xf32, #tpu.memory_space<hbm>> -> memref<1x128xf32, #tpu.memory_space<hbm>>
        %dma_start3A_21 = tpu.memref_squeeze %dma_start3A_20 : memref<1x128xf32, #tpu.memory_space<hbm>> -> memref<128xf32, #tpu.memory_space<hbm>>
        %dma_start3A_22 = tpu.memref_slice %arg9[%arg0, %mul3A_18] : memref<2x512xf32, #tpu.memory_space<hbm>> -> memref<1x128xf32, #tpu.memory_space<hbm>>
        %dma_start3A_23 = tpu.memref_squeeze %dma_start3A_22 : memref<1x128xf32, #tpu.memory_space<hbm>> -> memref<128xf32, #tpu.memory_space<hbm>>
        %dma_start3A_24 = arith.constant 0 : i32
        %dma_start3A_25 = tpu.memref_slice %arg14[%dma_start3A_24] : memref<640xf32, #tpu.memory_space<vmem>> -> memref<128xf32, #tpu.memory_space<vmem>>
        tpu.enqueue_dma source(%dma_start3A_25 : memref<128xf32, #tpu.memory_space<vmem>>) target(%dma_start3A_23 : memref<128xf32, #tpu.memory_space<hbm>>) target_semaphore(%run_scoped3A : memref<!tpu.dma_semaphore, #tpu.memory_space<semaphore_mem>>)
        %dma_wait3A = arith.constant 0 : i32
        %dma_wait3A_26 = tpu.memref_slice %arg14[%dma_wait3A] : memref<640xf32, #tpu.memory_space<vmem>> -> memref<128xf32, #tpu.memory_space<vmem>>
        %dma_wait3A_27 = tpu.memref_slice %arg9[%arg0, %mul3A_18] : memref<2x512xf32, #tpu.memory_space<hbm>> -> memref<1x128xf32, #tpu.memory_space<hbm>>
        %dma_wait3A_28 = tpu.memref_squeeze %dma_wait3A_27 : memref<1x128xf32, #tpu.memory_space<hbm>> -> memref<128xf32, #tpu.memory_space<hbm>>
        %dma_wait3A_29 = tpu.memref_slice %arg9[%arg0, %mul3A_18] : memref<2x512xf32, #tpu.memory_space<hbm>> -> memref<1x128xf32, #tpu.memory_space<hbm>>
        %dma_wait3A_30 = tpu.memref_squeeze %dma_wait3A_29 : memref<1x128xf32, #tpu.memory_space<hbm>> -> memref<128xf32, #tpu.memory_space<hbm>>
        %dma_wait3A_31 = arith.constant 0 : i32
        %dma_wait3A_32 = tpu.memref_slice %arg14[%dma_wait3A_31] : memref<640xf32, #tpu.memory_space<vmem>> -> memref<128xf32, #tpu.memory_space<vmem>>
        tpu.wait_dma2 semaphore(%run_scoped3A : memref<!tpu.dma_semaphore, #tpu.memory_space<semaphore_mem>>) src(%dma_wait3A_32 : memref<128xf32, #tpu.memory_space<vmem>>) dst(%dma_wait3A_30 : memref<128xf32, #tpu.memory_space<hbm>>)
        tpu.yield
      }) : () -> ()
    } else {
    }
    return
  }
}

#map = affine_map<(d0, d1) -> (0, 0)>
#map1 = affine_map<(d0, d1) -> (0, 0, 0, 0)>
#map2 = affine_map<(d0, d1) -> (0, 0, 0)>
module attributes {stable_mosaic.version = 14 : i64} {
  func.func @_sc_scatter_body(%arg0: i32, %arg1: i32, %arg2: memref<20480x128xf32, #tpu.memory_space<hbm>>, %arg3: memref<2x16x160x128xi32, #tpu.memory_space<hbm>>, %arg4: memref<2x16x160x128xi32, #tpu.memory_space<hbm>>, %arg5: memref<128x128xf32, #tpu.memory_space<hbm>>, %arg6: memref<2x10240x128xf32, #tpu.memory_space<hbm>>, %arg7: memref<32x128xi32, #tpu.memory_space<vmem>>, %arg8: memref<32x128xi32, #tpu.memory_space<vmem>>, %arg9: memref<128x128xf32, #tpu.memory_space<vmem>>, %arg10: memref<128x128xf32, #tpu.memory_space<vmem>>, %arg11: memref<10240x128xf32, #tpu.memory_space<vmem_shared>>, %arg12: memref<!tpu.dma_semaphore, #tpu.memory_space<semaphore_mem>>, %arg13: memref<!tpu.dma_semaphore, #tpu.memory_space<semaphore_mem>>) attributes {dimension_semantics = [#tpu.dimension_semantics<core_parallel>, #tpu.dimension_semantics<subcore_parallel>], iteration_bounds = array<i64: 2, 16>, scalar_prefetch = 0 : i64, scratch_operands = 7 : i64, tpu.core_type = #tpu.core_type<sc_vector_subcore>, window_params = [{transform_indices = #map}, {transform_indices = #map1}, {transform_indices = #map1}, {transform_indices = #map}, {transform_indices = #map2}]} {
    "tpu.region"() ({
      %run_scoped3A = tpu.sem_alloc : memref<!tpu.dma_semaphore, #tpu.memory_space<semaphore_mem>>
      tpu.enqueue_dma source(%arg5 : memref<128x128xf32, #tpu.memory_space<hbm>>) target(%arg9 : memref<128x128xf32, #tpu.memory_space<vmem>>) target_semaphore(%run_scoped3A : memref<!tpu.dma_semaphore, #tpu.memory_space<semaphore_mem>>)
      tpu.wait_dma2 semaphore(%run_scoped3A : memref<!tpu.dma_semaphore, #tpu.memory_space<semaphore_mem>>) src(%arg5 : memref<128x128xf32, #tpu.memory_space<hbm>>) dst(%arg9 : memref<128x128xf32, #tpu.memory_space<vmem>>)
      tpu.yield
    }) : () -> ()
    %mul3A = arith.constant 640 : i32
    %mul3A_0 = arith.muli %arg1, %mul3A : i32
    %add3A = arith.constant 0 : i32
    %add3A_1 = arith.addi %mul3A_0, %add3A : i32
    "tpu.region"() ({
      %run_scoped3A = tpu.sem_alloc : memref<!tpu.dma_semaphore, #tpu.memory_space<semaphore_mem>>
      %dma_start3A_84 = arith.constant 0 : i32
      %dma_start3A_85 = tpu.memref_slice %arg11[%add3A_1, %dma_start3A_84] : memref<10240x128xf32, #tpu.memory_space<vmem_shared>> -> memref<128x128xf32, #tpu.memory_space<vmem_shared>>
      %dma_start3A_86 = arith.constant 0 : i32
      %dma_start3A_87 = tpu.memref_slice %arg11[%add3A_1, %dma_start3A_86] : memref<10240x128xf32, #tpu.memory_space<vmem_shared>> -> memref<128x128xf32, #tpu.memory_space<vmem_shared>>
      tpu.enqueue_dma source(%arg9 : memref<128x128xf32, #tpu.memory_space<vmem>>) target(%dma_start3A_87 : memref<128x128xf32, #tpu.memory_space<vmem_shared>>) target_semaphore(%run_scoped3A : memref<!tpu.dma_semaphore, #tpu.memory_space<semaphore_mem>>)
      %dma_wait3A = arith.constant 0 : i32
      %dma_wait3A_88 = tpu.memref_slice %arg11[%add3A_1, %dma_wait3A] : memref<10240x128xf32, #tpu.memory_space<vmem_shared>> -> memref<128x128xf32, #tpu.memory_space<vmem_shared>>
      %dma_wait3A_89 = arith.constant 0 : i32
      %dma_wait3A_90 = tpu.memref_slice %arg11[%add3A_1, %dma_wait3A_89] : memref<10240x128xf32, #tpu.memory_space<vmem_shared>> -> memref<128x128xf32, #tpu.memory_space<vmem_shared>>
      tpu.wait_dma2 semaphore(%run_scoped3A : memref<!tpu.dma_semaphore, #tpu.memory_space<semaphore_mem>>) src(%arg9 : memref<128x128xf32, #tpu.memory_space<vmem>>) dst(%dma_wait3A_90 : memref<128x128xf32, #tpu.memory_space<vmem_shared>>)
      tpu.yield
    }) : () -> ()
    %add3A_2 = arith.constant 128 : i32
    %add3A_3 = arith.addi %mul3A_0, %add3A_2 : i32
    "tpu.region"() ({
      %run_scoped3A = tpu.sem_alloc : memref<!tpu.dma_semaphore, #tpu.memory_space<semaphore_mem>>
      %dma_start3A_84 = arith.constant 0 : i32
      %dma_start3A_85 = tpu.memref_slice %arg11[%add3A_3, %dma_start3A_84] : memref<10240x128xf32, #tpu.memory_space<vmem_shared>> -> memref<128x128xf32, #tpu.memory_space<vmem_shared>>
      %dma_start3A_86 = arith.constant 0 : i32
      %dma_start3A_87 = tpu.memref_slice %arg11[%add3A_3, %dma_start3A_86] : memref<10240x128xf32, #tpu.memory_space<vmem_shared>> -> memref<128x128xf32, #tpu.memory_space<vmem_shared>>
      tpu.enqueue_dma source(%arg9 : memref<128x128xf32, #tpu.memory_space<vmem>>) target(%dma_start3A_87 : memref<128x128xf32, #tpu.memory_space<vmem_shared>>) target_semaphore(%run_scoped3A : memref<!tpu.dma_semaphore, #tpu.memory_space<semaphore_mem>>)
      %dma_wait3A = arith.constant 0 : i32
      %dma_wait3A_88 = tpu.memref_slice %arg11[%add3A_3, %dma_wait3A] : memref<10240x128xf32, #tpu.memory_space<vmem_shared>> -> memref<128x128xf32, #tpu.memory_space<vmem_shared>>
      %dma_wait3A_89 = arith.constant 0 : i32
      %dma_wait3A_90 = tpu.memref_slice %arg11[%add3A_3, %dma_wait3A_89] : memref<10240x128xf32, #tpu.memory_space<vmem_shared>> -> memref<128x128xf32, #tpu.memory_space<vmem_shared>>
      tpu.wait_dma2 semaphore(%run_scoped3A : memref<!tpu.dma_semaphore, #tpu.memory_space<semaphore_mem>>) src(%arg9 : memref<128x128xf32, #tpu.memory_space<vmem>>) dst(%dma_wait3A_90 : memref<128x128xf32, #tpu.memory_space<vmem_shared>>)
      tpu.yield
    }) : () -> ()
    %add3A_4 = arith.constant 256 : i32
    %add3A_5 = arith.addi %mul3A_0, %add3A_4 : i32
    "tpu.region"() ({
      %run_scoped3A = tpu.sem_alloc : memref<!tpu.dma_semaphore, #tpu.memory_space<semaphore_mem>>
      %dma_start3A_84 = arith.constant 0 : i32
      %dma_start3A_85 = tpu.memref_slice %arg11[%add3A_5, %dma_start3A_84] : memref<10240x128xf32, #tpu.memory_space<vmem_shared>> -> memref<128x128xf32, #tpu.memory_space<vmem_shared>>
      %dma_start3A_86 = arith.constant 0 : i32
      %dma_start3A_87 = tpu.memref_slice %arg11[%add3A_5, %dma_start3A_86] : memref<10240x128xf32, #tpu.memory_space<vmem_shared>> -> memref<128x128xf32, #tpu.memory_space<vmem_shared>>
      tpu.enqueue_dma source(%arg9 : memref<128x128xf32, #tpu.memory_space<vmem>>) target(%dma_start3A_87 : memref<128x128xf32, #tpu.memory_space<vmem_shared>>) target_semaphore(%run_scoped3A : memref<!tpu.dma_semaphore, #tpu.memory_space<semaphore_mem>>)
      %dma_wait3A = arith.constant 0 : i32
      %dma_wait3A_88 = tpu.memref_slice %arg11[%add3A_5, %dma_wait3A] : memref<10240x128xf32, #tpu.memory_space<vmem_shared>> -> memref<128x128xf32, #tpu.memory_space<vmem_shared>>
      %dma_wait3A_89 = arith.constant 0 : i32
      %dma_wait3A_90 = tpu.memref_slice %arg11[%add3A_5, %dma_wait3A_89] : memref<10240x128xf32, #tpu.memory_space<vmem_shared>> -> memref<128x128xf32, #tpu.memory_space<vmem_shared>>
      tpu.wait_dma2 semaphore(%run_scoped3A : memref<!tpu.dma_semaphore, #tpu.memory_space<semaphore_mem>>) src(%arg9 : memref<128x128xf32, #tpu.memory_space<vmem>>) dst(%dma_wait3A_90 : memref<128x128xf32, #tpu.memory_space<vmem_shared>>)
      tpu.yield
    }) : () -> ()
    %add3A_6 = arith.constant 384 : i32
    %add3A_7 = arith.addi %mul3A_0, %add3A_6 : i32
    "tpu.region"() ({
      %run_scoped3A = tpu.sem_alloc : memref<!tpu.dma_semaphore, #tpu.memory_space<semaphore_mem>>
      %dma_start3A_84 = arith.constant 0 : i32
      %dma_start3A_85 = tpu.memref_slice %arg11[%add3A_7, %dma_start3A_84] : memref<10240x128xf32, #tpu.memory_space<vmem_shared>> -> memref<128x128xf32, #tpu.memory_space<vmem_shared>>
      %dma_start3A_86 = arith.constant 0 : i32
      %dma_start3A_87 = tpu.memref_slice %arg11[%add3A_7, %dma_start3A_86] : memref<10240x128xf32, #tpu.memory_space<vmem_shared>> -> memref<128x128xf32, #tpu.memory_space<vmem_shared>>
      tpu.enqueue_dma source(%arg9 : memref<128x128xf32, #tpu.memory_space<vmem>>) target(%dma_start3A_87 : memref<128x128xf32, #tpu.memory_space<vmem_shared>>) target_semaphore(%run_scoped3A : memref<!tpu.dma_semaphore, #tpu.memory_space<semaphore_mem>>)
      %dma_wait3A = arith.constant 0 : i32
      %dma_wait3A_88 = tpu.memref_slice %arg11[%add3A_7, %dma_wait3A] : memref<10240x128xf32, #tpu.memory_space<vmem_shared>> -> memref<128x128xf32, #tpu.memory_space<vmem_shared>>
      %dma_wait3A_89 = arith.constant 0 : i32
      %dma_wait3A_90 = tpu.memref_slice %arg11[%add3A_7, %dma_wait3A_89] : memref<10240x128xf32, #tpu.memory_space<vmem_shared>> -> memref<128x128xf32, #tpu.memory_space<vmem_shared>>
      tpu.wait_dma2 semaphore(%run_scoped3A : memref<!tpu.dma_semaphore, #tpu.memory_space<semaphore_mem>>) src(%arg9 : memref<128x128xf32, #tpu.memory_space<vmem>>) dst(%dma_wait3A_90 : memref<128x128xf32, #tpu.memory_space<vmem_shared>>)
      tpu.yield
    }) : () -> ()
    %add3A_8 = arith.constant 512 : i32
    %add3A_9 = arith.addi %mul3A_0, %add3A_8 : i32
    "tpu.region"() ({
      %run_scoped3A = tpu.sem_alloc : memref<!tpu.dma_semaphore, #tpu.memory_space<semaphore_mem>>
      %dma_start3A_84 = arith.constant 0 : i32
      %dma_start3A_85 = tpu.memref_slice %arg11[%add3A_9, %dma_start3A_84] : memref<10240x128xf32, #tpu.memory_space<vmem_shared>> -> memref<128x128xf32, #tpu.memory_space<vmem_shared>>
      %dma_start3A_86 = arith.constant 0 : i32
      %dma_start3A_87 = tpu.memref_slice %arg11[%add3A_9, %dma_start3A_86] : memref<10240x128xf32, #tpu.memory_space<vmem_shared>> -> memref<128x128xf32, #tpu.memory_space<vmem_shared>>
      tpu.enqueue_dma source(%arg9 : memref<128x128xf32, #tpu.memory_space<vmem>>) target(%dma_start3A_87 : memref<128x128xf32, #tpu.memory_space<vmem_shared>>) target_semaphore(%run_scoped3A : memref<!tpu.dma_semaphore, #tpu.memory_space<semaphore_mem>>)
      %dma_wait3A = arith.constant 0 : i32
      %dma_wait3A_88 = tpu.memref_slice %arg11[%add3A_9, %dma_wait3A] : memref<10240x128xf32, #tpu.memory_space<vmem_shared>> -> memref<128x128xf32, #tpu.memory_space<vmem_shared>>
      %dma_wait3A_89 = arith.constant 0 : i32
      %dma_wait3A_90 = tpu.memref_slice %arg11[%add3A_9, %dma_wait3A_89] : memref<10240x128xf32, #tpu.memory_space<vmem_shared>> -> memref<128x128xf32, #tpu.memory_space<vmem_shared>>
      tpu.wait_dma2 semaphore(%run_scoped3A : memref<!tpu.dma_semaphore, #tpu.memory_space<semaphore_mem>>) src(%arg9 : memref<128x128xf32, #tpu.memory_space<vmem>>) dst(%dma_wait3A_90 : memref<128x128xf32, #tpu.memory_space<vmem_shared>>)
      tpu.yield
    }) : () -> ()
    %barrier3A = arith.constant 0 : index
    tpu.barrier barrier_id(%barrier3A)
    "tpu.region"() ({
      %run_scoped3A = tpu.sem_alloc : memref<!tpu.dma_semaphore, #tpu.memory_space<semaphore_mem>>
      %dma_start3A_84 = arith.constant 0 : i32
      %dma_start3A_85 = arith.constant 0 : i32
      %dma_start3A_86 = tpu.memref_slice %arg3[%arg0, %arg1, %dma_start3A_84, %dma_start3A_85] : memref<2x16x160x128xi32, #tpu.memory_space<hbm>> -> memref<1x1x32x128xi32, #tpu.memory_space<hbm>>
      %dma_start3A_87 = tpu.memref_squeeze %dma_start3A_86 : memref<1x1x32x128xi32, #tpu.memory_space<hbm>> -> memref<32x128xi32, #tpu.memory_space<hbm>>
      %dma_start3A_88 = arith.constant 0 : i32
      %dma_start3A_89 = arith.constant 0 : i32
      %dma_start3A_90 = tpu.memref_slice %arg3[%arg0, %arg1, %dma_start3A_88, %dma_start3A_89] : memref<2x16x160x128xi32, #tpu.memory_space<hbm>> -> memref<1x1x32x128xi32, #tpu.memory_space<hbm>>
      %dma_start3A_91 = tpu.memref_squeeze %dma_start3A_90 : memref<1x1x32x128xi32, #tpu.memory_space<hbm>> -> memref<32x128xi32, #tpu.memory_space<hbm>>
      tpu.enqueue_dma source(%dma_start3A_91 : memref<32x128xi32, #tpu.memory_space<hbm>>) target(%arg7 : memref<32x128xi32, #tpu.memory_space<vmem>>) target_semaphore(%run_scoped3A : memref<!tpu.dma_semaphore, #tpu.memory_space<semaphore_mem>>)
      %dma_wait3A = arith.constant 0 : i32
      %dma_wait3A_92 = arith.constant 0 : i32
      %dma_wait3A_93 = tpu.memref_slice %arg3[%arg0, %arg1, %dma_wait3A, %dma_wait3A_92] : memref<2x16x160x128xi32, #tpu.memory_space<hbm>> -> memref<1x1x32x128xi32, #tpu.memory_space<hbm>>
      %dma_wait3A_94 = tpu.memref_squeeze %dma_wait3A_93 : memref<1x1x32x128xi32, #tpu.memory_space<hbm>> -> memref<32x128xi32, #tpu.memory_space<hbm>>
      %dma_wait3A_95 = arith.constant 0 : i32
      %dma_wait3A_96 = arith.constant 0 : i32
      %dma_wait3A_97 = tpu.memref_slice %arg3[%arg0, %arg1, %dma_wait3A_95, %dma_wait3A_96] : memref<2x16x160x128xi32, #tpu.memory_space<hbm>> -> memref<1x1x32x128xi32, #tpu.memory_space<hbm>>
      %dma_wait3A_98 = tpu.memref_squeeze %dma_wait3A_97 : memref<1x1x32x128xi32, #tpu.memory_space<hbm>> -> memref<32x128xi32, #tpu.memory_space<hbm>>
      tpu.wait_dma2 semaphore(%run_scoped3A : memref<!tpu.dma_semaphore, #tpu.memory_space<semaphore_mem>>) src(%dma_wait3A_98 : memref<32x128xi32, #tpu.memory_space<hbm>>) dst(%arg7 : memref<32x128xi32, #tpu.memory_space<vmem>>)
      tpu.yield
    }) : () -> ()
    "tpu.region"() ({
      %run_scoped3A = tpu.sem_alloc : memref<!tpu.dma_semaphore, #tpu.memory_space<semaphore_mem>>
      %dma_start3A_84 = arith.constant 0 : i32
      %dma_start3A_85 = arith.constant 0 : i32
      %dma_start3A_86 = tpu.memref_slice %arg4[%arg0, %arg1, %dma_start3A_84, %dma_start3A_85] : memref<2x16x160x128xi32, #tpu.memory_space<hbm>> -> memref<1x1x32x128xi32, #tpu.memory_space<hbm>>
      %dma_start3A_87 = tpu.memref_squeeze %dma_start3A_86 : memref<1x1x32x128xi32, #tpu.memory_space<hbm>> -> memref<32x128xi32, #tpu.memory_space<hbm>>
      %dma_start3A_88 = arith.constant 0 : i32
      %dma_start3A_89 = arith.constant 0 : i32
      %dma_start3A_90 = tpu.memref_slice %arg4[%arg0, %arg1, %dma_start3A_88, %dma_start3A_89] : memref<2x16x160x128xi32, #tpu.memory_space<hbm>> -> memref<1x1x32x128xi32, #tpu.memory_space<hbm>>
      %dma_start3A_91 = tpu.memref_squeeze %dma_start3A_90 : memref<1x1x32x128xi32, #tpu.memory_space<hbm>> -> memref<32x128xi32, #tpu.memory_space<hbm>>
      tpu.enqueue_dma source(%dma_start3A_91 : memref<32x128xi32, #tpu.memory_space<hbm>>) target(%arg8 : memref<32x128xi32, #tpu.memory_space<vmem>>) target_semaphore(%run_scoped3A : memref<!tpu.dma_semaphore, #tpu.memory_space<semaphore_mem>>)
      %dma_wait3A = arith.constant 0 : i32
      %dma_wait3A_92 = arith.constant 0 : i32
      %dma_wait3A_93 = tpu.memref_slice %arg4[%arg0, %arg1, %dma_wait3A, %dma_wait3A_92] : memref<2x16x160x128xi32, #tpu.memory_space<hbm>> -> memref<1x1x32x128xi32, #tpu.memory_space<hbm>>
      %dma_wait3A_94 = tpu.memref_squeeze %dma_wait3A_93 : memref<1x1x32x128xi32, #tpu.memory_space<hbm>> -> memref<32x128xi32, #tpu.memory_space<hbm>>
      %dma_wait3A_95 = arith.constant 0 : i32
      %dma_wait3A_96 = arith.constant 0 : i32
      %dma_wait3A_97 = tpu.memref_slice %arg4[%arg0, %arg1, %dma_wait3A_95, %dma_wait3A_96] : memref<2x16x160x128xi32, #tpu.memory_space<hbm>> -> memref<1x1x32x128xi32, #tpu.memory_space<hbm>>
      %dma_wait3A_98 = tpu.memref_squeeze %dma_wait3A_97 : memref<1x1x32x128xi32, #tpu.memory_space<hbm>> -> memref<32x128xi32, #tpu.memory_space<hbm>>
      tpu.wait_dma2 semaphore(%run_scoped3A : memref<!tpu.dma_semaphore, #tpu.memory_space<semaphore_mem>>) src(%dma_wait3A_98 : memref<32x128xi32, #tpu.memory_space<hbm>>) dst(%arg8 : memref<32x128xi32, #tpu.memory_space<vmem>>)
      tpu.yield
    }) : () -> ()
    %dma_start3A = arith.constant 0 : i32
    %dma_start3A_10 = arith.constant 0 : i32
    %dma_start3A_11 = tpu.memref_slice %arg7[%dma_start3A, %dma_start3A_10] : memref<32x128xi32, #tpu.memory_space<vmem>> -> memref<1x128xi32, #tpu.memory_space<vmem>>
    %dma_start3A_12 = tpu.memref_squeeze %dma_start3A_11 : memref<1x128xi32, #tpu.memory_space<vmem>> -> memref<128xi32, #tpu.memory_space<vmem>>
    %dma_start3A_13 = arith.constant 0 : i32
    %dma_start3A_14 = arith.constant 0 : i32
    %dma_start3A_15 = tpu.memref_slice %arg2[%dma_start3A_13, %dma_start3A_14] : memref<20480x128xf32, #tpu.memory_space<hbm>> -> memref<20480x128xf32, #tpu.memory_space<hbm>>
    tpu.enqueue_indirect_dma source(%dma_start3A_15 : memref<20480x128xf32, #tpu.memory_space<hbm>>) target(%arg9 : memref<128x128xf32, #tpu.memory_space<vmem>>) offsets(%dma_start3A_12 : memref<128xi32, #tpu.memory_space<vmem>>) semaphore(%arg12 : memref<!tpu.dma_semaphore, #tpu.memory_space<semaphore_mem>>)
    %scan3A = arith.constant 0 : i32
    %scan3A_16 = arith.constant 0 : i32
    %scan3A_17 = arith.constant 16 : i32
    %scan3A_18 = arith.addi %scan3A_16, %scan3A_17 : i32
    %scan3A_19 = arith.constant 1 : i32
    scf.for %scan3A_84 = %scan3A_16 to %scan3A_18 step %scan3A_19  : i32 {
      %mul3A_85 = arith.constant 2 : i32
      %mul3A_86 = arith.muli %mul3A_85, %scan3A_84 : i32
      %add3A_87 = arith.constant 1 : i32
      %add3A_88 = arith.addi %mul3A_86, %add3A_87 : i32
      %dma_start3A_89 = arith.constant 0 : i32
      %dma_start3A_90 = tpu.memref_slice %arg7[%add3A_88, %dma_start3A_89] : memref<32x128xi32, #tpu.memory_space<vmem>> -> memref<1x128xi32, #tpu.memory_space<vmem>>
      %dma_start3A_91 = tpu.memref_squeeze %dma_start3A_90 : memref<1x128xi32, #tpu.memory_space<vmem>> -> memref<128xi32, #tpu.memory_space<vmem>>
      %dma_start3A_92 = arith.constant 0 : i32
      %dma_start3A_93 = arith.constant 0 : i32
      %dma_start3A_94 = tpu.memref_slice %arg2[%dma_start3A_92, %dma_start3A_93] : memref<20480x128xf32, #tpu.memory_space<hbm>> -> memref<20480x128xf32, #tpu.memory_space<hbm>>
      tpu.enqueue_indirect_dma source(%dma_start3A_94 : memref<20480x128xf32, #tpu.memory_space<hbm>>) target(%arg10 : memref<128x128xf32, #tpu.memory_space<vmem>>) offsets(%dma_start3A_91 : memref<128xi32, #tpu.memory_space<vmem>>) semaphore(%arg13 : memref<!tpu.dma_semaphore, #tpu.memory_space<semaphore_mem>>)
      %dma_wait3A = arith.constant 0 : i32
      %dma_wait3A_95 = tpu.memref_slice %arg7[%mul3A_86, %dma_wait3A] : memref<32x128xi32, #tpu.memory_space<vmem>> -> memref<1x128xi32, #tpu.memory_space<vmem>>
      %dma_wait3A_96 = tpu.memref_squeeze %dma_wait3A_95 : memref<1x128xi32, #tpu.memory_space<vmem>> -> memref<128xi32, #tpu.memory_space<vmem>>
      %dma_wait3A_97 = arith.constant 0 : i32
      %dma_wait3A_98 = arith.constant 0 : i32
      %dma_wait3A_99 = tpu.memref_slice %arg2[%dma_wait3A_97, %dma_wait3A_98] : memref<20480x128xf32, #tpu.memory_space<hbm>> -> memref<20480x128xf32, #tpu.memory_space<hbm>>
      tpu.wait_indirect_dma semaphore(%arg12 : memref<!tpu.dma_semaphore, #tpu.memory_space<semaphore_mem>>) src(%dma_wait3A_99 : memref<20480x128xf32, #tpu.memory_space<hbm>>) dst(%arg9 : memref<128x128xf32, #tpu.memory_space<vmem>>)
      "tpu.region"() ({
        %run_scoped3A = tpu.sem_alloc : memref<!tpu.dma_semaphore, #tpu.memory_space<semaphore_mem>>
        %dma_start3A_112 = arith.constant 0 : i32
        %dma_start3A_113 = tpu.memref_slice %arg8[%mul3A_86, %dma_start3A_112] : memref<32x128xi32, #tpu.memory_space<vmem>> -> memref<1x128xi32, #tpu.memory_space<vmem>>
        %dma_start3A_114 = tpu.memref_squeeze %dma_start3A_113 : memref<1x128xi32, #tpu.memory_space<vmem>> -> memref<128xi32, #tpu.memory_space<vmem>>
        %dma_start3A_115 = arith.constant 0 : i32
        %dma_start3A_116 = arith.constant 0 : i32
        %dma_start3A_117 = tpu.memref_slice %arg11[%dma_start3A_115, %dma_start3A_116] : memref<10240x128xf32, #tpu.memory_space<vmem_shared>> -> memref<10240x128xf32, #tpu.memory_space<vmem_shared>>
        tpu.enqueue_indirect_dma source(%arg9 : memref<128x128xf32, #tpu.memory_space<vmem>>) target(%dma_start3A_117 : memref<10240x128xf32, #tpu.memory_space<vmem_shared>>) offsets(%dma_start3A_114 : memref<128xi32, #tpu.memory_space<vmem>>) semaphore(%run_scoped3A : memref<!tpu.dma_semaphore, #tpu.memory_space<semaphore_mem>>) {add = true}
        %dma_wait3A_118 = arith.constant 0 : i32
        %dma_wait3A_119 = tpu.memref_slice %arg8[%mul3A_86, %dma_wait3A_118] : memref<32x128xi32, #tpu.memory_space<vmem>> -> memref<1x128xi32, #tpu.memory_space<vmem>>
        %dma_wait3A_120 = tpu.memref_squeeze %dma_wait3A_119 : memref<1x128xi32, #tpu.memory_space<vmem>> -> memref<128xi32, #tpu.memory_space<vmem>>
        %dma_wait3A_121 = arith.constant 0 : i32
        %dma_wait3A_122 = arith.constant 0 : i32
        %dma_wait3A_123 = tpu.memref_slice %arg11[%dma_wait3A_121, %dma_wait3A_122] : memref<10240x128xf32, #tpu.memory_space<vmem_shared>> -> memref<10240x128xf32, #tpu.memory_space<vmem_shared>>
        tpu.wait_indirect_dma semaphore(%run_scoped3A : memref<!tpu.dma_semaphore, #tpu.memory_space<semaphore_mem>>) src(%arg9 : memref<128x128xf32, #tpu.memory_space<vmem>>) dst(%dma_wait3A_123 : memref<10240x128xf32, #tpu.memory_space<vmem_shared>>)
        tpu.yield
      }) : () -> ()
      %lt3A = arith.constant 15 : i32
      %lt3A_100 = arith.cmpi slt, %scan3A_84, %lt3A : i32
      %convert_element_type3A = arith.extui %lt3A_100 : i1 to i32
      %cond3A = arith.constant 0 : i32
      %cond3A_101 = arith.cmpi ne, %convert_element_type3A, %cond3A : i32
      scf.if %cond3A_101 {
        %add3A_112 = arith.constant 2 : i32
        %add3A_113 = arith.addi %mul3A_86, %add3A_112 : i32
        %dma_start3A_114 = arith.constant 0 : i32
        %dma_start3A_115 = tpu.memref_slice %arg7[%add3A_113, %dma_start3A_114] : memref<32x128xi32, #tpu.memory_space<vmem>> -> memref<1x128xi32, #tpu.memory_space<vmem>>
        %dma_start3A_116 = tpu.memref_squeeze %dma_start3A_115 : memref<1x128xi32, #tpu.memory_space<vmem>> -> memref<128xi32, #tpu.memory_space<vmem>>
        %dma_start3A_117 = arith.constant 0 : i32
        %dma_start3A_118 = arith.constant 0 : i32
        %dma_start3A_119 = tpu.memref_slice %arg2[%dma_start3A_117, %dma_start3A_118] : memref<20480x128xf32, #tpu.memory_space<hbm>> -> memref<20480x128xf32, #tpu.memory_space<hbm>>
        tpu.enqueue_indirect_dma source(%dma_start3A_119 : memref<20480x128xf32, #tpu.memory_space<hbm>>) target(%arg9 : memref<128x128xf32, #tpu.memory_space<vmem>>) offsets(%dma_start3A_116 : memref<128xi32, #tpu.memory_space<vmem>>) semaphore(%arg12 : memref<!tpu.dma_semaphore, #tpu.memory_space<semaphore_mem>>)
      } else {
      }
      %add3A_102 = arith.constant 1 : i32
      %add3A_103 = arith.addi %mul3A_86, %add3A_102 : i32
      %dma_wait3A_104 = arith.constant 0 : i32
      %dma_wait3A_105 = tpu.memref_slice %arg7[%add3A_103, %dma_wait3A_104] : memref<32x128xi32, #tpu.memory_space<vmem>> -> memref<1x128xi32, #tpu.memory_space<vmem>>
      %dma_wait3A_106 = tpu.memref_squeeze %dma_wait3A_105 : memref<1x128xi32, #tpu.memory_space<vmem>> -> memref<128xi32, #tpu.memory_space<vmem>>
      %dma_wait3A_107 = arith.constant 0 : i32
      %dma_wait3A_108 = arith.constant 0 : i32
      %dma_wait3A_109 = tpu.memref_slice %arg2[%dma_wait3A_107, %dma_wait3A_108] : memref<20480x128xf32, #tpu.memory_space<hbm>> -> memref<20480x128xf32, #tpu.memory_space<hbm>>
      tpu.wait_indirect_dma semaphore(%arg13 : memref<!tpu.dma_semaphore, #tpu.memory_space<semaphore_mem>>) src(%dma_wait3A_109 : memref<20480x128xf32, #tpu.memory_space<hbm>>) dst(%arg10 : memref<128x128xf32, #tpu.memory_space<vmem>>)
      %add3A_110 = arith.constant 1 : i32
      %add3A_111 = arith.addi %mul3A_86, %add3A_110 : i32
      "tpu.region"() ({
        %run_scoped3A = tpu.sem_alloc : memref<!tpu.dma_semaphore, #tpu.memory_space<semaphore_mem>>
        %dma_start3A_112 = arith.constant 0 : i32
        %dma_start3A_113 = tpu.memref_slice %arg8[%add3A_111, %dma_start3A_112] : memref<32x128xi32, #tpu.memory_space<vmem>> -> memref<1x128xi32, #tpu.memory_space<vmem>>
        %dma_start3A_114 = tpu.memref_squeeze %dma_start3A_113 : memref<1x128xi32, #tpu.memory_space<vmem>> -> memref<128xi32, #tpu.memory_space<vmem>>
        %dma_start3A_115 = arith.constant 0 : i32
        %dma_start3A_116 = arith.constant 0 : i32
        %dma_start3A_117 = tpu.memref_slice %arg11[%dma_start3A_115, %dma_start3A_116] : memref<10240x128xf32, #tpu.memory_space<vmem_shared>> -> memref<10240x128xf32, #tpu.memory_space<vmem_shared>>
        tpu.enqueue_indirect_dma source(%arg10 : memref<128x128xf32, #tpu.memory_space<vmem>>) target(%dma_start3A_117 : memref<10240x128xf32, #tpu.memory_space<vmem_shared>>) offsets(%dma_start3A_114 : memref<128xi32, #tpu.memory_space<vmem>>) semaphore(%run_scoped3A : memref<!tpu.dma_semaphore, #tpu.memory_space<semaphore_mem>>) {add = true}
        %dma_wait3A_118 = arith.constant 0 : i32
        %dma_wait3A_119 = tpu.memref_slice %arg8[%add3A_111, %dma_wait3A_118] : memref<32x128xi32, #tpu.memory_space<vmem>> -> memref<1x128xi32, #tpu.memory_space<vmem>>
        %dma_wait3A_120 = tpu.memref_squeeze %dma_wait3A_119 : memref<1x128xi32, #tpu.memory_space<vmem>> -> memref<128xi32, #tpu.memory_space<vmem>>
        %dma_wait3A_121 = arith.constant 0 : i32
        %dma_wait3A_122 = arith.constant 0 : i32
        %dma_wait3A_123 = tpu.memref_slice %arg11[%dma_wait3A_121, %dma_wait3A_122] : memref<10240x128xf32, #tpu.memory_space<vmem_shared>> -> memref<10240x128xf32, #tpu.memory_space<vmem_shared>>
        tpu.wait_indirect_dma semaphore(%run_scoped3A : memref<!tpu.dma_semaphore, #tpu.memory_space<semaphore_mem>>) src(%arg10 : memref<128x128xf32, #tpu.memory_space<vmem>>) dst(%dma_wait3A_123 : memref<10240x128xf32, #tpu.memory_space<vmem_shared>>)
        tpu.yield
      }) : () -> ()
    }
    %scan3A_20 = arith.constant 16 : i32
    "tpu.region"() ({
      %run_scoped3A = tpu.sem_alloc : memref<!tpu.dma_semaphore, #tpu.memory_space<semaphore_mem>>
      %dma_start3A_84 = arith.constant 32 : i32
      %dma_start3A_85 = arith.constant 0 : i32
      %dma_start3A_86 = tpu.memref_slice %arg3[%arg0, %arg1, %dma_start3A_84, %dma_start3A_85] : memref<2x16x160x128xi32, #tpu.memory_space<hbm>> -> memref<1x1x32x128xi32, #tpu.memory_space<hbm>>
      %dma_start3A_87 = tpu.memref_squeeze %dma_start3A_86 : memref<1x1x32x128xi32, #tpu.memory_space<hbm>> -> memref<32x128xi32, #tpu.memory_space<hbm>>
      %dma_start3A_88 = arith.constant 32 : i32
      %dma_start3A_89 = arith.constant 0 : i32
      %dma_start3A_90 = tpu.memref_slice %arg3[%arg0, %arg1, %dma_start3A_88, %dma_start3A_89] : memref<2x16x160x128xi32, #tpu.memory_space<hbm>> -> memref<1x1x32x128xi32, #tpu.memory_space<hbm>>
      %dma_start3A_91 = tpu.memref_squeeze %dma_start3A_90 : memref<1x1x32x128xi32, #tpu.memory_space<hbm>> -> memref<32x128xi32, #tpu.memory_space<hbm>>
      tpu.enqueue_dma source(%dma_start3A_91 : memref<32x128xi32, #tpu.memory_space<hbm>>) target(%arg7 : memref<32x128xi32, #tpu.memory_space<vmem>>) target_semaphore(%run_scoped3A : memref<!tpu.dma_semaphore, #tpu.memory_space<semaphore_mem>>)
      %dma_wait3A = arith.constant 32 : i32
      %dma_wait3A_92 = arith.constant 0 : i32
      %dma_wait3A_93 = tpu.memref_slice %arg3[%arg0, %arg1, %dma_wait3A, %dma_wait3A_92] : memref<2x16x160x128xi32, #tpu.memory_space<hbm>> -> memref<1x1x32x128xi32, #tpu.memory_space<hbm>>
      %dma_wait3A_94 = tpu.memref_squeeze %dma_wait3A_93 : memref<1x1x32x128xi32, #tpu.memory_space<hbm>> -> memref<32x128xi32, #tpu.memory_space<hbm>>
      %dma_wait3A_95 = arith.constant 32 : i32
      %dma_wait3A_96 = arith.constant 0 : i32
      %dma_wait3A_97 = tpu.memref_slice %arg3[%arg0, %arg1, %dma_wait3A_95, %dma_wait3A_96] : memref<2x16x160x128xi32, #tpu.memory_space<hbm>> -> memref<1x1x32x128xi32, #tpu.memory_space<hbm>>
      %dma_wait3A_98 = tpu.memref_squeeze %dma_wait3A_97 : memref<1x1x32x128xi32, #tpu.memory_space<hbm>> -> memref<32x128xi32, #tpu.memory_space<hbm>>
      tpu.wait_dma2 semaphore(%run_scoped3A : memref<!tpu.dma_semaphore, #tpu.memory_space<semaphore_mem>>) src(%dma_wait3A_98 : memref<32x128xi32, #tpu.memory_space<hbm>>) dst(%arg7 : memref<32x128xi32, #tpu.memory_space<vmem>>)
      tpu.yield
    }) : () -> ()
    "tpu.region"() ({
      %run_scoped3A = tpu.sem_alloc : memref<!tpu.dma_semaphore, #tpu.memory_space<semaphore_mem>>
      %dma_start3A_84 = arith.constant 32 : i32
      %dma_start3A_85 = arith.constant 0 : i32
      %dma_start3A_86 = tpu.memref_slice %arg4[%arg0, %arg1, %dma_start3A_84, %dma_start3A_85] : memref<2x16x160x128xi32, #tpu.memory_space<hbm>> -> memref<1x1x32x128xi32, #tpu.memory_space<hbm>>
      %dma_start3A_87 = tpu.memref_squeeze %dma_start3A_86 : memref<1x1x32x128xi32, #tpu.memory_space<hbm>> -> memref<32x128xi32, #tpu.memory_space<hbm>>
      %dma_start3A_88 = arith.constant 32 : i32
      %dma_start3A_89 = arith.constant 0 : i32
      %dma_start3A_90 = tpu.memref_slice %arg4[%arg0, %arg1, %dma_start3A_88, %dma_start3A_89] : memref<2x16x160x128xi32, #tpu.memory_space<hbm>> -> memref<1x1x32x128xi32, #tpu.memory_space<hbm>>
      %dma_start3A_91 = tpu.memref_squeeze %dma_start3A_90 : memref<1x1x32x128xi32, #tpu.memory_space<hbm>> -> memref<32x128xi32, #tpu.memory_space<hbm>>
      tpu.enqueue_dma source(%dma_start3A_91 : memref<32x128xi32, #tpu.memory_space<hbm>>) target(%arg8 : memref<32x128xi32, #tpu.memory_space<vmem>>) target_semaphore(%run_scoped3A : memref<!tpu.dma_semaphore, #tpu.memory_space<semaphore_mem>>)
      %dma_wait3A = arith.constant 32 : i32
      %dma_wait3A_92 = arith.constant 0 : i32
      %dma_wait3A_93 = tpu.memref_slice %arg4[%arg0, %arg1, %dma_wait3A, %dma_wait3A_92] : memref<2x16x160x128xi32, #tpu.memory_space<hbm>> -> memref<1x1x32x128xi32, #tpu.memory_space<hbm>>
      %dma_wait3A_94 = tpu.memref_squeeze %dma_wait3A_93 : memref<1x1x32x128xi32, #tpu.memory_space<hbm>> -> memref<32x128xi32, #tpu.memory_space<hbm>>
      %dma_wait3A_95 = arith.constant 32 : i32
      %dma_wait3A_96 = arith.constant 0 : i32
      %dma_wait3A_97 = tpu.memref_slice %arg4[%arg0, %arg1, %dma_wait3A_95, %dma_wait3A_96] : memref<2x16x160x128xi32, #tpu.memory_space<hbm>> -> memref<1x1x32x128xi32, #tpu.memory_space<hbm>>
      %dma_wait3A_98 = tpu.memref_squeeze %dma_wait3A_97 : memref<1x1x32x128xi32, #tpu.memory_space<hbm>> -> memref<32x128xi32, #tpu.memory_space<hbm>>
      tpu.wait_dma2 semaphore(%run_scoped3A : memref<!tpu.dma_semaphore, #tpu.memory_space<semaphore_mem>>) src(%dma_wait3A_98 : memref<32x128xi32, #tpu.memory_space<hbm>>) dst(%arg8 : memref<32x128xi32, #tpu.memory_space<vmem>>)
      tpu.yield
    }) : () -> ()
    %dma_start3A_21 = arith.constant 0 : i32
    %dma_start3A_22 = arith.constant 0 : i32
    %dma_start3A_23 = tpu.memref_slice %arg7[%dma_start3A_21, %dma_start3A_22] : memref<32x128xi32, #tpu.memory_space<vmem>> -> memref<1x128xi32, #tpu.memory_space<vmem>>
    %dma_start3A_24 = tpu.memref_squeeze %dma_start3A_23 : memref<1x128xi32, #tpu.memory_space<vmem>> -> memref<128xi32, #tpu.memory_space<vmem>>
    %dma_start3A_25 = arith.constant 0 : i32
    %dma_start3A_26 = arith.constant 0 : i32
    %dma_start3A_27 = tpu.memref_slice %arg2[%dma_start3A_25, %dma_start3A_26] : memref<20480x128xf32, #tpu.memory_space<hbm>> -> memref<20480x128xf32, #tpu.memory_space<hbm>>
    tpu.enqueue_indirect_dma source(%dma_start3A_27 : memref<20480x128xf32, #tpu.memory_space<hbm>>) target(%arg9 : memref<128x128xf32, #tpu.memory_space<vmem>>) offsets(%dma_start3A_24 : memref<128xi32, #tpu.memory_space<vmem>>) semaphore(%arg12 : memref<!tpu.dma_semaphore, #tpu.memory_space<semaphore_mem>>)
    %scan3A_28 = arith.constant 0 : i32
    %scan3A_29 = arith.constant 0 : i32
    %scan3A_30 = arith.constant 16 : i32
    %scan3A_31 = arith.addi %scan3A_29, %scan3A_30 : i32
    %scan3A_32 = arith.constant 1 : i32
    scf.for %scan3A_84 = %scan3A_29 to %scan3A_31 step %scan3A_32  : i32 {
      %mul3A_85 = arith.constant 2 : i32
      %mul3A_86 = arith.muli %mul3A_85, %scan3A_84 : i32
      %add3A_87 = arith.constant 1 : i32
      %add3A_88 = arith.addi %mul3A_86, %add3A_87 : i32
      %dma_start3A_89 = arith.constant 0 : i32
      %dma_start3A_90 = tpu.memref_slice %arg7[%add3A_88, %dma_start3A_89] : memref<32x128xi32, #tpu.memory_space<vmem>> -> memref<1x128xi32, #tpu.memory_space<vmem>>
      %dma_start3A_91 = tpu.memref_squeeze %dma_start3A_90 : memref<1x128xi32, #tpu.memory_space<vmem>> -> memref<128xi32, #tpu.memory_space<vmem>>
      %dma_start3A_92 = arith.constant 0 : i32
      %dma_start3A_93 = arith.constant 0 : i32
      %dma_start3A_94 = tpu.memref_slice %arg2[%dma_start3A_92, %dma_start3A_93] : memref<20480x128xf32, #tpu.memory_space<hbm>> -> memref<20480x128xf32, #tpu.memory_space<hbm>>
      tpu.enqueue_indirect_dma source(%dma_start3A_94 : memref<20480x128xf32, #tpu.memory_space<hbm>>) target(%arg10 : memref<128x128xf32, #tpu.memory_space<vmem>>) offsets(%dma_start3A_91 : memref<128xi32, #tpu.memory_space<vmem>>) semaphore(%arg13 : memref<!tpu.dma_semaphore, #tpu.memory_space<semaphore_mem>>)
      %dma_wait3A = arith.constant 0 : i32
      %dma_wait3A_95 = tpu.memref_slice %arg7[%mul3A_86, %dma_wait3A] : memref<32x128xi32, #tpu.memory_space<vmem>> -> memref<1x128xi32, #tpu.memory_space<vmem>>
      %dma_wait3A_96 = tpu.memref_squeeze %dma_wait3A_95 : memref<1x128xi32, #tpu.memory_space<vmem>> -> memref<128xi32, #tpu.memory_space<vmem>>
      %dma_wait3A_97 = arith.constant 0 : i32
      %dma_wait3A_98 = arith.constant 0 : i32
      %dma_wait3A_99 = tpu.memref_slice %arg2[%dma_wait3A_97, %dma_wait3A_98] : memref<20480x128xf32, #tpu.memory_space<hbm>> -> memref<20480x128xf32, #tpu.memory_space<hbm>>
      tpu.wait_indirect_dma semaphore(%arg12 : memref<!tpu.dma_semaphore, #tpu.memory_space<semaphore_mem>>) src(%dma_wait3A_99 : memref<20480x128xf32, #tpu.memory_space<hbm>>) dst(%arg9 : memref<128x128xf32, #tpu.memory_space<vmem>>)
      "tpu.region"() ({
        %run_scoped3A = tpu.sem_alloc : memref<!tpu.dma_semaphore, #tpu.memory_space<semaphore_mem>>
        %dma_start3A_112 = arith.constant 0 : i32
        %dma_start3A_113 = tpu.memref_slice %arg8[%mul3A_86, %dma_start3A_112] : memref<32x128xi32, #tpu.memory_space<vmem>> -> memref<1x128xi32, #tpu.memory_space<vmem>>
        %dma_start3A_114 = tpu.memref_squeeze %dma_start3A_113 : memref<1x128xi32, #tpu.memory_space<vmem>> -> memref<128xi32, #tpu.memory_space<vmem>>
        %dma_start3A_115 = arith.constant 0 : i32
        %dma_start3A_116 = arith.constant 0 : i32
        %dma_start3A_117 = tpu.memref_slice %arg11[%dma_start3A_115, %dma_start3A_116] : memref<10240x128xf32, #tpu.memory_space<vmem_shared>> -> memref<10240x128xf32, #tpu.memory_space<vmem_shared>>
        tpu.enqueue_indirect_dma source(%arg9 : memref<128x128xf32, #tpu.memory_space<vmem>>) target(%dma_start3A_117 : memref<10240x128xf32, #tpu.memory_space<vmem_shared>>) offsets(%dma_start3A_114 : memref<128xi32, #tpu.memory_space<vmem>>) semaphore(%run_scoped3A : memref<!tpu.dma_semaphore, #tpu.memory_space<semaphore_mem>>) {add = true}
        %dma_wait3A_118 = arith.constant 0 : i32
        %dma_wait3A_119 = tpu.memref_slice %arg8[%mul3A_86, %dma_wait3A_118] : memref<32x128xi32, #tpu.memory_space<vmem>> -> memref<1x128xi32, #tpu.memory_space<vmem>>
        %dma_wait3A_120 = tpu.memref_squeeze %dma_wait3A_119 : memref<1x128xi32, #tpu.memory_space<vmem>> -> memref<128xi32, #tpu.memory_space<vmem>>
        %dma_wait3A_121 = arith.constant 0 : i32
        %dma_wait3A_122 = arith.constant 0 : i32
        %dma_wait3A_123 = tpu.memref_slice %arg11[%dma_wait3A_121, %dma_wait3A_122] : memref<10240x128xf32, #tpu.memory_space<vmem_shared>> -> memref<10240x128xf32, #tpu.memory_space<vmem_shared>>
        tpu.wait_indirect_dma semaphore(%run_scoped3A : memref<!tpu.dma_semaphore, #tpu.memory_space<semaphore_mem>>) src(%arg9 : memref<128x128xf32, #tpu.memory_space<vmem>>) dst(%dma_wait3A_123 : memref<10240x128xf32, #tpu.memory_space<vmem_shared>>)
        tpu.yield
      }) : () -> ()
      %lt3A = arith.constant 15 : i32
      %lt3A_100 = arith.cmpi slt, %scan3A_84, %lt3A : i32
      %convert_element_type3A = arith.extui %lt3A_100 : i1 to i32
      %cond3A = arith.constant 0 : i32
      %cond3A_101 = arith.cmpi ne, %convert_element_type3A, %cond3A : i32
      scf.if %cond3A_101 {
        %add3A_112 = arith.constant 2 : i32
        %add3A_113 = arith.addi %mul3A_86, %add3A_112 : i32
        %dma_start3A_114 = arith.constant 0 : i32
        %dma_start3A_115 = tpu.memref_slice %arg7[%add3A_113, %dma_start3A_114] : memref<32x128xi32, #tpu.memory_space<vmem>> -> memref<1x128xi32, #tpu.memory_space<vmem>>
        %dma_start3A_116 = tpu.memref_squeeze %dma_start3A_115 : memref<1x128xi32, #tpu.memory_space<vmem>> -> memref<128xi32, #tpu.memory_space<vmem>>
        %dma_start3A_117 = arith.constant 0 : i32
        %dma_start3A_118 = arith.constant 0 : i32
        %dma_start3A_119 = tpu.memref_slice %arg2[%dma_start3A_117, %dma_start3A_118] : memref<20480x128xf32, #tpu.memory_space<hbm>> -> memref<20480x128xf32, #tpu.memory_space<hbm>>
        tpu.enqueue_indirect_dma source(%dma_start3A_119 : memref<20480x128xf32, #tpu.memory_space<hbm>>) target(%arg9 : memref<128x128xf32, #tpu.memory_space<vmem>>) offsets(%dma_start3A_116 : memref<128xi32, #tpu.memory_space<vmem>>) semaphore(%arg12 : memref<!tpu.dma_semaphore, #tpu.memory_space<semaphore_mem>>)
      } else {
      }
      %add3A_102 = arith.constant 1 : i32
      %add3A_103 = arith.addi %mul3A_86, %add3A_102 : i32
      %dma_wait3A_104 = arith.constant 0 : i32
      %dma_wait3A_105 = tpu.memref_slice %arg7[%add3A_103, %dma_wait3A_104] : memref<32x128xi32, #tpu.memory_space<vmem>> -> memref<1x128xi32, #tpu.memory_space<vmem>>
      %dma_wait3A_106 = tpu.memref_squeeze %dma_wait3A_105 : memref<1x128xi32, #tpu.memory_space<vmem>> -> memref<128xi32, #tpu.memory_space<vmem>>
      %dma_wait3A_107 = arith.constant 0 : i32
      %dma_wait3A_108 = arith.constant 0 : i32
      %dma_wait3A_109 = tpu.memref_slice %arg2[%dma_wait3A_107, %dma_wait3A_108] : memref<20480x128xf32, #tpu.memory_space<hbm>> -> memref<20480x128xf32, #tpu.memory_space<hbm>>
      tpu.wait_indirect_dma semaphore(%arg13 : memref<!tpu.dma_semaphore, #tpu.memory_space<semaphore_mem>>) src(%dma_wait3A_109 : memref<20480x128xf32, #tpu.memory_space<hbm>>) dst(%arg10 : memref<128x128xf32, #tpu.memory_space<vmem>>)
      %add3A_110 = arith.constant 1 : i32
      %add3A_111 = arith.addi %mul3A_86, %add3A_110 : i32
      "tpu.region"() ({
        %run_scoped3A = tpu.sem_alloc : memref<!tpu.dma_semaphore, #tpu.memory_space<semaphore_mem>>
        %dma_start3A_112 = arith.constant 0 : i32
        %dma_start3A_113 = tpu.memref_slice %arg8[%add3A_111, %dma_start3A_112] : memref<32x128xi32, #tpu.memory_space<vmem>> -> memref<1x128xi32, #tpu.memory_space<vmem>>
        %dma_start3A_114 = tpu.memref_squeeze %dma_start3A_113 : memref<1x128xi32, #tpu.memory_space<vmem>> -> memref<128xi32, #tpu.memory_space<vmem>>
        %dma_start3A_115 = arith.constant 0 : i32
        %dma_start3A_116 = arith.constant 0 : i32
        %dma_start3A_117 = tpu.memref_slice %arg11[%dma_start3A_115, %dma_start3A_116] : memref<10240x128xf32, #tpu.memory_space<vmem_shared>> -> memref<10240x128xf32, #tpu.memory_space<vmem_shared>>
        tpu.enqueue_indirect_dma source(%arg10 : memref<128x128xf32, #tpu.memory_space<vmem>>) target(%dma_start3A_117 : memref<10240x128xf32, #tpu.memory_space<vmem_shared>>) offsets(%dma_start3A_114 : memref<128xi32, #tpu.memory_space<vmem>>) semaphore(%run_scoped3A : memref<!tpu.dma_semaphore, #tpu.memory_space<semaphore_mem>>) {add = true}
        %dma_wait3A_118 = arith.constant 0 : i32
        %dma_wait3A_119 = tpu.memref_slice %arg8[%add3A_111, %dma_wait3A_118] : memref<32x128xi32, #tpu.memory_space<vmem>> -> memref<1x128xi32, #tpu.memory_space<vmem>>
        %dma_wait3A_120 = tpu.memref_squeeze %dma_wait3A_119 : memref<1x128xi32, #tpu.memory_space<vmem>> -> memref<128xi32, #tpu.memory_space<vmem>>
        %dma_wait3A_121 = arith.constant 0 : i32
        %dma_wait3A_122 = arith.constant 0 : i32
        %dma_wait3A_123 = tpu.memref_slice %arg11[%dma_wait3A_121, %dma_wait3A_122] : memref<10240x128xf32, #tpu.memory_space<vmem_shared>> -> memref<10240x128xf32, #tpu.memory_space<vmem_shared>>
        tpu.wait_indirect_dma semaphore(%run_scoped3A : memref<!tpu.dma_semaphore, #tpu.memory_space<semaphore_mem>>) src(%arg10 : memref<128x128xf32, #tpu.memory_space<vmem>>) dst(%dma_wait3A_123 : memref<10240x128xf32, #tpu.memory_space<vmem_shared>>)
        tpu.yield
      }) : () -> ()
    }
    %scan3A_33 = arith.constant 16 : i32
    "tpu.region"() ({
      %run_scoped3A = tpu.sem_alloc : memref<!tpu.dma_semaphore, #tpu.memory_space<semaphore_mem>>
      %dma_start3A_84 = arith.constant 64 : i32
      %dma_start3A_85 = arith.constant 0 : i32
      %dma_start3A_86 = tpu.memref_slice %arg3[%arg0, %arg1, %dma_start3A_84, %dma_start3A_85] : memref<2x16x160x128xi32, #tpu.memory_space<hbm>> -> memref<1x1x32x128xi32, #tpu.memory_space<hbm>>
      %dma_start3A_87 = tpu.memref_squeeze %dma_start3A_86 : memref<1x1x32x128xi32, #tpu.memory_space<hbm>> -> memref<32x128xi32, #tpu.memory_space<hbm>>
      %dma_start3A_88 = arith.constant 64 : i32
      %dma_start3A_89 = arith.constant 0 : i32
      %dma_start3A_90 = tpu.memref_slice %arg3[%arg0, %arg1, %dma_start3A_88, %dma_start3A_89] : memref<2x16x160x128xi32, #tpu.memory_space<hbm>> -> memref<1x1x32x128xi32, #tpu.memory_space<hbm>>
      %dma_start3A_91 = tpu.memref_squeeze %dma_start3A_90 : memref<1x1x32x128xi32, #tpu.memory_space<hbm>> -> memref<32x128xi32, #tpu.memory_space<hbm>>
      tpu.enqueue_dma source(%dma_start3A_91 : memref<32x128xi32, #tpu.memory_space<hbm>>) target(%arg7 : memref<32x128xi32, #tpu.memory_space<vmem>>) target_semaphore(%run_scoped3A : memref<!tpu.dma_semaphore, #tpu.memory_space<semaphore_mem>>)
      %dma_wait3A = arith.constant 64 : i32
      %dma_wait3A_92 = arith.constant 0 : i32
      %dma_wait3A_93 = tpu.memref_slice %arg3[%arg0, %arg1, %dma_wait3A, %dma_wait3A_92] : memref<2x16x160x128xi32, #tpu.memory_space<hbm>> -> memref<1x1x32x128xi32, #tpu.memory_space<hbm>>
      %dma_wait3A_94 = tpu.memref_squeeze %dma_wait3A_93 : memref<1x1x32x128xi32, #tpu.memory_space<hbm>> -> memref<32x128xi32, #tpu.memory_space<hbm>>
      %dma_wait3A_95 = arith.constant 64 : i32
      %dma_wait3A_96 = arith.constant 0 : i32
      %dma_wait3A_97 = tpu.memref_slice %arg3[%arg0, %arg1, %dma_wait3A_95, %dma_wait3A_96] : memref<2x16x160x128xi32, #tpu.memory_space<hbm>> -> memref<1x1x32x128xi32, #tpu.memory_space<hbm>>
      %dma_wait3A_98 = tpu.memref_squeeze %dma_wait3A_97 : memref<1x1x32x128xi32, #tpu.memory_space<hbm>> -> memref<32x128xi32, #tpu.memory_space<hbm>>
      tpu.wait_dma2 semaphore(%run_scoped3A : memref<!tpu.dma_semaphore, #tpu.memory_space<semaphore_mem>>) src(%dma_wait3A_98 : memref<32x128xi32, #tpu.memory_space<hbm>>) dst(%arg7 : memref<32x128xi32, #tpu.memory_space<vmem>>)
      tpu.yield
    }) : () -> ()
    "tpu.region"() ({
      %run_scoped3A = tpu.sem_alloc : memref<!tpu.dma_semaphore, #tpu.memory_space<semaphore_mem>>
      %dma_start3A_84 = arith.constant 64 : i32
      %dma_start3A_85 = arith.constant 0 : i32
      %dma_start3A_86 = tpu.memref_slice %arg4[%arg0, %arg1, %dma_start3A_84, %dma_start3A_85] : memref<2x16x160x128xi32, #tpu.memory_space<hbm>> -> memref<1x1x32x128xi32, #tpu.memory_space<hbm>>
      %dma_start3A_87 = tpu.memref_squeeze %dma_start3A_86 : memref<1x1x32x128xi32, #tpu.memory_space<hbm>> -> memref<32x128xi32, #tpu.memory_space<hbm>>
      %dma_start3A_88 = arith.constant 64 : i32
      %dma_start3A_89 = arith.constant 0 : i32
      %dma_start3A_90 = tpu.memref_slice %arg4[%arg0, %arg1, %dma_start3A_88, %dma_start3A_89] : memref<2x16x160x128xi32, #tpu.memory_space<hbm>> -> memref<1x1x32x128xi32, #tpu.memory_space<hbm>>
      %dma_start3A_91 = tpu.memref_squeeze %dma_start3A_90 : memref<1x1x32x128xi32, #tpu.memory_space<hbm>> -> memref<32x128xi32, #tpu.memory_space<hbm>>
      tpu.enqueue_dma source(%dma_start3A_91 : memref<32x128xi32, #tpu.memory_space<hbm>>) target(%arg8 : memref<32x128xi32, #tpu.memory_space<vmem>>) target_semaphore(%run_scoped3A : memref<!tpu.dma_semaphore, #tpu.memory_space<semaphore_mem>>)
      %dma_wait3A = arith.constant 64 : i32
      %dma_wait3A_92 = arith.constant 0 : i32
      %dma_wait3A_93 = tpu.memref_slice %arg4[%arg0, %arg1, %dma_wait3A, %dma_wait3A_92] : memref<2x16x160x128xi32, #tpu.memory_space<hbm>> -> memref<1x1x32x128xi32, #tpu.memory_space<hbm>>
      %dma_wait3A_94 = tpu.memref_squeeze %dma_wait3A_93 : memref<1x1x32x128xi32, #tpu.memory_space<hbm>> -> memref<32x128xi32, #tpu.memory_space<hbm>>
      %dma_wait3A_95 = arith.constant 64 : i32
      %dma_wait3A_96 = arith.constant 0 : i32
      %dma_wait3A_97 = tpu.memref_slice %arg4[%arg0, %arg1, %dma_wait3A_95, %dma_wait3A_96] : memref<2x16x160x128xi32, #tpu.memory_space<hbm>> -> memref<1x1x32x128xi32, #tpu.memory_space<hbm>>
      %dma_wait3A_98 = tpu.memref_squeeze %dma_wait3A_97 : memref<1x1x32x128xi32, #tpu.memory_space<hbm>> -> memref<32x128xi32, #tpu.memory_space<hbm>>
      tpu.wait_dma2 semaphore(%run_scoped3A : memref<!tpu.dma_semaphore, #tpu.memory_space<semaphore_mem>>) src(%dma_wait3A_98 : memref<32x128xi32, #tpu.memory_space<hbm>>) dst(%arg8 : memref<32x128xi32, #tpu.memory_space<vmem>>)
      tpu.yield
    }) : () -> ()
    %dma_start3A_34 = arith.constant 0 : i32
    %dma_start3A_35 = arith.constant 0 : i32
    %dma_start3A_36 = tpu.memref_slice %arg7[%dma_start3A_34, %dma_start3A_35] : memref<32x128xi32, #tpu.memory_space<vmem>> -> memref<1x128xi32, #tpu.memory_space<vmem>>
    %dma_start3A_37 = tpu.memref_squeeze %dma_start3A_36 : memref<1x128xi32, #tpu.memory_space<vmem>> -> memref<128xi32, #tpu.memory_space<vmem>>
    %dma_start3A_38 = arith.constant 0 : i32
    %dma_start3A_39 = arith.constant 0 : i32
    %dma_start3A_40 = tpu.memref_slice %arg2[%dma_start3A_38, %dma_start3A_39] : memref<20480x128xf32, #tpu.memory_space<hbm>> -> memref<20480x128xf32, #tpu.memory_space<hbm>>
    tpu.enqueue_indirect_dma source(%dma_start3A_40 : memref<20480x128xf32, #tpu.memory_space<hbm>>) target(%arg9 : memref<128x128xf32, #tpu.memory_space<vmem>>) offsets(%dma_start3A_37 : memref<128xi32, #tpu.memory_space<vmem>>) semaphore(%arg12 : memref<!tpu.dma_semaphore, #tpu.memory_space<semaphore_mem>>)
    %scan3A_41 = arith.constant 0 : i32
    %scan3A_42 = arith.constant 0 : i32
    %scan3A_43 = arith.constant 16 : i32
    %scan3A_44 = arith.addi %scan3A_42, %scan3A_43 : i32
    %scan3A_45 = arith.constant 1 : i32
    scf.for %scan3A_84 = %scan3A_42 to %scan3A_44 step %scan3A_45  : i32 {
      %mul3A_85 = arith.constant 2 : i32
      %mul3A_86 = arith.muli %mul3A_85, %scan3A_84 : i32
      %add3A_87 = arith.constant 1 : i32
      %add3A_88 = arith.addi %mul3A_86, %add3A_87 : i32
      %dma_start3A_89 = arith.constant 0 : i32
      %dma_start3A_90 = tpu.memref_slice %arg7[%add3A_88, %dma_start3A_89] : memref<32x128xi32, #tpu.memory_space<vmem>> -> memref<1x128xi32, #tpu.memory_space<vmem>>
      %dma_start3A_91 = tpu.memref_squeeze %dma_start3A_90 : memref<1x128xi32, #tpu.memory_space<vmem>> -> memref<128xi32, #tpu.memory_space<vmem>>
      %dma_start3A_92 = arith.constant 0 : i32
      %dma_start3A_93 = arith.constant 0 : i32
      %dma_start3A_94 = tpu.memref_slice %arg2[%dma_start3A_92, %dma_start3A_93] : memref<20480x128xf32, #tpu.memory_space<hbm>> -> memref<20480x128xf32, #tpu.memory_space<hbm>>
      tpu.enqueue_indirect_dma source(%dma_start3A_94 : memref<20480x128xf32, #tpu.memory_space<hbm>>) target(%arg10 : memref<128x128xf32, #tpu.memory_space<vmem>>) offsets(%dma_start3A_91 : memref<128xi32, #tpu.memory_space<vmem>>) semaphore(%arg13 : memref<!tpu.dma_semaphore, #tpu.memory_space<semaphore_mem>>)
      %dma_wait3A = arith.constant 0 : i32
      %dma_wait3A_95 = tpu.memref_slice %arg7[%mul3A_86, %dma_wait3A] : memref<32x128xi32, #tpu.memory_space<vmem>> -> memref<1x128xi32, #tpu.memory_space<vmem>>
      %dma_wait3A_96 = tpu.memref_squeeze %dma_wait3A_95 : memref<1x128xi32, #tpu.memory_space<vmem>> -> memref<128xi32, #tpu.memory_space<vmem>>
      %dma_wait3A_97 = arith.constant 0 : i32
      %dma_wait3A_98 = arith.constant 0 : i32
      %dma_wait3A_99 = tpu.memref_slice %arg2[%dma_wait3A_97, %dma_wait3A_98] : memref<20480x128xf32, #tpu.memory_space<hbm>> -> memref<20480x128xf32, #tpu.memory_space<hbm>>
      tpu.wait_indirect_dma semaphore(%arg12 : memref<!tpu.dma_semaphore, #tpu.memory_space<semaphore_mem>>) src(%dma_wait3A_99 : memref<20480x128xf32, #tpu.memory_space<hbm>>) dst(%arg9 : memref<128x128xf32, #tpu.memory_space<vmem>>)
      "tpu.region"() ({
        %run_scoped3A = tpu.sem_alloc : memref<!tpu.dma_semaphore, #tpu.memory_space<semaphore_mem>>
        %dma_start3A_112 = arith.constant 0 : i32
        %dma_start3A_113 = tpu.memref_slice %arg8[%mul3A_86, %dma_start3A_112] : memref<32x128xi32, #tpu.memory_space<vmem>> -> memref<1x128xi32, #tpu.memory_space<vmem>>
        %dma_start3A_114 = tpu.memref_squeeze %dma_start3A_113 : memref<1x128xi32, #tpu.memory_space<vmem>> -> memref<128xi32, #tpu.memory_space<vmem>>
        %dma_start3A_115 = arith.constant 0 : i32
        %dma_start3A_116 = arith.constant 0 : i32
        %dma_start3A_117 = tpu.memref_slice %arg11[%dma_start3A_115, %dma_start3A_116] : memref<10240x128xf32, #tpu.memory_space<vmem_shared>> -> memref<10240x128xf32, #tpu.memory_space<vmem_shared>>
        tpu.enqueue_indirect_dma source(%arg9 : memref<128x128xf32, #tpu.memory_space<vmem>>) target(%dma_start3A_117 : memref<10240x128xf32, #tpu.memory_space<vmem_shared>>) offsets(%dma_start3A_114 : memref<128xi32, #tpu.memory_space<vmem>>) semaphore(%run_scoped3A : memref<!tpu.dma_semaphore, #tpu.memory_space<semaphore_mem>>) {add = true}
        %dma_wait3A_118 = arith.constant 0 : i32
        %dma_wait3A_119 = tpu.memref_slice %arg8[%mul3A_86, %dma_wait3A_118] : memref<32x128xi32, #tpu.memory_space<vmem>> -> memref<1x128xi32, #tpu.memory_space<vmem>>
        %dma_wait3A_120 = tpu.memref_squeeze %dma_wait3A_119 : memref<1x128xi32, #tpu.memory_space<vmem>> -> memref<128xi32, #tpu.memory_space<vmem>>
        %dma_wait3A_121 = arith.constant 0 : i32
        %dma_wait3A_122 = arith.constant 0 : i32
        %dma_wait3A_123 = tpu.memref_slice %arg11[%dma_wait3A_121, %dma_wait3A_122] : memref<10240x128xf32, #tpu.memory_space<vmem_shared>> -> memref<10240x128xf32, #tpu.memory_space<vmem_shared>>
        tpu.wait_indirect_dma semaphore(%run_scoped3A : memref<!tpu.dma_semaphore, #tpu.memory_space<semaphore_mem>>) src(%arg9 : memref<128x128xf32, #tpu.memory_space<vmem>>) dst(%dma_wait3A_123 : memref<10240x128xf32, #tpu.memory_space<vmem_shared>>)
        tpu.yield
      }) : () -> ()
      %lt3A = arith.constant 15 : i32
      %lt3A_100 = arith.cmpi slt, %scan3A_84, %lt3A : i32
      %convert_element_type3A = arith.extui %lt3A_100 : i1 to i32
      %cond3A = arith.constant 0 : i32
      %cond3A_101 = arith.cmpi ne, %convert_element_type3A, %cond3A : i32
      scf.if %cond3A_101 {
        %add3A_112 = arith.constant 2 : i32
        %add3A_113 = arith.addi %mul3A_86, %add3A_112 : i32
        %dma_start3A_114 = arith.constant 0 : i32
        %dma_start3A_115 = tpu.memref_slice %arg7[%add3A_113, %dma_start3A_114] : memref<32x128xi32, #tpu.memory_space<vmem>> -> memref<1x128xi32, #tpu.memory_space<vmem>>
        %dma_start3A_116 = tpu.memref_squeeze %dma_start3A_115 : memref<1x128xi32, #tpu.memory_space<vmem>> -> memref<128xi32, #tpu.memory_space<vmem>>
        %dma_start3A_117 = arith.constant 0 : i32
        %dma_start3A_118 = arith.constant 0 : i32
        %dma_start3A_119 = tpu.memref_slice %arg2[%dma_start3A_117, %dma_start3A_118] : memref<20480x128xf32, #tpu.memory_space<hbm>> -> memref<20480x128xf32, #tpu.memory_space<hbm>>
        tpu.enqueue_indirect_dma source(%dma_start3A_119 : memref<20480x128xf32, #tpu.memory_space<hbm>>) target(%arg9 : memref<128x128xf32, #tpu.memory_space<vmem>>) offsets(%dma_start3A_116 : memref<128xi32, #tpu.memory_space<vmem>>) semaphore(%arg12 : memref<!tpu.dma_semaphore, #tpu.memory_space<semaphore_mem>>)
      } else {
      }
      %add3A_102 = arith.constant 1 : i32
      %add3A_103 = arith.addi %mul3A_86, %add3A_102 : i32
      %dma_wait3A_104 = arith.constant 0 : i32
      %dma_wait3A_105 = tpu.memref_slice %arg7[%add3A_103, %dma_wait3A_104] : memref<32x128xi32, #tpu.memory_space<vmem>> -> memref<1x128xi32, #tpu.memory_space<vmem>>
      %dma_wait3A_106 = tpu.memref_squeeze %dma_wait3A_105 : memref<1x128xi32, #tpu.memory_space<vmem>> -> memref<128xi32, #tpu.memory_space<vmem>>
      %dma_wait3A_107 = arith.constant 0 : i32
      %dma_wait3A_108 = arith.constant 0 : i32
      %dma_wait3A_109 = tpu.memref_slice %arg2[%dma_wait3A_107, %dma_wait3A_108] : memref<20480x128xf32, #tpu.memory_space<hbm>> -> memref<20480x128xf32, #tpu.memory_space<hbm>>
      tpu.wait_indirect_dma semaphore(%arg13 : memref<!tpu.dma_semaphore, #tpu.memory_space<semaphore_mem>>) src(%dma_wait3A_109 : memref<20480x128xf32, #tpu.memory_space<hbm>>) dst(%arg10 : memref<128x128xf32, #tpu.memory_space<vmem>>)
      %add3A_110 = arith.constant 1 : i32
      %add3A_111 = arith.addi %mul3A_86, %add3A_110 : i32
      "tpu.region"() ({
        %run_scoped3A = tpu.sem_alloc : memref<!tpu.dma_semaphore, #tpu.memory_space<semaphore_mem>>
        %dma_start3A_112 = arith.constant 0 : i32
        %dma_start3A_113 = tpu.memref_slice %arg8[%add3A_111, %dma_start3A_112] : memref<32x128xi32, #tpu.memory_space<vmem>> -> memref<1x128xi32, #tpu.memory_space<vmem>>
        %dma_start3A_114 = tpu.memref_squeeze %dma_start3A_113 : memref<1x128xi32, #tpu.memory_space<vmem>> -> memref<128xi32, #tpu.memory_space<vmem>>
        %dma_start3A_115 = arith.constant 0 : i32
        %dma_start3A_116 = arith.constant 0 : i32
        %dma_start3A_117 = tpu.memref_slice %arg11[%dma_start3A_115, %dma_start3A_116] : memref<10240x128xf32, #tpu.memory_space<vmem_shared>> -> memref<10240x128xf32, #tpu.memory_space<vmem_shared>>
        tpu.enqueue_indirect_dma source(%arg10 : memref<128x128xf32, #tpu.memory_space<vmem>>) target(%dma_start3A_117 : memref<10240x128xf32, #tpu.memory_space<vmem_shared>>) offsets(%dma_start3A_114 : memref<128xi32, #tpu.memory_space<vmem>>) semaphore(%run_scoped3A : memref<!tpu.dma_semaphore, #tpu.memory_space<semaphore_mem>>) {add = true}
        %dma_wait3A_118 = arith.constant 0 : i32
        %dma_wait3A_119 = tpu.memref_slice %arg8[%add3A_111, %dma_wait3A_118] : memref<32x128xi32, #tpu.memory_space<vmem>> -> memref<1x128xi32, #tpu.memory_space<vmem>>
        %dma_wait3A_120 = tpu.memref_squeeze %dma_wait3A_119 : memref<1x128xi32, #tpu.memory_space<vmem>> -> memref<128xi32, #tpu.memory_space<vmem>>
        %dma_wait3A_121 = arith.constant 0 : i32
        %dma_wait3A_122 = arith.constant 0 : i32
        %dma_wait3A_123 = tpu.memref_slice %arg11[%dma_wait3A_121, %dma_wait3A_122] : memref<10240x128xf32, #tpu.memory_space<vmem_shared>> -> memref<10240x128xf32, #tpu.memory_space<vmem_shared>>
        tpu.wait_indirect_dma semaphore(%run_scoped3A : memref<!tpu.dma_semaphore, #tpu.memory_space<semaphore_mem>>) src(%arg10 : memref<128x128xf32, #tpu.memory_space<vmem>>) dst(%dma_wait3A_123 : memref<10240x128xf32, #tpu.memory_space<vmem_shared>>)
        tpu.yield
      }) : () -> ()
    }
    %scan3A_46 = arith.constant 16 : i32
    "tpu.region"() ({
      %run_scoped3A = tpu.sem_alloc : memref<!tpu.dma_semaphore, #tpu.memory_space<semaphore_mem>>
      %dma_start3A_84 = arith.constant 96 : i32
      %dma_start3A_85 = arith.constant 0 : i32
      %dma_start3A_86 = tpu.memref_slice %arg3[%arg0, %arg1, %dma_start3A_84, %dma_start3A_85] : memref<2x16x160x128xi32, #tpu.memory_space<hbm>> -> memref<1x1x32x128xi32, #tpu.memory_space<hbm>>
      %dma_start3A_87 = tpu.memref_squeeze %dma_start3A_86 : memref<1x1x32x128xi32, #tpu.memory_space<hbm>> -> memref<32x128xi32, #tpu.memory_space<hbm>>
      %dma_start3A_88 = arith.constant 96 : i32
      %dma_start3A_89 = arith.constant 0 : i32
      %dma_start3A_90 = tpu.memref_slice %arg3[%arg0, %arg1, %dma_start3A_88, %dma_start3A_89] : memref<2x16x160x128xi32, #tpu.memory_space<hbm>> -> memref<1x1x32x128xi32, #tpu.memory_space<hbm>>
      %dma_start3A_91 = tpu.memref_squeeze %dma_start3A_90 : memref<1x1x32x128xi32, #tpu.memory_space<hbm>> -> memref<32x128xi32, #tpu.memory_space<hbm>>
      tpu.enqueue_dma source(%dma_start3A_91 : memref<32x128xi32, #tpu.memory_space<hbm>>) target(%arg7 : memref<32x128xi32, #tpu.memory_space<vmem>>) target_semaphore(%run_scoped3A : memref<!tpu.dma_semaphore, #tpu.memory_space<semaphore_mem>>)
      %dma_wait3A = arith.constant 96 : i32
      %dma_wait3A_92 = arith.constant 0 : i32
      %dma_wait3A_93 = tpu.memref_slice %arg3[%arg0, %arg1, %dma_wait3A, %dma_wait3A_92] : memref<2x16x160x128xi32, #tpu.memory_space<hbm>> -> memref<1x1x32x128xi32, #tpu.memory_space<hbm>>
      %dma_wait3A_94 = tpu.memref_squeeze %dma_wait3A_93 : memref<1x1x32x128xi32, #tpu.memory_space<hbm>> -> memref<32x128xi32, #tpu.memory_space<hbm>>
      %dma_wait3A_95 = arith.constant 96 : i32
      %dma_wait3A_96 = arith.constant 0 : i32
      %dma_wait3A_97 = tpu.memref_slice %arg3[%arg0, %arg1, %dma_wait3A_95, %dma_wait3A_96] : memref<2x16x160x128xi32, #tpu.memory_space<hbm>> -> memref<1x1x32x128xi32, #tpu.memory_space<hbm>>
      %dma_wait3A_98 = tpu.memref_squeeze %dma_wait3A_97 : memref<1x1x32x128xi32, #tpu.memory_space<hbm>> -> memref<32x128xi32, #tpu.memory_space<hbm>>
      tpu.wait_dma2 semaphore(%run_scoped3A : memref<!tpu.dma_semaphore, #tpu.memory_space<semaphore_mem>>) src(%dma_wait3A_98 : memref<32x128xi32, #tpu.memory_space<hbm>>) dst(%arg7 : memref<32x128xi32, #tpu.memory_space<vmem>>)
      tpu.yield
    }) : () -> ()
    "tpu.region"() ({
      %run_scoped3A = tpu.sem_alloc : memref<!tpu.dma_semaphore, #tpu.memory_space<semaphore_mem>>
      %dma_start3A_84 = arith.constant 96 : i32
      %dma_start3A_85 = arith.constant 0 : i32
      %dma_start3A_86 = tpu.memref_slice %arg4[%arg0, %arg1, %dma_start3A_84, %dma_start3A_85] : memref<2x16x160x128xi32, #tpu.memory_space<hbm>> -> memref<1x1x32x128xi32, #tpu.memory_space<hbm>>
      %dma_start3A_87 = tpu.memref_squeeze %dma_start3A_86 : memref<1x1x32x128xi32, #tpu.memory_space<hbm>> -> memref<32x128xi32, #tpu.memory_space<hbm>>
      %dma_start3A_88 = arith.constant 96 : i32
      %dma_start3A_89 = arith.constant 0 : i32
      %dma_start3A_90 = tpu.memref_slice %arg4[%arg0, %arg1, %dma_start3A_88, %dma_start3A_89] : memref<2x16x160x128xi32, #tpu.memory_space<hbm>> -> memref<1x1x32x128xi32, #tpu.memory_space<hbm>>
      %dma_start3A_91 = tpu.memref_squeeze %dma_start3A_90 : memref<1x1x32x128xi32, #tpu.memory_space<hbm>> -> memref<32x128xi32, #tpu.memory_space<hbm>>
      tpu.enqueue_dma source(%dma_start3A_91 : memref<32x128xi32, #tpu.memory_space<hbm>>) target(%arg8 : memref<32x128xi32, #tpu.memory_space<vmem>>) target_semaphore(%run_scoped3A : memref<!tpu.dma_semaphore, #tpu.memory_space<semaphore_mem>>)
      %dma_wait3A = arith.constant 96 : i32
      %dma_wait3A_92 = arith.constant 0 : i32
      %dma_wait3A_93 = tpu.memref_slice %arg4[%arg0, %arg1, %dma_wait3A, %dma_wait3A_92] : memref<2x16x160x128xi32, #tpu.memory_space<hbm>> -> memref<1x1x32x128xi32, #tpu.memory_space<hbm>>
      %dma_wait3A_94 = tpu.memref_squeeze %dma_wait3A_93 : memref<1x1x32x128xi32, #tpu.memory_space<hbm>> -> memref<32x128xi32, #tpu.memory_space<hbm>>
      %dma_wait3A_95 = arith.constant 96 : i32
      %dma_wait3A_96 = arith.constant 0 : i32
      %dma_wait3A_97 = tpu.memref_slice %arg4[%arg0, %arg1, %dma_wait3A_95, %dma_wait3A_96] : memref<2x16x160x128xi32, #tpu.memory_space<hbm>> -> memref<1x1x32x128xi32, #tpu.memory_space<hbm>>
      %dma_wait3A_98 = tpu.memref_squeeze %dma_wait3A_97 : memref<1x1x32x128xi32, #tpu.memory_space<hbm>> -> memref<32x128xi32, #tpu.memory_space<hbm>>
      tpu.wait_dma2 semaphore(%run_scoped3A : memref<!tpu.dma_semaphore, #tpu.memory_space<semaphore_mem>>) src(%dma_wait3A_98 : memref<32x128xi32, #tpu.memory_space<hbm>>) dst(%arg8 : memref<32x128xi32, #tpu.memory_space<vmem>>)
      tpu.yield
    }) : () -> ()
    %dma_start3A_47 = arith.constant 0 : i32
    %dma_start3A_48 = arith.constant 0 : i32
    %dma_start3A_49 = tpu.memref_slice %arg7[%dma_start3A_47, %dma_start3A_48] : memref<32x128xi32, #tpu.memory_space<vmem>> -> memref<1x128xi32, #tpu.memory_space<vmem>>
    %dma_start3A_50 = tpu.memref_squeeze %dma_start3A_49 : memref<1x128xi32, #tpu.memory_space<vmem>> -> memref<128xi32, #tpu.memory_space<vmem>>
    %dma_start3A_51 = arith.constant 0 : i32
    %dma_start3A_52 = arith.constant 0 : i32
    %dma_start3A_53 = tpu.memref_slice %arg2[%dma_start3A_51, %dma_start3A_52] : memref<20480x128xf32, #tpu.memory_space<hbm>> -> memref<20480x128xf32, #tpu.memory_space<hbm>>
    tpu.enqueue_indirect_dma source(%dma_start3A_53 : memref<20480x128xf32, #tpu.memory_space<hbm>>) target(%arg9 : memref<128x128xf32, #tpu.memory_space<vmem>>) offsets(%dma_start3A_50 : memref<128xi32, #tpu.memory_space<vmem>>) semaphore(%arg12 : memref<!tpu.dma_semaphore, #tpu.memory_space<semaphore_mem>>)
    %scan3A_54 = arith.constant 0 : i32
    %scan3A_55 = arith.constant 0 : i32
    %scan3A_56 = arith.constant 16 : i32
    %scan3A_57 = arith.addi %scan3A_55, %scan3A_56 : i32
    %scan3A_58 = arith.constant 1 : i32
    scf.for %scan3A_84 = %scan3A_55 to %scan3A_57 step %scan3A_58  : i32 {
      %mul3A_85 = arith.constant 2 : i32
      %mul3A_86 = arith.muli %mul3A_85, %scan3A_84 : i32
      %add3A_87 = arith.constant 1 : i32
      %add3A_88 = arith.addi %mul3A_86, %add3A_87 : i32
      %dma_start3A_89 = arith.constant 0 : i32
      %dma_start3A_90 = tpu.memref_slice %arg7[%add3A_88, %dma_start3A_89] : memref<32x128xi32, #tpu.memory_space<vmem>> -> memref<1x128xi32, #tpu.memory_space<vmem>>
      %dma_start3A_91 = tpu.memref_squeeze %dma_start3A_90 : memref<1x128xi32, #tpu.memory_space<vmem>> -> memref<128xi32, #tpu.memory_space<vmem>>
      %dma_start3A_92 = arith.constant 0 : i32
      %dma_start3A_93 = arith.constant 0 : i32
      %dma_start3A_94 = tpu.memref_slice %arg2[%dma_start3A_92, %dma_start3A_93] : memref<20480x128xf32, #tpu.memory_space<hbm>> -> memref<20480x128xf32, #tpu.memory_space<hbm>>
      tpu.enqueue_indirect_dma source(%dma_start3A_94 : memref<20480x128xf32, #tpu.memory_space<hbm>>) target(%arg10 : memref<128x128xf32, #tpu.memory_space<vmem>>) offsets(%dma_start3A_91 : memref<128xi32, #tpu.memory_space<vmem>>) semaphore(%arg13 : memref<!tpu.dma_semaphore, #tpu.memory_space<semaphore_mem>>)
      %dma_wait3A = arith.constant 0 : i32
      %dma_wait3A_95 = tpu.memref_slice %arg7[%mul3A_86, %dma_wait3A] : memref<32x128xi32, #tpu.memory_space<vmem>> -> memref<1x128xi32, #tpu.memory_space<vmem>>
      %dma_wait3A_96 = tpu.memref_squeeze %dma_wait3A_95 : memref<1x128xi32, #tpu.memory_space<vmem>> -> memref<128xi32, #tpu.memory_space<vmem>>
      %dma_wait3A_97 = arith.constant 0 : i32
      %dma_wait3A_98 = arith.constant 0 : i32
      %dma_wait3A_99 = tpu.memref_slice %arg2[%dma_wait3A_97, %dma_wait3A_98] : memref<20480x128xf32, #tpu.memory_space<hbm>> -> memref<20480x128xf32, #tpu.memory_space<hbm>>
      tpu.wait_indirect_dma semaphore(%arg12 : memref<!tpu.dma_semaphore, #tpu.memory_space<semaphore_mem>>) src(%dma_wait3A_99 : memref<20480x128xf32, #tpu.memory_space<hbm>>) dst(%arg9 : memref<128x128xf32, #tpu.memory_space<vmem>>)
      "tpu.region"() ({
        %run_scoped3A = tpu.sem_alloc : memref<!tpu.dma_semaphore, #tpu.memory_space<semaphore_mem>>
        %dma_start3A_112 = arith.constant 0 : i32
        %dma_start3A_113 = tpu.memref_slice %arg8[%mul3A_86, %dma_start3A_112] : memref<32x128xi32, #tpu.memory_space<vmem>> -> memref<1x128xi32, #tpu.memory_space<vmem>>
        %dma_start3A_114 = tpu.memref_squeeze %dma_start3A_113 : memref<1x128xi32, #tpu.memory_space<vmem>> -> memref<128xi32, #tpu.memory_space<vmem>>
        %dma_start3A_115 = arith.constant 0 : i32
        %dma_start3A_116 = arith.constant 0 : i32
        %dma_start3A_117 = tpu.memref_slice %arg11[%dma_start3A_115, %dma_start3A_116] : memref<10240x128xf32, #tpu.memory_space<vmem_shared>> -> memref<10240x128xf32, #tpu.memory_space<vmem_shared>>
        tpu.enqueue_indirect_dma source(%arg9 : memref<128x128xf32, #tpu.memory_space<vmem>>) target(%dma_start3A_117 : memref<10240x128xf32, #tpu.memory_space<vmem_shared>>) offsets(%dma_start3A_114 : memref<128xi32, #tpu.memory_space<vmem>>) semaphore(%run_scoped3A : memref<!tpu.dma_semaphore, #tpu.memory_space<semaphore_mem>>) {add = true}
        %dma_wait3A_118 = arith.constant 0 : i32
        %dma_wait3A_119 = tpu.memref_slice %arg8[%mul3A_86, %dma_wait3A_118] : memref<32x128xi32, #tpu.memory_space<vmem>> -> memref<1x128xi32, #tpu.memory_space<vmem>>
        %dma_wait3A_120 = tpu.memref_squeeze %dma_wait3A_119 : memref<1x128xi32, #tpu.memory_space<vmem>> -> memref<128xi32, #tpu.memory_space<vmem>>
        %dma_wait3A_121 = arith.constant 0 : i32
        %dma_wait3A_122 = arith.constant 0 : i32
        %dma_wait3A_123 = tpu.memref_slice %arg11[%dma_wait3A_121, %dma_wait3A_122] : memref<10240x128xf32, #tpu.memory_space<vmem_shared>> -> memref<10240x128xf32, #tpu.memory_space<vmem_shared>>
        tpu.wait_indirect_dma semaphore(%run_scoped3A : memref<!tpu.dma_semaphore, #tpu.memory_space<semaphore_mem>>) src(%arg9 : memref<128x128xf32, #tpu.memory_space<vmem>>) dst(%dma_wait3A_123 : memref<10240x128xf32, #tpu.memory_space<vmem_shared>>)
        tpu.yield
      }) : () -> ()
      %lt3A = arith.constant 15 : i32
      %lt3A_100 = arith.cmpi slt, %scan3A_84, %lt3A : i32
      %convert_element_type3A = arith.extui %lt3A_100 : i1 to i32
      %cond3A = arith.constant 0 : i32
      %cond3A_101 = arith.cmpi ne, %convert_element_type3A, %cond3A : i32
      scf.if %cond3A_101 {
        %add3A_112 = arith.constant 2 : i32
        %add3A_113 = arith.addi %mul3A_86, %add3A_112 : i32
        %dma_start3A_114 = arith.constant 0 : i32
        %dma_start3A_115 = tpu.memref_slice %arg7[%add3A_113, %dma_start3A_114] : memref<32x128xi32, #tpu.memory_space<vmem>> -> memref<1x128xi32, #tpu.memory_space<vmem>>
        %dma_start3A_116 = tpu.memref_squeeze %dma_start3A_115 : memref<1x128xi32, #tpu.memory_space<vmem>> -> memref<128xi32, #tpu.memory_space<vmem>>
        %dma_start3A_117 = arith.constant 0 : i32
        %dma_start3A_118 = arith.constant 0 : i32
        %dma_start3A_119 = tpu.memref_slice %arg2[%dma_start3A_117, %dma_start3A_118] : memref<20480x128xf32, #tpu.memory_space<hbm>> -> memref<20480x128xf32, #tpu.memory_space<hbm>>
        tpu.enqueue_indirect_dma source(%dma_start3A_119 : memref<20480x128xf32, #tpu.memory_space<hbm>>) target(%arg9 : memref<128x128xf32, #tpu.memory_space<vmem>>) offsets(%dma_start3A_116 : memref<128xi32, #tpu.memory_space<vmem>>) semaphore(%arg12 : memref<!tpu.dma_semaphore, #tpu.memory_space<semaphore_mem>>)
      } else {
      }
      %add3A_102 = arith.constant 1 : i32
      %add3A_103 = arith.addi %mul3A_86, %add3A_102 : i32
      %dma_wait3A_104 = arith.constant 0 : i32
      %dma_wait3A_105 = tpu.memref_slice %arg7[%add3A_103, %dma_wait3A_104] : memref<32x128xi32, #tpu.memory_space<vmem>> -> memref<1x128xi32, #tpu.memory_space<vmem>>
      %dma_wait3A_106 = tpu.memref_squeeze %dma_wait3A_105 : memref<1x128xi32, #tpu.memory_space<vmem>> -> memref<128xi32, #tpu.memory_space<vmem>>
      %dma_wait3A_107 = arith.constant 0 : i32
      %dma_wait3A_108 = arith.constant 0 : i32
      %dma_wait3A_109 = tpu.memref_slice %arg2[%dma_wait3A_107, %dma_wait3A_108] : memref<20480x128xf32, #tpu.memory_space<hbm>> -> memref<20480x128xf32, #tpu.memory_space<hbm>>
      tpu.wait_indirect_dma semaphore(%arg13 : memref<!tpu.dma_semaphore, #tpu.memory_space<semaphore_mem>>) src(%dma_wait3A_109 : memref<20480x128xf32, #tpu.memory_space<hbm>>) dst(%arg10 : memref<128x128xf32, #tpu.memory_space<vmem>>)
      %add3A_110 = arith.constant 1 : i32
      %add3A_111 = arith.addi %mul3A_86, %add3A_110 : i32
      "tpu.region"() ({
        %run_scoped3A = tpu.sem_alloc : memref<!tpu.dma_semaphore, #tpu.memory_space<semaphore_mem>>
        %dma_start3A_112 = arith.constant 0 : i32
        %dma_start3A_113 = tpu.memref_slice %arg8[%add3A_111, %dma_start3A_112] : memref<32x128xi32, #tpu.memory_space<vmem>> -> memref<1x128xi32, #tpu.memory_space<vmem>>
        %dma_start3A_114 = tpu.memref_squeeze %dma_start3A_113 : memref<1x128xi32, #tpu.memory_space<vmem>> -> memref<128xi32, #tpu.memory_space<vmem>>
        %dma_start3A_115 = arith.constant 0 : i32
        %dma_start3A_116 = arith.constant 0 : i32
        %dma_start3A_117 = tpu.memref_slice %arg11[%dma_start3A_115, %dma_start3A_116] : memref<10240x128xf32, #tpu.memory_space<vmem_shared>> -> memref<10240x128xf32, #tpu.memory_space<vmem_shared>>
        tpu.enqueue_indirect_dma source(%arg10 : memref<128x128xf32, #tpu.memory_space<vmem>>) target(%dma_start3A_117 : memref<10240x128xf32, #tpu.memory_space<vmem_shared>>) offsets(%dma_start3A_114 : memref<128xi32, #tpu.memory_space<vmem>>) semaphore(%run_scoped3A : memref<!tpu.dma_semaphore, #tpu.memory_space<semaphore_mem>>) {add = true}
        %dma_wait3A_118 = arith.constant 0 : i32
        %dma_wait3A_119 = tpu.memref_slice %arg8[%add3A_111, %dma_wait3A_118] : memref<32x128xi32, #tpu.memory_space<vmem>> -> memref<1x128xi32, #tpu.memory_space<vmem>>
        %dma_wait3A_120 = tpu.memref_squeeze %dma_wait3A_119 : memref<1x128xi32, #tpu.memory_space<vmem>> -> memref<128xi32, #tpu.memory_space<vmem>>
        %dma_wait3A_121 = arith.constant 0 : i32
        %dma_wait3A_122 = arith.constant 0 : i32
        %dma_wait3A_123 = tpu.memref_slice %arg11[%dma_wait3A_121, %dma_wait3A_122] : memref<10240x128xf32, #tpu.memory_space<vmem_shared>> -> memref<10240x128xf32, #tpu.memory_space<vmem_shared>>
        tpu.wait_indirect_dma semaphore(%run_scoped3A : memref<!tpu.dma_semaphore, #tpu.memory_space<semaphore_mem>>) src(%arg10 : memref<128x128xf32, #tpu.memory_space<vmem>>) dst(%dma_wait3A_123 : memref<10240x128xf32, #tpu.memory_space<vmem_shared>>)
        tpu.yield
      }) : () -> ()
    }
    %scan3A_59 = arith.constant 16 : i32
    "tpu.region"() ({
      %run_scoped3A = tpu.sem_alloc : memref<!tpu.dma_semaphore, #tpu.memory_space<semaphore_mem>>
      %dma_start3A_84 = arith.constant 128 : i32
      %dma_start3A_85 = arith.constant 0 : i32
      %dma_start3A_86 = tpu.memref_slice %arg3[%arg0, %arg1, %dma_start3A_84, %dma_start3A_85] : memref<2x16x160x128xi32, #tpu.memory_space<hbm>> -> memref<1x1x32x128xi32, #tpu.memory_space<hbm>>
      %dma_start3A_87 = tpu.memref_squeeze %dma_start3A_86 : memref<1x1x32x128xi32, #tpu.memory_space<hbm>> -> memref<32x128xi32, #tpu.memory_space<hbm>>
      %dma_start3A_88 = arith.constant 128 : i32
      %dma_start3A_89 = arith.constant 0 : i32
      %dma_start3A_90 = tpu.memref_slice %arg3[%arg0, %arg1, %dma_start3A_88, %dma_start3A_89] : memref<2x16x160x128xi32, #tpu.memory_space<hbm>> -> memref<1x1x32x128xi32, #tpu.memory_space<hbm>>
      %dma_start3A_91 = tpu.memref_squeeze %dma_start3A_90 : memref<1x1x32x128xi32, #tpu.memory_space<hbm>> -> memref<32x128xi32, #tpu.memory_space<hbm>>
      tpu.enqueue_dma source(%dma_start3A_91 : memref<32x128xi32, #tpu.memory_space<hbm>>) target(%arg7 : memref<32x128xi32, #tpu.memory_space<vmem>>) target_semaphore(%run_scoped3A : memref<!tpu.dma_semaphore, #tpu.memory_space<semaphore_mem>>)
      %dma_wait3A = arith.constant 128 : i32
      %dma_wait3A_92 = arith.constant 0 : i32
      %dma_wait3A_93 = tpu.memref_slice %arg3[%arg0, %arg1, %dma_wait3A, %dma_wait3A_92] : memref<2x16x160x128xi32, #tpu.memory_space<hbm>> -> memref<1x1x32x128xi32, #tpu.memory_space<hbm>>
      %dma_wait3A_94 = tpu.memref_squeeze %dma_wait3A_93 : memref<1x1x32x128xi32, #tpu.memory_space<hbm>> -> memref<32x128xi32, #tpu.memory_space<hbm>>
      %dma_wait3A_95 = arith.constant 128 : i32
      %dma_wait3A_96 = arith.constant 0 : i32
      %dma_wait3A_97 = tpu.memref_slice %arg3[%arg0, %arg1, %dma_wait3A_95, %dma_wait3A_96] : memref<2x16x160x128xi32, #tpu.memory_space<hbm>> -> memref<1x1x32x128xi32, #tpu.memory_space<hbm>>
      %dma_wait3A_98 = tpu.memref_squeeze %dma_wait3A_97 : memref<1x1x32x128xi32, #tpu.memory_space<hbm>> -> memref<32x128xi32, #tpu.memory_space<hbm>>
      tpu.wait_dma2 semaphore(%run_scoped3A : memref<!tpu.dma_semaphore, #tpu.memory_space<semaphore_mem>>) src(%dma_wait3A_98 : memref<32x128xi32, #tpu.memory_space<hbm>>) dst(%arg7 : memref<32x128xi32, #tpu.memory_space<vmem>>)
      tpu.yield
    }) : () -> ()
    "tpu.region"() ({
      %run_scoped3A = tpu.sem_alloc : memref<!tpu.dma_semaphore, #tpu.memory_space<semaphore_mem>>
      %dma_start3A_84 = arith.constant 128 : i32
      %dma_start3A_85 = arith.constant 0 : i32
      %dma_start3A_86 = tpu.memref_slice %arg4[%arg0, %arg1, %dma_start3A_84, %dma_start3A_85] : memref<2x16x160x128xi32, #tpu.memory_space<hbm>> -> memref<1x1x32x128xi32, #tpu.memory_space<hbm>>
      %dma_start3A_87 = tpu.memref_squeeze %dma_start3A_86 : memref<1x1x32x128xi32, #tpu.memory_space<hbm>> -> memref<32x128xi32, #tpu.memory_space<hbm>>
      %dma_start3A_88 = arith.constant 128 : i32
      %dma_start3A_89 = arith.constant 0 : i32
      %dma_start3A_90 = tpu.memref_slice %arg4[%arg0, %arg1, %dma_start3A_88, %dma_start3A_89] : memref<2x16x160x128xi32, #tpu.memory_space<hbm>> -> memref<1x1x32x128xi32, #tpu.memory_space<hbm>>
      %dma_start3A_91 = tpu.memref_squeeze %dma_start3A_90 : memref<1x1x32x128xi32, #tpu.memory_space<hbm>> -> memref<32x128xi32, #tpu.memory_space<hbm>>
      tpu.enqueue_dma source(%dma_start3A_91 : memref<32x128xi32, #tpu.memory_space<hbm>>) target(%arg8 : memref<32x128xi32, #tpu.memory_space<vmem>>) target_semaphore(%run_scoped3A : memref<!tpu.dma_semaphore, #tpu.memory_space<semaphore_mem>>)
      %dma_wait3A = arith.constant 128 : i32
      %dma_wait3A_92 = arith.constant 0 : i32
      %dma_wait3A_93 = tpu.memref_slice %arg4[%arg0, %arg1, %dma_wait3A, %dma_wait3A_92] : memref<2x16x160x128xi32, #tpu.memory_space<hbm>> -> memref<1x1x32x128xi32, #tpu.memory_space<hbm>>
      %dma_wait3A_94 = tpu.memref_squeeze %dma_wait3A_93 : memref<1x1x32x128xi32, #tpu.memory_space<hbm>> -> memref<32x128xi32, #tpu.memory_space<hbm>>
      %dma_wait3A_95 = arith.constant 128 : i32
      %dma_wait3A_96 = arith.constant 0 : i32
      %dma_wait3A_97 = tpu.memref_slice %arg4[%arg0, %arg1, %dma_wait3A_95, %dma_wait3A_96] : memref<2x16x160x128xi32, #tpu.memory_space<hbm>> -> memref<1x1x32x128xi32, #tpu.memory_space<hbm>>
      %dma_wait3A_98 = tpu.memref_squeeze %dma_wait3A_97 : memref<1x1x32x128xi32, #tpu.memory_space<hbm>> -> memref<32x128xi32, #tpu.memory_space<hbm>>
      tpu.wait_dma2 semaphore(%run_scoped3A : memref<!tpu.dma_semaphore, #tpu.memory_space<semaphore_mem>>) src(%dma_wait3A_98 : memref<32x128xi32, #tpu.memory_space<hbm>>) dst(%arg8 : memref<32x128xi32, #tpu.memory_space<vmem>>)
      tpu.yield
    }) : () -> ()
    %dma_start3A_60 = arith.constant 0 : i32
    %dma_start3A_61 = arith.constant 0 : i32
    %dma_start3A_62 = tpu.memref_slice %arg7[%dma_start3A_60, %dma_start3A_61] : memref<32x128xi32, #tpu.memory_space<vmem>> -> memref<1x128xi32, #tpu.memory_space<vmem>>
    %dma_start3A_63 = tpu.memref_squeeze %dma_start3A_62 : memref<1x128xi32, #tpu.memory_space<vmem>> -> memref<128xi32, #tpu.memory_space<vmem>>
    %dma_start3A_64 = arith.constant 0 : i32
    %dma_start3A_65 = arith.constant 0 : i32
    %dma_start3A_66 = tpu.memref_slice %arg2[%dma_start3A_64, %dma_start3A_65] : memref<20480x128xf32, #tpu.memory_space<hbm>> -> memref<20480x128xf32, #tpu.memory_space<hbm>>
    tpu.enqueue_indirect_dma source(%dma_start3A_66 : memref<20480x128xf32, #tpu.memory_space<hbm>>) target(%arg9 : memref<128x128xf32, #tpu.memory_space<vmem>>) offsets(%dma_start3A_63 : memref<128xi32, #tpu.memory_space<vmem>>) semaphore(%arg12 : memref<!tpu.dma_semaphore, #tpu.memory_space<semaphore_mem>>)
    %scan3A_67 = arith.constant 0 : i32
    %scan3A_68 = arith.constant 0 : i32
    %scan3A_69 = arith.constant 16 : i32
    %scan3A_70 = arith.addi %scan3A_68, %scan3A_69 : i32
    %scan3A_71 = arith.constant 1 : i32
    scf.for %scan3A_84 = %scan3A_68 to %scan3A_70 step %scan3A_71  : i32 {
      %mul3A_85 = arith.constant 2 : i32
      %mul3A_86 = arith.muli %mul3A_85, %scan3A_84 : i32
      %add3A_87 = arith.constant 1 : i32
      %add3A_88 = arith.addi %mul3A_86, %add3A_87 : i32
      %dma_start3A_89 = arith.constant 0 : i32
      %dma_start3A_90 = tpu.memref_slice %arg7[%add3A_88, %dma_start3A_89] : memref<32x128xi32, #tpu.memory_space<vmem>> -> memref<1x128xi32, #tpu.memory_space<vmem>>
      %dma_start3A_91 = tpu.memref_squeeze %dma_start3A_90 : memref<1x128xi32, #tpu.memory_space<vmem>> -> memref<128xi32, #tpu.memory_space<vmem>>
      %dma_start3A_92 = arith.constant 0 : i32
      %dma_start3A_93 = arith.constant 0 : i32
      %dma_start3A_94 = tpu.memref_slice %arg2[%dma_start3A_92, %dma_start3A_93] : memref<20480x128xf32, #tpu.memory_space<hbm>> -> memref<20480x128xf32, #tpu.memory_space<hbm>>
      tpu.enqueue_indirect_dma source(%dma_start3A_94 : memref<20480x128xf32, #tpu.memory_space<hbm>>) target(%arg10 : memref<128x128xf32, #tpu.memory_space<vmem>>) offsets(%dma_start3A_91 : memref<128xi32, #tpu.memory_space<vmem>>) semaphore(%arg13 : memref<!tpu.dma_semaphore, #tpu.memory_space<semaphore_mem>>)
      %dma_wait3A = arith.constant 0 : i32
      %dma_wait3A_95 = tpu.memref_slice %arg7[%mul3A_86, %dma_wait3A] : memref<32x128xi32, #tpu.memory_space<vmem>> -> memref<1x128xi32, #tpu.memory_space<vmem>>
      %dma_wait3A_96 = tpu.memref_squeeze %dma_wait3A_95 : memref<1x128xi32, #tpu.memory_space<vmem>> -> memref<128xi32, #tpu.memory_space<vmem>>
      %dma_wait3A_97 = arith.constant 0 : i32
      %dma_wait3A_98 = arith.constant 0 : i32
      %dma_wait3A_99 = tpu.memref_slice %arg2[%dma_wait3A_97, %dma_wait3A_98] : memref<20480x128xf32, #tpu.memory_space<hbm>> -> memref<20480x128xf32, #tpu.memory_space<hbm>>
      tpu.wait_indirect_dma semaphore(%arg12 : memref<!tpu.dma_semaphore, #tpu.memory_space<semaphore_mem>>) src(%dma_wait3A_99 : memref<20480x128xf32, #tpu.memory_space<hbm>>) dst(%arg9 : memref<128x128xf32, #tpu.memory_space<vmem>>)
      "tpu.region"() ({
        %run_scoped3A = tpu.sem_alloc : memref<!tpu.dma_semaphore, #tpu.memory_space<semaphore_mem>>
        %dma_start3A_112 = arith.constant 0 : i32
        %dma_start3A_113 = tpu.memref_slice %arg8[%mul3A_86, %dma_start3A_112] : memref<32x128xi32, #tpu.memory_space<vmem>> -> memref<1x128xi32, #tpu.memory_space<vmem>>
        %dma_start3A_114 = tpu.memref_squeeze %dma_start3A_113 : memref<1x128xi32, #tpu.memory_space<vmem>> -> memref<128xi32, #tpu.memory_space<vmem>>
        %dma_start3A_115 = arith.constant 0 : i32
        %dma_start3A_116 = arith.constant 0 : i32
        %dma_start3A_117 = tpu.memref_slice %arg11[%dma_start3A_115, %dma_start3A_116] : memref<10240x128xf32, #tpu.memory_space<vmem_shared>> -> memref<10240x128xf32, #tpu.memory_space<vmem_shared>>
        tpu.enqueue_indirect_dma source(%arg9 : memref<128x128xf32, #tpu.memory_space<vmem>>) target(%dma_start3A_117 : memref<10240x128xf32, #tpu.memory_space<vmem_shared>>) offsets(%dma_start3A_114 : memref<128xi32, #tpu.memory_space<vmem>>) semaphore(%run_scoped3A : memref<!tpu.dma_semaphore, #tpu.memory_space<semaphore_mem>>) {add = true}
        %dma_wait3A_118 = arith.constant 0 : i32
        %dma_wait3A_119 = tpu.memref_slice %arg8[%mul3A_86, %dma_wait3A_118] : memref<32x128xi32, #tpu.memory_space<vmem>> -> memref<1x128xi32, #tpu.memory_space<vmem>>
        %dma_wait3A_120 = tpu.memref_squeeze %dma_wait3A_119 : memref<1x128xi32, #tpu.memory_space<vmem>> -> memref<128xi32, #tpu.memory_space<vmem>>
        %dma_wait3A_121 = arith.constant 0 : i32
        %dma_wait3A_122 = arith.constant 0 : i32
        %dma_wait3A_123 = tpu.memref_slice %arg11[%dma_wait3A_121, %dma_wait3A_122] : memref<10240x128xf32, #tpu.memory_space<vmem_shared>> -> memref<10240x128xf32, #tpu.memory_space<vmem_shared>>
        tpu.wait_indirect_dma semaphore(%run_scoped3A : memref<!tpu.dma_semaphore, #tpu.memory_space<semaphore_mem>>) src(%arg9 : memref<128x128xf32, #tpu.memory_space<vmem>>) dst(%dma_wait3A_123 : memref<10240x128xf32, #tpu.memory_space<vmem_shared>>)
        tpu.yield
      }) : () -> ()
      %lt3A = arith.constant 15 : i32
      %lt3A_100 = arith.cmpi slt, %scan3A_84, %lt3A : i32
      %convert_element_type3A = arith.extui %lt3A_100 : i1 to i32
      %cond3A = arith.constant 0 : i32
      %cond3A_101 = arith.cmpi ne, %convert_element_type3A, %cond3A : i32
      scf.if %cond3A_101 {
        %add3A_112 = arith.constant 2 : i32
        %add3A_113 = arith.addi %mul3A_86, %add3A_112 : i32
        %dma_start3A_114 = arith.constant 0 : i32
        %dma_start3A_115 = tpu.memref_slice %arg7[%add3A_113, %dma_start3A_114] : memref<32x128xi32, #tpu.memory_space<vmem>> -> memref<1x128xi32, #tpu.memory_space<vmem>>
        %dma_start3A_116 = tpu.memref_squeeze %dma_start3A_115 : memref<1x128xi32, #tpu.memory_space<vmem>> -> memref<128xi32, #tpu.memory_space<vmem>>
        %dma_start3A_117 = arith.constant 0 : i32
        %dma_start3A_118 = arith.constant 0 : i32
        %dma_start3A_119 = tpu.memref_slice %arg2[%dma_start3A_117, %dma_start3A_118] : memref<20480x128xf32, #tpu.memory_space<hbm>> -> memref<20480x128xf32, #tpu.memory_space<hbm>>
        tpu.enqueue_indirect_dma source(%dma_start3A_119 : memref<20480x128xf32, #tpu.memory_space<hbm>>) target(%arg9 : memref<128x128xf32, #tpu.memory_space<vmem>>) offsets(%dma_start3A_116 : memref<128xi32, #tpu.memory_space<vmem>>) semaphore(%arg12 : memref<!tpu.dma_semaphore, #tpu.memory_space<semaphore_mem>>)
      } else {
      }
      %add3A_102 = arith.constant 1 : i32
      %add3A_103 = arith.addi %mul3A_86, %add3A_102 : i32
      %dma_wait3A_104 = arith.constant 0 : i32
      %dma_wait3A_105 = tpu.memref_slice %arg7[%add3A_103, %dma_wait3A_104] : memref<32x128xi32, #tpu.memory_space<vmem>> -> memref<1x128xi32, #tpu.memory_space<vmem>>
      %dma_wait3A_106 = tpu.memref_squeeze %dma_wait3A_105 : memref<1x128xi32, #tpu.memory_space<vmem>> -> memref<128xi32, #tpu.memory_space<vmem>>
      %dma_wait3A_107 = arith.constant 0 : i32
      %dma_wait3A_108 = arith.constant 0 : i32
      %dma_wait3A_109 = tpu.memref_slice %arg2[%dma_wait3A_107, %dma_wait3A_108] : memref<20480x128xf32, #tpu.memory_space<hbm>> -> memref<20480x128xf32, #tpu.memory_space<hbm>>
      tpu.wait_indirect_dma semaphore(%arg13 : memref<!tpu.dma_semaphore, #tpu.memory_space<semaphore_mem>>) src(%dma_wait3A_109 : memref<20480x128xf32, #tpu.memory_space<hbm>>) dst(%arg10 : memref<128x128xf32, #tpu.memory_space<vmem>>)
      %add3A_110 = arith.constant 1 : i32
      %add3A_111 = arith.addi %mul3A_86, %add3A_110 : i32
      "tpu.region"() ({
        %run_scoped3A = tpu.sem_alloc : memref<!tpu.dma_semaphore, #tpu.memory_space<semaphore_mem>>
        %dma_start3A_112 = arith.constant 0 : i32
        %dma_start3A_113 = tpu.memref_slice %arg8[%add3A_111, %dma_start3A_112] : memref<32x128xi32, #tpu.memory_space<vmem>> -> memref<1x128xi32, #tpu.memory_space<vmem>>
        %dma_start3A_114 = tpu.memref_squeeze %dma_start3A_113 : memref<1x128xi32, #tpu.memory_space<vmem>> -> memref<128xi32, #tpu.memory_space<vmem>>
        %dma_start3A_115 = arith.constant 0 : i32
        %dma_start3A_116 = arith.constant 0 : i32
        %dma_start3A_117 = tpu.memref_slice %arg11[%dma_start3A_115, %dma_start3A_116] : memref<10240x128xf32, #tpu.memory_space<vmem_shared>> -> memref<10240x128xf32, #tpu.memory_space<vmem_shared>>
        tpu.enqueue_indirect_dma source(%arg10 : memref<128x128xf32, #tpu.memory_space<vmem>>) target(%dma_start3A_117 : memref<10240x128xf32, #tpu.memory_space<vmem_shared>>) offsets(%dma_start3A_114 : memref<128xi32, #tpu.memory_space<vmem>>) semaphore(%run_scoped3A : memref<!tpu.dma_semaphore, #tpu.memory_space<semaphore_mem>>) {add = true}
        %dma_wait3A_118 = arith.constant 0 : i32
        %dma_wait3A_119 = tpu.memref_slice %arg8[%add3A_111, %dma_wait3A_118] : memref<32x128xi32, #tpu.memory_space<vmem>> -> memref<1x128xi32, #tpu.memory_space<vmem>>
        %dma_wait3A_120 = tpu.memref_squeeze %dma_wait3A_119 : memref<1x128xi32, #tpu.memory_space<vmem>> -> memref<128xi32, #tpu.memory_space<vmem>>
        %dma_wait3A_121 = arith.constant 0 : i32
        %dma_wait3A_122 = arith.constant 0 : i32
        %dma_wait3A_123 = tpu.memref_slice %arg11[%dma_wait3A_121, %dma_wait3A_122] : memref<10240x128xf32, #tpu.memory_space<vmem_shared>> -> memref<10240x128xf32, #tpu.memory_space<vmem_shared>>
        tpu.wait_indirect_dma semaphore(%run_scoped3A : memref<!tpu.dma_semaphore, #tpu.memory_space<semaphore_mem>>) src(%arg10 : memref<128x128xf32, #tpu.memory_space<vmem>>) dst(%dma_wait3A_123 : memref<10240x128xf32, #tpu.memory_space<vmem_shared>>)
        tpu.yield
      }) : () -> ()
    }
    %scan3A_72 = arith.constant 16 : i32
    %barrier3A_73 = arith.constant 0 : index
    tpu.barrier barrier_id(%barrier3A_73)
    %add3A_74 = arith.constant 0 : i32
    %add3A_75 = arith.addi %mul3A_0, %add3A_74 : i32
    "tpu.region"() ({
      %run_scoped3A = tpu.sem_alloc : memref<!tpu.dma_semaphore, #tpu.memory_space<semaphore_mem>>
      %dma_start3A_84 = arith.constant 0 : i32
      %dma_start3A_85 = tpu.memref_slice %arg11[%add3A_75, %dma_start3A_84] : memref<10240x128xf32, #tpu.memory_space<vmem_shared>> -> memref<128x128xf32, #tpu.memory_space<vmem_shared>>
      %dma_start3A_86 = arith.constant 0 : i32
      %dma_start3A_87 = tpu.memref_slice %arg11[%add3A_75, %dma_start3A_86] : memref<10240x128xf32, #tpu.memory_space<vmem_shared>> -> memref<128x128xf32, #tpu.memory_space<vmem_shared>>
      tpu.enqueue_dma source(%dma_start3A_87 : memref<128x128xf32, #tpu.memory_space<vmem_shared>>) target(%arg9 : memref<128x128xf32, #tpu.memory_space<vmem>>) target_semaphore(%run_scoped3A : memref<!tpu.dma_semaphore, #tpu.memory_space<semaphore_mem>>)
      %dma_wait3A = arith.constant 0 : i32
      %dma_wait3A_88 = tpu.memref_slice %arg11[%add3A_75, %dma_wait3A] : memref<10240x128xf32, #tpu.memory_space<vmem_shared>> -> memref<128x128xf32, #tpu.memory_space<vmem_shared>>
      %dma_wait3A_89 = arith.constant 0 : i32
      %dma_wait3A_90 = tpu.memref_slice %arg11[%add3A_75, %dma_wait3A_89] : memref<10240x128xf32, #tpu.memory_space<vmem_shared>> -> memref<128x128xf32, #tpu.memory_space<vmem_shared>>
      tpu.wait_dma2 semaphore(%run_scoped3A : memref<!tpu.dma_semaphore, #tpu.memory_space<semaphore_mem>>) src(%dma_wait3A_90 : memref<128x128xf32, #tpu.memory_space<vmem_shared>>) dst(%arg9 : memref<128x128xf32, #tpu.memory_space<vmem>>)
      tpu.yield
    }) : () -> ()
    "tpu.region"() ({
      %run_scoped3A = tpu.sem_alloc : memref<!tpu.dma_semaphore, #tpu.memory_space<semaphore_mem>>
      %dma_start3A_84 = arith.constant 0 : i32
      %dma_start3A_85 = tpu.memref_slice %arg6[%arg0, %add3A_75, %dma_start3A_84] : memref<2x10240x128xf32, #tpu.memory_space<hbm>> -> memref<1x128x128xf32, #tpu.memory_space<hbm>>
      %dma_start3A_86 = tpu.memref_squeeze %dma_start3A_85 : memref<1x128x128xf32, #tpu.memory_space<hbm>> -> memref<128x128xf32, #tpu.memory_space<hbm>>
      %dma_start3A_87 = arith.constant 0 : i32
      %dma_start3A_88 = tpu.memref_slice %arg6[%arg0, %add3A_75, %dma_start3A_87] : memref<2x10240x128xf32, #tpu.memory_space<hbm>> -> memref<1x128x128xf32, #tpu.memory_space<hbm>>
      %dma_start3A_89 = tpu.memref_squeeze %dma_start3A_88 : memref<1x128x128xf32, #tpu.memory_space<hbm>> -> memref<128x128xf32, #tpu.memory_space<hbm>>
      tpu.enqueue_dma source(%arg9 : memref<128x128xf32, #tpu.memory_space<vmem>>) target(%dma_start3A_89 : memref<128x128xf32, #tpu.memory_space<hbm>>) target_semaphore(%run_scoped3A : memref<!tpu.dma_semaphore, #tpu.memory_space<semaphore_mem>>)
      %dma_wait3A = arith.constant 0 : i32
      %dma_wait3A_90 = tpu.memref_slice %arg6[%arg0, %add3A_75, %dma_wait3A] : memref<2x10240x128xf32, #tpu.memory_space<hbm>> -> memref<1x128x128xf32, #tpu.memory_space<hbm>>
      %dma_wait3A_91 = tpu.memref_squeeze %dma_wait3A_90 : memref<1x128x128xf32, #tpu.memory_space<hbm>> -> memref<128x128xf32, #tpu.memory_space<hbm>>
      %dma_wait3A_92 = arith.constant 0 : i32
      %dma_wait3A_93 = tpu.memref_slice %arg6[%arg0, %add3A_75, %dma_wait3A_92] : memref<2x10240x128xf32, #tpu.memory_space<hbm>> -> memref<1x128x128xf32, #tpu.memory_space<hbm>>
      %dma_wait3A_94 = tpu.memref_squeeze %dma_wait3A_93 : memref<1x128x128xf32, #tpu.memory_space<hbm>> -> memref<128x128xf32, #tpu.memory_space<hbm>>
      tpu.wait_dma2 semaphore(%run_scoped3A : memref<!tpu.dma_semaphore, #tpu.memory_space<semaphore_mem>>) src(%arg9 : memref<128x128xf32, #tpu.memory_space<vmem>>) dst(%dma_wait3A_94 : memref<128x128xf32, #tpu.memory_space<hbm>>)
      tpu.yield
    }) : () -> ()
    %add3A_76 = arith.constant 128 : i32
    %add3A_77 = arith.addi %mul3A_0, %add3A_76 : i32
    "tpu.region"() ({
      %run_scoped3A = tpu.sem_alloc : memref<!tpu.dma_semaphore, #tpu.memory_space<semaphore_mem>>
      %dma_start3A_84 = arith.constant 0 : i32
      %dma_start3A_85 = tpu.memref_slice %arg11[%add3A_77, %dma_start3A_84] : memref<10240x128xf32, #tpu.memory_space<vmem_shared>> -> memref<128x128xf32, #tpu.memory_space<vmem_shared>>
      %dma_start3A_86 = arith.constant 0 : i32
      %dma_start3A_87 = tpu.memref_slice %arg11[%add3A_77, %dma_start3A_86] : memref<10240x128xf32, #tpu.memory_space<vmem_shared>> -> memref<128x128xf32, #tpu.memory_space<vmem_shared>>
      tpu.enqueue_dma source(%dma_start3A_87 : memref<128x128xf32, #tpu.memory_space<vmem_shared>>) target(%arg9 : memref<128x128xf32, #tpu.memory_space<vmem>>) target_semaphore(%run_scoped3A : memref<!tpu.dma_semaphore, #tpu.memory_space<semaphore_mem>>)
      %dma_wait3A = arith.constant 0 : i32
      %dma_wait3A_88 = tpu.memref_slice %arg11[%add3A_77, %dma_wait3A] : memref<10240x128xf32, #tpu.memory_space<vmem_shared>> -> memref<128x128xf32, #tpu.memory_space<vmem_shared>>
      %dma_wait3A_89 = arith.constant 0 : i32
      %dma_wait3A_90 = tpu.memref_slice %arg11[%add3A_77, %dma_wait3A_89] : memref<10240x128xf32, #tpu.memory_space<vmem_shared>> -> memref<128x128xf32, #tpu.memory_space<vmem_shared>>
      tpu.wait_dma2 semaphore(%run_scoped3A : memref<!tpu.dma_semaphore, #tpu.memory_space<semaphore_mem>>) src(%dma_wait3A_90 : memref<128x128xf32, #tpu.memory_space<vmem_shared>>) dst(%arg9 : memref<128x128xf32, #tpu.memory_space<vmem>>)
      tpu.yield
    }) : () -> ()
    "tpu.region"() ({
      %run_scoped3A = tpu.sem_alloc : memref<!tpu.dma_semaphore, #tpu.memory_space<semaphore_mem>>
      %dma_start3A_84 = arith.constant 0 : i32
      %dma_start3A_85 = tpu.memref_slice %arg6[%arg0, %add3A_77, %dma_start3A_84] : memref<2x10240x128xf32, #tpu.memory_space<hbm>> -> memref<1x128x128xf32, #tpu.memory_space<hbm>>
      %dma_start3A_86 = tpu.memref_squeeze %dma_start3A_85 : memref<1x128x128xf32, #tpu.memory_space<hbm>> -> memref<128x128xf32, #tpu.memory_space<hbm>>
      %dma_start3A_87 = arith.constant 0 : i32
      %dma_start3A_88 = tpu.memref_slice %arg6[%arg0, %add3A_77, %dma_start3A_87] : memref<2x10240x128xf32, #tpu.memory_space<hbm>> -> memref<1x128x128xf32, #tpu.memory_space<hbm>>
      %dma_start3A_89 = tpu.memref_squeeze %dma_start3A_88 : memref<1x128x128xf32, #tpu.memory_space<hbm>> -> memref<128x128xf32, #tpu.memory_space<hbm>>
      tpu.enqueue_dma source(%arg9 : memref<128x128xf32, #tpu.memory_space<vmem>>) target(%dma_start3A_89 : memref<128x128xf32, #tpu.memory_space<hbm>>) target_semaphore(%run_scoped3A : memref<!tpu.dma_semaphore, #tpu.memory_space<semaphore_mem>>)
      %dma_wait3A = arith.constant 0 : i32
      %dma_wait3A_90 = tpu.memref_slice %arg6[%arg0, %add3A_77, %dma_wait3A] : memref<2x10240x128xf32, #tpu.memory_space<hbm>> -> memref<1x128x128xf32, #tpu.memory_space<hbm>>
      %dma_wait3A_91 = tpu.memref_squeeze %dma_wait3A_90 : memref<1x128x128xf32, #tpu.memory_space<hbm>> -> memref<128x128xf32, #tpu.memory_space<hbm>>
      %dma_wait3A_92 = arith.constant 0 : i32
      %dma_wait3A_93 = tpu.memref_slice %arg6[%arg0, %add3A_77, %dma_wait3A_92] : memref<2x10240x128xf32, #tpu.memory_space<hbm>> -> memref<1x128x128xf32, #tpu.memory_space<hbm>>
      %dma_wait3A_94 = tpu.memref_squeeze %dma_wait3A_93 : memref<1x128x128xf32, #tpu.memory_space<hbm>> -> memref<128x128xf32, #tpu.memory_space<hbm>>
      tpu.wait_dma2 semaphore(%run_scoped3A : memref<!tpu.dma_semaphore, #tpu.memory_space<semaphore_mem>>) src(%arg9 : memref<128x128xf32, #tpu.memory_space<vmem>>) dst(%dma_wait3A_94 : memref<128x128xf32, #tpu.memory_space<hbm>>)
      tpu.yield
    }) : () -> ()
    %add3A_78 = arith.constant 256 : i32
    %add3A_79 = arith.addi %mul3A_0, %add3A_78 : i32
    "tpu.region"() ({
      %run_scoped3A = tpu.sem_alloc : memref<!tpu.dma_semaphore, #tpu.memory_space<semaphore_mem>>
      %dma_start3A_84 = arith.constant 0 : i32
      %dma_start3A_85 = tpu.memref_slice %arg11[%add3A_79, %dma_start3A_84] : memref<10240x128xf32, #tpu.memory_space<vmem_shared>> -> memref<128x128xf32, #tpu.memory_space<vmem_shared>>
      %dma_start3A_86 = arith.constant 0 : i32
      %dma_start3A_87 = tpu.memref_slice %arg11[%add3A_79, %dma_start3A_86] : memref<10240x128xf32, #tpu.memory_space<vmem_shared>> -> memref<128x128xf32, #tpu.memory_space<vmem_shared>>
      tpu.enqueue_dma source(%dma_start3A_87 : memref<128x128xf32, #tpu.memory_space<vmem_shared>>) target(%arg9 : memref<128x128xf32, #tpu.memory_space<vmem>>) target_semaphore(%run_scoped3A : memref<!tpu.dma_semaphore, #tpu.memory_space<semaphore_mem>>)
      %dma_wait3A = arith.constant 0 : i32
      %dma_wait3A_88 = tpu.memref_slice %arg11[%add3A_79, %dma_wait3A] : memref<10240x128xf32, #tpu.memory_space<vmem_shared>> -> memref<128x128xf32, #tpu.memory_space<vmem_shared>>
      %dma_wait3A_89 = arith.constant 0 : i32
      %dma_wait3A_90 = tpu.memref_slice %arg11[%add3A_79, %dma_wait3A_89] : memref<10240x128xf32, #tpu.memory_space<vmem_shared>> -> memref<128x128xf32, #tpu.memory_space<vmem_shared>>
      tpu.wait_dma2 semaphore(%run_scoped3A : memref<!tpu.dma_semaphore, #tpu.memory_space<semaphore_mem>>) src(%dma_wait3A_90 : memref<128x128xf32, #tpu.memory_space<vmem_shared>>) dst(%arg9 : memref<128x128xf32, #tpu.memory_space<vmem>>)
      tpu.yield
    }) : () -> ()
    "tpu.region"() ({
      %run_scoped3A = tpu.sem_alloc : memref<!tpu.dma_semaphore, #tpu.memory_space<semaphore_mem>>
      %dma_start3A_84 = arith.constant 0 : i32
      %dma_start3A_85 = tpu.memref_slice %arg6[%arg0, %add3A_79, %dma_start3A_84] : memref<2x10240x128xf32, #tpu.memory_space<hbm>> -> memref<1x128x128xf32, #tpu.memory_space<hbm>>
      %dma_start3A_86 = tpu.memref_squeeze %dma_start3A_85 : memref<1x128x128xf32, #tpu.memory_space<hbm>> -> memref<128x128xf32, #tpu.memory_space<hbm>>
      %dma_start3A_87 = arith.constant 0 : i32
      %dma_start3A_88 = tpu.memref_slice %arg6[%arg0, %add3A_79, %dma_start3A_87] : memref<2x10240x128xf32, #tpu.memory_space<hbm>> -> memref<1x128x128xf32, #tpu.memory_space<hbm>>
      %dma_start3A_89 = tpu.memref_squeeze %dma_start3A_88 : memref<1x128x128xf32, #tpu.memory_space<hbm>> -> memref<128x128xf32, #tpu.memory_space<hbm>>
      tpu.enqueue_dma source(%arg9 : memref<128x128xf32, #tpu.memory_space<vmem>>) target(%dma_start3A_89 : memref<128x128xf32, #tpu.memory_space<hbm>>) target_semaphore(%run_scoped3A : memref<!tpu.dma_semaphore, #tpu.memory_space<semaphore_mem>>)
      %dma_wait3A = arith.constant 0 : i32
      %dma_wait3A_90 = tpu.memref_slice %arg6[%arg0, %add3A_79, %dma_wait3A] : memref<2x10240x128xf32, #tpu.memory_space<hbm>> -> memref<1x128x128xf32, #tpu.memory_space<hbm>>
      %dma_wait3A_91 = tpu.memref_squeeze %dma_wait3A_90 : memref<1x128x128xf32, #tpu.memory_space<hbm>> -> memref<128x128xf32, #tpu.memory_space<hbm>>
      %dma_wait3A_92 = arith.constant 0 : i32
      %dma_wait3A_93 = tpu.memref_slice %arg6[%arg0, %add3A_79, %dma_wait3A_92] : memref<2x10240x128xf32, #tpu.memory_space<hbm>> -> memref<1x128x128xf32, #tpu.memory_space<hbm>>
      %dma_wait3A_94 = tpu.memref_squeeze %dma_wait3A_93 : memref<1x128x128xf32, #tpu.memory_space<hbm>> -> memref<128x128xf32, #tpu.memory_space<hbm>>
      tpu.wait_dma2 semaphore(%run_scoped3A : memref<!tpu.dma_semaphore, #tpu.memory_space<semaphore_mem>>) src(%arg9 : memref<128x128xf32, #tpu.memory_space<vmem>>) dst(%dma_wait3A_94 : memref<128x128xf32, #tpu.memory_space<hbm>>)
      tpu.yield
    }) : () -> ()
    %add3A_80 = arith.constant 384 : i32
    %add3A_81 = arith.addi %mul3A_0, %add3A_80 : i32
    "tpu.region"() ({
      %run_scoped3A = tpu.sem_alloc : memref<!tpu.dma_semaphore, #tpu.memory_space<semaphore_mem>>
      %dma_start3A_84 = arith.constant 0 : i32
      %dma_start3A_85 = tpu.memref_slice %arg11[%add3A_81, %dma_start3A_84] : memref<10240x128xf32, #tpu.memory_space<vmem_shared>> -> memref<128x128xf32, #tpu.memory_space<vmem_shared>>
      %dma_start3A_86 = arith.constant 0 : i32
      %dma_start3A_87 = tpu.memref_slice %arg11[%add3A_81, %dma_start3A_86] : memref<10240x128xf32, #tpu.memory_space<vmem_shared>> -> memref<128x128xf32, #tpu.memory_space<vmem_shared>>
      tpu.enqueue_dma source(%dma_start3A_87 : memref<128x128xf32, #tpu.memory_space<vmem_shared>>) target(%arg9 : memref<128x128xf32, #tpu.memory_space<vmem>>) target_semaphore(%run_scoped3A : memref<!tpu.dma_semaphore, #tpu.memory_space<semaphore_mem>>)
      %dma_wait3A = arith.constant 0 : i32
      %dma_wait3A_88 = tpu.memref_slice %arg11[%add3A_81, %dma_wait3A] : memref<10240x128xf32, #tpu.memory_space<vmem_shared>> -> memref<128x128xf32, #tpu.memory_space<vmem_shared>>
      %dma_wait3A_89 = arith.constant 0 : i32
      %dma_wait3A_90 = tpu.memref_slice %arg11[%add3A_81, %dma_wait3A_89] : memref<10240x128xf32, #tpu.memory_space<vmem_shared>> -> memref<128x128xf32, #tpu.memory_space<vmem_shared>>
      tpu.wait_dma2 semaphore(%run_scoped3A : memref<!tpu.dma_semaphore, #tpu.memory_space<semaphore_mem>>) src(%dma_wait3A_90 : memref<128x128xf32, #tpu.memory_space<vmem_shared>>) dst(%arg9 : memref<128x128xf32, #tpu.memory_space<vmem>>)
      tpu.yield
    }) : () -> ()
    "tpu.region"() ({
      %run_scoped3A = tpu.sem_alloc : memref<!tpu.dma_semaphore, #tpu.memory_space<semaphore_mem>>
      %dma_start3A_84 = arith.constant 0 : i32
      %dma_start3A_85 = tpu.memref_slice %arg6[%arg0, %add3A_81, %dma_start3A_84] : memref<2x10240x128xf32, #tpu.memory_space<hbm>> -> memref<1x128x128xf32, #tpu.memory_space<hbm>>
      %dma_start3A_86 = tpu.memref_squeeze %dma_start3A_85 : memref<1x128x128xf32, #tpu.memory_space<hbm>> -> memref<128x128xf32, #tpu.memory_space<hbm>>
      %dma_start3A_87 = arith.constant 0 : i32
      %dma_start3A_88 = tpu.memref_slice %arg6[%arg0, %add3A_81, %dma_start3A_87] : memref<2x10240x128xf32, #tpu.memory_space<hbm>> -> memref<1x128x128xf32, #tpu.memory_space<hbm>>
      %dma_start3A_89 = tpu.memref_squeeze %dma_start3A_88 : memref<1x128x128xf32, #tpu.memory_space<hbm>> -> memref<128x128xf32, #tpu.memory_space<hbm>>
      tpu.enqueue_dma source(%arg9 : memref<128x128xf32, #tpu.memory_space<vmem>>) target(%dma_start3A_89 : memref<128x128xf32, #tpu.memory_space<hbm>>) target_semaphore(%run_scoped3A : memref<!tpu.dma_semaphore, #tpu.memory_space<semaphore_mem>>)
      %dma_wait3A = arith.constant 0 : i32
      %dma_wait3A_90 = tpu.memref_slice %arg6[%arg0, %add3A_81, %dma_wait3A] : memref<2x10240x128xf32, #tpu.memory_space<hbm>> -> memref<1x128x128xf32, #tpu.memory_space<hbm>>
      %dma_wait3A_91 = tpu.memref_squeeze %dma_wait3A_90 : memref<1x128x128xf32, #tpu.memory_space<hbm>> -> memref<128x128xf32, #tpu.memory_space<hbm>>
      %dma_wait3A_92 = arith.constant 0 : i32
      %dma_wait3A_93 = tpu.memref_slice %arg6[%arg0, %add3A_81, %dma_wait3A_92] : memref<2x10240x128xf32, #tpu.memory_space<hbm>> -> memref<1x128x128xf32, #tpu.memory_space<hbm>>
      %dma_wait3A_94 = tpu.memref_squeeze %dma_wait3A_93 : memref<1x128x128xf32, #tpu.memory_space<hbm>> -> memref<128x128xf32, #tpu.memory_space<hbm>>
      tpu.wait_dma2 semaphore(%run_scoped3A : memref<!tpu.dma_semaphore, #tpu.memory_space<semaphore_mem>>) src(%arg9 : memref<128x128xf32, #tpu.memory_space<vmem>>) dst(%dma_wait3A_94 : memref<128x128xf32, #tpu.memory_space<hbm>>)
      tpu.yield
    }) : () -> ()
    %add3A_82 = arith.constant 512 : i32
    %add3A_83 = arith.addi %mul3A_0, %add3A_82 : i32
    "tpu.region"() ({
      %run_scoped3A = tpu.sem_alloc : memref<!tpu.dma_semaphore, #tpu.memory_space<semaphore_mem>>
      %dma_start3A_84 = arith.constant 0 : i32
      %dma_start3A_85 = tpu.memref_slice %arg11[%add3A_83, %dma_start3A_84] : memref<10240x128xf32, #tpu.memory_space<vmem_shared>> -> memref<128x128xf32, #tpu.memory_space<vmem_shared>>
      %dma_start3A_86 = arith.constant 0 : i32
      %dma_start3A_87 = tpu.memref_slice %arg11[%add3A_83, %dma_start3A_86] : memref<10240x128xf32, #tpu.memory_space<vmem_shared>> -> memref<128x128xf32, #tpu.memory_space<vmem_shared>>
      tpu.enqueue_dma source(%dma_start3A_87 : memref<128x128xf32, #tpu.memory_space<vmem_shared>>) target(%arg9 : memref<128x128xf32, #tpu.memory_space<vmem>>) target_semaphore(%run_scoped3A : memref<!tpu.dma_semaphore, #tpu.memory_space<semaphore_mem>>)
      %dma_wait3A = arith.constant 0 : i32
      %dma_wait3A_88 = tpu.memref_slice %arg11[%add3A_83, %dma_wait3A] : memref<10240x128xf32, #tpu.memory_space<vmem_shared>> -> memref<128x128xf32, #tpu.memory_space<vmem_shared>>
      %dma_wait3A_89 = arith.constant 0 : i32
      %dma_wait3A_90 = tpu.memref_slice %arg11[%add3A_83, %dma_wait3A_89] : memref<10240x128xf32, #tpu.memory_space<vmem_shared>> -> memref<128x128xf32, #tpu.memory_space<vmem_shared>>
      tpu.wait_dma2 semaphore(%run_scoped3A : memref<!tpu.dma_semaphore, #tpu.memory_space<semaphore_mem>>) src(%dma_wait3A_90 : memref<128x128xf32, #tpu.memory_space<vmem_shared>>) dst(%arg9 : memref<128x128xf32, #tpu.memory_space<vmem>>)
      tpu.yield
    }) : () -> ()
    "tpu.region"() ({
      %run_scoped3A = tpu.sem_alloc : memref<!tpu.dma_semaphore, #tpu.memory_space<semaphore_mem>>
      %dma_start3A_84 = arith.constant 0 : i32
      %dma_start3A_85 = tpu.memref_slice %arg6[%arg0, %add3A_83, %dma_start3A_84] : memref<2x10240x128xf32, #tpu.memory_space<hbm>> -> memref<1x128x128xf32, #tpu.memory_space<hbm>>
      %dma_start3A_86 = tpu.memref_squeeze %dma_start3A_85 : memref<1x128x128xf32, #tpu.memory_space<hbm>> -> memref<128x128xf32, #tpu.memory_space<hbm>>
      %dma_start3A_87 = arith.constant 0 : i32
      %dma_start3A_88 = tpu.memref_slice %arg6[%arg0, %add3A_83, %dma_start3A_87] : memref<2x10240x128xf32, #tpu.memory_space<hbm>> -> memref<1x128x128xf32, #tpu.memory_space<hbm>>
      %dma_start3A_89 = tpu.memref_squeeze %dma_start3A_88 : memref<1x128x128xf32, #tpu.memory_space<hbm>> -> memref<128x128xf32, #tpu.memory_space<hbm>>
      tpu.enqueue_dma source(%arg9 : memref<128x128xf32, #tpu.memory_space<vmem>>) target(%dma_start3A_89 : memref<128x128xf32, #tpu.memory_space<hbm>>) target_semaphore(%run_scoped3A : memref<!tpu.dma_semaphore, #tpu.memory_space<semaphore_mem>>)
      %dma_wait3A = arith.constant 0 : i32
      %dma_wait3A_90 = tpu.memref_slice %arg6[%arg0, %add3A_83, %dma_wait3A] : memref<2x10240x128xf32, #tpu.memory_space<hbm>> -> memref<1x128x128xf32, #tpu.memory_space<hbm>>
      %dma_wait3A_91 = tpu.memref_squeeze %dma_wait3A_90 : memref<1x128x128xf32, #tpu.memory_space<hbm>> -> memref<128x128xf32, #tpu.memory_space<hbm>>
      %dma_wait3A_92 = arith.constant 0 : i32
      %dma_wait3A_93 = tpu.memref_slice %arg6[%arg0, %add3A_83, %dma_wait3A_92] : memref<2x10240x128xf32, #tpu.memory_space<hbm>> -> memref<1x128x128xf32, #tpu.memory_space<hbm>>
      %dma_wait3A_94 = tpu.memref_squeeze %dma_wait3A_93 : memref<1x128x128xf32, #tpu.memory_space<hbm>> -> memref<128x128xf32, #tpu.memory_space<hbm>>
      tpu.wait_dma2 semaphore(%run_scoped3A : memref<!tpu.dma_semaphore, #tpu.memory_space<semaphore_mem>>) src(%arg9 : memref<128x128xf32, #tpu.memory_space<vmem>>) dst(%dma_wait3A_94 : memref<128x128xf32, #tpu.memory_space<hbm>>)
      tpu.yield
    }) : () -> ()
    return
  }
}

module attributes {stable_mosaic.version = 14 : i64} {
  func.func @_tc_norm_body(%arg0: i32, %arg1: i32, %arg2: memref<1x1280x128xf32, #tpu.memory_space<vmem>>, %arg3: memref<1x1x1280xf32, #tpu.memory_space<vmem>>, %arg4: memref<1x1280x128xf32, #tpu.memory_space<vmem>>) attributes {dimension_semantics = [#tpu.dimension_semantics<arbitrary>, #tpu.dimension_semantics<arbitrary>], iteration_bounds = array<i64: 2, 8>, scalar_prefetch = 0 : i64, scratch_operands = 0 : i64, tpu.core_type = #tpu.core_type<tc>, window_params = [{transform_indices = @transform_0, window_bounds = array<i64: 1, 1280, 128>}, {transform_indices = @transform_1, window_bounds = array<i64: 1, 1, 1280>}, {transform_indices = @transform_2, window_bounds = array<i64: 1, 1280, 128>}]} {
    %get3A = arith.constant 0 : index
    %get3A_0 = arith.constant 0 : index
    %get3A_1 = arith.constant 0 : index
    %get3A_2 = vector.load %arg2[%get3A, %get3A_0, %get3A_1] : memref<1x1280x128xf32, #tpu.memory_space<vmem>>, vector<1x1280x128xf32>
    %get3A_3 = vector.shape_cast %get3A_2 : vector<1x1280x128xf32> to vector<1280x128xf32>
    %get3A_4 = arith.constant 0 : index
    %get3A_5 = arith.constant 0 : index
    %get3A_6 = arith.constant 0 : index
    %get3A_7 = vector.load %arg3[%get3A_4, %get3A_5, %get3A_6] : memref<1x1x1280xf32, #tpu.memory_space<vmem>>, vector<1x1x1280xf32>
    %reshape3A = vector.shape_cast %get3A_7 : vector<1x1x1280xf32> to vector<1280x1xf32>
    %mul3A = vector.broadcast %reshape3A : vector<1280x1xf32> to vector<1280x128xf32>
    %mul3A_8 = arith.mulf %get3A_3, %mul3A : vector<1280x128xf32>
    %swap3A = arith.constant 0 : index
    %swap3A_9 = arith.constant 0 : index
    %swap3A_10 = arith.constant 0 : index
    %swap3A_11 = vector.load %arg4[%swap3A, %swap3A_9, %swap3A_10] : memref<1x1280x128xf32, #tpu.memory_space<vmem>>, vector<1x1280x128xf32>
    %swap3A_12 = vector.shape_cast %swap3A_11 : vector<1x1280x128xf32> to vector<1280x128xf32>
    %swap3A_13 = vector.shape_cast %mul3A_8 : vector<1280x128xf32> to vector<1x1280x128xf32>
    tpu.vector_store %arg4[%swap3A, %swap3A_9, %swap3A_10], %swap3A_13 {strides = array<i32>} : memref<1x1280x128xf32, #tpu.memory_space<vmem>>, vector<1x1280x128xf32>,
    return
  }
  func.func @transform_0(%arg0: i32, %arg1: i32) -> (i32, i32, i32) {
    %c0_i32 = arith.constant 0 : i32
    %c0_i32_0 = arith.constant 0 : i32
    return %arg0, %arg1, %c0_i32 : i32, i32, i32
  }
  func.func @transform_1(%arg0: i32, %arg1: i32) -> (i32, i32, i32) {
    %c0_i32 = arith.constant 0 : i32
    %c0_i32_0 = arith.constant 0 : i32
    return %arg0, %c0_i32, %arg1 : i32, i32, i32
  }
  func.func @transform_2(%arg0: i32, %arg1: i32) -> (i32, i32, i32) {
    %c0_i32 = arith.constant 0 : i32
    %c0_i32_0 = arith.constant 0 : i32
    return %arg0, %arg1, %c0_i32 : i32, i32, i32
  }
}

module attributes {stable_mosaic.version = 14 : i64} {
  func.func @_tc_mid_body(%arg0: i32, %arg1: i32, %arg2: memref<1x1280x128xf32, #tpu.memory_space<vmem>>, %arg3: memref<1x1x1280xf32, #tpu.memory_space<vmem>>, %arg4: memref<1x1x1280xf32, #tpu.memory_space<vmem>>, %arg5: memref<128x128xf32, #tpu.memory_space<vmem>>, %arg6: memref<1x128xf32, #tpu.memory_space<vmem>>, %arg7: memref<1x1280x128xf32, #tpu.memory_space<vmem>>) attributes {dimension_semantics = [#tpu.dimension_semantics<arbitrary>, #tpu.dimension_semantics<arbitrary>], iteration_bounds = array<i64: 2, 8>, scalar_prefetch = 0 : i64, scratch_operands = 0 : i64, tpu.core_type = #tpu.core_type<tc>, window_params = [{transform_indices = @transform_0, window_bounds = array<i64: 1, 1280, 128>}, {transform_indices = @transform_1, window_bounds = array<i64: 1, 1, 1280>}, {transform_indices = @transform_2, window_bounds = array<i64: 1, 1, 1280>}, {pipeline_mode = #tpu.pipeline_mode<synchronous>, transform_indices = @transform_3, window_bounds = array<i64: 128, 128>}, {pipeline_mode = #tpu.pipeline_mode<synchronous>, transform_indices = @transform_4, window_bounds = array<i64: 1, 128>}, {transform_indices = @transform_5, window_bounds = array<i64: 1, 1280, 128>}]} {
    %get3A = arith.constant 0 : index
    %get3A_0 = arith.constant 0 : index
    %get3A_1 = arith.constant 0 : index
    %get3A_2 = vector.load %arg3[%get3A, %get3A_0, %get3A_1] : memref<1x1x1280xf32, #tpu.memory_space<vmem>>, vector<1x1x1280xf32>
    %reshape3A = vector.shape_cast %get3A_2 : vector<1x1x1280xf32> to vector<1280x1xf32>
    %get3A_3 = arith.constant 0 : index
    %get3A_4 = arith.constant 0 : index
    %get3A_5 = arith.constant 0 : index
    %get3A_6 = vector.load %arg4[%get3A_3, %get3A_4, %get3A_5] : memref<1x1x1280xf32, #tpu.memory_space<vmem>>, vector<1x1x1280xf32>
    %reshape3A_7 = vector.shape_cast %get3A_6 : vector<1x1x1280xf32> to vector<1280x1xf32>
    %get3A_8 = arith.constant 0 : index
    %get3A_9 = arith.constant 0 : index
    %get3A_10 = arith.constant 0 : index
    %get3A_11 = vector.load %arg2[%get3A_8, %get3A_9, %get3A_10] : memref<1x1280x128xf32, #tpu.memory_space<vmem>>, vector<1x1280x128xf32>
    %get3A_12 = vector.shape_cast %get3A_11 : vector<1x1280x128xf32> to vector<1280x128xf32>
    %mul3A = vector.broadcast %reshape3A : vector<1280x1xf32> to vector<1280x128xf32>
    %mul3A_13 = arith.mulf %get3A_12, %mul3A : vector<1280x128xf32>
    %get3A_14 = arith.constant 0 : index
    %get3A_15 = arith.constant 0 : index
    %get3A_16 = vector.load %arg5[%get3A_14, %get3A_15] : memref<128x128xf32, #tpu.memory_space<vmem>>, vector<128x128xf32>
    %dot_general3A = arith.constant dense<0.000000e+00> : vector<1280x128xf32>
    %dot_general3A_17 = tpu.matmul %mul3A_13, %get3A_16, %dot_general3A {dimension_numbers = #tpu.dot_dimension_numbers<[1], [0], [0], [1], [0, 0, 1, 1], [], []>, transpose_lhs_hint = false} : vector<1280x128xf32>, vector<128x128xf32>, vector<1280x128xf32> -> vector<1280x128xf32>
    %get3A_18 = arith.constant 0 : index
    %get3A_19 = arith.constant 0 : index
    %get3A_20 = vector.load %arg6[%get3A_18, %get3A_19] : memref<1x128xf32, #tpu.memory_space<vmem>>, vector<1x128xf32>
    %add3A = vector.broadcast %get3A_20 : vector<1x128xf32> to vector<1280x128xf32>
    %add3A_21 = arith.addf %dot_general3A_17, %add3A : vector<1280x128xf32>
    %max3A = arith.constant 0.000000e+00 : f32
    %max3A_22 = vector.broadcast %max3A : f32 to vector<1280x128xf32>
    %max3A_23 = arith.maximumf %add3A_21, %max3A_22 : vector<1280x128xf32>
    %mul3A_24 = vector.broadcast %reshape3A_7 : vector<1280x1xf32> to vector<1280x128xf32>
    %mul3A_25 = arith.mulf %max3A_23, %mul3A_24 : vector<1280x128xf32>
    %swap3A = arith.constant 0 : index
    %swap3A_26 = arith.constant 0 : index
    %swap3A_27 = arith.constant 0 : index
    %swap3A_28 = vector.load %arg7[%swap3A, %swap3A_26, %swap3A_27] : memref<1x1280x128xf32, #tpu.memory_space<vmem>>, vector<1x1280x128xf32>
    %swap3A_29 = vector.shape_cast %swap3A_28 : vector<1x1280x128xf32> to vector<1280x128xf32>
    %swap3A_30 = vector.shape_cast %mul3A_25 : vector<1280x128xf32> to vector<1x1280x128xf32>
    tpu.vector_store %arg7[%swap3A, %swap3A_26, %swap3A_27], %swap3A_30 {strides = array<i32>} : memref<1x1280x128xf32, #tpu.memory_space<vmem>>, vector<1x1280x128xf32>,
    return
  }
  func.func @transform_0(%arg0: i32, %arg1: i32) -> (i32, i32, i32) {
    %c0_i32 = arith.constant 0 : i32
    %c0_i32_0 = arith.constant 0 : i32
    return %arg0, %arg1, %c0_i32 : i32, i32, i32
  }
  func.func @transform_1(%arg0: i32, %arg1: i32) -> (i32, i32, i32) {
    %c0_i32 = arith.constant 0 : i32
    %c0_i32_0 = arith.constant 0 : i32
    return %arg0, %c0_i32, %arg1 : i32, i32, i32
  }
  func.func @transform_2(%arg0: i32, %arg1: i32) -> (i32, i32, i32) {
    %c0_i32 = arith.constant 0 : i32
    %c0_i32_0 = arith.constant 0 : i32
    return %arg0, %c0_i32, %arg1 : i32, i32, i32
  }
  func.func @transform_3(%arg0: i32, %arg1: i32) -> (i32, i32) {
    %c0_i32 = arith.constant 0 : i32
    %c0_i32_0 = arith.constant 0 : i32
    %c0_i32_1 = arith.constant 0 : i32
    return %c0_i32, %c0_i32_0 : i32, i32
  }
  func.func @transform_4(%arg0: i32, %arg1: i32) -> (i32, i32) {
    %c0_i32 = arith.constant 0 : i32
    %c0_i32_0 = arith.constant 0 : i32
    %c0_i32_1 = arith.constant 0 : i32
    return %c0_i32, %c0_i32_0 : i32, i32
  }
  func.func @transform_5(%arg0: i32, %arg1: i32) -> (i32, i32, i32) {
    %c0_i32 = arith.constant 0 : i32
    %c0_i32_0 = arith.constant 0 : i32
    return %arg0, %arg1, %c0_i32 : i32, i32, i32
  }
}

module attributes {stable_mosaic.version = 14 : i64} {
  func.func @_tc_pool_body(%arg0: i32, %arg1: i32, %arg2: memref<1x1280x128xf32, #tpu.memory_space<vmem>>, %arg3: memref<1x1x1280xf32, #tpu.memory_space<vmem>>, %arg4: memref<128x128xf32, #tpu.memory_space<vmem>>, %arg5: memref<1x128xf32, #tpu.memory_space<vmem>>, %arg6: memref<1x1x1280xi32, #tpu.memory_space<vmem>>, %arg7: memref<1x256x128xf32, #tpu.memory_space<vmem>>) attributes {dimension_semantics = [#tpu.dimension_semantics<arbitrary>, #tpu.dimension_semantics<arbitrary>], iteration_bounds = array<i64: 2, 8>, scalar_prefetch = 0 : i64, scratch_operands = 0 : i64, tpu.core_type = #tpu.core_type<tc>, window_params = [{transform_indices = @transform_0, window_bounds = array<i64: 1, 1280, 128>}, {transform_indices = @transform_1, window_bounds = array<i64: 1, 1, 1280>}, {pipeline_mode = #tpu.pipeline_mode<synchronous>, transform_indices = @transform_2, window_bounds = array<i64: 128, 128>}, {pipeline_mode = #tpu.pipeline_mode<synchronous>, transform_indices = @transform_3, window_bounds = array<i64: 1, 128>}, {transform_indices = @transform_4, window_bounds = array<i64: 1, 1, 1280>}, {transform_indices = @transform_5, window_bounds = array<i64: 1, 256, 128>}]} {
    %get3A = arith.constant 0 : index
    %get3A_0 = arith.constant 0 : index
    %get3A_1 = arith.constant 0 : index
    %get3A_2 = vector.load %arg3[%get3A, %get3A_0, %get3A_1] : memref<1x1x1280xf32, #tpu.memory_space<vmem>>, vector<1x1x1280xf32>
    %reshape3A = vector.shape_cast %get3A_2 : vector<1x1x1280xf32> to vector<1280x1xf32>
    %get3A_3 = arith.constant 0 : index
    %get3A_4 = arith.constant 0 : index
    %get3A_5 = arith.constant 0 : index
    %get3A_6 = vector.load %arg2[%get3A_3, %get3A_4, %get3A_5] : memref<1x1280x128xf32, #tpu.memory_space<vmem>>, vector<1x1280x128xf32>
    %get3A_7 = vector.shape_cast %get3A_6 : vector<1x1280x128xf32> to vector<1280x128xf32>
    %mul3A = vector.broadcast %reshape3A : vector<1280x1xf32> to vector<1280x128xf32>
    %mul3A_8 = arith.mulf %get3A_7, %mul3A : vector<1280x128xf32>
    %get3A_9 = arith.constant 0 : index
    %get3A_10 = arith.constant 0 : index
    %get3A_11 = vector.load %arg4[%get3A_9, %get3A_10] : memref<128x128xf32, #tpu.memory_space<vmem>>, vector<128x128xf32>
    %dot_general3A = arith.constant dense<0.000000e+00> : vector<1280x128xf32>
    %dot_general3A_12 = tpu.matmul %mul3A_8, %get3A_11, %dot_general3A {dimension_numbers = #tpu.dot_dimension_numbers<[1], [0], [0], [1], [0, 0, 1, 1], [], []>, transpose_lhs_hint = false} : vector<1280x128xf32>, vector<128x128xf32>, vector<1280x128xf32> -> vector<1280x128xf32>
    %get3A_13 = arith.constant 0 : index
    %get3A_14 = arith.constant 0 : index
    %get3A_15 = vector.load %arg5[%get3A_13, %get3A_14] : memref<1x128xf32, #tpu.memory_space<vmem>>, vector<1x128xf32>
    %add3A = vector.broadcast %get3A_15 : vector<1x128xf32> to vector<1280x128xf32>
    %add3A_16 = arith.addf %dot_general3A_12, %add3A : vector<1280x128xf32>
    %max3A = arith.constant 0.000000e+00 : f32
    %max3A_17 = vector.broadcast %max3A : f32 to vector<1280x128xf32>
    %max3A_18 = arith.maximumf %add3A_16, %max3A_17 : vector<1280x128xf32>
    %get3A_19 = arith.constant 0 : index
    %get3A_20 = arith.constant 0 : index
    %get3A_21 = arith.constant 0 : index
    %get3A_22 = vector.load %arg6[%get3A_19, %get3A_20, %get3A_21] : memref<1x1x1280xi32, #tpu.memory_space<vmem>>, vector<1x1x1280xi32>
    %reshape3A_23 = vector.shape_cast %get3A_22 : vector<1x1x1280xi32> to vector<1x1280xi32>
    %iota3A = tpu.iota {dimensions = array<i32: 0>} : vector<256x1280xi32>
    %eq3A = vector.broadcast %reshape3A_23 : vector<1x1280xi32> to vector<256x1280xi32>
    %eq3A_24 = arith.cmpi eq, %iota3A, %eq3A : vector<256x1280xi32>
    %convert_element_type3A = arith.extui %eq3A_24 : vector<256x1280xi1> to vector<256x1280xi32>
    %convert_element_type3A_25 = arith.sitofp %convert_element_type3A : vector<256x1280xi32> to vector<256x1280xf32>
    %dot_general3A_26 = arith.constant dense<0.000000e+00> : vector<256x128xf32>
    %dot_general3A_27 = tpu.matmul %convert_element_type3A_25, %max3A_18, %dot_general3A_26 {dimension_numbers = #tpu.dot_dimension_numbers<[1], [0], [0], [1], [0, 0, 1, 1], [], []>, precision = #tpu.contract_precision<fp32>, transpose_lhs_hint = false} : vector<256x1280xf32>, vector<1280x128xf32>, vector<256x128xf32> -> vector<256x128xf32>
    %eq3A_28 = arith.constant 0 : i32
    %eq3A_29 = arith.cmpi eq, %arg1, %eq3A_28 : i32
    %convert_element_type3A_30 = arith.extui %eq3A_29 : i1 to i32
    %cond3A = arith.constant 0 : i32
    %cond3A_31 = arith.cmpi ne, %convert_element_type3A_30, %cond3A : i32
    scf.if %cond3A_31 {
      %swap3A = arith.constant 0 : index
      %swap3A_36 = arith.constant 0 : index
      %swap3A_37 = arith.constant 0 : index
      %swap3A_38 = vector.load %arg7[%swap3A, %swap3A_36, %swap3A_37] : memref<1x256x128xf32, #tpu.memory_space<vmem>>, vector<1x256x128xf32>
      %swap3A_39 = vector.shape_cast %swap3A_38 : vector<1x256x128xf32> to vector<256x128xf32>
      %swap3A_40 = vector.shape_cast %dot_general3A_27 : vector<256x128xf32> to vector<1x256x128xf32>
      tpu.vector_store %arg7[%swap3A, %swap3A_36, %swap3A_37], %swap3A_40 {strides = array<i32>} : memref<1x256x128xf32, #tpu.memory_space<vmem>>, vector<1x256x128xf32>,
    } else {
    }
    %ne3A = arith.constant 0 : i32
    %ne3A_32 = arith.cmpi ne, %arg1, %ne3A : i32
    %convert_element_type3A_33 = arith.extui %ne3A_32 : i1 to i32
    %cond3A_34 = arith.constant 0 : i32
    %cond3A_35 = arith.cmpi ne, %convert_element_type3A_33, %cond3A_34 : i32
    scf.if %cond3A_35 {
      %get3A_36 = arith.constant 0 : index
      %get3A_37 = arith.constant 0 : index
      %get3A_38 = arith.constant 0 : index
      %get3A_39 = vector.load %arg7[%get3A_36, %get3A_37, %get3A_38] : memref<1x256x128xf32, #tpu.memory_space<vmem>>, vector<1x256x128xf32>
      %get3A_40 = vector.shape_cast %get3A_39 : vector<1x256x128xf32> to vector<256x128xf32>
      %add3A_41 = arith.addf %get3A_40, %dot_general3A_27 : vector<256x128xf32>
      %swap3A = arith.constant 0 : index
      %swap3A_42 = arith.constant 0 : index
      %swap3A_43 = arith.constant 0 : index
      %swap3A_44 = vector.load %arg7[%swap3A, %swap3A_42, %swap3A_43] : memref<1x256x128xf32, #tpu.memory_space<vmem>>, vector<1x256x128xf32>
      %swap3A_45 = vector.shape_cast %swap3A_44 : vector<1x256x128xf32> to vector<256x128xf32>
      %swap3A_46 = vector.shape_cast %add3A_41 : vector<256x128xf32> to vector<1x256x128xf32>
      tpu.vector_store %arg7[%swap3A, %swap3A_42, %swap3A_43], %swap3A_46 {strides = array<i32>} : memref<1x256x128xf32, #tpu.memory_space<vmem>>, vector<1x256x128xf32>,
    } else {
    }
    return
  }
  func.func @transform_0(%arg0: i32, %arg1: i32) -> (i32, i32, i32) {
    %c0_i32 = arith.constant 0 : i32
    %c0_i32_0 = arith.constant 0 : i32
    return %arg0, %arg1, %c0_i32 : i32, i32, i32
  }
  func.func @transform_1(%arg0: i32, %arg1: i32) -> (i32, i32, i32) {
    %c0_i32 = arith.constant 0 : i32
    %c0_i32_0 = arith.constant 0 : i32
    return %arg0, %c0_i32, %arg1 : i32, i32, i32
  }
  func.func @transform_2(%arg0: i32, %arg1: i32) -> (i32, i32) {
    %c0_i32 = arith.constant 0 : i32
    %c0_i32_0 = arith.constant 0 : i32
    %c0_i32_1 = arith.constant 0 : i32
    return %c0_i32, %c0_i32_0 : i32, i32
  }
  func.func @transform_3(%arg0: i32, %arg1: i32) -> (i32, i32) {
    %c0_i32 = arith.constant 0 : i32
    %c0_i32_0 = arith.constant 0 : i32
    %c0_i32_1 = arith.constant 0 : i32
    return %c0_i32, %c0_i32_0 : i32, i32
  }
  func.func @transform_4(%arg0: i32, %arg1: i32) -> (i32, i32, i32) {
    %c0_i32 = arith.constant 0 : i32
    %c0_i32_0 = arith.constant 0 : i32
    return %arg0, %c0_i32, %arg1 : i32, i32, i32
  }
  func.func @transform_5(%arg0: i32, %arg1: i32) -> (i32, i32, i32) {
    %c0_i32 = arith.constant 0 : i32
    %c0_i32_0 = arith.constant 0 : i32
    %c0_i32_1 = arith.constant 0 : i32
    return %arg0, %c0_i32, %c0_i32_0 : i32, i32, i32
  }
}

module attributes {stable_mosaic.version = 14 : i64} {
  func.func @_tc_mlp_body(%arg0: memref<2x256x128xf32, #tpu.memory_space<vmem>>, %arg1: memref<2x1x512xf32, #tpu.memory_space<vmem>>, %arg2: memref<256x256xf32, #tpu.memory_space<vmem>>, %arg3: memref<1x256xf32, #tpu.memory_space<vmem>>, %arg4: memref<256x128xf32, #tpu.memory_space<vmem>>, %arg5: memref<1x128xf32, #tpu.memory_space<vmem>>, %arg6: memref<128x128xf32, #tpu.memory_space<vmem>>, %arg7: memref<1x128xf32, #tpu.memory_space<vmem>>, %arg8: memref<128x128xf32, #tpu.memory_space<vmem>>, %arg9: memref<1x128xf32, #tpu.memory_space<vmem>>, %arg10: memref<256x128xf32, #tpu.memory_space<vmem>>) attributes {dimension_semantics = [], scalar_prefetch = 0 : i64, scratch_operands = 0 : i64, tpu.core_type = #tpu.core_type<tc>} {
    %get3A = arith.constant 0 : index
    %get3A_0 = arith.constant 0 : index
    %get3A_1 = arith.constant 0 : index
    %get3A_2 = vector.load %arg1[%get3A, %get3A_0, %get3A_1] : memref<2x1x512xf32, #tpu.memory_space<vmem>>, vector<2x1x512xf32>
    %slice3A = vector.extract_strided_slice %get3A_2 {offsets = [0, 0, 0], sizes = [1, 1, 256], strides = [1, 1, 1]} : vector<2x1x512xf32> to vector<1x1x256xf32>
    %squeeze3A = vector.shape_cast %slice3A : vector<1x1x256xf32> to vector<1x256xf32>
    %max3A = arith.constant 1.000000e+00 : f32
    %max3A_3 = vector.broadcast %max3A : f32 to vector<1x256xf32>
    %max3A_4 = arith.maximumf %squeeze3A, %max3A_3 : vector<1x256xf32>
    %reshape3A = vector.shape_cast %max3A_4 : vector<1x256xf32> to vector<256x1xf32>
    %slice3A_5 = vector.extract_strided_slice %get3A_2 {offsets = [1, 0, 0], sizes = [1, 1, 256], strides = [1, 1, 1]} : vector<2x1x512xf32> to vector<1x1x256xf32>
    %squeeze3A_6 = vector.shape_cast %slice3A_5 : vector<1x1x256xf32> to vector<1x256xf32>
    %max3A_7 = arith.constant 1.000000e+00 : f32
    %max3A_8 = vector.broadcast %max3A_7 : f32 to vector<1x256xf32>
    %max3A_9 = arith.maximumf %squeeze3A_6, %max3A_8 : vector<1x256xf32>
    %reshape3A_10 = vector.shape_cast %max3A_9 : vector<1x256xf32> to vector<256x1xf32>
    %get3A_11 = arith.constant 0 : index
    %get3A_12 = arith.constant 0 : index
    %get3A_13 = arith.constant 0 : index
    %get3A_14 = vector.load %arg0[%get3A_11, %get3A_12, %get3A_13] : memref<2x256x128xf32, #tpu.memory_space<vmem>>, vector<1x256x128xf32>
    %get3A_15 = vector.shape_cast %get3A_14 : vector<1x256x128xf32> to vector<256x128xf32>
    %div3A = vector.broadcast %reshape3A : vector<256x1xf32> to vector<256x128xf32>
    %div3A_16 = arith.divf %get3A_15, %div3A : vector<256x128xf32>
    %get3A_17 = arith.constant 1 : index
    %get3A_18 = arith.constant 0 : index
    %get3A_19 = arith.constant 0 : index
    %get3A_20 = vector.load %arg0[%get3A_17, %get3A_18, %get3A_19] : memref<2x256x128xf32, #tpu.memory_space<vmem>>, vector<1x256x128xf32>
    %get3A_21 = vector.shape_cast %get3A_20 : vector<1x256x128xf32> to vector<256x128xf32>
    %div3A_22 = vector.broadcast %reshape3A_10 : vector<256x1xf32> to vector<256x128xf32>
    %div3A_23 = arith.divf %get3A_21, %div3A_22 : vector<256x128xf32>
    %concatenate3A = tpu.concatenate %div3A_16, %div3A_23 in 1 : vector<256x128xf32>, vector<256x128xf32> -> vector<256x256xf32>
    %get3A_24 = arith.constant 0 : index
    %get3A_25 = arith.constant 0 : index
    %get3A_26 = vector.load %arg2[%get3A_24, %get3A_25] : memref<256x256xf32, #tpu.memory_space<vmem>>, vector<256x256xf32>
    %dot_general3A = arith.constant dense<0.000000e+00> : vector<256x256xf32>
    %dot_general3A_27 = tpu.matmul %concatenate3A, %get3A_26, %dot_general3A {dimension_numbers = #tpu.dot_dimension_numbers<[1], [0], [0], [1], [0, 0, 1, 1], [], []>, transpose_lhs_hint = false} : vector<256x256xf32>, vector<256x256xf32>, vector<256x256xf32> -> vector<256x256xf32>
    %get3A_28 = arith.constant 0 : index
    %get3A_29 = arith.constant 0 : index
    %get3A_30 = vector.load %arg3[%get3A_28, %get3A_29] : memref<1x256xf32, #tpu.memory_space<vmem>>, vector<1x256xf32>
    %add3A = vector.broadcast %get3A_30 : vector<1x256xf32> to vector<256x256xf32>
    %add3A_31 = arith.addf %dot_general3A_27, %add3A : vector<256x256xf32>
    %max3A_32 = arith.constant 0.000000e+00 : f32
    %max3A_33 = vector.broadcast %max3A_32 : f32 to vector<256x256xf32>
    %max3A_34 = arith.maximumf %add3A_31, %max3A_33 : vector<256x256xf32>
    %get3A_35 = arith.constant 0 : index
    %get3A_36 = arith.constant 0 : index
    %get3A_37 = vector.load %arg4[%get3A_35, %get3A_36] : memref<256x128xf32, #tpu.memory_space<vmem>>, vector<256x128xf32>
    %dot_general3A_38 = arith.constant dense<0.000000e+00> : vector<256x128xf32>
    %dot_general3A_39 = tpu.matmul %max3A_34, %get3A_37, %dot_general3A_38 {dimension_numbers = #tpu.dot_dimension_numbers<[1], [0], [0], [1], [0, 0, 1, 1], [], []>, transpose_lhs_hint = false} : vector<256x256xf32>, vector<256x128xf32>, vector<256x128xf32> -> vector<256x128xf32>
    %get3A_40 = arith.constant 0 : index
    %get3A_41 = arith.constant 0 : index
    %get3A_42 = vector.load %arg5[%get3A_40, %get3A_41] : memref<1x128xf32, #tpu.memory_space<vmem>>, vector<1x128xf32>
    %add3A_43 = vector.broadcast %get3A_42 : vector<1x128xf32> to vector<256x128xf32>
    %add3A_44 = arith.addf %dot_general3A_39, %add3A_43 : vector<256x128xf32>
    %max3A_45 = arith.constant 0.000000e+00 : f32
    %max3A_46 = vector.broadcast %max3A_45 : f32 to vector<256x128xf32>
    %max3A_47 = arith.maximumf %add3A_44, %max3A_46 : vector<256x128xf32>
    %get3A_48 = arith.constant 0 : index
    %get3A_49 = arith.constant 0 : index
    %get3A_50 = vector.load %arg6[%get3A_48, %get3A_49] : memref<128x128xf32, #tpu.memory_space<vmem>>, vector<128x128xf32>
    %dot_general3A_51 = arith.constant dense<0.000000e+00> : vector<256x128xf32>
    %dot_general3A_52 = tpu.matmul %max3A_47, %get3A_50, %dot_general3A_51 {dimension_numbers = #tpu.dot_dimension_numbers<[1], [0], [0], [1], [0, 0, 1, 1], [], []>, transpose_lhs_hint = false} : vector<256x128xf32>, vector<128x128xf32>, vector<256x128xf32> -> vector<256x128xf32>
    %get3A_53 = arith.constant 0 : index
    %get3A_54 = arith.constant 0 : index
    %get3A_55 = vector.load %arg7[%get3A_53, %get3A_54] : memref<1x128xf32, #tpu.memory_space<vmem>>, vector<1x128xf32>
    %add3A_56 = vector.broadcast %get3A_55 : vector<1x128xf32> to vector<256x128xf32>
    %add3A_57 = arith.addf %dot_general3A_52, %add3A_56 : vector<256x128xf32>
    %max3A_58 = arith.constant 0.000000e+00 : f32
    %max3A_59 = vector.broadcast %max3A_58 : f32 to vector<256x128xf32>
    %max3A_60 = arith.maximumf %add3A_57, %max3A_59 : vector<256x128xf32>
    %get3A_61 = arith.constant 0 : index
    %get3A_62 = arith.constant 0 : index
    %get3A_63 = vector.load %arg8[%get3A_61, %get3A_62] : memref<128x128xf32, #tpu.memory_space<vmem>>, vector<128x128xf32>
    %dot_general3A_64 = arith.constant dense<0.000000e+00> : vector<256x128xf32>
    %dot_general3A_65 = tpu.matmul %max3A_60, %get3A_63, %dot_general3A_64 {dimension_numbers = #tpu.dot_dimension_numbers<[1], [0], [0], [1], [0, 0, 1, 1], [], []>, transpose_lhs_hint = false} : vector<256x128xf32>, vector<128x128xf32>, vector<256x128xf32> -> vector<256x128xf32>
    %get3A_66 = arith.constant 0 : index
    %get3A_67 = arith.constant 0 : index
    %get3A_68 = vector.load %arg9[%get3A_66, %get3A_67] : memref<1x128xf32, #tpu.memory_space<vmem>>, vector<1x128xf32>
    %add3A_69 = vector.broadcast %get3A_68 : vector<1x128xf32> to vector<256x128xf32>
    %add3A_70 = arith.addf %dot_general3A_65, %add3A_69 : vector<256x128xf32>
    %swap3A = arith.constant 0 : index
    %swap3A_71 = arith.constant 0 : index
    %swap3A_72 = vector.load %arg10[%swap3A, %swap3A_71] : memref<256x128xf32, #tpu.memory_space<vmem>>, vector<256x128xf32>
    tpu.vector_store %arg10[%swap3A, %swap3A_71], %add3A_70 {strides = array<i32>} : memref<256x128xf32, #tpu.memory_space<vmem>>, vector<256x128xf32>,
    return
  }
}

</mosaic_0001>

<sc_bundles>
// kernel: kernel.12.cloned.1.call-start
scs
__scs_entry_jumppad:
0x0: {  	(pc) =	sbr.rel $0x88, $3  }
0x1: {  	(tag) =	ssettag $0x0;
	lr =	simm.s32 $0x1  }
0x2: {  	[smem:$0x3F8F] =	sst lr;
	_ =	strace $0xD0000000  }
0x3: {  	_ = 	snop  }
0x4: {  	_ = 	snop  }
0x5: {  	_ = 	snop  }
0x6: {  	_ = 	snop  }
0x7: {  	_ = 	snop  }
__scs_overlays_trampoline_lowered:
0x8: {  	[smem:$0x3F9E] =	sst s0  }
0x9: {  	[smem:$0x3F9F] =	sst s1  }
0xa: {  	[smem:$0x3FA0] =	sst s2  }
0xb: {  	[smem:$0x3FA1] =	sst s3  }
0xc: {  	[smem:$0x3FA2] =	sst s4  }
0xd: {  	[smem:$0x3FA3] =	sst s5  }
0xe: {  	[smem:$0x3FA4] =	sst s6  }
0xf: {  	[smem:$0x3FA5] =	sst s7  }
0x10: {  	[smem:$0x3FA6] =	sst s8  }
0x11: {  	[smem:$0x3FA7] =	sst s9;
	s0 =	simm.s32 @!p0 $0x0  }
0x12: {  	s1 =	sld [smem:$0x3F8D];
	s0 =	simm.s32 @p0 $0x1  }
0x13: {  	[smem:$0x3FA8] =	sst s0;
	s0 =	simm.s32 @!p1 $0x0  }
0x14: {  	s2 =	sld [smem:$0x3F8C];
	s0 =	simm.s32 @p1 $0x1  }
0x15: {  	[smem:$0x3FA9] =	sst s0;
	s0 =	simm.s32 @!p2 $0x0  }
0x16: {  	s3 =	sld [smem:$0x3FDB];
	s0 =	simm.s32 @p2 $0x1  }
0x17: {  	s4 =	simm.s32 $0x1BF5;
	[smem:$0x3FAB] =	sst s0  }
0x18: {  	s0 =	sld [smem:$0x3F8E];
	_ =	swait.ge [sflag:s4], $0x0  }
0x19: {  	s7 =	sld [smem:$0x3F8F]  }
0x1a: {  	s8 =	sadd.s32 $0xFFFFE003, lr  }
0x1b: {  	s9 =	sadd.s32 $0xFFFFFEF7, lr;
	s5 =	simm.s32 $0xFFFFFFFF;
	p2 =	slt.u32 s8, $0xFFFFF086  }
0x1c: {  	p1 =	slt.u32 s9, $0xF7A;
	s5 =	simm.s32 @!p2 $0x0  }
0x1d: {  	s5 =	simm.s32 @p1 $0x1;
	p0 =	seq.s32 s7, s2  }
0x1e: {  	s7 =	smul.u32 @!p0 $0xF7A, s2;
	p2 =	seq.s32 @!p0 s5, $0x0  }
0x1f: {  	s9 =	smul.u32 $0xF7A, s1;
	s8 =	simm.s32 @!p0 $0x1BF5;
	p2 =	por !p2, p0  }
0x20: {  	[sflag:s8] =	ssyncset.s32 @!p0 $0xFFFFF086;
	s6 =	sadd.s32 @!p0 s3, s7;
	s7 =	simm.s32 @!p0 $0x108  }
0x21: {  	s3 =	sadd.s32 s3, s9;
	s6 =	sadd.s32 @!p0 $0x88, s6;
	s7 =	simm.s32 @p2 $0x1082  }
0x22: {  	[simem:s7], [sflag:s8] =	dma.local @!p0 [hbm:s6], $0xF7A  }
0x23: {  	s9 =	sor.u32 $0xD0000000, s2;
	s6 =	simm.s32 $0x108;
	_ =	swait.ge @!p0 [sflag:s8], $0x0  }
0x24: {  	s3 =	sadd.s32 $0x88, s3;
	s6 =	simm.s32 @!p1 $0x1082;
	[sflag:s4] =	ssyncset.s32 $0xFFFFF086  }
0x25: {  	[simem:s6], [sflag:s4] =	dma.local [hbm:s3], $0xF7A  }
0x26: {  	[smem:$0x3F8F] =	sst s1;
	(tag) =	ssettag s2;
	_ =	strace s9  }
0x27: {  	s1 =	sld [smem:$0x3F9F]  }
0x28: {  	s2 =	sld [smem:$0x3FA0]  }
0x29: {  	s4 =	sld [smem:$0x3FA2]  }
0x2a: {  	p0 =	seq.s32 s5, $0x0;
	s5 =	sld [smem:$0x3FA3]  }
0x2b: {  	s6 =	sld [smem:$0x3FA4]  }
0x2c: {  	s7 =	sld [smem:$0x3FA5]  }
0x2d: {  	s3 =	simm.s32 $0x108;
	s8 =	sld [smem:$0x3FA6]  }
0x2e: {  	s3 =	simm.s32 @!p0 $0x1082;
	s9 =	sld [smem:$0x3FA7]  }
0x2f: {  	lr =	sadd.s32 s0, s3;
	s0 =	sld [smem:$0x3F9E]  }
0x30: {  	s3 =	sld [smem:$0x3FA1]  }
0x31: {  	[smem:$0x3FAA] =	sst s10  }
0x32: {  	s10 =	sld [smem:$0x3FA8];
	_ =	sdelay $0x3  }
0x33: {  	p0 =	seq.s32 s10, $0x1;
	s10 =	sld [smem:$0x3FAA];
	_ =	sdelay $0x3  }
0x34: {  	[smem:$0x3FAA] =	sst s10  }
0x35: {  	s10 =	sld [smem:$0x3FA9];
	_ =	sdelay $0x3  }
0x36: {  	p1 =	seq.s32 s10, $0x1;
	s10 =	sld [smem:$0x3FAA];
	_ =	sdelay $0x3  }
0x37: {  	[smem:$0x3FAA] =	sst s10  }
0x38: {  	s10 =	sld [smem:$0x3FAB]  }
0x39: {  	_ = 	snop;
	(pc) =	sbr.ind lr, $3  }
0x3a: {  	_ = 	snop  }
0x3b: {  	_ = 	snop  }
0x3c: {  	p2 =	seq.s32 s10, $0x1;
	s10 =	sld [smem:$0x3FAA]  }
0x3d: {  	_ =	shalt  }
0x3e: {  	_ =	shalt  }
0x3f: {  	_ =	shalt  }
0x40: {  	_ =	shalt  }
0x41: {  	_ =	shalt  }
0x42: {  	_ =	shalt  }
0x43: {  	_ =	shalt  }
0x44: {  	_ =	shalt  }
0x45: {  	_ =	shalt  }
0x46: {  	_ =	shalt  }
0x47: {  	_ =	shalt  }
0x48: {  	_ =	shalt  }
0x49: {  	_ =	shalt  }
0x4a: {  	_ =	shalt  }
0x4b: {  	_ =	shalt  }
0x4c: {  	_ =	shalt  }
0x4d: {  	_ =	shalt  }
0x4e: {  	_ =	shalt  }
0x4f: {  	_ =	shalt  }
0x50: {  	_ =	shalt  }
0x51: {  	_ =	shalt  }
0x52: {  	_ =	shalt  }
0x53: {  	_ =	shalt  }
0x54: {  	_ =	shalt  }
0x55: {  	_ =	shalt  }
0x56: {  	_ =	shalt  }
0x57: {  	_ =	shalt  }
0x58: {  	_ =	shalt  }
0x59: {  	_ =	shalt  }
0x5a: {  	_ =	shalt  }
0x5b: {  	_ =	shalt  }
0x5c: {  	_ =	shalt  }
0x5d: {  	_ =	shalt  }
0x5e: {  	_ =	shalt  }
0x5f: {  	_ =	shalt  }
0x60: {  	_ =	shalt  }
0x61: {  	_ =	shalt  }
0x62: {  	_ =	shalt  }
0x63: {  	_ =	shalt  }
0x64: {  	_ =	shalt  }
0x65: {  	_ =	shalt  }
0x66: {  	_ =	shalt  }
0x67: {  	_ =	shalt  }
0x68: {  	_ =	shalt  }
0x69: {  	_ =	shalt  }
0x6a: {  	_ =	shalt  }
0x6b: {  	_ =	shalt  }
0x6c: {  	_ =	shalt  }
0x6d: {  	_ =	shalt  }
0x6e: {  	_ =	shalt  }
0x6f: {  	_ =	shalt  }
0x70: {  	_ =	shalt  }
0x71: {  	_ =	shalt  }
0x72: {  	_ =	shalt  }
0x73: {  	_ =	shalt  }
0x74: {  	_ =	shalt  }
0x75: {  	_ =	shalt  }
0x76: {  	_ =	shalt  }
0x77: {  	_ =	shalt  }
0x78: {  	_ =	shalt  }
0x79: {  	_ =	shalt  }
0x7a: {  	_ =	shalt  }
0x7b: {  	_ =	shalt  }
0x7c: {  	_ =	shalt  }
0x7d: {  	_ =	shalt  }
0x7e: {  	_ =	shalt  }
0x7f: {  	_ =	shalt  }
0x80: {  	_ =	shalt  }
0x81: {  	_ =	shalt  }
0x82: {  	_ =	shalt  }
0x83: {  	_ =	shalt  }
0x84: {  	_ =	shalt  }
0x85: {  	_ =	shalt  }
0x86: {  	_ =	shalt  }
0x87: {  	_ =	shalt  }
.Lfunc_end0:
.L_simem_size_0:
called_computation.1_lowered:
.L_overlay_start_0:
0x88: {  	s2 =	sld [smem:$0x3FD9]  }
0x89: {  	s3 =	sld [smem:$0x3FFE];
	_ =	sdelay $0x1  }
0x8a: {  	s1 =	srdreg.scid  }
0x8b: {  	s0 =	sand.u32 $0x1, s1  }
0x8c: {  	s16 =	sshll.u32 s0, $0xA;
	s2 =	sadd.s32 s3, s2  }
0x8d: {  	s2 =	sadd.s32 s2, s16  }
0x8e: {  	[smem:$0x3FB6] =	sst s2  }
0x8f: {  	_ = 	snop  }
0x90: {  	(tm) =	ssettm $0x1  }
0x91: {  	s17 =	sld [smem:$0x3FFB];
	_ =	sdelay $0x3  }
0x92: {  	_ =	strace s17  }
0x93: {  	s2 =	sld [smem:$0x3FFC];
	_ =	sdelay $0x3  }
0x94: {  	_ =	strace s2  }
0x95: {  	s2 =	sld [smem:$0x3FFD];
	_ =	sdelay $0x3  }
0x96: {  	_ =	strace s2  }
0x97: {  	_ =	strace $0x8FFFFFFF  }
0x98: {  	s18 =	sld [smem:$0x3FDB];
	_ =	sdelay $0x1  }
0x99: {  	s19 =	simm.s32 $_scs_section_size  }
0x9a: {  	s4 =	simm.s32 $_size__tile_overlayer_lowered;
	s5 =	simm.s32 $_tile_overlayer_lowered  }
0x9b: {  	s22 =	simm.s32 $0x1BFF;
	s21 =	sshll.u32 s5, $0x1;
	s2 =	sadd.s32 s19, s18  }
0x9c: {  	s6 =	simm.s32 $0x0;
	s20 =	sshll.u32 s4, $0x1;
	s4 =	sadd.s32 s21, s2  }
0x9d: {  	[timem:s6], [sflag:s22] =	dma.local [hbm:s4], s20  }
0x9e: {  	_ =	swait.ge [sflag:s22], s20  }
0x9f: {  	s3 =	ssub.s32 $0x0, s20;
	[sflag:s22] =	ssyncset.done $0x0  }
0xa0: {  	[sflag:s22] =	ssyncadd.s32 s3;
	_ =	sdelay $0x1  }
0xa1: {  	s23 =	simm.s32 $0x1B8B  }
0xa2: {  	_ =	swait.ge [sflag:s23], $0x1  }
0xa3: {  	[sflag:s23] =	ssyncset.done $0x0  }
0xa4: {  	s25 =	simm.s32 $0x1B8E;
	s24 =	sld [smem:$0x3FFE];
	[sflag:s23] =	ssyncadd.s32 $0xFFFFFFFF  }
0xa5: {  	s26 =	simm.s32 $execute0_lowered;
	[smem:$0x3FD2] =	sst s25  }
0xa6: {  	s4 =	sshll.u32 s26, $0x1;
	_ =	strace $0x80000049;
	[dreg:$0x1] =	wrdreg $0xFFFFFFFF  }
0xa7: {  	s28 =	simm.s32 $_size_execute0_lowered;
	s2 =	sadd.s32 s2, s4;
	[dreg:$0x0] =	wrdreg $0x0  }
0xa8: {  	s4 =	sshll.u32 s28, $0x1;
	[dreg:$0x2] =	wrdreg s2  }
0xa9: {  	[dreg:$0x3] =	wrdreg s4  }
0xaa: {  	[dreg:$0x4] =	wrdreg $0xC0  }
0xab: {  	_ =	task [dreg:s6], $0x5FFFF  }
0xac: {  	[dreg:$0x1] =	wrdreg $0xFFFFFFFF  }
0xad: {  	[dreg:$0x0] =	wrdreg $0x60  }
0xae: {  	[dreg:$0x2] =	wrdreg s24  }
0xaf: {  	[dreg:$0x3] =	wrdreg $0xA0000  }
0xb0: {  	[dreg:$0x4] =	wrdreg $0x9  }
0xb1: {  	_ =	task.clear_ibuf [dreg:s6], $0x5FFFF;
	_ =	strace $0x90000049  }
0xb2: {  	s29 =	simm.s32 $0x9;
	_ =	strace $0x8000004B  }
0xb3: {  	_ =	swait.ge [sflag:s29], $0x1  }
0xb4: {  	[sflag:s29] =	ssyncadd.s32 $0xFFFFFFFF  }
0xb5: {  	_ =	strace $0x9000004B  }
0xb6: {  	_ =	sfence  }
0xb7: {  	s30 =	sld [smem:$0x0];
	_ =	sdelay $0x2  }
0xb8: {  	s31 =	sshll.u32 s1, $0xD;
	s1 =	sshrl.u32 s1, $0x2  }
0xb9: {  	s3 =	sand.u32 $0x4000, s31;
	s1 =	sadd.s32 s1, s30  }
0xba: {  	s0 =	sor.u32 s3, s0;
	s1 =	sshll.u32 s1, $0x11  }
0xbb: {  	s0 =	sor.u32 s1, s0  }
0xbc: {  	s0 =	sadd.s32 $0x8F2B, s0  }
0xbd: {  	[sflag:s0] =	ssyncadd.remote.s32 $0x1  }
0xbe: {  	_ =	sfence.sel $0xFFFF  }
0xbf: {  	[dreg:$0x0] =	wrdreg $0xFFFFFFFF;
	(pc) =	sbr.abs _section_cstart, $3  }
0xc0: {  	[dreg:$0x1] =	wrdreg $0xFFFFFFFF  }
0xc1: {  	_ =	task.clear_ibuf [dreg:s6], $0x2FFFF;
	_ =	strace $0x9FFFFFFF  }
0xc2: {  	(tm) =	ssettm $0x7FFFFFFF  }
0xc3: {  	_ =	shalt  }
tec
execute0_lowered:
.L_overlay_start_1:
0x0: {  	(tag) =	ssettag $0x1  }
0x1: {  	s0 =	rddreg [dreg:$0x0]  }
0x2: {  	s1 =	srdreg.scid;
	s13 =	stileid.u32  }
0x3: {  	s2 =	rddreg [dreg:$0x1];
	s3 =	simm.s32 $0x0;
	s28 =	simm.s32 $0x2000  }
0x4: {  	s29 =	simm.s32 $0x3;
	s30 =	simm.s32 $0x1000;
	s31 =	simm.s32 $0x80  }
0x5: {  	s1 =	sand.u32 $0x1, s1;
	s4 =	smul.u32 $0x14000, s13;
	s6 =	sadd.s32 $0x2C400, s0  }
0x6: {  	s8 =	smul.u32 $0x5000, s13;
	s9 =	sadd.s32 $0x3400, s0;
	s10 =	sadd.s32 $0x91C00, s0  }
0x7: {  	[smem:$0x7FF] =	sst s3;
	s5 =	smul.u32 $0x50000, s1;
	s7 =	ssub.s32 $0x2, s1  }
0x8: {  	s1 =	smul.u32 $0x140000, s1;
	s11 =	sshrl.u32 s7, $0x1;
	s22 =	sadd.s32 $0x4000, s4  }
0x9: {  	s24 =	sadd.s32 $0xC000, s4;
	s25 =	sadd.s32 $0x10000, s4;
	s7 =	ssub.s32 s7, s11  }
0xa: {  	s5 =	sadd.s32 s8, s5;
	s8 =	sadd.s32 $0x8000, s4;
	s4 =	sadd.s32 s4, s1  }
0xb: {  	s18 =	sadd.s32 s1, s22;
	s22 =	sadd.s32 s22, s2;
	s5 =	sshrl.u32 s5, $0x3  }
0xc: {  	s4 =	sshrl.u32 s4, $0x3;
	s19 =	sadd.s32 s1, s8;
	s20 =	sadd.s32 s6, s5  }
0xd: {  	s21 =	sadd.s32 $0x200, s5;
	s12 =	sadd.s32 s9, s5;
	s26 =	sadd.s32 $0x400, s5  }
0xe: {  	s16 =	sadd.s32 $0x600, s5;
	s5 =	sadd.s32 $0x800, s5;
	[dreg:$0x3] =	wrdreg s20  }
0xf: {  	[dreg:$0x4] =	wrdreg s12;
	s23 =	sadd.s32 s6, s21;
	s11 =	sadd.s32 s9, s21  }
0x10: {  	s14 =	sadd.s32 s6, s26;
	s15 =	sadd.s32 s9, s26;
	[dreg:$0x5] =	wrdreg s23  }
0x11: {  	s17 =	sadd.s32 s6, s16;
	s6 =	sadd.s32 s6, s5;
	[dreg:$0x6] =	wrdreg s11  }
0x12: {  	s5 =	sadd.s32 s9, s5;
	s20 =	sshrl.u32 s19, $0x3;
	[dreg:$0x7] =	wrdreg s14  }
0x13: {  	s21 =	sadd.s32 s1, s24;
	s1 =	sadd.s32 s1, s25;
	[dreg:$0x8] =	wrdreg s15  }
0x14: {  	s19 =	sadd.s32 $0x41C00, s0;
	s24 =	sadd.s32 s24, s2;
	[dreg:$0x9] =	wrdreg s17  }
0x15: {  	s25 =	sadd.s32 s25, s2;
	s11 =	sadd.s32 s9, s16;
	[dreg:$0xb] =	wrdreg s6  }
0x16: {  	[dreg:$0xc] =	wrdreg s5;
	s5 =	sshrl.u32 s18, $0x3;
	s14 =	sadd.s32 s10, s4  }
0x17: {  	s16 =	sadd.s32 s10, s20;
	s4 =	sshrl.u32 s21, $0x3;
	s1 =	sshrl.u32 s1, $0x3  }
0x18: {  	s23 =	smul.u32 $0x50000, s13;
	s20 =	sadd.s32 $0x40400, s0;
	s0 =	simm.s32 $0x1  }
0x19: {  	s6 =	simm.s32 $0x1F00;
	[dreg:$0xa] =	wrdreg s11;
	s15 =	sadd.s32 s10, s5  }
0x1a: {  	s17 =	sadd.s32 s10, s4;
	s18 =	sadd.s32 s10, s1;
	s1 =	simm.s32 $0x6000  }
0x1b: {  	s4 =	simm.s32 $0x2;
	s5 =	simm.s32 $0xF80;
	_ =	strace $0x8000004A  }
0x1c: {  	s26 =	sshrl.u32 s23, $0x2;
	s23 =	sadd.s32 s8, s2;
	s8 =	simm.s32 $0x0  }
0x1d: {  	s21 =	sadd.s32 s26, s2;
	s26 =	smax.u32 s7, $0x1;
	s7 =	simm.s32 $0x1F80  }
.LBB2_1:
0x1e: {  	[tilespmem:s28], [sflag:$0x3] =	stream.linear.gather [hbm4b:s20+s3], $0x4000, $0x38;
	[tilespmem:$0x1E000] =	vst v63  }
0x1f: {  	_ =	swait.ge [sflag:s29], $0x4000  }
0x20: {  	[sflag:s29] =	ssyncset.done $0x0  }
0x21: {  	[sflag:s29] =	ssyncadd.s32 $0xFFFFC000  }
0x22: {  	[spmem:s21] =	stream.linear.scatter [tilespmem:s28], [sflag:$0x3], $0x4000, $0x38;
	[tilespmem:$0x1E000] =	vst v63  }
0x23: {  	_ =	swait.ge [sflag:s29], $0x4000  }
0x24: {  	[sflag:s29] =	ssyncset.done $0x0  }
0x25: {  	[sflag:s29] =	ssyncadd.s32 $0xFFFFC000  }
0x26: {  	[spmem:s22] =	stream.linear.scatter [tilespmem:s28], [sflag:$0x3], $0x4000, $0x38;
	[tilespmem:$0x1E000] =	vst v63  }
0x27: {  	_ =	swait.ge [sflag:s29], $0x4000  }
0x28: {  	[sflag:s29] =	ssyncset.done $0x0  }
0x29: {  	[sflag:s29] =	ssyncadd.s32 $0xFFFFC000  }
0x2a: {  	[spmem:s23] =	stream.linear.scatter [tilespmem:s28], [sflag:$0x3], $0x4000, $0x38;
	[tilespmem:$0x1E000] =	vst v63  }
0x2b: {  	_ =	swait.ge [sflag:s29], $0x4000  }
0x2c: {  	[sflag:s29] =	ssyncset.done $0x0  }
0x2d: {  	[sflag:s29] =	ssyncadd.s32 $0xFFFFC000  }
0x2e: {  	[spmem:s24] =	stream.linear.scatter [tilespmem:s28], [sflag:$0x3], $0x4000, $0x38;
	[tilespmem:$0x1E000] =	vst v63  }
0x2f: {  	_ =	swait.ge [sflag:s29], $0x4000  }
0x30: {  	[sflag:s29] =	ssyncset.done $0x0  }
0x31: {  	[sflag:s29] =	ssyncadd.s32 $0xFFFFC000  }
0x32: {  	[spmem:s25] =	stream.linear.scatter [tilespmem:s28], [sflag:$0x3], $0x4000, $0x38;
	[tilespmem:$0x1E000] =	vst v63  }
0x33: {  	_ =	swait.ge [sflag:s29], $0x4000  }
0x34: {  	[sflag:s29] =	ssyncset.done $0x0  }
0x35: {  	[sflag:s29] =	ssyncadd.s32 $0xFFFFC000  }
0x36: {  	[bflag:$0x0] =	sbarrier.arrive $0xFFFF  }
0x37: {  	s9 =	rddreg [dreg:$0x3]  }
0x38: {  	[tilespmem:s3], [sflag:$0x3] =	stream.linear.gather [hbm4b:s9+s3], $0x1000, $0x38;
	[tilespmem:$0x1E000] =	vst v63  }
0x39: {  	_ =	swait.ge [sflag:s29], $0x1000  }
0x3a: {  	[sflag:s29] =	ssyncset.done $0x0  }
0x3b: {  	s13 =	rddreg [dreg:$0x4];
	[sflag:s29] =	ssyncadd.s32 $0xFFFFF000  }
0x3c: {  	[tilespmem:s30], [sflag:$0x3] =	stream.linear.gather [hbm4b:s13+s3], $0x1000, $0x38;
	[tilespmem:$0x1E000] =	vst v63  }
0x3d: {  	_ =	swait.ge [sflag:s29], $0x1000  }
0x3e: {  	[sflag:s29] =	ssyncset.done $0x0  }
0x3f: {  	[sflag:s29] =	ssyncadd.s32 $0xFFFFF000  }
0x40: {  	[tilespmem:s28], [sflag:$0x1] =	stream.indirect.gather [hbm4b:s19+s31], $0x80, s3, s31, $0xb8;
	[tilespmem:$0x1E000] =	vst v63  }
0x41: {  	s10 =	simm.s32 $0x80  }
0x42: {  	[tilespmem:s1], [sflag:$0x2] =	stream.indirect.gather [hbm4b:s19+s31], $0x80, s10, s31, $0xb8;
	[tilespmem:$0x1E000] =	vst v63  }
0x43: {  	_ =	swait.ge [sflag:s0], $0x4000  }
0x44: {  	[sflag:s0] =	ssyncset.done $0x0  }
0x45: {  	s11 =	simm.s32 $0x1000;
	[sflag:s0] =	ssyncadd.s32 $0xFFFFC000  }
0x46: {  	[spmem:s2] =	stream.indirect.scatter.add.f32 [tilespmem:s28], [sflag:$0x3], $0x80, s11, s31, $0xb8;
	[tilespmem:$0x1E000] =	vst v63  }
0x47: {  	_ =	swait.ge [sflag:s29], $0x4000  }
0x48: {  	[sflag:s29] =	ssyncset.done $0x0  }
0x49: {  	s12 =	simm.s32 $0x100;
	[sflag:s29] =	ssyncadd.s32 $0xFFFFC000  }
0x4a: {  	[tilespmem:s28], [sflag:$0x1] =	stream.indirect.gather [hbm4b:s19+s31], $0x80, s12, s31, $0xb8;
	[tilespmem:$0x1E000] =	vst v63  }
0x4b: {  	_ =	swait.ge [sflag:s4], $0x4000  }
0x4c: {  	[sflag:s4] =	ssyncset.done $0x0  }
0x4d: {  	s13 =	simm.s32 $0x1080;
	[sflag:s4] =	ssyncadd.s32 $0xFFFFC000  }
0x4e: {  	[spmem:s2] =	stream.indirect.scatter.add.f32 [tilespmem:s1], [sflag:$0x3], $0x80, s13, s31, $0xb8;
	[tilespmem:$0x1E000] =	vst v63  }
0x4f: {  	_ =	swait.ge [sflag:s29], $0x4000  }
0x50: {  	s9 =	simm.s32 $0x100;
	s10 =	simm.s32 $0x800;
	[sflag:s29] =	ssyncset.done $0x0  }
.LBB2_2:
0x51: {  	s11 =	sadd.s32 $0x80, s9  }
0x52: {  	[sflag:s29] =	ssyncadd.s32 $0xFFFFC000;
	s12 =	smov.u32 s10;
	s13 =	sadd.s32 $0x400, s10  }
0x53: {  	[tilespmem:s1], [sflag:$0x2] =	stream.indirect.gather [hbm4b:s19+s31], $0x80, s11, s31, $0xb8;
	[tilespmem:$0x1E000] =	vst v63  }
0x54: {  	p0 =	sne.s32 s10, $0x3800;
	_ =	swait.ge [sflag:s0], $0x4000  }
0x55: {  	[sflag:s0] =	ssyncset.done $0x0  }
0x56: {  	s10 =	sadd.s32 $0x1000, s9;
	[sflag:s0] =	ssyncadd.s32 $0xFFFFC000  }
0x57: {  	[spmem:s2] =	stream.indirect.scatter.add.f32 [tilespmem:s28], [sflag:$0x3], $0x80, s10, s31, $0xb8;
	[tilespmem:$0x1E000] =	vst v63  }
0x58: {  	_ =	swait.ge [sflag:s29], $0x4000  }
0x59: {  	[sflag:s29] =	ssyncset.done $0x0  }
0x5a: {  	s10 =	sadd.s32 $0x100, s9;
	[sflag:s29] =	ssyncadd.s32 $0xFFFFC000  }
0x5b: {  	[tilespmem:s28], [sflag:$0x1] =	stream.indirect.gather [hbm4b:s19+s31], $0x80, s10, s31, $0xb8;
	[tilespmem:$0x1E000] =	vst v63  }
0x5c: {  	_ =	swait.ge [sflag:s4], $0x4000  }
.Ltmp0:
0x5d: {  	[sflag:s4] =	ssyncset.done $0x0;
	(pc) =	sbr.rel @p0 .LBB2_2-.Ltmp0, $4  }
0x5e: {  	s9 =	sadd.s32 $0x1080, s9;
	[sflag:s4] =	ssyncadd.s32 $0xFFFFC000  }
0x5f: {  	[spmem:s2] =	stream.indirect.scatter.add.f32 [tilespmem:s1], [sflag:$0x3], $0x80, s9, s31, $0xb8;
	[tilespmem:$0x1E000] =	vst v63  }
0x60: {  	_ =	swait.ge [sflag:s29], $0x4000  }
0x61: {  	s10 =	smov.u32 s13;
	s9 =	sshra.s32 s12, $0x2;
	[sflag:s29] =	ssyncset.done $0x0  }
0x62: {  	s10 =	sadd.s32 $0x80, s9;
	[sflag:s29] =	ssyncadd.s32 $0xFFFFC000  }
0x63: {  	[tilespmem:s1], [sflag:$0x2] =	stream.indirect.gather [hbm4b:s19+s31], $0x80, s10, s31, $0xb8;
	[tilespmem:$0x1E000] =	vst v63  }
0x64: {  	_ =	swait.ge [sflag:s0], $0x4000  }
0x65: {  	[sflag:s0] =	ssyncset.done $0x0  }
0x66: {  	s12 =	sadd.s32 $0x1000, s9;
	[sflag:s0] =	ssyncadd.s32 $0xFFFFC000  }
0x67: {  	[spmem:s2] =	stream.indirect.scatter.add.f32 [tilespmem:s28], [sflag:$0x3], $0x80, s12, s31, $0xb8;
	[tilespmem:$0x1E000] =	vst v63  }
0x68: {  	_ =	swait.ge [sflag:s29], $0x4000  }
0x69: {  	[sflag:s29] =	ssyncset.done $0x0  }
0x6a: {  	s13 =	sadd.s32 $0x100, s9;
	[sflag:s29] =	ssyncadd.s32 $0xFFFFC000  }
0x6b: {  	[tilespmem:s28], [sflag:$0x1] =	stream.indirect.gather [hbm4b:s19+s31], $0x80, s13, s31, $0xb8;
	[tilespmem:$0x1E000] =	vst v63  }
0x6c: {  	_ =	swait.ge [sflag:s4], $0x4000  }
0x6d: {  	[sflag:s4] =	ssyncset.done $0x0  }
0x6e: {  	s10 =	sadd.s32 $0x1080, s9;
	[sflag:s4] =	ssyncadd.s32 $0xFFFFC000  }
0x6f: {  	[spmem:s2] =	stream.indirect.scatter.add.f32 [tilespmem:s1], [sflag:$0x3], $0x80, s10, s31, $0xb8;
	[tilespmem:$0x1E000] =	vst v63  }
0x70: {  	_ =	swait.ge [sflag:s29], $0x4000  }
0x71: {  	[sflag:s29] =	ssyncset.done $0x0  }
0x72: {  	[sflag:s29] =	ssyncadd.s32 $0xFFFFC000  }
0x73: {  	[tilespmem:s1], [sflag:$0x2] =	stream.indirect.gather [hbm4b:s19+s31], $0x80, s5, s31, $0xb8;
	[tilespmem:$0x1E000] =	vst v63  }
0x74: {  	_ =	swait.ge [sflag:s0], $0x4000  }
0x75: {  	[sflag:s0] =	ssyncset.done $0x0  }
0x76: {  	[sflag:s0] =	ssyncadd.s32 $0xFFFFC000  }
0x77: {  	[spmem:s2] =	stream.indirect.scatter.add.f32 [tilespmem:s28], [sflag:$0x3], $0x80, s6, s31, $0xb8;
	[tilespmem:$0x1E000] =	vst v63  }
0x78: {  	_ =	swait.ge [sflag:s29], $0x4000  }
0x79: {  	[sflag:s29] =	ssyncset.done $0x0  }
0x7a: {  	[sflag:s29] =	ssyncadd.s32 $0xFFFFC000  }
0x7b: {  	_ =	swait.ge [sflag:s4], $0x4000  }
0x7c: {  	[sflag:s4] =	ssyncset.done $0x0  }
0x7d: {  	[sflag:s4] =	ssyncadd.s32 $0xFFFFC000  }
0x7e: {  	[spmem:s2] =	stream.indirect.scatter.add.f32 [tilespmem:s1], [sflag:$0x3], $0x80, s7, s31, $0xb8;
	[tilespmem:$0x1E000] =	vst v63  }
0x7f: {  	_ =	swait.ge [sflag:s29], $0x4000  }
0x80: {  	[sflag:s29] =	ssyncset.done $0x0  }
0x81: {  	s11 =	simm.s32 $0x0;
	s12 =	rddreg [dreg:$0x5];
	[sflag:s29] =	ssyncadd.s32 $0xFFFFC000  }
0x82: {  	[tilespmem:s11], [sflag:$0x3] =	stream.linear.gather [hbm4b:s12+s11], $0x1000, $0x38;
	[tilespmem:$0x1E000] =	vst v63  }
0x83: {  	_ =	swait.ge [sflag:s29], $0x1000  }
0x84: {  	[sflag:s29] =	ssyncset.done $0x0  }
0x85: {  	s13 =	rddreg [dreg:$0x6];
	[sflag:s29] =	ssyncadd.s32 $0xFFFFF000  }
0x86: {  	[tilespmem:s30], [sflag:$0x3] =	stream.linear.gather [hbm4b:s13+s11], $0x1000, $0x38;
	[tilespmem:$0x1E000] =	vst v63  }
0x87: {  	_ =	swait.ge [sflag:s29], $0x1000  }
0x88: {  	[sflag:s29] =	ssyncset.done $0x0  }
0x89: {  	[sflag:s29] =	ssyncadd.s32 $0xFFFFF000  }
0x8a: {  	[tilespmem:s28], [sflag:$0x1] =	stream.indirect.gather [hbm4b:s19+s31], $0x80, s11, s31, $0xb8;
	[tilespmem:$0x1E000] =	vst v63  }
0x8b: {  	s10 =	simm.s32 $0x80  }
0x8c: {  	[tilespmem:s1], [sflag:$0x2] =	stream.indirect.gather [hbm4b:s19+s31], $0x80, s10, s31, $0xb8;
	[tilespmem:$0x1E000] =	vst v63  }
0x8d: {  	_ =	swait.ge [sflag:s0], $0x4000  }
0x8e: {  	[sflag:s0] =	ssyncset.done $0x0  }
0x8f: {  	s11 =	simm.s32 $0x1000;
	[sflag:s0] =	ssyncadd.s32 $0xFFFFC000  }
0x90: {  	[spmem:s2] =	stream.indirect.scatter.add.f32 [tilespmem:s28], [sflag:$0x3], $0x80, s11, s31, $0xb8;
	[tilespmem:$0x1E000] =	vst v63  }
0x91: {  	_ =	swait.ge [sflag:s29], $0x4000  }
0x92: {  	[sflag:s29] =	ssyncset.done $0x0  }
0x93: {  	s12 =	simm.s32 $0x100;
	[sflag:s29] =	ssyncadd.s32 $0xFFFFC000  }
0x94: {  	[tilespmem:s28], [sflag:$0x1] =	stream.indirect.gather [hbm4b:s19+s31], $0x80, s12, s31, $0xb8;
	[tilespmem:$0x1E000] =	vst v63  }
0x95: {  	_ =	swait.ge [sflag:s4], $0x4000  }
0x96: {  	[sflag:s4] =	ssyncset.done $0x0  }
0x97: {  	s13 =	simm.s32 $0x1080;
	[sflag:s4] =	ssyncadd.s32 $0xFFFFC000  }
0x98: {  	[spmem:s2] =	stream.indirect.scatter.add.f32 [tilespmem:s1], [sflag:$0x3], $0x80, s13, s31, $0xb8;
	[tilespmem:$0x1E000] =	vst v63  }
0x99: {  	_ =	swait.ge [sflag:s29], $0x4000  }
0x9a: {  	s9 =	simm.s32 $0x100;
	s10 =	simm.s32 $0x800;
	[sflag:s29] =	ssyncset.done $0x0  }
.LBB2_4:
0x9b: {  	s11 =	sadd.s32 $0x80, s9  }
0x9c: {  	[sflag:s29] =	ssyncadd.s32 $0xFFFFC000;
	s12 =	smov.u32 s10;
	s13 =	sadd.s32 $0x400, s10  }
0x9d: {  	[tilespmem:s1], [sflag:$0x2] =	stream.indirect.gather [hbm4b:s19+s31], $0x80, s11, s31, $0xb8;
	[tilespmem:$0x1E000] =	vst v63  }
0x9e: {  	p0 =	sne.s32 s10, $0x3800;
	_ =	swait.ge [sflag:s0], $0x4000  }
0x9f: {  	[sflag:s0] =	ssyncset.done $0x0  }
0xa0: {  	s10 =	sadd.s32 $0x1000, s9;
	[sflag:s0] =	ssyncadd.s32 $0xFFFFC000  }
0xa1: {  	[spmem:s2] =	stream.indirect.scatter.add.f32 [tilespmem:s28], [sflag:$0x3], $0x80, s10, s31, $0xb8;
	[tilespmem:$0x1E000] =	vst v63  }
0xa2: {  	_ =	swait.ge [sflag:s29], $0x4000  }
0xa3: {  	[sflag:s29] =	ssyncset.done $0x0  }
0xa4: {  	s10 =	sadd.s32 $0x100, s9;
	[sflag:s29] =	ssyncadd.s32 $0xFFFFC000  }
0xa5: {  	[tilespmem:s28], [sflag:$0x1] =	stream.indirect.gather [hbm4b:s19+s31], $0x80, s10, s31, $0xb8;
	[tilespmem:$0x1E000] =	vst v63  }
0xa6: {  	_ =	swait.ge [sflag:s4], $0x4000  }
.Ltmp1:
0xa7: {  	[sflag:s4] =	ssyncset.done $0x0;
	(pc) =	sbr.rel @p0 .LBB2_4-.Ltmp1, $4  }
0xa8: {  	s9 =	sadd.s32 $0x1080, s9;
	[sflag:s4] =	ssyncadd.s32 $0xFFFFC000  }
0xa9: {  	[spmem:s2] =	stream.indirect.scatter.add.f32 [tilespmem:s1], [sflag:$0x3], $0x80, s9, s31, $0xb8;
	[tilespmem:$0x1E000] =	vst v63  }
0xaa: {  	_ =	swait.ge [sflag:s29], $0x4000  }
0xab: {  	s10 =	smov.u32 s13;
	s9 =	sshra.s32 s12, $0x2;
	[sflag:s29] =	ssyncset.done $0x0  }
0xac: {  	s10 =	sadd.s32 $0x80, s9;
	[sflag:s29] =	ssyncadd.s32 $0xFFFFC000  }
0xad: {  	[tilespmem:s1], [sflag:$0x2] =	stream.indirect.gather [hbm4b:s19+s31], $0x80, s10, s31, $0xb8;
	[tilespmem:$0x1E000] =	vst v63  }
0xae: {  	_ =	swait.ge [sflag:s0], $0x4000  }
0xaf: {  	[sflag:s0] =	ssyncset.done $0x0  }
0xb0: {  	s12 =	sadd.s32 $0x1000, s9;
	[sflag:s0] =	ssyncadd.s32 $0xFFFFC000  }
0xb1: {  	[spmem:s2] =	stream.indirect.scatter.add.f32 [tilespmem:s28], [sflag:$0x3], $0x80, s12, s31, $0xb8;
	[tilespmem:$0x1E000] =	vst v63  }
0xb2: {  	_ =	swait.ge [sflag:s29], $0x4000  }
0xb3: {  	[sflag:s29] =	ssyncset.done $0x0  }
0xb4: {  	s13 =	sadd.s32 $0x100, s9;
	[sflag:s29] =	ssyncadd.s32 $0xFFFFC000  }
0xb5: {  	[tilespmem:s28], [sflag:$0x1] =	stream.indirect.gather [hbm4b:s19+s31], $0x80, s13, s31, $0xb8;
	[tilespmem:$0x1E000] =	vst v63  }
0xb6: {  	_ =	swait.ge [sflag:s4], $0x4000  }
0xb7: {  	[sflag:s4] =	ssyncset.done $0x0  }
0xb8: {  	s10 =	sadd.s32 $0x1080, s9;
	[sflag:s4] =	ssyncadd.s32 $0xFFFFC000  }
0xb9: {  	[spmem:s2] =	stream.indirect.scatter.add.f32 [tilespmem:s1], [sflag:$0x3], $0x80, s10, s31, $0xb8;
	[tilespmem:$0x1E000] =	vst v63  }
0xba: {  	_ =	swait.ge [sflag:s29], $0x4000  }
0xbb: {  	[sflag:s29] =	ssyncset.done $0x0  }
0xbc: {  	[sflag:s29] =	ssyncadd.s32 $0xFFFFC000  }
0xbd: {  	[tilespmem:s1], [sflag:$0x2] =	stream.indirect.gather [hbm4b:s19+s31], $0x80, s5, s31, $0xb8;
	[tilespmem:$0x1E000] =	vst v63  }
0xbe: {  	_ =	swait.ge [sflag:s0], $0x4000  }
0xbf: {  	[sflag:s0] =	ssyncset.done $0x0  }
0xc0: {  	[sflag:s0] =	ssyncadd.s32 $0xFFFFC000  }
0xc1: {  	[spmem:s2] =	stream.indirect.scatter.add.f32 [tilespmem:s28], [sflag:$0x3], $0x80, s6, s31, $0xb8;
	[tilespmem:$0x1E000] =	vst v63  }
0xc2: {  	_ =	swait.ge [sflag:s29], $0x4000  }
0xc3: {  	[sflag:s29] =	ssyncset.done $0x0  }
0xc4: {  	[sflag:s29] =	ssyncadd.s32 $0xFFFFC000  }
0xc5: {  	_ =	swait.ge [sflag:s4], $0x4000  }
0xc6: {  	[sflag:s4] =	ssyncset.done $0x0  }
0xc7: {  	[sflag:s4] =	ssyncadd.s32 $0xFFFFC000  }
0xc8: {  	[spmem:s2] =	stream.indirect.scatter.add.f32 [tilespmem:s1], [sflag:$0x3], $0x80, s7, s31, $0xb8;
	[tilespmem:$0x1E000] =	vst v63  }
0xc9: {  	_ =	swait.ge [sflag:s29], $0x4000  }
0xca: {  	[sflag:s29] =	ssyncset.done $0x0  }
0xcb: {  	s11 =	simm.s32 $0x0;
	s12 =	rddreg [dreg:$0x7];
	[sflag:s29] =	ssyncadd.s32 $0xFFFFC000  }
0xcc: {  	[tilespmem:s11], [sflag:$0x3] =	stream.linear.gather [hbm4b:s12+s11], $0x1000, $0x38;
	[tilespmem:$0x1E000] =	vst v63  }
0xcd: {  	_ =	swait.ge [sflag:s29], $0x1000  }
0xce: {  	[sflag:s29] =	ssyncset.done $0x0  }
0xcf: {  	s13 =	rddreg [dreg:$0x8];
	[sflag:s29] =	ssyncadd.s32 $0xFFFFF000  }
0xd0: {  	[tilespmem:s30], [sflag:$0x3] =	stream.linear.gather [hbm4b:s13+s11], $0x1000, $0x38;
	[tilespmem:$0x1E000] =	vst v63  }
0xd1: {  	_ =	swait.ge [sflag:s29], $0x1000  }
0xd2: {  	[sflag:s29] =	ssyncset.done $0x0  }
0xd3: {  	[sflag:s29] =	ssyncadd.s32 $0xFFFFF000  }
0xd4: {  	[tilespmem:s28], [sflag:$0x1] =	stream.indirect.gather [hbm4b:s19+s31], $0x80, s11, s31, $0xb8;
	[tilespmem:$0x1E000] =	vst v63  }
0xd5: {  	s10 =	simm.s32 $0x80  }
0xd6: {  	[tilespmem:s1], [sflag:$0x2] =	stream.indirect.gather [hbm4b:s19+s31], $0x80, s10, s31, $0xb8;
	[tilespmem:$0x1E000] =	vst v63  }
0xd7: {  	_ =	swait.ge [sflag:s0], $0x4000  }
0xd8: {  	[sflag:s0] =	ssyncset.done $0x0  }
0xd9: {  	s11 =	simm.s32 $0x1000;
	[sflag:s0] =	ssyncadd.s32 $0xFFFFC000  }
0xda: {  	[spmem:s2] =	stream.indirect.scatter.add.f32 [tilespmem:s28], [sflag:$0x3], $0x80, s11, s31, $0xb8;
	[tilespmem:$0x1E000] =	vst v63  }
0xdb: {  	_ =	swait.ge [sflag:s29], $0x4000  }
0xdc: {  	[sflag:s29] =	ssyncset.done $0x0  }
0xdd: {  	s12 =	simm.s32 $0x100;
	[sflag:s29] =	ssyncadd.s32 $0xFFFFC000  }
0xde: {  	[tilespmem:s28], [sflag:$0x1] =	stream.indirect.gather [hbm4b:s19+s31], $0x80, s12, s31, $0xb8;
	[tilespmem:$0x1E000] =	vst v63  }
0xdf: {  	_ =	swait.ge [sflag:s4], $0x4000  }
0xe0: {  	[sflag:s4] =	ssyncset.done $0x0  }
0xe1: {  	s13 =	simm.s32 $0x1080;
	[sflag:s4] =	ssyncadd.s32 $0xFFFFC000  }
0xe2: {  	[spmem:s2] =	stream.indirect.scatter.add.f32 [tilespmem:s1], [sflag:$0x3], $0x80, s13, s31, $0xb8;
	[tilespmem:$0x1E000] =	vst v63  }
0xe3: {  	_ =	swait.ge [sflag:s29], $0x4000  }
0xe4: {  	s9 =	simm.s32 $0x100;
	s10 =	simm.s32 $0x800;
	[sflag:s29] =	ssyncset.done $0x0  }
.LBB2_6:
0xe5: {  	s11 =	sadd.s32 $0x80, s9  }
0xe6: {  	[sflag:s29] =	ssyncadd.s32 $0xFFFFC000;
	s12 =	smov.u32 s10;
	s13 =	sadd.s32 $0x400, s10  }
0xe7: {  	[tilespmem:s1], [sflag:$0x2] =	stream.indirect.gather [hbm4b:s19+s31], $0x80, s11, s31, $0xb8;
	[tilespmem:$0x1E000] =	vst v63  }
0xe8: {  	p0 =	sne.s32 s10, $0x3800;
	_ =	swait.ge [sflag:s0], $0x4000  }
0xe9: {  	[sflag:s0] =	ssyncset.done $0x0  }
0xea: {  	s10 =	sadd.s32 $0x1000, s9;
	[sflag:s0] =	ssyncadd.s32 $0xFFFFC000  }
0xeb: {  	[spmem:s2] =	stream.indirect.scatter.add.f32 [tilespmem:s28], [sflag:$0x3], $0x80, s10, s31, $0xb8;
	[tilespmem:$0x1E000] =	vst v63  }
0xec: {  	_ =	swait.ge [sflag:s29], $0x4000  }
0xed: {  	[sflag:s29] =	ssyncset.done $0x0  }
0xee: {  	s10 =	sadd.s32 $0x100, s9;
	[sflag:s29] =	ssyncadd.s32 $0xFFFFC000  }
0xef: {  	[tilespmem:s28], [sflag:$0x1] =	stream.indirect.gather [hbm4b:s19+s31], $0x80, s10, s31, $0xb8;
	[tilespmem:$0x1E000] =	vst v63  }
0xf0: {  	_ =	swait.ge [sflag:s4], $0x4000  }
.Ltmp2:
0xf1: {  	[sflag:s4] =	ssyncset.done $0x0;
	(pc) =	sbr.rel @p0 .LBB2_6-.Ltmp2, $4  }
0xf2: {  	s9 =	sadd.s32 $0x1080, s9;
	[sflag:s4] =	ssyncadd.s32 $0xFFFFC000  }
0xf3: {  	[spmem:s2] =	stream.indirect.scatter.add.f32 [tilespmem:s1], [sflag:$0x3], $0x80, s9, s31, $0xb8;
	[tilespmem:$0x1E000] =	vst v63  }
0xf4: {  	_ =	swait.ge [sflag:s29], $0x4000  }
0xf5: {  	s10 =	smov.u32 s13;
	s9 =	sshra.s32 s12, $0x2;
	[sflag:s29] =	ssyncset.done $0x0  }
0xf6: {  	s10 =	sadd.s32 $0x80, s9;
	[sflag:s29] =	ssyncadd.s32 $0xFFFFC000  }
0xf7: {  	[tilespmem:s1], [sflag:$0x2] =	stream.indirect.gather [hbm4b:s19+s31], $0x80, s10, s31, $0xb8;
	[tilespmem:$0x1E000] =	vst v63  }
0xf8: {  	_ =	swait.ge [sflag:s0], $0x4000  }
0xf9: {  	[sflag:s0] =	ssyncset.done $0x0  }
0xfa: {  	s12 =	sadd.s32 $0x1000, s9;
	[sflag:s0] =	ssyncadd.s32 $0xFFFFC000  }
0xfb: {  	[spmem:s2] =	stream.indirect.scatter.add.f32 [tilespmem:s28], [sflag:$0x3], $0x80, s12, s31, $0xb8;
	[tilespmem:$0x1E000] =	vst v63  }
0xfc: {  	_ =	swait.ge [sflag:s29], $0x4000  }
0xfd: {  	[sflag:s29] =	ssyncset.done $0x0  }
0xfe: {  	s13 =	sadd.s32 $0x100, s9;
	[sflag:s29] =	ssyncadd.s32 $0xFFFFC000  }
0xff: {  	[tilespmem:s28], [sflag:$0x1] =	stream.indirect.gather [hbm4b:s19+s31], $0x80, s13, s31, $0xb8;
	[tilespmem:$0x1E000] =	vst v63  }
0x100: {  	_ =	swait.ge [sflag:s4], $0x4000  }
0x101: {  	[sflag:s4] =	ssyncset.done $0x0  }
0x102: {  	s10 =	sadd.s32 $0x1080, s9;
	[sflag:s4] =	ssyncadd.s32 $0xFFFFC000  }
0x103: {  	[spmem:s2] =	stream.indirect.scatter.add.f32 [tilespmem:s1], [sflag:$0x3], $0x80, s10, s31, $0xb8;
	[tilespmem:$0x1E000] =	vst v63  }
0x104: {  	_ =	swait.ge [sflag:s29], $0x4000  }
0x105: {  	[sflag:s29] =	ssyncset.done $0x0  }
0x106: {  	[sflag:s29] =	ssyncadd.s32 $0xFFFFC000  }
0x107: {  	[tilespmem:s1], [sflag:$0x2] =	stream.indirect.gather [hbm4b:s19+s31], $0x80, s5, s31, $0xb8;
	[tilespmem:$0x1E000] =	vst v63  }
0x108: {  	_ =	swait.ge [sflag:s0], $0x4000  }
0x109: {  	[sflag:s0] =	ssyncset.done $0x0  }
0x10a: {  	[sflag:s0] =	ssyncadd.s32 $0xFFFFC000  }
0x10b: {  	[spmem:s2] =	stream.indirect.scatter.add.f32 [tilespmem:s28], [sflag:$0x3], $0x80, s6, s31, $0xb8;
	[tilespmem:$0x1E000] =	vst v63  }
0x10c: {  	_ =	swait.ge [sflag:s29], $0x4000  }
0x10d: {  	[sflag:s29] =	ssyncset.done $0x0  }
0x10e: {  	[sflag:s29] =	ssyncadd.s32 $0xFFFFC000  }
0x10f: {  	_ =	swait.ge [sflag:s4], $0x4000  }
0x110: {  	[sflag:s4] =	ssyncset.done $0x0  }
0x111: {  	[sflag:s4] =	ssyncadd.s32 $0xFFFFC000  }
0x112: {  	[spmem:s2] =	stream.indirect.scatter.add.f32 [tilespmem:s1], [sflag:$0x3], $0x80, s7, s31, $0xb8;
	[tilespmem:$0x1E000] =	vst v63  }
0x113: {  	_ =	swait.ge [sflag:s29], $0x4000  }
0x114: {  	[sflag:s29] =	ssyncset.done $0x0  }
0x115: {  	s11 =	simm.s32 $0x0;
	s12 =	rddreg [dreg:$0x9];
	[sflag:s29] =	ssyncadd.s32 $0xFFFFC000  }
0x116: {  	[tilespmem:s11], [sflag:$0x3] =	stream.linear.gather [hbm4b:s12+s11], $0x1000, $0x38;
	[tilespmem:$0x1E000] =	vst v63  }
0x117: {  	_ =	swait.ge [sflag:s29], $0x1000  }
0x118: {  	[sflag:s29] =	ssyncset.done $0x0  }
0x119: {  	s13 =	rddreg [dreg:$0xa];
	[sflag:s29] =	ssyncadd.s32 $0xFFFFF000  }
0x11a: {  	[tilespmem:s30], [sflag:$0x3] =	stream.linear.gather [hbm4b:s13+s11], $0x1000, $0x38;
	[tilespmem:$0x1E000] =	vst v63  }
0x11b: {  	_ =	swait.ge [sflag:s29], $0x1000  }
0x11c: {  	[sflag:s29] =	ssyncset.done $0x0  }
0x11d: {  	[sflag:s29] =	ssyncadd.s32 $0xFFFFF000  }
0x11e: {  	[tilespmem:s28], [sflag:$0x1] =	stream.indirect.gather [hbm4b:s19+s31], $0x80, s11, s31, $0xb8;
	[tilespmem:$0x1E000] =	vst v63  }
0x11f: {  	s10 =	simm.s32 $0x80  }
0x120: {  	[tilespmem:s1], [sflag:$0x2] =	stream.indirect.gather [hbm4b:s19+s31], $0x80, s10, s31, $0xb8;
	[tilespmem:$0x1E000] =	vst v63  }
0x121: {  	_ =	swait.ge [sflag:s0], $0x4000  }
0x122: {  	[sflag:s0] =	ssyncset.done $0x0  }
0x123: {  	s11 =	simm.s32 $0x1000;
	[sflag:s0] =	ssyncadd.s32 $0xFFFFC000  }
0x124: {  	[spmem:s2] =	stream.indirect.scatter.add.f32 [tilespmem:s28], [sflag:$0x3], $0x80, s11, s31, $0xb8;
	[tilespmem:$0x1E000] =	vst v63  }
0x125: {  	_ =	swait.ge [sflag:s29], $0x4000  }
0x126: {  	[sflag:s29] =	ssyncset.done $0x0  }
0x127: {  	s12 =	simm.s32 $0x100;
	[sflag:s29] =	ssyncadd.s32 $0xFFFFC000  }
0x128: {  	[tilespmem:s28], [sflag:$0x1] =	stream.indirect.gather [hbm4b:s19+s31], $0x80, s12, s31, $0xb8;
	[tilespmem:$0x1E000] =	vst v63  }
0x129: {  	_ =	swait.ge [sflag:s4], $0x4000  }
0x12a: {  	[sflag:s4] =	ssyncset.done $0x0  }
0x12b: {  	s13 =	simm.s32 $0x1080;
	[sflag:s4] =	ssyncadd.s32 $0xFFFFC000  }
0x12c: {  	[spmem:s2] =	stream.indirect.scatter.add.f32 [tilespmem:s1], [sflag:$0x3], $0x80, s13, s31, $0xb8;
	[tilespmem:$0x1E000] =	vst v63  }
0x12d: {  	_ =	swait.ge [sflag:s29], $0x4000  }
0x12e: {  	s9 =	simm.s32 $0x100;
	s10 =	simm.s32 $0x800;
	[sflag:s29] =	ssyncset.done $0x0  }
.LBB2_8:
0x12f: {  	s11 =	sadd.s32 $0x80, s9  }
0x130: {  	[sflag:s29] =	ssyncadd.s32 $0xFFFFC000;
	s12 =	smov.u32 s10;
	s13 =	sadd.s32 $0x400, s10  }
0x131: {  	[tilespmem:s1], [sflag:$0x2] =	stream.indirect.gather [hbm4b:s19+s31], $0x80, s11, s31, $0xb8;
	[tilespmem:$0x1E000] =	vst v63  }
0x132: {  	p0 =	sne.s32 s10, $0x3800;
	_ =	swait.ge [sflag:s0], $0x4000  }
0x133: {  	[sflag:s0] =	ssyncset.done $0x0  }
0x134: {  	s10 =	sadd.s32 $0x1000, s9;
	[sflag:s0] =	ssyncadd.s32 $0xFFFFC000  }
0x135: {  	[spmem:s2] =	stream.indirect.scatter.add.f32 [tilespmem:s28], [sflag:$0x3], $0x80, s10, s31, $0xb8;
	[tilespmem:$0x1E000] =	vst v63  }
0x136: {  	_ =	swait.ge [sflag:s29], $0x4000  }
0x137: {  	[sflag:s29] =	ssyncset.done $0x0  }
0x138: {  	s10 =	sadd.s32 $0x100, s9;
	[sflag:s29] =	ssyncadd.s32 $0xFFFFC000  }
0x139: {  	[tilespmem:s28], [sflag:$0x1] =	stream.indirect.gather [hbm4b:s19+s31], $0x80, s10, s31, $0xb8;
	[tilespmem:$0x1E000] =	vst v63  }
0x13a: {  	_ =	swait.ge [sflag:s4], $0x4000  }
.Ltmp3:
0x13b: {  	[sflag:s4] =	ssyncset.done $0x0;
	(pc) =	sbr.rel @p0 .LBB2_8-.Ltmp3, $4  }
0x13c: {  	s9 =	sadd.s32 $0x1080, s9;
	[sflag:s4] =	ssyncadd.s32 $0xFFFFC000  }
0x13d: {  	[spmem:s2] =	stream.indirect.scatter.add.f32 [tilespmem:s1], [sflag:$0x3], $0x80, s9, s31, $0xb8;
	[tilespmem:$0x1E000] =	vst v63  }
0x13e: {  	_ =	swait.ge [sflag:s29], $0x4000  }
0x13f: {  	s10 =	smov.u32 s13;
	s9 =	sshra.s32 s12, $0x2;
	[sflag:s29] =	ssyncset.done $0x0  }
0x140: {  	s10 =	sadd.s32 $0x80, s9;
	[sflag:s29] =	ssyncadd.s32 $0xFFFFC000  }
0x141: {  	[tilespmem:s1], [sflag:$0x2] =	stream.indirect.gather [hbm4b:s19+s31], $0x80, s10, s31, $0xb8;
	[tilespmem:$0x1E000] =	vst v63  }
0x142: {  	_ =	swait.ge [sflag:s0], $0x4000  }
0x143: {  	[sflag:s0] =	ssyncset.done $0x0  }
0x144: {  	s12 =	sadd.s32 $0x1000, s9;
	[sflag:s0] =	ssyncadd.s32 $0xFFFFC000  }
0x145: {  	[spmem:s2] =	stream.indirect.scatter.add.f32 [tilespmem:s28], [sflag:$0x3], $0x80, s12, s31, $0xb8;
	[tilespmem:$0x1E000] =	vst v63  }
0x146: {  	_ =	swait.ge [sflag:s29], $0x4000  }
0x147: {  	[sflag:s29] =	ssyncset.done $0x0  }
0x148: {  	s13 =	sadd.s32 $0x100, s9;
	[sflag:s29] =	ssyncadd.s32 $0xFFFFC000  }
0x149: {  	[tilespmem:s28], [sflag:$0x1] =	stream.indirect.gather [hbm4b:s19+s31], $0x80, s13, s31, $0xb8;
	[tilespmem:$0x1E000] =	vst v63  }
0x14a: {  	_ =	swait.ge [sflag:s4], $0x4000  }
0x14b: {  	[sflag:s4] =	ssyncset.done $0x0  }
0x14c: {  	s10 =	sadd.s32 $0x1080, s9;
	[sflag:s4] =	ssyncadd.s32 $0xFFFFC000  }
0x14d: {  	[spmem:s2] =	stream.indirect.scatter.add.f32 [tilespmem:s1], [sflag:$0x3], $0x80, s10, s31, $0xb8;
	[tilespmem:$0x1E000] =	vst v63  }
0x14e: {  	_ =	swait.ge [sflag:s29], $0x4000  }
0x14f: {  	[sflag:s29] =	ssyncset.done $0x0  }
0x150: {  	[sflag:s29] =	ssyncadd.s32 $0xFFFFC000  }
0x151: {  	[tilespmem:s1], [sflag:$0x2] =	stream.indirect.gather [hbm4b:s19+s31], $0x80, s5, s31, $0xb8;
	[tilespmem:$0x1E000] =	vst v63  }
0x152: {  	_ =	swait.ge [sflag:s0], $0x4000  }
0x153: {  	[sflag:s0] =	ssyncset.done $0x0  }
0x154: {  	[sflag:s0] =	ssyncadd.s32 $0xFFFFC000  }
0x155: {  	[spmem:s2] =	stream.indirect.scatter.add.f32 [tilespmem:s28], [sflag:$0x3], $0x80, s6, s31, $0xb8;
	[tilespmem:$0x1E000] =	vst v63  }
0x156: {  	_ =	swait.ge [sflag:s29], $0x4000  }
0x157: {  	[sflag:s29] =	ssyncset.done $0x0  }
0x158: {  	[sflag:s29] =	ssyncadd.s32 $0xFFFFC000  }
0x159: {  	_ =	swait.ge [sflag:s4], $0x4000  }
0x15a: {  	[sflag:s4] =	ssyncset.done $0x0  }
0x15b: {  	[sflag:s4] =	ssyncadd.s32 $0xFFFFC000  }
0x15c: {  	[spmem:s2] =	stream.indirect.scatter.add.f32 [tilespmem:s1], [sflag:$0x3], $0x80, s7, s31, $0xb8;
	[tilespmem:$0x1E000] =	vst v63  }
0x15d: {  	_ =	swait.ge [sflag:s29], $0x4000  }
0x15e: {  	[sflag:s29] =	ssyncset.done $0x0  }
0x15f: {  	s11 =	simm.s32 $0x0;
	s12 =	rddreg [dreg:$0xb];
	[sflag:s29] =	ssyncadd.s32 $0xFFFFC000  }
0x160: {  	[tilespmem:s11], [sflag:$0x3] =	stream.linear.gather [hbm4b:s12+s11], $0x1000, $0x38;
	[tilespmem:$0x1E000] =	vst v63  }
0x161: {  	_ =	swait.ge [sflag:s29], $0x1000  }
0x162: {  	[sflag:s29] =	ssyncset.done $0x0  }
0x163: {  	s13 =	rddreg [dreg:$0xc];
	[sflag:s29] =	ssyncadd.s32 $0xFFFFF000  }
0x164: {  	[tilespmem:s30], [sflag:$0x3] =	stream.linear.gather [hbm4b:s13+s11], $0x1000, $0x38;
	[tilespmem:$0x1E000] =	vst v63  }
0x165: {  	_ =	swait.ge [sflag:s29], $0x1000  }
0x166: {  	[sflag:s29] =	ssyncset.done $0x0  }
0x167: {  	[sflag:s29] =	ssyncadd.s32 $0xFFFFF000  }
0x168: {  	[tilespmem:s28], [sflag:$0x1] =	stream.indirect.gather [hbm4b:s19+s31], $0x80, s11, s31, $0xb8;
	[tilespmem:$0x1E000] =	vst v63  }
0x169: {  	s10 =	simm.s32 $0x80  }
0x16a: {  	[tilespmem:s1], [sflag:$0x2] =	stream.indirect.gather [hbm4b:s19+s31], $0x80, s10, s31, $0xb8;
	[tilespmem:$0x1E000] =	vst v63  }
0x16b: {  	_ =	swait.ge [sflag:s0], $0x4000  }
0x16c: {  	[sflag:s0] =	ssyncset.done $0x0  }
0x16d: {  	s11 =	simm.s32 $0x1000;
	[sflag:s0] =	ssyncadd.s32 $0xFFFFC000  }
0x16e: {  	[spmem:s2] =	stream.indirect.scatter.add.f32 [tilespmem:s28], [sflag:$0x3], $0x80, s11, s31, $0xb8;
	[tilespmem:$0x1E000] =	vst v63  }
0x16f: {  	_ =	swait.ge [sflag:s29], $0x4000  }
0x170: {  	[sflag:s29] =	ssyncset.done $0x0  }
0x171: {  	s12 =	simm.s32 $0x100;
	[sflag:s29] =	ssyncadd.s32 $0xFFFFC000  }
0x172: {  	[tilespmem:s28], [sflag:$0x1] =	stream.indirect.gather [hbm4b:s19+s31], $0x80, s12, s31, $0xb8;
	[tilespmem:$0x1E000] =	vst v63  }
0x173: {  	_ =	swait.ge [sflag:s4], $0x4000  }
0x174: {  	[sflag:s4] =	ssyncset.done $0x0  }
0x175: {  	s13 =	simm.s32 $0x1080;
	[sflag:s4] =	ssyncadd.s32 $0xFFFFC000  }
0x176: {  	[spmem:s2] =	stream.indirect.scatter.add.f32 [tilespmem:s1], [sflag:$0x3], $0x80, s13, s31, $0xb8;
	[tilespmem:$0x1E000] =	vst v63  }
0x177: {  	_ =	swait.ge [sflag:s29], $0x4000  }
0x178: {  	s9 =	simm.s32 $0x100;
	s10 =	simm.s32 $0x800;
	[sflag:s29] =	ssyncset.done $0x0  }
.LBB2_10:
0x179: {  	s11 =	sadd.s32 $0x80, s9  }
0x17a: {  	[sflag:s29] =	ssyncadd.s32 $0xFFFFC000;
	s12 =	smov.u32 s10;
	s13 =	sadd.s32 $0x400, s10  }
0x17b: {  	[tilespmem:s1], [sflag:$0x2] =	stream.indirect.gather [hbm4b:s19+s31], $0x80, s11, s31, $0xb8;
	[tilespmem:$0x1E000] =	vst v63  }
0x17c: {  	p0 =	sne.s32 s10, $0x3800;
	_ =	swait.ge [sflag:s0], $0x4000  }
0x17d: {  	[sflag:s0] =	ssyncset.done $0x0  }
0x17e: {  	s10 =	sadd.s32 $0x1000, s9;
	[sflag:s0] =	ssyncadd.s32 $0xFFFFC000  }
0x17f: {  	[spmem:s2] =	stream.indirect.scatter.add.f32 [tilespmem:s28], [sflag:$0x3], $0x80, s10, s31, $0xb8;
	[tilespmem:$0x1E000] =	vst v63  }
0x180: {  	_ =	swait.ge [sflag:s29], $0x4000  }
0x181: {  	[sflag:s29] =	ssyncset.done $0x0  }
0x182: {  	s10 =	sadd.s32 $0x100, s9;
	[sflag:s29] =	ssyncadd.s32 $0xFFFFC000  }
0x183: {  	[tilespmem:s28], [sflag:$0x1] =	stream.indirect.gather [hbm4b:s19+s31], $0x80, s10, s31, $0xb8;
	[tilespmem:$0x1E000] =	vst v63  }
0x184: {  	_ =	swait.ge [sflag:s4], $0x4000  }
.Ltmp4:
0x185: {  	[sflag:s4] =	ssyncset.done $0x0;
	(pc) =	sbr.rel @p0 .LBB2_10-.Ltmp4, $4  }
0x186: {  	s9 =	sadd.s32 $0x1080, s9;
	[sflag:s4] =	ssyncadd.s32 $0xFFFFC000  }
0x187: {  	[spmem:s2] =	stream.indirect.scatter.add.f32 [tilespmem:s1], [sflag:$0x3], $0x80, s9, s31, $0xb8;
	[tilespmem:$0x1E000] =	vst v63  }
0x188: {  	_ =	swait.ge [sflag:s29], $0x4000  }
0x189: {  	s10 =	smov.u32 s13;
	s9 =	sshra.s32 s12, $0x2;
	[sflag:s29] =	ssyncset.done $0x0  }
0x18a: {  	s10 =	sadd.s32 $0x80, s9;
	[sflag:s29] =	ssyncadd.s32 $0xFFFFC000  }
0x18b: {  	[tilespmem:s1], [sflag:$0x2] =	stream.indirect.gather [hbm4b:s19+s31], $0x80, s10, s31, $0xb8;
	[tilespmem:$0x1E000] =	vst v63  }
0x18c: {  	_ =	swait.ge [sflag:s0], $0x4000  }
0x18d: {  	[sflag:s0] =	ssyncset.done $0x0  }
0x18e: {  	s11 =	sadd.s32 $0x1000, s9;
	[sflag:s0] =	ssyncadd.s32 $0xFFFFC000  }
0x18f: {  	[spmem:s2] =	stream.indirect.scatter.add.f32 [tilespmem:s28], [sflag:$0x3], $0x80, s11, s31, $0xb8;
	[tilespmem:$0x1E000] =	vst v63  }
0x190: {  	_ =	swait.ge [sflag:s29], $0x4000  }
0x191: {  	[sflag:s29] =	ssyncset.done $0x0  }
0x192: {  	s12 =	sadd.s32 $0x100, s9;
	[sflag:s29] =	ssyncadd.s32 $0xFFFFC000  }
0x193: {  	[tilespmem:s28], [sflag:$0x1] =	stream.indirect.gather [hbm4b:s19+s31], $0x80, s12, s31, $0xb8;
	[tilespmem:$0x1E000] =	vst v63  }
0x194: {  	_ =	swait.ge [sflag:s4], $0x4000  }
0x195: {  	[sflag:s4] =	ssyncset.done $0x0  }
0x196: {  	s13 =	sadd.s32 $0x1080, s9;
	[sflag:s4] =	ssyncadd.s32 $0xFFFFC000  }
0x197: {  	[spmem:s2] =	stream.indirect.scatter.add.f32 [tilespmem:s1], [sflag:$0x3], $0x80, s13, s31, $0xb8;
	[tilespmem:$0x1E000] =	vst v63  }
0x198: {  	_ =	swait.ge [sflag:s29], $0x4000  }
0x199: {  	[sflag:s29] =	ssyncset.done $0x0  }
0x19a: {  	[sflag:s29] =	ssyncadd.s32 $0xFFFFC000  }
0x19b: {  	[tilespmem:s1], [sflag:$0x2] =	stream.indirect.gather [hbm4b:s19+s31], $0x80, s5, s31, $0xb8;
	[tilespmem:$0x1E000] =	vst v63  }
0x19c: {  	_ =	swait.ge [sflag:s0], $0x4000  }
0x19d: {  	[sflag:s0] =	ssyncset.done $0x0  }
0x19e: {  	[sflag:s0] =	ssyncadd.s32 $0xFFFFC000  }
0x19f: {  	[spmem:s2] =	stream.indirect.scatter.add.f32 [tilespmem:s28], [sflag:$0x3], $0x80, s6, s31, $0xb8;
	[tilespmem:$0x1E000] =	vst v63  }
0x1a0: {  	_ =	swait.ge [sflag:s29], $0x4000  }
0x1a1: {  	[sflag:s29] =	ssyncset.done $0x0  }
0x1a2: {  	[sflag:s29] =	ssyncadd.s32 $0xFFFFC000  }
0x1a3: {  	_ =	swait.ge [sflag:s4], $0x4000  }
0x1a4: {  	[sflag:s4] =	ssyncset.done $0x0  }
0x1a5: {  	[sflag:s4] =	ssyncadd.s32 $0xFFFFC000  }
0x1a6: {  	[spmem:s2] =	stream.indirect.scatter.add.f32 [tilespmem:s1], [sflag:$0x3], $0x80, s7, s31, $0xb8;
	[tilespmem:$0x1E000] =	vst v63  }
0x1a7: {  	_ =	swait.ge [sflag:s29], $0x4000  }
0x1a8: {  	[sflag:s29] =	ssyncset.done $0x0  }
0x1a9: {  	[sflag:s29] =	ssyncadd.s32 $0xFFFFC000  }
0x1aa: {  	[bflag:$0x0] =	sbarrier.arrive $0xFFFF  }
0x1ab: {  	[tilespmem:s28], [sflag:$0x3] =	stream.linear.gather [spmem:s21], $0x4000, $0x38;
	[tilespmem:$0x1E000] =	vst v63  }
0x1ac: {  	_ =	swait.ge [sflag:s29], $0x4000  }
0x1ad: {  	[sflag:s29] =	ssyncset.done $0x0  }
0x1ae: {  	[sflag:s29] =	ssyncadd.s32 $0xFFFFC000  }
0x1af: {  	[hbm4b:s14+s3] =	stream.linear.scatter [tilespmem:s28], [sflag:$0x3], $0x4000, $0x38;
	[tilespmem:$0x1E000] =	vst v63  }
0x1b0: {  	_ =	swait.ge [sflag:s29], $0x4000  }
0x1b1: {  	[sflag:s29] =	ssyncset.done $0x0  }
0x1b2: {  	[sflag:s29] =	ssyncadd.s32 $0xFFFFC000  }
0x1b3: {  	[tilespmem:s28], [sflag:$0x3] =	stream.linear.gather [spmem:s22], $0x4000, $0x38;
	[tilespmem:$0x1E000] =	vst v63  }
0x1b4: {  	_ =	swait.ge [sflag:s29], $0x4000  }
0x1b5: {  	[sflag:s29] =	ssyncset.done $0x0  }
0x1b6: {  	[sflag:s29] =	ssyncadd.s32 $0xFFFFC000  }
0x1b7: {  	[hbm4b:s15+s3] =	stream.linear.scatter [tilespmem:s28], [sflag:$0x3], $0x4000, $0x38;
	[tilespmem:$0x1E000] =	vst v63  }
0x1b8: {  	_ =	swait.ge [sflag:s29], $0x4000  }
0x1b9: {  	[sflag:s29] =	ssyncset.done $0x0  }
0x1ba: {  	[sflag:s29] =	ssyncadd.s32 $0xFFFFC000  }
0x1bb: {  	[tilespmem:s28], [sflag:$0x3] =	stream.linear.gather [spmem:s23], $0x4000, $0x38;
	[tilespmem:$0x1E000] =	vst v63  }
0x1bc: {  	_ =	swait.ge [sflag:s29], $0x4000  }
0x1bd: {  	[sflag:s29] =	ssyncset.done $0x0  }
0x1be: {  	[sflag:s29] =	ssyncadd.s32 $0xFFFFC000  }
0x1bf: {  	[hbm4b:s16+s3] =	stream.linear.scatter [tilespmem:s28], [sflag:$0x3], $0x4000, $0x38;
	[tilespmem:$0x1E000] =	vst v63  }
0x1c0: {  	_ =	swait.ge [sflag:s29], $0x4000  }
0x1c1: {  	[sflag:s29] =	ssyncset.done $0x0  }
0x1c2: {  	[sflag:s29] =	ssyncadd.s32 $0xFFFFC000  }
0x1c3: {  	[tilespmem:s28], [sflag:$0x3] =	stream.linear.gather [spmem:s24], $0x4000, $0x38;
	[tilespmem:$0x1E000] =	vst v63  }
0x1c4: {  	_ =	swait.ge [sflag:s29], $0x4000  }
0x1c5: {  	[sflag:s29] =	ssyncset.done $0x0  }
0x1c6: {  	[sflag:s29] =	ssyncadd.s32 $0xFFFFC000  }
0x1c7: {  	[hbm4b:s17+s3] =	stream.linear.scatter [tilespmem:s28], [sflag:$0x3], $0x4000, $0x38;
	[tilespmem:$0x1E000] =	vst v63  }
0x1c8: {  	_ =	swait.ge [sflag:s29], $0x4000  }
0x1c9: {  	[sflag:s29] =	ssyncset.done $0x0  }
0x1ca: {  	[sflag:s29] =	ssyncadd.s32 $0xFFFFC000  }
0x1cb: {  	[tilespmem:s28], [sflag:$0x3] =	stream.linear.gather [spmem:s25], $0x4000, $0x38;
	[tilespmem:$0x1E000] =	vst v63  }
0x1cc: {  	s8 =	sadd.s32 $0x1, s8;
	_ =	swait.ge [sflag:s29], $0x4000  }
0x1cd: {  	p0 =	sne.s32 s8, s26;
	[sflag:s29] =	ssyncset.done $0x0  }
.Ltmp5:
0x1ce: {  	[sflag:s29] =	ssyncadd.s32 $0xFFFFC000;
	(pc) =	sbr.rel @p0 .LBB2_1-.Ltmp5, $4  }
0x1cf: {  	[hbm4b:s18+s3] =	stream.linear.scatter [tilespmem:s28], [sflag:$0x3], $0x4000, $0x38;
	[tilespmem:$0x1E000] =	vst v63  }
0x1d0: {  	_ =	swait.ge [sflag:s29], $0x4000  }
0x1d1: {  	[sflag:s29] =	ssyncset.done $0x0  }
0x1d2: {  	[sflag:s29] =	ssyncadd.s32 $0xFFFFC000  }
0x1d3: {  	_ =	sfence.sel $0x180000  }
0x1d4: {  	[bflag:$0x0] =	sbarrier.arrive $0xFFFF  }
0x1d5: {  	_ =	strace $0x9000004A  }
0x1d6: {  	s0 =	stileid.u32;
	[bflag:$0x2] =	sbarrier.arrive $0xFFFF  }
0x1d7: {  	p0 =	sne.s32 s0, $0x0;
	s0 =	rddreg [dreg:$0x2]  }
0x1d8: {  	s0 =	sadd.s32 @!p0 $0x100000, s0  }
0x1d9: {  	[sflag:s0] =	ssyncadd.tile.s32 @!p0 $0x1;
	_ =	shalt  }
.Lfunc_end2:
_tile_overlayer_lowered:
.L_overlay_start_2:
0x1da: {  	(tag) =	ssettag $0x2  }
0x1db: {  	s0 =	rddreg [dreg:$0x0];
	s2 =	stileid.u32  }
0x1dc: {  	s1 =	rddreg [dreg:$0x1];
	p0 =	sne.s32 s2, $0x0  }
0x1dd: {  	s3 =	rddreg [dreg:$0x2];
	[bflag:$0x3] =	sbarrier.arrive $0xFFFF;
	s2 =	simm.s32 @!p0 $0x1C03  }
0x1de: {  	[timem:s3], [sflag:s2] =	dma.local @!p0 [hbm:s0], s1  }
0x1df: {  	s0 =	simm.s32 @!p0 $0x3  }
0x1e0: {  	_ =	swait.ge @!p0 [sflag:s0], s1  }
0x1e1: {  	s1 =	ssub.s32 @!p0 $0x0, s1;
	[sflag:s0] =	ssyncset.done @!p0 $0x0  }
0x1e2: {  	[sflag:s0] =	ssyncadd.s32 @!p0 s1  }
0x1e3: {  	[bflag:$0x3] =	sbarrier.arrive $0xFFFF  }
0x1e4: {  	_ =	shalt  }

// kernel: kernel.15.cloned.1.call-start
scs
__scs_entry_jumppad:
0x0: {  	(pc) =	sbr.rel $0x88, $3  }
0x1: {  	(tag) =	ssettag $0x0;
	lr =	simm.s32 $0x1  }
0x2: {  	[smem:$0x3F8F] =	sst lr;
	_ =	strace $0xD0000000  }
0x3: {  	_ = 	snop  }
0x4: {  	_ = 	snop  }
0x5: {  	_ = 	snop  }
0x6: {  	_ = 	snop  }
0x7: {  	_ = 	snop  }
__scs_overlays_trampoline_lowered:
0x8: {  	[smem:$0x3F9E] =	sst s0  }
0x9: {  	[smem:$0x3F9F] =	sst s1  }
0xa: {  	[smem:$0x3FA0] =	sst s2  }
0xb: {  	[smem:$0x3FA1] =	sst s3  }
0xc: {  	[smem:$0x3FA2] =	sst s4  }
0xd: {  	[smem:$0x3FA3] =	sst s5  }
0xe: {  	[smem:$0x3FA4] =	sst s6  }
0xf: {  	[smem:$0x3FA5] =	sst s7  }
0x10: {  	[smem:$0x3FA6] =	sst s8  }
0x11: {  	[smem:$0x3FA7] =	sst s9;
	s0 =	simm.s32 @!p0 $0x0  }
0x12: {  	s1 =	sld [smem:$0x3F8D];
	s0 =	simm.s32 @p0 $0x1  }
0x13: {  	[smem:$0x3FA8] =	sst s0;
	s0 =	simm.s32 @!p1 $0x0  }
0x14: {  	s2 =	sld [smem:$0x3F8C];
	s0 =	simm.s32 @p1 $0x1  }
0x15: {  	[smem:$0x3FA9] =	sst s0;
	s0 =	simm.s32 @!p2 $0x0  }
0x16: {  	s3 =	sld [smem:$0x3FDB];
	s0 =	simm.s32 @p2 $0x1  }
0x17: {  	s4 =	simm.s32 $0x1BF5;
	[smem:$0x3FAB] =	sst s0  }
0x18: {  	s0 =	sld [smem:$0x3F8E];
	_ =	swait.ge [sflag:s4], $0x0  }
0x19: {  	s7 =	sld [smem:$0x3F8F]  }
0x1a: {  	s8 =	sadd.s32 $0xFFFFE003, lr  }
0x1b: {  	s9 =	sadd.s32 $0xFFFFFEF7, lr;
	s5 =	simm.s32 $0xFFFFFFFF;
	p2 =	slt.u32 s8, $0xFFFFF086  }
0x1c: {  	p1 =	slt.u32 s9, $0xF7A;
	s5 =	simm.s32 @!p2 $0x0  }
0x1d: {  	s5 =	simm.s32 @p1 $0x1;
	p0 =	seq.s32 s7, s2  }
0x1e: {  	s7 =	smul.u32 @!p0 $0xF7A, s2;
	p2 =	seq.s32 @!p0 s5, $0x0  }
0x1f: {  	s9 =	smul.u32 $0xF7A, s1;
	s8 =	simm.s32 @!p0 $0x1BF5;
	p2 =	por !p2, p0  }
0x20: {  	[sflag:s8] =	ssyncset.s32 @!p0 $0xFFFFF086;
	s6 =	sadd.s32 @!p0 s3, s7;
	s7 =	simm.s32 @!p0 $0x108  }
0x21: {  	s3 =	sadd.s32 s3, s9;
	s6 =	sadd.s32 @!p0 $0x88, s6;
	s7 =	simm.s32 @p2 $0x1082  }
0x22: {  	[simem:s7], [sflag:s8] =	dma.local @!p0 [hbm:s6], $0xF7A  }
0x23: {  	s9 =	sor.u32 $0xD0000000, s2;
	s6 =	simm.s32 $0x108;
	_ =	swait.ge @!p0 [sflag:s8], $0x0  }
0x24: {  	s3 =	sadd.s32 $0x88, s3;
	s6 =	simm.s32 @!p1 $0x1082;
	[sflag:s4] =	ssyncset.s32 $0xFFFFF086  }
0x25: {  	[simem:s6], [sflag:s4] =	dma.local [hbm:s3], $0xF7A  }
0x26: {  	[smem:$0x3F8F] =	sst s1;
	(tag) =	ssettag s2;
	_ =	strace s9  }
0x27: {  	s1 =	sld [smem:$0x3F9F]  }
0x28: {  	s2 =	sld [smem:$0x3FA0]  }
0x29: {  	s4 =	sld [smem:$0x3FA2]  }
0x2a: {  	p0 =	seq.s32 s5, $0x0;
	s5 =	sld [smem:$0x3FA3]  }
0x2b: {  	s6 =	sld [smem:$0x3FA4]  }
0x2c: {  	s7 =	sld [smem:$0x3FA5]  }
0x2d: {  	s3 =	simm.s32 $0x108;
	s8 =	sld [smem:$0x3FA6]  }
0x2e: {  	s3 =	simm.s32 @!p0 $0x1082;
	s9 =	sld [smem:$0x3FA7]  }
0x2f: {  	lr =	sadd.s32 s0, s3;
	s0 =	sld [smem:$0x3F9E]  }
0x30: {  	s3 =	sld [smem:$0x3FA1]  }
0x31: {  	[smem:$0x3FAA] =	sst s10  }
0x32: {  	s10 =	sld [smem:$0x3FA8];
	_ =	sdelay $0x3  }
0x33: {  	p0 =	seq.s32 s10, $0x1;
	s10 =	sld [smem:$0x3FAA];
	_ =	sdelay $0x3  }
0x34: {  	[smem:$0x3FAA] =	sst s10  }
0x35: {  	s10 =	sld [smem:$0x3FA9];
	_ =	sdelay $0x3  }
0x36: {  	p1 =	seq.s32 s10, $0x1;
	s10 =	sld [smem:$0x3FAA];
	_ =	sdelay $0x3  }
0x37: {  	[smem:$0x3FAA] =	sst s10  }
0x38: {  	s10 =	sld [smem:$0x3FAB]  }
0x39: {  	_ = 	snop;
	(pc) =	sbr.ind lr, $3  }
0x3a: {  	_ = 	snop  }
0x3b: {  	_ = 	snop  }
0x3c: {  	p2 =	seq.s32 s10, $0x1;
	s10 =	sld [smem:$0x3FAA]  }
0x3d: {  	_ =	shalt  }
0x3e: {  	_ =	shalt  }
0x3f: {  	_ =	shalt  }
0x40: {  	_ =	shalt  }
0x41: {  	_ =	shalt  }
0x42: {  	_ =	shalt  }
0x43: {  	_ =	shalt  }
0x44: {  	_ =	shalt  }
0x45: {  	_ =	shalt  }
0x46: {  	_ =	shalt  }
0x47: {  	_ =	shalt  }
0x48: {  	_ =	shalt  }
0x49: {  	_ =	shalt  }
0x4a: {  	_ =	shalt  }
0x4b: {  	_ =	shalt  }
0x4c: {  	_ =	shalt  }
0x4d: {  	_ =	shalt  }
0x4e: {  	_ =	shalt  }
0x4f: {  	_ =	shalt  }
0x50: {  	_ =	shalt  }
0x51: {  	_ =	shalt  }
0x52: {  	_ =	shalt  }
0x53: {  	_ =	shalt  }
0x54: {  	_ =	shalt  }
0x55: {  	_ =	shalt  }
0x56: {  	_ =	shalt  }
0x57: {  	_ =	shalt  }
0x58: {  	_ =	shalt  }
0x59: {  	_ =	shalt  }
0x5a: {  	_ =	shalt  }
0x5b: {  	_ =	shalt  }
0x5c: {  	_ =	shalt  }
0x5d: {  	_ =	shalt  }
0x5e: {  	_ =	shalt  }
0x5f: {  	_ =	shalt  }
0x60: {  	_ =	shalt  }
0x61: {  	_ =	shalt  }
0x62: {  	_ =	shalt  }
0x63: {  	_ =	shalt  }
0x64: {  	_ =	shalt  }
0x65: {  	_ =	shalt  }
0x66: {  	_ =	shalt  }
0x67: {  	_ =	shalt  }
0x68: {  	_ =	shalt  }
0x69: {  	_ =	shalt  }
0x6a: {  	_ =	shalt  }
0x6b: {  	_ =	shalt  }
0x6c: {  	_ =	shalt  }
0x6d: {  	_ =	shalt  }
0x6e: {  	_ =	shalt  }
0x6f: {  	_ =	shalt  }
0x70: {  	_ =	shalt  }
0x71: {  	_ =	shalt  }
0x72: {  	_ =	shalt  }
0x73: {  	_ =	shalt  }
0x74: {  	_ =	shalt  }
0x75: {  	_ =	shalt  }
0x76: {  	_ =	shalt  }
0x77: {  	_ =	shalt  }
0x78: {  	_ =	shalt  }
0x79: {  	_ =	shalt  }
0x7a: {  	_ =	shalt  }
0x7b: {  	_ =	shalt  }
0x7c: {  	_ =	shalt  }
0x7d: {  	_ =	shalt  }
0x7e: {  	_ =	shalt  }
0x7f: {  	_ =	shalt  }
0x80: {  	_ =	shalt  }
0x81: {  	_ =	shalt  }
0x82: {  	_ =	shalt  }
0x83: {  	_ =	shalt  }
0x84: {  	_ =	shalt  }
0x85: {  	_ =	shalt  }
0x86: {  	_ =	shalt  }
0x87: {  	_ =	shalt  }
.Lfunc_end0:
.L_simem_size_0:
called_computation.2_lowered:
.L_overlay_start_0:
0x88: {  	s2 =	sld [smem:$0x3FD9]  }
0x89: {  	s3 =	sld [smem:$0x3FFE];
	_ =	sdelay $0x1  }
0x8a: {  	s1 =	srdreg.scid  }
0x8b: {  	s0 =	sand.u32 $0x1, s1  }
0x8c: {  	s16 =	sshll.u32 s0, $0xA;
	s2 =	sadd.s32 s3, s2  }
0x8d: {  	s2 =	sadd.s32 s2, s16  }
0x8e: {  	[smem:$0x3FB6] =	sst s2  }
0x8f: {  	_ = 	snop  }
0x90: {  	(tm) =	ssettm $0x1  }
0x91: {  	s17 =	sld [smem:$0x3FFB];
	_ =	sdelay $0x3  }
0x92: {  	_ =	strace s17  }
0x93: {  	s2 =	sld [smem:$0x3FFC];
	_ =	sdelay $0x3  }
0x94: {  	_ =	strace s2  }
0x95: {  	s2 =	sld [smem:$0x3FFD];
	_ =	sdelay $0x3  }
0x96: {  	_ =	strace s2  }
0x97: {  	_ =	strace $0x8FFFFFFF  }
0x98: {  	s18 =	sld [smem:$0x3FDB];
	_ =	sdelay $0x1  }
0x99: {  	s19 =	simm.s32 $_scs_section_size  }
0x9a: {  	s4 =	simm.s32 $_size__tile_overlayer_lowered;
	s5 =	simm.s32 $_tile_overlayer_lowered  }
0x9b: {  	s22 =	simm.s32 $0x1BFF;
	s21 =	sshll.u32 s5, $0x1;
	s2 =	sadd.s32 s19, s18  }
0x9c: {  	s6 =	simm.s32 $0x0;
	s20 =	sshll.u32 s4, $0x1;
	s4 =	sadd.s32 s21, s2  }
0x9d: {  	[timem:s6], [sflag:s22] =	dma.local [hbm:s4], s20  }
0x9e: {  	_ =	swait.ge [sflag:s22], s20  }
0x9f: {  	s3 =	ssub.s32 $0x0, s20;
	[sflag:s22] =	ssyncset.done $0x0  }
0xa0: {  	[sflag:s22] =	ssyncadd.s32 s3;
	_ =	sdelay $0x1  }
0xa1: {  	s23 =	simm.s32 $0x1B8B  }
0xa2: {  	_ =	swait.ge [sflag:s23], $0x1  }
0xa3: {  	[sflag:s23] =	ssyncset.done $0x0  }
0xa4: {  	s25 =	simm.s32 $0x1B8E;
	s24 =	sld [smem:$0x3FFE];
	[sflag:s23] =	ssyncadd.s32 $0xFFFFFFFF  }
0xa5: {  	s26 =	simm.s32 $execute0_lowered;
	[smem:$0x3FD2] =	sst s25  }
0xa6: {  	s4 =	sshll.u32 s26, $0x1;
	_ =	strace $0x8000004C;
	[dreg:$0x1] =	wrdreg $0xFFFFFFFF  }
0xa7: {  	s28 =	simm.s32 $_size_execute0_lowered;
	s2 =	sadd.s32 s2, s4;
	[dreg:$0x0] =	wrdreg $0x0  }
0xa8: {  	s4 =	sshll.u32 s28, $0x1;
	[dreg:$0x2] =	wrdreg s2  }
0xa9: {  	[dreg:$0x3] =	wrdreg s4  }
0xaa: {  	[dreg:$0x4] =	wrdreg $0xC0  }
0xab: {  	_ =	task [dreg:s6], $0x5FFFF  }
0xac: {  	[dreg:$0x1] =	wrdreg $0xFFFFFFFF  }
0xad: {  	[dreg:$0x0] =	wrdreg $0x60  }
0xae: {  	[dreg:$0x2] =	wrdreg s24  }
0xaf: {  	[dreg:$0x3] =	wrdreg $0xA0000  }
0xb0: {  	[dreg:$0x4] =	wrdreg $0x9  }
0xb1: {  	_ =	task.clear_ibuf [dreg:s6], $0x5FFFF;
	_ =	strace $0x9000004C  }
0xb2: {  	s29 =	simm.s32 $0x9;
	_ =	strace $0x8000004E  }
0xb3: {  	_ =	swait.ge [sflag:s29], $0x1  }
0xb4: {  	[sflag:s29] =	ssyncadd.s32 $0xFFFFFFFF  }
0xb5: {  	_ =	strace $0x9000004E  }
0xb6: {  	_ =	sfence  }
0xb7: {  	s30 =	sld [smem:$0x0];
	_ =	sdelay $0x2  }
0xb8: {  	s31 =	sshll.u32 s1, $0xD;
	s1 =	sshrl.u32 s1, $0x2  }
0xb9: {  	s3 =	sand.u32 $0x4000, s31;
	s1 =	sadd.s32 s1, s30  }
0xba: {  	s0 =	sor.u32 s3, s0;
	s1 =	sshll.u32 s1, $0x11  }
0xbb: {  	s0 =	sor.u32 s1, s0  }
0xbc: {  	s0 =	sadd.s32 $0x8F2B, s0  }
0xbd: {  	[sflag:s0] =	ssyncadd.remote.s32 $0x1  }
0xbe: {  	_ =	sfence.sel $0xFFFF  }
0xbf: {  	[dreg:$0x0] =	wrdreg $0xFFFFFFFF;
	(pc) =	sbr.abs _section_cstart, $3  }
0xc0: {  	[dreg:$0x1] =	wrdreg $0xFFFFFFFF  }
0xc1: {  	_ =	task.clear_ibuf [dreg:s6], $0x2FFFF;
	_ =	strace $0x9FFFFFFF  }
0xc2: {  	(tm) =	ssettm $0x7FFFFFFF  }
0xc3: {  	_ =	shalt  }
tec
execute0_lowered:
.L_overlay_start_1:
0x0: {  	(tag) =	ssettag $0x1  }
0x1: {  	s0 =	rddreg [dreg:$0x0]  }
0x2: {  	s1 =	srdreg.scid;
	s13 =	stileid.u32  }
0x3: {  	s2 =	rddreg [dreg:$0x1];
	s3 =	simm.s32 $0x0;
	s28 =	simm.s32 $0x2000  }
0x4: {  	s29 =	simm.s32 $0x3;
	s30 =	simm.s32 $0x1000;
	s31 =	simm.s32 $0x80  }
0x5: {  	s1 =	sand.u32 $0x1, s1;
	s4 =	smul.u32 $0x14000, s13;
	s6 =	sadd.s32 $0x2C400, s0  }
0x6: {  	s8 =	smul.u32 $0x5000, s13;
	s9 =	sadd.s32 $0x3400, s0;
	s10 =	sadd.s32 $0x91C00, s0  }
0x7: {  	[smem:$0x7FF] =	sst s3;
	s5 =	smul.u32 $0x50000, s1;
	s7 =	ssub.s32 $0x2, s1  }
0x8: {  	s1 =	smul.u32 $0x140000, s1;
	s11 =	sshrl.u32 s7, $0x1;
	s22 =	sadd.s32 $0x4000, s4  }
0x9: {  	s24 =	sadd.s32 $0xC000, s4;
	s25 =	sadd.s32 $0x10000, s4;
	s7 =	ssub.s32 s7, s11  }
0xa: {  	s5 =	sadd.s32 s8, s5;
	s8 =	sadd.s32 $0x8000, s4;
	s4 =	sadd.s32 s4, s1  }
0xb: {  	s18 =	sadd.s32 s1, s22;
	s22 =	sadd.s32 s22, s2;
	s5 =	sshrl.u32 s5, $0x3  }
0xc: {  	s4 =	sshrl.u32 s4, $0x3;
	s19 =	sadd.s32 s1, s8;
	s20 =	sadd.s32 s6, s5  }
0xd: {  	s21 =	sadd.s32 $0x200, s5;
	s12 =	sadd.s32 s9, s5;
	s26 =	sadd.s32 $0x400, s5  }
0xe: {  	s16 =	sadd.s32 $0x600, s5;
	s5 =	sadd.s32 $0x800, s5;
	[dreg:$0x3] =	wrdreg s20  }
0xf: {  	[dreg:$0x4] =	wrdreg s12;
	s23 =	sadd.s32 s6, s21;
	s11 =	sadd.s32 s9, s21  }
0x10: {  	s14 =	sadd.s32 s6, s26;
	s15 =	sadd.s32 s9, s26;
	[dreg:$0x5] =	wrdreg s23  }
0x11: {  	s17 =	sadd.s32 s6, s16;
	s6 =	sadd.s32 s6, s5;
	[dreg:$0x6] =	wrdreg s11  }
0x12: {  	s5 =	sadd.s32 s9, s5;
	s20 =	sshrl.u32 s19, $0x3;
	[dreg:$0x7] =	wrdreg s14  }
0x13: {  	s21 =	sadd.s32 s1, s24;
	s1 =	sadd.s32 s1, s25;
	[dreg:$0x8] =	wrdreg s15  }
0x14: {  	s19 =	sadd.s32 $0x41C00, s0;
	s24 =	sadd.s32 s24, s2;
	[dreg:$0x9] =	wrdreg s17  }
0x15: {  	s25 =	sadd.s32 s25, s2;
	s11 =	sadd.s32 s9, s16;
	[dreg:$0xb] =	wrdreg s6  }
0x16: {  	[dreg:$0xc] =	wrdreg s5;
	s5 =	sshrl.u32 s18, $0x3;
	s14 =	sadd.s32 s10, s4  }
0x17: {  	s16 =	sadd.s32 s10, s20;
	s4 =	sshrl.u32 s21, $0x3;
	s1 =	sshrl.u32 s1, $0x3  }
0x18: {  	s23 =	smul.u32 $0x50000, s13;
	s20 =	sadd.s32 $0x40400, s0;
	s0 =	simm.s32 $0x1  }
0x19: {  	s6 =	simm.s32 $0x1F00;
	[dreg:$0xa] =	wrdreg s11;
	s15 =	sadd.s32 s10, s5  }
0x1a: {  	s17 =	sadd.s32 s10, s4;
	s18 =	sadd.s32 s10, s1;
	s1 =	simm.s32 $0x6000  }
0x1b: {  	s4 =	simm.s32 $0x2;
	s5 =	simm.s32 $0xF80;
	_ =	strace $0x8000004D  }
0x1c: {  	s26 =	sshrl.u32 s23, $0x2;
	s23 =	sadd.s32 s8, s2;
	s8 =	simm.s32 $0x0  }
0x1d: {  	s21 =	sadd.s32 s26, s2;
	s26 =	smax.u32 s7, $0x1;
	s7 =	simm.s32 $0x1F80  }
.LBB2_1:
0x1e: {  	[tilespmem:s28], [sflag:$0x3] =	stream.linear.gather [hbm4b:s20+s3], $0x4000, $0x38;
	[tilespmem:$0x1E000] =	vst v63  }
0x1f: {  	_ =	swait.ge [sflag:s29], $0x4000  }
0x20: {  	[sflag:s29] =	ssyncset.done $0x0  }
0x21: {  	[sflag:s29] =	ssyncadd.s32 $0xFFFFC000  }
0x22: {  	[spmem:s21] =	stream.linear.scatter [tilespmem:s28], [sflag:$0x3], $0x4000, $0x38;
	[tilespmem:$0x1E000] =	vst v63  }
0x23: {  	_ =	swait.ge [sflag:s29], $0x4000  }
0x24: {  	[sflag:s29] =	ssyncset.done $0x0  }
0x25: {  	[sflag:s29] =	ssyncadd.s32 $0xFFFFC000  }
0x26: {  	[spmem:s22] =	stream.linear.scatter [tilespmem:s28], [sflag:$0x3], $0x4000, $0x38;
	[tilespmem:$0x1E000] =	vst v63  }
0x27: {  	_ =	swait.ge [sflag:s29], $0x4000  }
0x28: {  	[sflag:s29] =	ssyncset.done $0x0  }
0x29: {  	[sflag:s29] =	ssyncadd.s32 $0xFFFFC000  }
0x2a: {  	[spmem:s23] =	stream.linear.scatter [tilespmem:s28], [sflag:$0x3], $0x4000, $0x38;
	[tilespmem:$0x1E000] =	vst v63  }
0x2b: {  	_ =	swait.ge [sflag:s29], $0x4000  }
0x2c: {  	[sflag:s29] =	ssyncset.done $0x0  }
0x2d: {  	[sflag:s29] =	ssyncadd.s32 $0xFFFFC000  }
0x2e: {  	[spmem:s24] =	stream.linear.scatter [tilespmem:s28], [sflag:$0x3], $0x4000, $0x38;
	[tilespmem:$0x1E000] =	vst v63  }
0x2f: {  	_ =	swait.ge [sflag:s29], $0x4000  }
0x30: {  	[sflag:s29] =	ssyncset.done $0x0  }
0x31: {  	[sflag:s29] =	ssyncadd.s32 $0xFFFFC000  }
0x32: {  	[spmem:s25] =	stream.linear.scatter [tilespmem:s28], [sflag:$0x3], $0x4000, $0x38;
	[tilespmem:$0x1E000] =	vst v63  }
0x33: {  	_ =	swait.ge [sflag:s29], $0x4000  }
0x34: {  	[sflag:s29] =	ssyncset.done $0x0  }
0x35: {  	[sflag:s29] =	ssyncadd.s32 $0xFFFFC000  }
0x36: {  	[bflag:$0x0] =	sbarrier.arrive $0xFFFF  }
0x37: {  	s9 =	rddreg [dreg:$0x3]  }
0x38: {  	[tilespmem:s3], [sflag:$0x3] =	stream.linear.gather [hbm4b:s9+s3], $0x1000, $0x38;
	[tilespmem:$0x1E000] =	vst v63  }
0x39: {  	_ =	swait.ge [sflag:s29], $0x1000  }
0x3a: {  	[sflag:s29] =	ssyncset.done $0x0  }
0x3b: {  	s13 =	rddreg [dreg:$0x4];
	[sflag:s29] =	ssyncadd.s32 $0xFFFFF000  }
0x3c: {  	[tilespmem:s30], [sflag:$0x3] =	stream.linear.gather [hbm4b:s13+s3], $0x1000, $0x38;
	[tilespmem:$0x1E000] =	vst v63  }
0x3d: {  	_ =	swait.ge [sflag:s29], $0x1000  }
0x3e: {  	[sflag:s29] =	ssyncset.done $0x0  }
0x3f: {  	[sflag:s29] =	ssyncadd.s32 $0xFFFFF000  }
0x40: {  	[tilespmem:s28], [sflag:$0x1] =	stream.indirect.gather [hbm4b:s19+s31], $0x80, s3, s31, $0xb8;
	[tilespmem:$0x1E000] =	vst v63  }
0x41: {  	s10 =	simm.s32 $0x80  }
0x42: {  	[tilespmem:s1], [sflag:$0x2] =	stream.indirect.gather [hbm4b:s19+s31], $0x80, s10, s31, $0xb8;
	[tilespmem:$0x1E000] =	vst v63  }
0x43: {  	_ =	swait.ge [sflag:s0], $0x4000  }
0x44: {  	[sflag:s0] =	ssyncset.done $0x0  }
0x45: {  	s11 =	simm.s32 $0x1000;
	[sflag:s0] =	ssyncadd.s32 $0xFFFFC000  }
0x46: {  	[spmem:s2] =	stream.indirect.scatter.add.f32 [tilespmem:s28], [sflag:$0x3], $0x80, s11, s31, $0xb8;
	[tilespmem:$0x1E000] =	vst v63  }
0x47: {  	_ =	swait.ge [sflag:s29], $0x4000  }
0x48: {  	[sflag:s29] =	ssyncset.done $0x0  }
0x49: {  	s12 =	simm.s32 $0x100;
	[sflag:s29] =	ssyncadd.s32 $0xFFFFC000  }
0x4a: {  	[tilespmem:s28], [sflag:$0x1] =	stream.indirect.gather [hbm4b:s19+s31], $0x80, s12, s31, $0xb8;
	[tilespmem:$0x1E000] =	vst v63  }
0x4b: {  	_ =	swait.ge [sflag:s4], $0x4000  }
0x4c: {  	[sflag:s4] =	ssyncset.done $0x0  }
0x4d: {  	s13 =	simm.s32 $0x1080;
	[sflag:s4] =	ssyncadd.s32 $0xFFFFC000  }
0x4e: {  	[spmem:s2] =	stream.indirect.scatter.add.f32 [tilespmem:s1], [sflag:$0x3], $0x80, s13, s31, $0xb8;
	[tilespmem:$0x1E000] =	vst v63  }
0x4f: {  	_ =	swait.ge [sflag:s29], $0x4000  }
0x50: {  	s9 =	simm.s32 $0x100;
	s10 =	simm.s32 $0x800;
	[sflag:s29] =	ssyncset.done $0x0  }
.LBB2_2:
0x51: {  	s11 =	sadd.s32 $0x80, s9  }
0x52: {  	[sflag:s29] =	ssyncadd.s32 $0xFFFFC000;
	s12 =	smov.u32 s10;
	s13 =	sadd.s32 $0x400, s10  }
0x53: {  	[tilespmem:s1], [sflag:$0x2] =	stream.indirect.gather [hbm4b:s19+s31], $0x80, s11, s31, $0xb8;
	[tilespmem:$0x1E000] =	vst v63  }
0x54: {  	p0 =	sne.s32 s10, $0x3800;
	_ =	swait.ge [sflag:s0], $0x4000  }
0x55: {  	[sflag:s0] =	ssyncset.done $0x0  }
0x56: {  	s10 =	sadd.s32 $0x1000, s9;
	[sflag:s0] =	ssyncadd.s32 $0xFFFFC000  }
0x57: {  	[spmem:s2] =	stream.indirect.scatter.add.f32 [tilespmem:s28], [sflag:$0x3], $0x80, s10, s31, $0xb8;
	[tilespmem:$0x1E000] =	vst v63  }
0x58: {  	_ =	swait.ge [sflag:s29], $0x4000  }
0x59: {  	[sflag:s29] =	ssyncset.done $0x0  }
0x5a: {  	s10 =	sadd.s32 $0x100, s9;
	[sflag:s29] =	ssyncadd.s32 $0xFFFFC000  }
0x5b: {  	[tilespmem:s28], [sflag:$0x1] =	stream.indirect.gather [hbm4b:s19+s31], $0x80, s10, s31, $0xb8;
	[tilespmem:$0x1E000] =	vst v63  }
0x5c: {  	_ =	swait.ge [sflag:s4], $0x4000  }
.Ltmp0:
0x5d: {  	[sflag:s4] =	ssyncset.done $0x0;
	(pc) =	sbr.rel @p0 .LBB2_2-.Ltmp0, $4  }
0x5e: {  	s9 =	sadd.s32 $0x1080, s9;
	[sflag:s4] =	ssyncadd.s32 $0xFFFFC000  }
0x5f: {  	[spmem:s2] =	stream.indirect.scatter.add.f32 [tilespmem:s1], [sflag:$0x3], $0x80, s9, s31, $0xb8;
	[tilespmem:$0x1E000] =	vst v63  }
0x60: {  	_ =	swait.ge [sflag:s29], $0x4000  }
0x61: {  	s10 =	smov.u32 s13;
	s9 =	sshra.s32 s12, $0x2;
	[sflag:s29] =	ssyncset.done $0x0  }
0x62: {  	s10 =	sadd.s32 $0x80, s9;
	[sflag:s29] =	ssyncadd.s32 $0xFFFFC000  }
0x63: {  	[tilespmem:s1], [sflag:$0x2] =	stream.indirect.gather [hbm4b:s19+s31], $0x80, s10, s31, $0xb8;
	[tilespmem:$0x1E000] =	vst v63  }
0x64: {  	_ =	swait.ge [sflag:s0], $0x4000  }
0x65: {  	[sflag:s0] =	ssyncset.done $0x0  }
0x66: {  	s12 =	sadd.s32 $0x1000, s9;
	[sflag:s0] =	ssyncadd.s32 $0xFFFFC000  }
0x67: {  	[spmem:s2] =	stream.indirect.scatter.add.f32 [tilespmem:s28], [sflag:$0x3], $0x80, s12, s31, $0xb8;
	[tilespmem:$0x1E000] =	vst v63  }
0x68: {  	_ =	swait.ge [sflag:s29], $0x4000  }
0x69: {  	[sflag:s29] =	ssyncset.done $0x0  }
0x6a: {  	s13 =	sadd.s32 $0x100, s9;
	[sflag:s29] =	ssyncadd.s32 $0xFFFFC000  }
0x6b: {  	[tilespmem:s28], [sflag:$0x1] =	stream.indirect.gather [hbm4b:s19+s31], $0x80, s13, s31, $0xb8;
	[tilespmem:$0x1E000] =	vst v63  }
0x6c: {  	_ =	swait.ge [sflag:s4], $0x4000  }
0x6d: {  	[sflag:s4] =	ssyncset.done $0x0  }
0x6e: {  	s10 =	sadd.s32 $0x1080, s9;
	[sflag:s4] =	ssyncadd.s32 $0xFFFFC000  }
0x6f: {  	[spmem:s2] =	stream.indirect.scatter.add.f32 [tilespmem:s1], [sflag:$0x3], $0x80, s10, s31, $0xb8;
	[tilespmem:$0x1E000] =	vst v63  }
0x70: {  	_ =	swait.ge [sflag:s29], $0x4000  }
0x71: {  	[sflag:s29] =	ssyncset.done $0x0  }
0x72: {  	[sflag:s29] =	ssyncadd.s32 $0xFFFFC000  }
0x73: {  	[tilespmem:s1], [sflag:$0x2] =	stream.indirect.gather [hbm4b:s19+s31], $0x80, s5, s31, $0xb8;
	[tilespmem:$0x1E000] =	vst v63  }
0x74: {  	_ =	swait.ge [sflag:s0], $0x4000  }
0x75: {  	[sflag:s0] =	ssyncset.done $0x0  }
0x76: {  	[sflag:s0] =	ssyncadd.s32 $0xFFFFC000  }
0x77: {  	[spmem:s2] =	stream.indirect.scatter.add.f32 [tilespmem:s28], [sflag:$0x3], $0x80, s6, s31, $0xb8;
	[tilespmem:$0x1E000] =	vst v63  }
0x78: {  	_ =	swait.ge [sflag:s29], $0x4000  }
0x79: {  	[sflag:s29] =	ssyncset.done $0x0  }
0x7a: {  	[sflag:s29] =	ssyncadd.s32 $0xFFFFC000  }
0x7b: {  	_ =	swait.ge [sflag:s4], $0x4000  }
0x7c: {  	[sflag:s4] =	ssyncset.done $0x0  }
0x7d: {  	[sflag:s4] =	ssyncadd.s32 $0xFFFFC000  }
0x7e: {  	[spmem:s2] =	stream.indirect.scatter.add.f32 [tilespmem:s1], [sflag:$0x3], $0x80, s7, s31, $0xb8;
	[tilespmem:$0x1E000] =	vst v63  }
0x7f: {  	_ =	swait.ge [sflag:s29], $0x4000  }
0x80: {  	[sflag:s29] =	ssyncset.done $0x0  }
0x81: {  	s11 =	simm.s32 $0x0;
	s12 =	rddreg [dreg:$0x5];
	[sflag:s29] =	ssyncadd.s32 $0xFFFFC000  }
0x82: {  	[tilespmem:s11], [sflag:$0x3] =	stream.linear.gather [hbm4b:s12+s11], $0x1000, $0x38;
	[tilespmem:$0x1E000] =	vst v63  }
0x83: {  	_ =	swait.ge [sflag:s29], $0x1000  }
0x84: {  	[sflag:s29] =	ssyncset.done $0x0  }
0x85: {  	s13 =	rddreg [dreg:$0x6];
	[sflag:s29] =	ssyncadd.s32 $0xFFFFF000  }
0x86: {  	[tilespmem:s30], [sflag:$0x3] =	stream.linear.gather [hbm4b:s13+s11], $0x1000, $0x38;
	[tilespmem:$0x1E000] =	vst v63  }
0x87: {  	_ =	swait.ge [sflag:s29], $0x1000  }
0x88: {  	[sflag:s29] =	ssyncset.done $0x0  }
0x89: {  	[sflag:s29] =	ssyncadd.s32 $0xFFFFF000  }
0x8a: {  	[tilespmem:s28], [sflag:$0x1] =	stream.indirect.gather [hbm4b:s19+s31], $0x80, s11, s31, $0xb8;
	[tilespmem:$0x1E000] =	vst v63  }
0x8b: {  	s10 =	simm.s32 $0x80  }
0x8c: {  	[tilespmem:s1], [sflag:$0x2] =	stream.indirect.gather [hbm4b:s19+s31], $0x80, s10, s31, $0xb8;
	[tilespmem:$0x1E000] =	vst v63  }
0x8d: {  	_ =	swait.ge [sflag:s0], $0x4000  }
0x8e: {  	[sflag:s0] =	ssyncset.done $0x0  }
0x8f: {  	s11 =	simm.s32 $0x1000;
	[sflag:s0] =	ssyncadd.s32 $0xFFFFC000  }
0x90: {  	[spmem:s2] =	stream.indirect.scatter.add.f32 [tilespmem:s28], [sflag:$0x3], $0x80, s11, s31, $0xb8;
	[tilespmem:$0x1E000] =	vst v63  }
0x91: {  	_ =	swait.ge [sflag:s29], $0x4000  }
0x92: {  	[sflag:s29] =	ssyncset.done $0x0  }
0x93: {  	s12 =	simm.s32 $0x100;
	[sflag:s29] =	ssyncadd.s32 $0xFFFFC000  }
0x94: {  	[tilespmem:s28], [sflag:$0x1] =	stream.indirect.gather [hbm4b:s19+s31], $0x80, s12, s31, $0xb8;
	[tilespmem:$0x1E000] =	vst v63  }
0x95: {  	_ =	swait.ge [sflag:s4], $0x4000  }
0x96: {  	[sflag:s4] =	ssyncset.done $0x0  }
0x97: {  	s13 =	simm.s32 $0x1080;
	[sflag:s4] =	ssyncadd.s32 $0xFFFFC000  }
0x98: {  	[spmem:s2] =	stream.indirect.scatter.add.f32 [tilespmem:s1], [sflag:$0x3], $0x80, s13, s31, $0xb8;
	[tilespmem:$0x1E000] =	vst v63  }
0x99: {  	_ =	swait.ge [sflag:s29], $0x4000  }
0x9a: {  	s9 =	simm.s32 $0x100;
	s10 =	simm.s32 $0x800;
	[sflag:s29] =	ssyncset.done $0x0  }
.LBB2_4:
0x9b: {  	s11 =	sadd.s32 $0x80, s9  }
0x9c: {  	[sflag:s29] =	ssyncadd.s32 $0xFFFFC000;
	s12 =	smov.u32 s10;
	s13 =	sadd.s32 $0x400, s10  }
0x9d: {  	[tilespmem:s1], [sflag:$0x2] =	stream.indirect.gather [hbm4b:s19+s31], $0x80, s11, s31, $0xb8;
	[tilespmem:$0x1E000] =	vst v63  }
0x9e: {  	p0 =	sne.s32 s10, $0x3800;
	_ =	swait.ge [sflag:s0], $0x4000  }
0x9f: {  	[sflag:s0] =	ssyncset.done $0x0  }
0xa0: {  	s10 =	sadd.s32 $0x1000, s9;
	[sflag:s0] =	ssyncadd.s32 $0xFFFFC000  }
0xa1: {  	[spmem:s2] =	stream.indirect.scatter.add.f32 [tilespmem:s28], [sflag:$0x3], $0x80, s10, s31, $0xb8;
	[tilespmem:$0x1E000] =	vst v63  }
0xa2: {  	_ =	swait.ge [sflag:s29], $0x4000  }
0xa3: {  	[sflag:s29] =	ssyncset.done $0x0  }
0xa4: {  	s10 =	sadd.s32 $0x100, s9;
	[sflag:s29] =	ssyncadd.s32 $0xFFFFC000  }
0xa5: {  	[tilespmem:s28], [sflag:$0x1] =	stream.indirect.gather [hbm4b:s19+s31], $0x80, s10, s31, $0xb8;
	[tilespmem:$0x1E000] =	vst v63  }
0xa6: {  	_ =	swait.ge [sflag:s4], $0x4000  }
.Ltmp1:
0xa7: {  	[sflag:s4] =	ssyncset.done $0x0;
	(pc) =	sbr.rel @p0 .LBB2_4-.Ltmp1, $4  }
0xa8: {  	s9 =	sadd.s32 $0x1080, s9;
	[sflag:s4] =	ssyncadd.s32 $0xFFFFC000  }
0xa9: {  	[spmem:s2] =	stream.indirect.scatter.add.f32 [tilespmem:s1], [sflag:$0x3], $0x80, s9, s31, $0xb8;
	[tilespmem:$0x1E000] =	vst v63  }
0xaa: {  	_ =	swait.ge [sflag:s29], $0x4000  }
0xab: {  	s10 =	smov.u32 s13;
	s9 =	sshra.s32 s12, $0x2;
	[sflag:s29] =	ssyncset.done $0x0  }
0xac: {  	s10 =	sadd.s32 $0x80, s9;
	[sflag:s29] =	ssyncadd.s32 $0xFFFFC000  }
0xad: {  	[tilespmem:s1], [sflag:$0x2] =	stream.indirect.gather [hbm4b:s19+s31], $0x80, s10, s31, $0xb8;
	[tilespmem:$0x1E000] =	vst v63  }
0xae: {  	_ =	swait.ge [sflag:s0], $0x4000  }
0xaf: {  	[sflag:s0] =	ssyncset.done $0x0  }
0xb0: {  	s12 =	sadd.s32 $0x1000, s9;
	[sflag:s0] =	ssyncadd.s32 $0xFFFFC000  }
0xb1: {  	[spmem:s2] =	stream.indirect.scatter.add.f32 [tilespmem:s28], [sflag:$0x3], $0x80, s12, s31, $0xb8;
	[tilespmem:$0x1E000] =	vst v63  }
0xb2: {  	_ =	swait.ge [sflag:s29], $0x4000  }
0xb3: {  	[sflag:s29] =	ssyncset.done $0x0  }
0xb4: {  	s13 =	sadd.s32 $0x100, s9;
	[sflag:s29] =	ssyncadd.s32 $0xFFFFC000  }
0xb5: {  	[tilespmem:s28], [sflag:$0x1] =	stream.indirect.gather [hbm4b:s19+s31], $0x80, s13, s31, $0xb8;
	[tilespmem:$0x1E000] =	vst v63  }
0xb6: {  	_ =	swait.ge [sflag:s4], $0x4000  }
0xb7: {  	[sflag:s4] =	ssyncset.done $0x0  }
0xb8: {  	s10 =	sadd.s32 $0x1080, s9;
	[sflag:s4] =	ssyncadd.s32 $0xFFFFC000  }
0xb9: {  	[spmem:s2] =	stream.indirect.scatter.add.f32 [tilespmem:s1], [sflag:$0x3], $0x80, s10, s31, $0xb8;
	[tilespmem:$0x1E000] =	vst v63  }
0xba: {  	_ =	swait.ge [sflag:s29], $0x4000  }
0xbb: {  	[sflag:s29] =	ssyncset.done $0x0  }
0xbc: {  	[sflag:s29] =	ssyncadd.s32 $0xFFFFC000  }
0xbd: {  	[tilespmem:s1], [sflag:$0x2] =	stream.indirect.gather [hbm4b:s19+s31], $0x80, s5, s31, $0xb8;
	[tilespmem:$0x1E000] =	vst v63  }
0xbe: {  	_ =	swait.ge [sflag:s0], $0x4000  }
0xbf: {  	[sflag:s0] =	ssyncset.done $0x0  }
0xc0: {  	[sflag:s0] =	ssyncadd.s32 $0xFFFFC000  }
0xc1: {  	[spmem:s2] =	stream.indirect.scatter.add.f32 [tilespmem:s28], [sflag:$0x3], $0x80, s6, s31, $0xb8;
	[tilespmem:$0x1E000] =	vst v63  }
0xc2: {  	_ =	swait.ge [sflag:s29], $0x4000  }
0xc3: {  	[sflag:s29] =	ssyncset.done $0x0  }
0xc4: {  	[sflag:s29] =	ssyncadd.s32 $0xFFFFC000  }
0xc5: {  	_ =	swait.ge [sflag:s4], $0x4000  }
0xc6: {  	[sflag:s4] =	ssyncset.done $0x0  }
0xc7: {  	[sflag:s4] =	ssyncadd.s32 $0xFFFFC000  }
0xc8: {  	[spmem:s2] =	stream.indirect.scatter.add.f32 [tilespmem:s1], [sflag:$0x3], $0x80, s7, s31, $0xb8;
	[tilespmem:$0x1E000] =	vst v63  }
0xc9: {  	_ =	swait.ge [sflag:s29], $0x4000  }
0xca: {  	[sflag:s29] =	ssyncset.done $0x0  }
0xcb: {  	s11 =	simm.s32 $0x0;
	s12 =	rddreg [dreg:$0x7];
	[sflag:s29] =	ssyncadd.s32 $0xFFFFC000  }
0xcc: {  	[tilespmem:s11], [sflag:$0x3] =	stream.linear.gather [hbm4b:s12+s11], $0x1000, $0x38;
	[tilespmem:$0x1E000] =	vst v63  }
0xcd: {  	_ =	swait.ge [sflag:s29], $0x1000  }
0xce: {  	[sflag:s29] =	ssyncset.done $0x0  }
0xcf: {  	s13 =	rddreg [dreg:$0x8];
	[sflag:s29] =	ssyncadd.s32 $0xFFFFF000  }
0xd0: {  	[tilespmem:s30], [sflag:$0x3] =	stream.linear.gather [hbm4b:s13+s11], $0x1000, $0x38;
	[tilespmem:$0x1E000] =	vst v63  }
0xd1: {  	_ =	swait.ge [sflag:s29], $0x1000  }
0xd2: {  	[sflag:s29] =	ssyncset.done $0x0  }
0xd3: {  	[sflag:s29] =	ssyncadd.s32 $0xFFFFF000  }
0xd4: {  	[tilespmem:s28], [sflag:$0x1] =	stream.indirect.gather [hbm4b:s19+s31], $0x80, s11, s31, $0xb8;
	[tilespmem:$0x1E000] =	vst v63  }
0xd5: {  	s10 =	simm.s32 $0x80  }
0xd6: {  	[tilespmem:s1], [sflag:$0x2] =	stream.indirect.gather [hbm4b:s19+s31], $0x80, s10, s31, $0xb8;
	[tilespmem:$0x1E000] =	vst v63  }
0xd7: {  	_ =	swait.ge [sflag:s0], $0x4000  }
0xd8: {  	[sflag:s0] =	ssyncset.done $0x0  }
0xd9: {  	s11 =	simm.s32 $0x1000;
	[sflag:s0] =	ssyncadd.s32 $0xFFFFC000  }
0xda: {  	[spmem:s2] =	stream.indirect.scatter.add.f32 [tilespmem:s28], [sflag:$0x3], $0x80, s11, s31, $0xb8;
	[tilespmem:$0x1E000] =	vst v63  }
0xdb: {  	_ =	swait.ge [sflag:s29], $0x4000  }
0xdc: {  	[sflag:s29] =	ssyncset.done $0x0  }
0xdd: {  	s12 =	simm.s32 $0x100;
	[sflag:s29] =	ssyncadd.s32 $0xFFFFC000  }
0xde: {  	[tilespmem:s28], [sflag:$0x1] =	stream.indirect.gather [hbm4b:s19+s31], $0x80, s12, s31, $0xb8;
	[tilespmem:$0x1E000] =	vst v63  }
0xdf: {  	_ =	swait.ge [sflag:s4], $0x4000  }
0xe0: {  	[sflag:s4] =	ssyncset.done $0x0  }
0xe1: {  	s13 =	simm.s32 $0x1080;
	[sflag:s4] =	ssyncadd.s32 $0xFFFFC000  }
0xe2: {  	[spmem:s2] =	stream.indirect.scatter.add.f32 [tilespmem:s1], [sflag:$0x3], $0x80, s13, s31, $0xb8;
	[tilespmem:$0x1E000] =	vst v63  }
0xe3: {  	_ =	swait.ge [sflag:s29], $0x4000  }
0xe4: {  	s9 =	simm.s32 $0x100;
	s10 =	simm.s32 $0x800;
	[sflag:s29] =	ssyncset.done $0x0  }
.LBB2_6:
0xe5: {  	s11 =	sadd.s32 $0x80, s9  }
0xe6: {  	[sflag:s29] =	ssyncadd.s32 $0xFFFFC000;
	s12 =	smov.u32 s10;
	s13 =	sadd.s32 $0x400, s10  }
0xe7: {  	[tilespmem:s1], [sflag:$0x2] =	stream.indirect.gather [hbm4b:s19+s31], $0x80, s11, s31, $0xb8;
	[tilespmem:$0x1E000] =	vst v63  }
0xe8: {  	p0 =	sne.s32 s10, $0x3800;
	_ =	swait.ge [sflag:s0], $0x4000  }
0xe9: {  	[sflag:s0] =	ssyncset.done $0x0  }
0xea: {  	s10 =	sadd.s32 $0x1000, s9;
	[sflag:s0] =	ssyncadd.s32 $0xFFFFC000  }
0xeb: {  	[spmem:s2] =	stream.indirect.scatter.add.f32 [tilespmem:s28], [sflag:$0x3], $0x80, s10, s31, $0xb8;
	[tilespmem:$0x1E000] =	vst v63  }
0xec: {  	_ =	swait.ge [sflag:s29], $0x4000  }
0xed: {  	[sflag:s29] =	ssyncset.done $0x0  }
0xee: {  	s10 =	sadd.s32 $0x100, s9;
	[sflag:s29] =	ssyncadd.s32 $0xFFFFC000  }
0xef: {  	[tilespmem:s28], [sflag:$0x1] =	stream.indirect.gather [hbm4b:s19+s31], $0x80, s10, s31, $0xb8;
	[tilespmem:$0x1E000] =	vst v63  }
0xf0: {  	_ =	swait.ge [sflag:s4], $0x4000  }
.Ltmp2:
0xf1: {  	[sflag:s4] =	ssyncset.done $0x0;
	(pc) =	sbr.rel @p0 .LBB2_6-.Ltmp2, $4  }
0xf2: {  	s9 =	sadd.s32 $0x1080, s9;
	[sflag:s4] =	ssyncadd.s32 $0xFFFFC000  }
0xf3: {  	[spmem:s2] =	stream.indirect.scatter.add.f32 [tilespmem:s1], [sflag:$0x3], $0x80, s9, s31, $0xb8;
	[tilespmem:$0x1E000] =	vst v63  }
0xf4: {  	_ =	swait.ge [sflag:s29], $0x4000  }
0xf5: {  	s10 =	smov.u32 s13;
	s9 =	sshra.s32 s12, $0x2;
	[sflag:s29] =	ssyncset.done $0x0  }
0xf6: {  	s10 =	sadd.s32 $0x80, s9;
	[sflag:s29] =	ssyncadd.s32 $0xFFFFC000  }
0xf7: {  	[tilespmem:s1], [sflag:$0x2] =	stream.indirect.gather [hbm4b:s19+s31], $0x80, s10, s31, $0xb8;
	[tilespmem:$0x1E000] =	vst v63  }
0xf8: {  	_ =	swait.ge [sflag:s0], $0x4000  }
0xf9: {  	[sflag:s0] =	ssyncset.done $0x0  }
0xfa: {  	s12 =	sadd.s32 $0x1000, s9;
	[sflag:s0] =	ssyncadd.s32 $0xFFFFC000  }
0xfb: {  	[spmem:s2] =	stream.indirect.scatter.add.f32 [tilespmem:s28], [sflag:$0x3], $0x80, s12, s31, $0xb8;
	[tilespmem:$0x1E000] =	vst v63  }
0xfc: {  	_ =	swait.ge [sflag:s29], $0x4000  }
0xfd: {  	[sflag:s29] =	ssyncset.done $0x0  }
0xfe: {  	s13 =	sadd.s32 $0x100, s9;
	[sflag:s29] =	ssyncadd.s32 $0xFFFFC000  }
0xff: {  	[tilespmem:s28], [sflag:$0x1] =	stream.indirect.gather [hbm4b:s19+s31], $0x80, s13, s31, $0xb8;
	[tilespmem:$0x1E000] =	vst v63  }
0x100: {  	_ =	swait.ge [sflag:s4], $0x4000  }
0x101: {  	[sflag:s4] =	ssyncset.done $0x0  }
0x102: {  	s10 =	sadd.s32 $0x1080, s9;
	[sflag:s4] =	ssyncadd.s32 $0xFFFFC000  }
0x103: {  	[spmem:s2] =	stream.indirect.scatter.add.f32 [tilespmem:s1], [sflag:$0x3], $0x80, s10, s31, $0xb8;
	[tilespmem:$0x1E000] =	vst v63  }
0x104: {  	_ =	swait.ge [sflag:s29], $0x4000  }
0x105: {  	[sflag:s29] =	ssyncset.done $0x0  }
0x106: {  	[sflag:s29] =	ssyncadd.s32 $0xFFFFC000  }
0x107: {  	[tilespmem:s1], [sflag:$0x2] =	stream.indirect.gather [hbm4b:s19+s31], $0x80, s5, s31, $0xb8;
	[tilespmem:$0x1E000] =	vst v63  }
0x108: {  	_ =	swait.ge [sflag:s0], $0x4000  }
0x109: {  	[sflag:s0] =	ssyncset.done $0x0  }
0x10a: {  	[sflag:s0] =	ssyncadd.s32 $0xFFFFC000  }
0x10b: {  	[spmem:s2] =	stream.indirect.scatter.add.f32 [tilespmem:s28], [sflag:$0x3], $0x80, s6, s31, $0xb8;
	[tilespmem:$0x1E000] =	vst v63  }
0x10c: {  	_ =	swait.ge [sflag:s29], $0x4000  }
0x10d: {  	[sflag:s29] =	ssyncset.done $0x0  }
0x10e: {  	[sflag:s29] =	ssyncadd.s32 $0xFFFFC000  }
0x10f: {  	_ =	swait.ge [sflag:s4], $0x4000  }
0x110: {  	[sflag:s4] =	ssyncset.done $0x0  }
0x111: {  	[sflag:s4] =	ssyncadd.s32 $0xFFFFC000  }
0x112: {  	[spmem:s2] =	stream.indirect.scatter.add.f32 [tilespmem:s1], [sflag:$0x3], $0x80, s7, s31, $0xb8;
	[tilespmem:$0x1E000] =	vst v63  }
0x113: {  	_ =	swait.ge [sflag:s29], $0x4000  }
0x114: {  	[sflag:s29] =	ssyncset.done $0x0  }
0x115: {  	s11 =	simm.s32 $0x0;
	s12 =	rddreg [dreg:$0x9];
	[sflag:s29] =	ssyncadd.s32 $0xFFFFC000  }
0x116: {  	[tilespmem:s11], [sflag:$0x3] =	stream.linear.gather [hbm4b:s12+s11], $0x1000, $0x38;
	[tilespmem:$0x1E000] =	vst v63  }
0x117: {  	_ =	swait.ge [sflag:s29], $0x1000  }
0x118: {  	[sflag:s29] =	ssyncset.done $0x0  }
0x119: {  	s13 =	rddreg [dreg:$0xa];
	[sflag:s29] =	ssyncadd.s32 $0xFFFFF000  }
0x11a: {  	[tilespmem:s30], [sflag:$0x3] =	stream.linear.gather [hbm4b:s13+s11], $0x1000, $0x38;
	[tilespmem:$0x1E000] =	vst v63  }
0x11b: {  	_ =	swait.ge [sflag:s29], $0x1000  }
0x11c: {  	[sflag:s29] =	ssyncset.done $0x0  }
0x11d: {  	[sflag:s29] =	ssyncadd.s32 $0xFFFFF000  }
0x11e: {  	[tilespmem:s28], [sflag:$0x1] =	stream.indirect.gather [hbm4b:s19+s31], $0x80, s11, s31, $0xb8;
	[tilespmem:$0x1E000] =	vst v63  }
0x11f: {  	s10 =	simm.s32 $0x80  }
0x120: {  	[tilespmem:s1], [sflag:$0x2] =	stream.indirect.gather [hbm4b:s19+s31], $0x80, s10, s31, $0xb8;
	[tilespmem:$0x1E000] =	vst v63  }
0x121: {  	_ =	swait.ge [sflag:s0], $0x4000  }
0x122: {  	[sflag:s0] =	ssyncset.done $0x0  }
0x123: {  	s11 =	simm.s32 $0x1000;
	[sflag:s0] =	ssyncadd.s32 $0xFFFFC000  }
0x124: {  	[spmem:s2] =	stream.indirect.scatter.add.f32 [tilespmem:s28], [sflag:$0x3], $0x80, s11, s31, $0xb8;
	[tilespmem:$0x1E000] =	vst v63  }
0x125: {  	_ =	swait.ge [sflag:s29], $0x4000  }
0x126: {  	[sflag:s29] =	ssyncset.done $0x0  }
0x127: {  	s12 =	simm.s32 $0x100;
	[sflag:s29] =	ssyncadd.s32 $0xFFFFC000  }
0x128: {  	[tilespmem:s28], [sflag:$0x1] =	stream.indirect.gather [hbm4b:s19+s31], $0x80, s12, s31, $0xb8;
	[tilespmem:$0x1E000] =	vst v63  }
0x129: {  	_ =	swait.ge [sflag:s4], $0x4000  }
0x12a: {  	[sflag:s4] =	ssyncset.done $0x0  }
0x12b: {  	s13 =	simm.s32 $0x1080;
	[sflag:s4] =	ssyncadd.s32 $0xFFFFC000  }
0x12c: {  	[spmem:s2] =	stream.indirect.scatter.add.f32 [tilespmem:s1], [sflag:$0x3], $0x80, s13, s31, $0xb8;
	[tilespmem:$0x1E000] =	vst v63  }
0x12d: {  	_ =	swait.ge [sflag:s29], $0x4000  }
0x12e: {  	s9 =	simm.s32 $0x100;
	s10 =	simm.s32 $0x800;
	[sflag:s29] =	ssyncset.done $0x0  }
.LBB2_8:
0x12f: {  	s11 =	sadd.s32 $0x80, s9  }
0x130: {  	[sflag:s29] =	ssyncadd.s32 $0xFFFFC000;
	s12 =	smov.u32 s10;
	s13 =	sadd.s32 $0x400, s10  }
0x131: {  	[tilespmem:s1], [sflag:$0x2] =	stream.indirect.gather [hbm4b:s19+s31], $0x80, s11, s31, $0xb8;
	[tilespmem:$0x1E000] =	vst v63  }
0x132: {  	p0 =	sne.s32 s10, $0x3800;
	_ =	swait.ge [sflag:s0], $0x4000  }
0x133: {  	[sflag:s0] =	ssyncset.done $0x0  }
0x134: {  	s10 =	sadd.s32 $0x1000, s9;
	[sflag:s0] =	ssyncadd.s32 $0xFFFFC000  }
0x135: {  	[spmem:s2] =	stream.indirect.scatter.add.f32 [tilespmem:s28], [sflag:$0x3], $0x80, s10, s31, $0xb8;
	[tilespmem:$0x1E000] =	vst v63  }
0x136: {  	_ =	swait.ge [sflag:s29], $0x4000  }
0x137: {  	[sflag:s29] =	ssyncset.done $0x0  }
0x138: {  	s10 =	sadd.s32 $0x100, s9;
	[sflag:s29] =	ssyncadd.s32 $0xFFFFC000  }
0x139: {  	[tilespmem:s28], [sflag:$0x1] =	stream.indirect.gather [hbm4b:s19+s31], $0x80, s10, s31, $0xb8;
	[tilespmem:$0x1E000] =	vst v63  }
0x13a: {  	_ =	swait.ge [sflag:s4], $0x4000  }
.Ltmp3:
0x13b: {  	[sflag:s4] =	ssyncset.done $0x0;
	(pc) =	sbr.rel @p0 .LBB2_8-.Ltmp3, $4  }
0x13c: {  	s9 =	sadd.s32 $0x1080, s9;
	[sflag:s4] =	ssyncadd.s32 $0xFFFFC000  }
0x13d: {  	[spmem:s2] =	stream.indirect.scatter.add.f32 [tilespmem:s1], [sflag:$0x3], $0x80, s9, s31, $0xb8;
	[tilespmem:$0x1E000] =	vst v63  }
0x13e: {  	_ =	swait.ge [sflag:s29], $0x4000  }
0x13f: {  	s10 =	smov.u32 s13;
	s9 =	sshra.s32 s12, $0x2;
	[sflag:s29] =	ssyncset.done $0x0  }
0x140: {  	s10 =	sadd.s32 $0x80, s9;
	[sflag:s29] =	ssyncadd.s32 $0xFFFFC000  }
0x141: {  	[tilespmem:s1], [sflag:$0x2] =	stream.indirect.gather [hbm4b:s19+s31], $0x80, s10, s31, $0xb8;
	[tilespmem:$0x1E000] =	vst v63  }
0x142: {  	_ =	swait.ge [sflag:s0], $0x4000  }
0x143: {  	[sflag:s0] =	ssyncset.done $0x0  }
0x144: {  	s12 =	sadd.s32 $0x1000, s9;
	[sflag:s0] =	ssyncadd.s32 $0xFFFFC000  }
0x145: {  	[spmem:s2] =	stream.indirect.scatter.add.f32 [tilespmem:s28], [sflag:$0x3], $0x80, s12, s31, $0xb8;
	[tilespmem:$0x1E000] =	vst v63  }
0x146: {  	_ =	swait.ge [sflag:s29], $0x4000  }
0x147: {  	[sflag:s29] =	ssyncset.done $0x0  }
0x148: {  	s13 =	sadd.s32 $0x100, s9;
	[sflag:s29] =	ssyncadd.s32 $0xFFFFC000  }
0x149: {  	[tilespmem:s28], [sflag:$0x1] =	stream.indirect.gather [hbm4b:s19+s31], $0x80, s13, s31, $0xb8;
	[tilespmem:$0x1E000] =	vst v63  }
0x14a: {  	_ =	swait.ge [sflag:s4], $0x4000  }
0x14b: {  	[sflag:s4] =	ssyncset.done $0x0  }
0x14c: {  	s10 =	sadd.s32 $0x1080, s9;
	[sflag:s4] =	ssyncadd.s32 $0xFFFFC000  }
0x14d: {  	[spmem:s2] =	stream.indirect.scatter.add.f32 [tilespmem:s1], [sflag:$0x3], $0x80, s10, s31, $0xb8;
	[tilespmem:$0x1E000] =	vst v63  }
0x14e: {  	_ =	swait.ge [sflag:s29], $0x4000  }
0x14f: {  	[sflag:s29] =	ssyncset.done $0x0  }
0x150: {  	[sflag:s29] =	ssyncadd.s32 $0xFFFFC000  }
0x151: {  	[tilespmem:s1], [sflag:$0x2] =	stream.indirect.gather [hbm4b:s19+s31], $0x80, s5, s31, $0xb8;
	[tilespmem:$0x1E000] =	vst v63  }
0x152: {  	_ =	swait.ge [sflag:s0], $0x4000  }
0x153: {  	[sflag:s0] =	ssyncset.done $0x0  }
0x154: {  	[sflag:s0] =	ssyncadd.s32 $0xFFFFC000  }
0x155: {  	[spmem:s2] =	stream.indirect.scatter.add.f32 [tilespmem:s28], [sflag:$0x3], $0x80, s6, s31, $0xb8;
	[tilespmem:$0x1E000] =	vst v63  }
0x156: {  	_ =	swait.ge [sflag:s29], $0x4000  }
0x157: {  	[sflag:s29] =	ssyncset.done $0x0  }
0x158: {  	[sflag:s29] =	ssyncadd.s32 $0xFFFFC000  }
0x159: {  	_ =	swait.ge [sflag:s4], $0x4000  }
0x15a: {  	[sflag:s4] =	ssyncset.done $0x0  }
0x15b: {  	[sflag:s4] =	ssyncadd.s32 $0xFFFFC000  }
0x15c: {  	[spmem:s2] =	stream.indirect.scatter.add.f32 [tilespmem:s1], [sflag:$0x3], $0x80, s7, s31, $0xb8;
	[tilespmem:$0x1E000] =	vst v63  }
0x15d: {  	_ =	swait.ge [sflag:s29], $0x4000  }
0x15e: {  	[sflag:s29] =	ssyncset.done $0x0  }
0x15f: {  	s11 =	simm.s32 $0x0;
	s12 =	rddreg [dreg:$0xb];
	[sflag:s29] =	ssyncadd.s32 $0xFFFFC000  }
0x160: {  	[tilespmem:s11], [sflag:$0x3] =	stream.linear.gather [hbm4b:s12+s11], $0x1000, $0x38;
	[tilespmem:$0x1E000] =	vst v63  }
0x161: {  	_ =	swait.ge [sflag:s29], $0x1000  }
0x162: {  	[sflag:s29] =	ssyncset.done $0x0  }
0x163: {  	s13 =	rddreg [dreg:$0xc];
	[sflag:s29] =	ssyncadd.s32 $0xFFFFF000  }
0x164: {  	[tilespmem:s30], [sflag:$0x3] =	stream.linear.gather [hbm4b:s13+s11], $0x1000, $0x38;
	[tilespmem:$0x1E000] =	vst v63  }
0x165: {  	_ =	swait.ge [sflag:s29], $0x1000  }
0x166: {  	[sflag:s29] =	ssyncset.done $0x0  }
0x167: {  	[sflag:s29] =	ssyncadd.s32 $0xFFFFF000  }
0x168: {  	[tilespmem:s28], [sflag:$0x1] =	stream.indirect.gather [hbm4b:s19+s31], $0x80, s11, s31, $0xb8;
	[tilespmem:$0x1E000] =	vst v63  }
0x169: {  	s10 =	simm.s32 $0x80  }
0x16a: {  	[tilespmem:s1], [sflag:$0x2] =	stream.indirect.gather [hbm4b:s19+s31], $0x80, s10, s31, $0xb8;
	[tilespmem:$0x1E000] =	vst v63  }
0x16b: {  	_ =	swait.ge [sflag:s0], $0x4000  }
0x16c: {  	[sflag:s0] =	ssyncset.done $0x0  }
0x16d: {  	s11 =	simm.s32 $0x1000;
	[sflag:s0] =	ssyncadd.s32 $0xFFFFC000  }
0x16e: {  	[spmem:s2] =	stream.indirect.scatter.add.f32 [tilespmem:s28], [sflag:$0x3], $0x80, s11, s31, $0xb8;
	[tilespmem:$0x1E000] =	vst v63  }
0x16f: {  	_ =	swait.ge [sflag:s29], $0x4000  }
0x170: {  	[sflag:s29] =	ssyncset.done $0x0  }
0x171: {  	s12 =	simm.s32 $0x100;
	[sflag:s29] =	ssyncadd.s32 $0xFFFFC000  }
0x172: {  	[tilespmem:s28], [sflag:$0x1] =	stream.indirect.gather [hbm4b:s19+s31], $0x80, s12, s31, $0xb8;
	[tilespmem:$0x1E000] =	vst v63  }
0x173: {  	_ =	swait.ge [sflag:s4], $0x4000  }
0x174: {  	[sflag:s4] =	ssyncset.done $0x0  }
0x175: {  	s13 =	simm.s32 $0x1080;
	[sflag:s4] =	ssyncadd.s32 $0xFFFFC000  }
0x176: {  	[spmem:s2] =	stream.indirect.scatter.add.f32 [tilespmem:s1], [sflag:$0x3], $0x80, s13, s31, $0xb8;
	[tilespmem:$0x1E000] =	vst v63  }
0x177: {  	_ =	swait.ge [sflag:s29], $0x4000  }
0x178: {  	s9 =	simm.s32 $0x100;
	s10 =	simm.s32 $0x800;
	[sflag:s29] =	ssyncset.done $0x0  }
.LBB2_10:
0x179: {  	s11 =	sadd.s32 $0x80, s9  }
0x17a: {  	[sflag:s29] =	ssyncadd.s32 $0xFFFFC000;
	s12 =	smov.u32 s10;
	s13 =	sadd.s32 $0x400, s10  }
0x17b: {  	[tilespmem:s1], [sflag:$0x2] =	stream.indirect.gather [hbm4b:s19+s31], $0x80, s11, s31, $0xb8;
	[tilespmem:$0x1E000] =	vst v63  }
0x17c: {  	p0 =	sne.s32 s10, $0x3800;
	_ =	swait.ge [sflag:s0], $0x4000  }
0x17d: {  	[sflag:s0] =	ssyncset.done $0x0  }
0x17e: {  	s10 =	sadd.s32 $0x1000, s9;
	[sflag:s0] =	ssyncadd.s32 $0xFFFFC000  }
0x17f: {  	[spmem:s2] =	stream.indirect.scatter.add.f32 [tilespmem:s28], [sflag:$0x3], $0x80, s10, s31, $0xb8;
	[tilespmem:$0x1E000] =	vst v63  }
0x180: {  	_ =	swait.ge [sflag:s29], $0x4000  }
0x181: {  	[sflag:s29] =	ssyncset.done $0x0  }
0x182: {  	s10 =	sadd.s32 $0x100, s9;
	[sflag:s29] =	ssyncadd.s32 $0xFFFFC000  }
0x183: {  	[tilespmem:s28], [sflag:$0x1] =	stream.indirect.gather [hbm4b:s19+s31], $0x80, s10, s31, $0xb8;
	[tilespmem:$0x1E000] =	vst v63  }
0x184: {  	_ =	swait.ge [sflag:s4], $0x4000  }
.Ltmp4:
0x185: {  	[sflag:s4] =	ssyncset.done $0x0;
	(pc) =	sbr.rel @p0 .LBB2_10-.Ltmp4, $4  }
0x186: {  	s9 =	sadd.s32 $0x1080, s9;
	[sflag:s4] =	ssyncadd.s32 $0xFFFFC000  }
0x187: {  	[spmem:s2] =	stream.indirect.scatter.add.f32 [tilespmem:s1], [sflag:$0x3], $0x80, s9, s31, $0xb8;
	[tilespmem:$0x1E000] =	vst v63  }
0x188: {  	_ =	swait.ge [sflag:s29], $0x4000  }
0x189: {  	s10 =	smov.u32 s13;
	s9 =	sshra.s32 s12, $0x2;
	[sflag:s29] =	ssyncset.done $0x0  }
0x18a: {  	s10 =	sadd.s32 $0x80, s9;
	[sflag:s29] =	ssyncadd.s32 $0xFFFFC000  }
0x18b: {  	[tilespmem:s1], [sflag:$0x2] =	stream.indirect.gather [hbm4b:s19+s31], $0x80, s10, s31, $0xb8;
	[tilespmem:$0x1E000] =	vst v63  }
0x18c: {  	_ =	swait.ge [sflag:s0], $0x4000  }
0x18d: {  	[sflag:s0] =	ssyncset.done $0x0  }
0x18e: {  	s11 =	sadd.s32 $0x1000, s9;
	[sflag:s0] =	ssyncadd.s32 $0xFFFFC000  }
0x18f: {  	[spmem:s2] =	stream.indirect.scatter.add.f32 [tilespmem:s28], [sflag:$0x3], $0x80, s11, s31, $0xb8;
	[tilespmem:$0x1E000] =	vst v63  }
0x190: {  	_ =	swait.ge [sflag:s29], $0x4000  }
0x191: {  	[sflag:s29] =	ssyncset.done $0x0  }
0x192: {  	s12 =	sadd.s32 $0x100, s9;
	[sflag:s29] =	ssyncadd.s32 $0xFFFFC000  }
0x193: {  	[tilespmem:s28], [sflag:$0x1] =	stream.indirect.gather [hbm4b:s19+s31], $0x80, s12, s31, $0xb8;
	[tilespmem:$0x1E000] =	vst v63  }
0x194: {  	_ =	swait.ge [sflag:s4], $0x4000  }
0x195: {  	[sflag:s4] =	ssyncset.done $0x0  }
0x196: {  	s13 =	sadd.s32 $0x1080, s9;
	[sflag:s4] =	ssyncadd.s32 $0xFFFFC000  }
0x197: {  	[spmem:s2] =	stream.indirect.scatter.add.f32 [tilespmem:s1], [sflag:$0x3], $0x80, s13, s31, $0xb8;
	[tilespmem:$0x1E000] =	vst v63  }
0x198: {  	_ =	swait.ge [sflag:s29], $0x4000  }
0x199: {  	[sflag:s29] =	ssyncset.done $0x0  }
0x19a: {  	[sflag:s29] =	ssyncadd.s32 $0xFFFFC000  }
0x19b: {  	[tilespmem:s1], [sflag:$0x2] =	stream.indirect.gather [hbm4b:s19+s31], $0x80, s5, s31, $0xb8;
	[tilespmem:$0x1E000] =	vst v63  }
0x19c: {  	_ =	swait.ge [sflag:s0], $0x4000  }
0x19d: {  	[sflag:s0] =	ssyncset.done $0x0  }
0x19e: {  	[sflag:s0] =	ssyncadd.s32 $0xFFFFC000  }
0x19f: {  	[spmem:s2] =	stream.indirect.scatter.add.f32 [tilespmem:s28], [sflag:$0x3], $0x80, s6, s31, $0xb8;
	[tilespmem:$0x1E000] =	vst v63  }
0x1a0: {  	_ =	swait.ge [sflag:s29], $0x4000  }
0x1a1: {  	[sflag:s29] =	ssyncset.done $0x0  }
0x1a2: {  	[sflag:s29] =	ssyncadd.s32 $0xFFFFC000  }
0x1a3: {  	_ =	swait.ge [sflag:s4], $0x4000  }
0x1a4: {  	[sflag:s4] =	ssyncset.done $0x0  }
0x1a5: {  	[sflag:s4] =	ssyncadd.s32 $0xFFFFC000  }
0x1a6: {  	[spmem:s2] =	stream.indirect.scatter.add.f32 [tilespmem:s1], [sflag:$0x3], $0x80, s7, s31, $0xb8;
	[tilespmem:$0x1E000] =	vst v63  }
0x1a7: {  	_ =	swait.ge [sflag:s29], $0x4000  }
0x1a8: {  	[sflag:s29] =	ssyncset.done $0x0  }
0x1a9: {  	[sflag:s29] =	ssyncadd.s32 $0xFFFFC000  }
0x1aa: {  	[bflag:$0x0] =	sbarrier.arrive $0xFFFF  }
0x1ab: {  	[tilespmem:s28], [sflag:$0x3] =	stream.linear.gather [spmem:s21], $0x4000, $0x38;
	[tilespmem:$0x1E000] =	vst v63  }
0x1ac: {  	_ =	swait.ge [sflag:s29], $0x4000  }
0x1ad: {  	[sflag:s29] =	ssyncset.done $0x0  }
0x1ae: {  	[sflag:s29] =	ssyncadd.s32 $0xFFFFC000  }
0x1af: {  	[hbm4b:s14+s3] =	stream.linear.scatter [tilespmem:s28], [sflag:$0x3], $0x4000, $0x38;
	[tilespmem:$0x1E000] =	vst v63  }
0x1b0: {  	_ =	swait.ge [sflag:s29], $0x4000  }
0x1b1: {  	[sflag:s29] =	ssyncset.done $0x0  }
0x1b2: {  	[sflag:s29] =	ssyncadd.s32 $0xFFFFC000  }
0x1b3: {  	[tilespmem:s28], [sflag:$0x3] =	stream.linear.gather [spmem:s22], $0x4000, $0x38;
	[tilespmem:$0x1E000] =	vst v63  }
0x1b4: {  	_ =	swait.ge [sflag:s29], $0x4000  }
0x1b5: {  	[sflag:s29] =	ssyncset.done $0x0  }
0x1b6: {  	[sflag:s29] =	ssyncadd.s32 $0xFFFFC000  }
0x1b7: {  	[hbm4b:s15+s3] =	stream.linear.scatter [tilespmem:s28], [sflag:$0x3], $0x4000, $0x38;
	[tilespmem:$0x1E000] =	vst v63  }
0x1b8: {  	_ =	swait.ge [sflag:s29], $0x4000  }
0x1b9: {  	[sflag:s29] =	ssyncset.done $0x0  }
0x1ba: {  	[sflag:s29] =	ssyncadd.s32 $0xFFFFC000  }
0x1bb: {  	[tilespmem:s28], [sflag:$0x3] =	stream.linear.gather [spmem:s23], $0x4000, $0x38;
	[tilespmem:$0x1E000] =	vst v63  }
0x1bc: {  	_ =	swait.ge [sflag:s29], $0x4000  }
0x1bd: {  	[sflag:s29] =	ssyncset.done $0x0  }
0x1be: {  	[sflag:s29] =	ssyncadd.s32 $0xFFFFC000  }
0x1bf: {  	[hbm4b:s16+s3] =	stream.linear.scatter [tilespmem:s28], [sflag:$0x3], $0x4000, $0x38;
	[tilespmem:$0x1E000] =	vst v63  }
0x1c0: {  	_ =	swait.ge [sflag:s29], $0x4000  }
0x1c1: {  	[sflag:s29] =	ssyncset.done $0x0  }
0x1c2: {  	[sflag:s29] =	ssyncadd.s32 $0xFFFFC000  }
0x1c3: {  	[tilespmem:s28], [sflag:$0x3] =	stream.linear.gather [spmem:s24], $0x4000, $0x38;
	[tilespmem:$0x1E000] =	vst v63  }
0x1c4: {  	_ =	swait.ge [sflag:s29], $0x4000  }
0x1c5: {  	[sflag:s29] =	ssyncset.done $0x0  }
0x1c6: {  	[sflag:s29] =	ssyncadd.s32 $0xFFFFC000  }
0x1c7: {  	[hbm4b:s17+s3] =	stream.linear.scatter [tilespmem:s28], [sflag:$0x3], $0x4000, $0x38;
	[tilespmem:$0x1E000] =	vst v63  }
0x1c8: {  	_ =	swait.ge [sflag:s29], $0x4000  }
0x1c9: {  	[sflag:s29] =	ssyncset.done $0x0  }
0x1ca: {  	[sflag:s29] =	ssyncadd.s32 $0xFFFFC000  }
0x1cb: {  	[tilespmem:s28], [sflag:$0x3] =	stream.linear.gather [spmem:s25], $0x4000, $0x38;
	[tilespmem:$0x1E000] =	vst v63  }
0x1cc: {  	s8 =	sadd.s32 $0x1, s8;
	_ =	swait.ge [sflag:s29], $0x4000  }
0x1cd: {  	p0 =	sne.s32 s8, s26;
	[sflag:s29] =	ssyncset.done $0x0  }
.Ltmp5:
0x1ce: {  	[sflag:s29] =	ssyncadd.s32 $0xFFFFC000;
	(pc) =	sbr.rel @p0 .LBB2_1-.Ltmp5, $4  }
0x1cf: {  	[hbm4b:s18+s3] =	stream.linear.scatter [tilespmem:s28], [sflag:$0x3], $0x4000, $0x38;
	[tilespmem:$0x1E000] =	vst v63  }
0x1d0: {  	_ =	swait.ge [sflag:s29], $0x4000  }
0x1d1: {  	[sflag:s29] =	ssyncset.done $0x0  }
0x1d2: {  	[sflag:s29] =	ssyncadd.s32 $0xFFFFC000  }
0x1d3: {  	_ =	sfence.sel $0x180000  }
0x1d4: {  	[bflag:$0x0] =	sbarrier.arrive $0xFFFF  }
0x1d5: {  	_ =	strace $0x9000004D  }
0x1d6: {  	s0 =	stileid.u32;
	[bflag:$0x2] =	sbarrier.arrive $0xFFFF  }
0x1d7: {  	p0 =	sne.s32 s0, $0x0;
	s0 =	rddreg [dreg:$0x2]  }
0x1d8: {  	s0 =	sadd.s32 @!p0 $0x100000, s0  }
0x1d9: {  	[sflag:s0] =	ssyncadd.tile.s32 @!p0 $0x1;
	_ =	shalt  }
.Lfunc_end2:
_tile_overlayer_lowered:
.L_overlay_start_2:
0x1da: {  	(tag) =	ssettag $0x2  }
0x1db: {  	s0 =	rddreg [dreg:$0x0];
	s2 =	stileid.u32  }
0x1dc: {  	s1 =	rddreg [dreg:$0x1];
	p0 =	sne.s32 s2, $0x0  }
0x1dd: {  	s3 =	rddreg [dreg:$0x2];
	[bflag:$0x3] =	sbarrier.arrive $0xFFFF;
	s2 =	simm.s32 @!p0 $0x1C03  }
0x1de: {  	[timem:s3], [sflag:s2] =	dma.local @!p0 [hbm:s0], s1  }
0x1df: {  	s0 =	simm.s32 @!p0 $0x3  }
0x1e0: {  	_ =	swait.ge @!p0 [sflag:s0], s1  }
0x1e1: {  	s1 =	ssub.s32 @!p0 $0x0, s1;
	[sflag:s0] =	ssyncset.done @!p0 $0x0  }
0x1e2: {  	[sflag:s0] =	ssyncadd.s32 @!p0 s1  }
0x1e3: {  	[bflag:$0x3] =	sbarrier.arrive $0xFFFF  }
0x1e4: {  	_ =	shalt  }

// kernel: kernel.9.cloned.1.call-start
scs
__scs_entry_jumppad:
0x0: {  	(pc) =	sbr.rel $0x88, $3  }
0x1: {  	(tag) =	ssettag $0x0;
	lr =	simm.s32 $0x1  }
0x2: {  	[smem:$0x3F8F] =	sst lr;
	_ =	strace $0xD0000000  }
0x3: {  	_ = 	snop  }
0x4: {  	_ = 	snop  }
0x5: {  	_ = 	snop  }
0x6: {  	_ = 	snop  }
0x7: {  	_ = 	snop  }
__scs_overlays_trampoline_lowered:
0x8: {  	[smem:$0x3F9E] =	sst s0  }
0x9: {  	[smem:$0x3F9F] =	sst s1  }
0xa: {  	[smem:$0x3FA0] =	sst s2  }
0xb: {  	[smem:$0x3FA1] =	sst s3  }
0xc: {  	[smem:$0x3FA2] =	sst s4  }
0xd: {  	[smem:$0x3FA3] =	sst s5  }
0xe: {  	[smem:$0x3FA4] =	sst s6  }
0xf: {  	[smem:$0x3FA5] =	sst s7  }
0x10: {  	[smem:$0x3FA6] =	sst s8  }
0x11: {  	[smem:$0x3FA7] =	sst s9;
	s0 =	simm.s32 @!p0 $0x0  }
0x12: {  	s1 =	sld [smem:$0x3F8D];
	s0 =	simm.s32 @p0 $0x1  }
0x13: {  	[smem:$0x3FA8] =	sst s0;
	s0 =	simm.s32 @!p1 $0x0  }
0x14: {  	s2 =	sld [smem:$0x3F8C];
	s0 =	simm.s32 @p1 $0x1  }
0x15: {  	[smem:$0x3FA9] =	sst s0;
	s0 =	simm.s32 @!p2 $0x0  }
0x16: {  	s3 =	sld [smem:$0x3FDB];
	s0 =	simm.s32 @p2 $0x1  }
0x17: {  	s4 =	simm.s32 $0x1BF5;
	[smem:$0x3FAB] =	sst s0  }
0x18: {  	s0 =	sld [smem:$0x3F8E];
	_ =	swait.ge [sflag:s4], $0x0  }
0x19: {  	s7 =	sld [smem:$0x3F8F]  }
0x1a: {  	s8 =	sadd.s32 $0xFFFFE003, lr  }
0x1b: {  	s9 =	sadd.s32 $0xFFFFFEF7, lr;
	s5 =	simm.s32 $0xFFFFFFFF;
	p2 =	slt.u32 s8, $0xFFFFF086  }
0x1c: {  	p1 =	slt.u32 s9, $0xF7A;
	s5 =	simm.s32 @!p2 $0x0  }
0x1d: {  	s5 =	simm.s32 @p1 $0x1;
	p0 =	seq.s32 s7, s2  }
0x1e: {  	s7 =	smul.u32 @!p0 $0xF7A, s2;
	p2 =	seq.s32 @!p0 s5, $0x0  }
0x1f: {  	s9 =	smul.u32 $0xF7A, s1;
	s8 =	simm.s32 @!p0 $0x1BF5;
	p2 =	por !p2, p0  }
0x20: {  	[sflag:s8] =	ssyncset.s32 @!p0 $0xFFFFF086;
	s6 =	sadd.s32 @!p0 s3, s7;
	s7 =	simm.s32 @!p0 $0x108  }
0x21: {  	s3 =	sadd.s32 s3, s9;
	s6 =	sadd.s32 @!p0 $0x88, s6;
	s7 =	simm.s32 @p2 $0x1082  }
0x22: {  	[simem:s7], [sflag:s8] =	dma.local @!p0 [hbm:s6], $0xF7A  }
0x23: {  	s9 =	sor.u32 $0xD0000000, s2;
	s6 =	simm.s32 $0x108;
	_ =	swait.ge @!p0 [sflag:s8], $0x0  }
0x24: {  	s3 =	sadd.s32 $0x88, s3;
	s6 =	simm.s32 @!p1 $0x1082;
	[sflag:s4] =	ssyncset.s32 $0xFFFFF086  }
0x25: {  	[simem:s6], [sflag:s4] =	dma.local [hbm:s3], $0xF7A  }
0x26: {  	[smem:$0x3F8F] =	sst s1;
	(tag) =	ssettag s2;
	_ =	strace s9  }
0x27: {  	s1 =	sld [smem:$0x3F9F]  }
0x28: {  	s2 =	sld [smem:$0x3FA0]  }
0x29: {  	s4 =	sld [smem:$0x3FA2]  }
0x2a: {  	p0 =	seq.s32 s5, $0x0;
	s5 =	sld [smem:$0x3FA3]  }
0x2b: {  	s6 =	sld [smem:$0x3FA4]  }
0x2c: {  	s7 =	sld [smem:$0x3FA5]  }
0x2d: {  	s3 =	simm.s32 $0x108;
	s8 =	sld [smem:$0x3FA6]  }
0x2e: {  	s3 =	simm.s32 @!p0 $0x1082;
	s9 =	sld [smem:$0x3FA7]  }
0x2f: {  	lr =	sadd.s32 s0, s3;
	s0 =	sld [smem:$0x3F9E]  }
0x30: {  	s3 =	sld [smem:$0x3FA1]  }
0x31: {  	[smem:$0x3FAA] =	sst s10  }
0x32: {  	s10 =	sld [smem:$0x3FA8];
	_ =	sdelay $0x3  }
0x33: {  	p0 =	seq.s32 s10, $0x1;
	s10 =	sld [smem:$0x3FAA];
	_ =	sdelay $0x3  }
0x34: {  	[smem:$0x3FAA] =	sst s10  }
0x35: {  	s10 =	sld [smem:$0x3FA9];
	_ =	sdelay $0x3  }
0x36: {  	p1 =	seq.s32 s10, $0x1;
	s10 =	sld [smem:$0x3FAA];
	_ =	sdelay $0x3  }
0x37: {  	[smem:$0x3FAA] =	sst s10  }
0x38: {  	s10 =	sld [smem:$0x3FAB]  }
0x39: {  	_ = 	snop;
	(pc) =	sbr.ind lr, $3  }
0x3a: {  	_ = 	snop  }
0x3b: {  	_ = 	snop  }
0x3c: {  	p2 =	seq.s32 s10, $0x1;
	s10 =	sld [smem:$0x3FAA]  }
0x3d: {  	_ =	shalt  }
0x3e: {  	_ =	shalt  }
0x3f: {  	_ =	shalt  }
0x40: {  	_ =	shalt  }
0x41: {  	_ =	shalt  }
0x42: {  	_ =	shalt  }
0x43: {  	_ =	shalt  }
0x44: {  	_ =	shalt  }
0x45: {  	_ =	shalt  }
0x46: {  	_ =	shalt  }
0x47: {  	_ =	shalt  }
0x48: {  	_ =	shalt  }
0x49: {  	_ =	shalt  }
0x4a: {  	_ =	shalt  }
0x4b: {  	_ =	shalt  }
0x4c: {  	_ =	shalt  }
0x4d: {  	_ =	shalt  }
0x4e: {  	_ =	shalt  }
0x4f: {  	_ =	shalt  }
0x50: {  	_ =	shalt  }
0x51: {  	_ =	shalt  }
0x52: {  	_ =	shalt  }
0x53: {  	_ =	shalt  }
0x54: {  	_ =	shalt  }
0x55: {  	_ =	shalt  }
0x56: {  	_ =	shalt  }
0x57: {  	_ =	shalt  }
0x58: {  	_ =	shalt  }
0x59: {  	_ =	shalt  }
0x5a: {  	_ =	shalt  }
0x5b: {  	_ =	shalt  }
0x5c: {  	_ =	shalt  }
0x5d: {  	_ =	shalt  }
0x5e: {  	_ =	shalt  }
0x5f: {  	_ =	shalt  }
0x60: {  	_ =	shalt  }
0x61: {  	_ =	shalt  }
0x62: {  	_ =	shalt  }
0x63: {  	_ =	shalt  }
0x64: {  	_ =	shalt  }
0x65: {  	_ =	shalt  }
0x66: {  	_ =	shalt  }
0x67: {  	_ =	shalt  }
0x68: {  	_ =	shalt  }
0x69: {  	_ =	shalt  }
0x6a: {  	_ =	shalt  }
0x6b: {  	_ =	shalt  }
0x6c: {  	_ =	shalt  }
0x6d: {  	_ =	shalt  }
0x6e: {  	_ =	shalt  }
0x6f: {  	_ =	shalt  }
0x70: {  	_ =	shalt  }
0x71: {  	_ =	shalt  }
0x72: {  	_ =	shalt  }
0x73: {  	_ =	shalt  }
0x74: {  	_ =	shalt  }
0x75: {  	_ =	shalt  }
0x76: {  	_ =	shalt  }
0x77: {  	_ =	shalt  }
0x78: {  	_ =	shalt  }
0x79: {  	_ =	shalt  }
0x7a: {  	_ =	shalt  }
0x7b: {  	_ =	shalt  }
0x7c: {  	_ =	shalt  }
0x7d: {  	_ =	shalt  }
0x7e: {  	_ =	shalt  }
0x7f: {  	_ =	shalt  }
0x80: {  	_ =	shalt  }
0x81: {  	_ =	shalt  }
0x82: {  	_ =	shalt  }
0x83: {  	_ =	shalt  }
0x84: {  	_ =	shalt  }
0x85: {  	_ =	shalt  }
0x86: {  	_ =	shalt  }
0x87: {  	_ =	shalt  }
.Lfunc_end0:
.L_simem_size_0:
called_computation_lowered:
.L_overlay_start_0:
0x88: {  	s2 =	sld [smem:$0x3FD9]  }
0x89: {  	s3 =	sld [smem:$0x3FFE];
	_ =	sdelay $0x1  }
0x8a: {  	s1 =	srdreg.scid  }
0x8b: {  	s0 =	sand.u32 $0x1, s1  }
0x8c: {  	s17 =	sshll.u32 s0, $0xA;
	s2 =	sadd.s32 s3, s2  }
0x8d: {  	s2 =	sadd.s32 s2, s17  }
0x8e: {  	[smem:$0x3FB6] =	sst s2  }
0x8f: {  	_ = 	snop  }
0x90: {  	s2 =	sld [smem:$0x3FD0];
	(tm) =	ssettm $0x1  }
0x91: {  	s18 =	sld [smem:$0x3FFB];
	_ =	sdelay $0x3  }
0x92: {  	_ =	strace s18  }
0x93: {  	s3 =	sld [smem:$0x3FFC];
	_ =	sdelay $0x3  }
0x94: {  	_ =	strace s3  }
0x95: {  	s3 =	sld [smem:$0x3FFD];
	_ =	sdelay $0x3  }
0x96: {  	_ =	strace s3  }
0x97: {  	_ =	strace $0x8FFFFFFF  }
0x98: {  	s19 =	sld [smem:$0x3FDB];
	_ =	sdelay $0x1  }
0x99: {  	s4 =	simm.s32 $_scs_section_size  }
0x9a: {  	s5 =	simm.s32 $_size__tile_overlayer_lowered;
	s6 =	simm.s32 $_tile_overlayer_lowered  }
0x9b: {  	s22 =	simm.s32 $0x1BFF;
	s21 =	sshll.u32 s6, $0x1;
	s3 =	sadd.s32 s4, s19  }
0x9c: {  	s7 =	simm.s32 $0x0;
	s20 =	sshll.u32 s5, $0x1;
	s5 =	sadd.s32 s21, s3  }
0x9d: {  	[timem:s7], [sflag:s22] =	dma.local [hbm:s5], s20  }
0x9e: {  	_ =	swait.ge [sflag:s22], s20  }
0x9f: {  	s4 =	ssub.s32 $0x0, s20;
	[sflag:s22] =	ssyncset.done $0x0  }
0xa0: {  	[sflag:s22] =	ssyncadd.s32 s4;
	_ =	sdelay $0x1  }
0xa1: {  	s23 =	simm.s32 $0x1B8B  }
0xa2: {  	_ =	swait.ge [sflag:s23], $0x1  }
0xa3: {  	[sflag:s23] =	ssyncset.done $0x0  }
0xa4: {  	s25 =	simm.s32 $0x1B8E;
	s24 =	sld [smem:$0x3FFE];
	[sflag:s23] =	ssyncadd.s32 $0xFFFFFFFF  }
0xa5: {  	s26 =	simm.s32 $execute0_lowered;
	[smem:$0x3FD2] =	sst s25  }
0xa6: {  	s5 =	sshll.u32 s26, $0x1;
	_ =	strace $0x80000046;
	[dreg:$0x1] =	wrdreg $0xFFFFFFFF  }
0xa7: {  	s28 =	simm.s32 $_size_execute0_lowered;
	s3 =	sadd.s32 s3, s5;
	[dreg:$0x0] =	wrdreg $0x0  }
0xa8: {  	s5 =	sshll.u32 s28, $0x1;
	[dreg:$0x2] =	wrdreg s3  }
0xa9: {  	[dreg:$0x3] =	wrdreg s5  }
0xaa: {  	[dreg:$0x4] =	wrdreg $0xC0  }
0xab: {  	_ =	task [dreg:s7], $0x5FFFF  }
0xac: {  	[dreg:$0x1] =	wrdreg $0xFFFFFFFF  }
0xad: {  	[dreg:$0x0] =	wrdreg $0x60  }
0xae: {  	[dreg:$0x2] =	wrdreg s24  }
0xaf: {  	[dreg:$0x3] =	wrdreg s2  }
0xb0: {  	[dreg:$0x4] =	wrdreg $0xA7000  }
0xb1: {  	[dreg:$0x5] =	wrdreg $0xA9800  }
0xb2: {  	[dreg:$0x6] =	wrdreg $0xAC000  }
0xb3: {  	[dreg:$0x7] =	wrdreg $0x9  }
0xb4: {  	_ =	task.clear_ibuf [dreg:s7], $0x8FFFF;
	_ =	strace $0x90000046  }
0xb5: {  	s29 =	simm.s32 $0x9;
	_ =	strace $0x80000048  }
0xb6: {  	_ =	swait.ge [sflag:s29], $0x1  }
0xb7: {  	[sflag:s29] =	ssyncadd.s32 $0xFFFFFFFF  }
0xb8: {  	_ =	strace $0x90000048  }
0xb9: {  	_ =	sfence  }
0xba: {  	s30 =	sld [smem:$0x0];
	_ =	sdelay $0x2  }
0xbb: {  	s31 =	sshll.u32 s1, $0xD;
	s1 =	sshrl.u32 s1, $0x2  }
0xbc: {  	s3 =	sand.u32 $0x4000, s31;
	s1 =	sadd.s32 s1, s30  }
0xbd: {  	s0 =	sor.u32 s3, s0;
	s1 =	sshll.u32 s1, $0x11  }
0xbe: {  	s0 =	sor.u32 s1, s0  }
0xbf: {  	s0 =	sadd.s32 $0x8F2B, s0  }
0xc0: {  	[sflag:s0] =	ssyncadd.remote.s32 $0x1  }
0xc1: {  	_ =	sfence.sel $0xFFFF  }
0xc2: {  	[dreg:$0x0] =	wrdreg $0xFFFFFFFF;
	(pc) =	sbr.abs _section_cstart, $3  }
0xc3: {  	[dreg:$0x1] =	wrdreg $0xFFFFFFFF  }
0xc4: {  	_ =	task.clear_ibuf [dreg:s7], $0x2FFFF;
	_ =	strace $0x9FFFFFFF  }
0xc5: {  	(tm) =	ssettm $0x7FFFFFFF  }
tec
execute0_lowered:
.L_overlay_start_1:
0x0: {  	(tag) =	ssettag $0x1  }
0x1: {  	s2 =	rddreg [dreg:$0x0]  }
0x2: {  	s1 =	rddreg [dreg:$0x2]  }
0x3: {  	s4 =	rddreg [dreg:$0x3];
	s3 =	srdreg.scid  }
0x4: {  	s5 =	rddreg [dreg:$0x4];
	s0 =	stileid.u32  }
0x5: {  	s6 =	simm.s32 $0x0;
	s19 =	simm.s32 $0x1;
	s28 =	simm.s32 $0xA180  }
0x6: {  	s29 =	simm.s32 $0xA200;
	s30 =	simm.s32 $0x100;
	s8 =	smul.u32 $0x5000, s0  }
0x7: {  	s31 =	simm.s32 $0x0;
	s3 =	sand.u32 $0x1, s3;
	s21 =	smul.u32 $0x500, s0  }
0x8: {  	[smem:$0x7FF] =	sst s6;
	s16 =	sshll.u32 s0, $0x7;
	s25 =	smul.u32 $0x280, s0  }
0x9: {  	s12 =	sshll.u32 s0, $0x8;
	p0 =	sgt.u32 s0, $0x3;
	s7 =	smul.u32 $0x50000, s3  }
0xa: {  	_ =	strace $0x80000047;
	s10 =	sadd.s32 s16, s2;
	s11 =	sshll.u32 s3, $0x7  }
0xb: {  	s22 =	ssub.s32 $0x2, s3;
	s3 =	sshll.u32 s3, $0xB;
	s26 =	sshrl.u32 s16, $0x2  }
0xc: {  	s16 =	sadd.s32 s16, s5;
	s24 =	sshrl.u32 s22, $0x1;
	s3 =	sadd.s32 s3, s10  }
0xd: {  	s13 =	sadd.s32 s26, s5;
	s26 =	simm.s32 $0xA100;
	s7 =	sadd.s32 s8, s7  }
0xe: {  	s8 =	sor.u32 s11, s21;
	s11 =	sor.u32 s11, s12;
	s18 =	ssub.s32 s22, s24  }
0xf: {  	s10 =	sadd.s32 $0x17400, s3;
	s12 =	sadd.s32 s25, s4;
	s21 =	simm.s32 $0xA000  }
0x10: {  	s22 =	simm.s32 $0xA400;
	s24 =	simm.s32 $0x80;
	s7 =	sshrl.u32 s7, $0x3  }
0x11: {  	s8 =	sshrl.u32 s8, $0x3;
	s23 =	sshrl.u32 s11, $0x3;
	s11 =	sadd.s32 s25, s1  }
0x12: {  	s18 =	smax.u32 s18, $0x1;
	s25 =	simm.s32 $0xA080;
	s9 =	sadd.s32 s7, s2  }
0x13: {  	s7 =	sadd.s32 $0x40400, s2;
	s15 =	sadd.s32 s8, s2;
	s2 =	sadd.s32 s23, s2  }
0x14: {  	s23 =	simm.s32 $0xA480;
	s8 =	sadd.s32 $0x18400, s9;
	s9 =	sadd.s32 $0x3400, s9  }
0x15: {  	s14 =	sadd.s32 $0x40600, s15;
	s15 =	sadd.s32 $0x41000, s15;
	s17 =	sadd.s32 $0x41A00, s2  }
.LBB2_1:
0x16: {  	[tilespmem:s6], [sflag:$0x1] =	stream.linear.gather [hbm4b:s8+s6], $0x5000, $0x38;
	[tilespmem:$0xAC20] =	vst v63  }
0x17: {  	_ =	swait.ge [sflag:s19], $0x5000  }
0x18: {  	[sflag:s19] =	ssyncset.done $0x0  }
0x19: {  	s0 =	simm.s32 $0x5000;
	[sflag:s19] =	ssyncadd.s32 $0xFFFFB000  }
0x1a: {  	[tilespmem:s0], [sflag:$0x1] =	stream.linear.gather [hbm4b:s9+s6], $0x5000, $0x38;
	[tilespmem:$0xAC20] =	vst v63  }
0x1b: {  	_ =	swait.ge [sflag:s19], $0x5000  }
0x1c: {  	[sflag:s19] =	ssyncset.done $0x0  }
0x1d: {  	[sflag:s19] =	ssyncadd.s32 $0xFFFFB000  }
0x1e: {  	[tilespmem:s21], [sflag:$0x1] =	stream.linear.gather [hbm4b:s10+s6], $0x280, $0x38;
	[tilespmem:$0xAC20] =	vst v63  }
0x1f: {  	_ =	swait.ge [sflag:s19], $0x280  }
0x20: {  	[sflag:s19] =	ssyncset.done $0x0  }
0x21: {  	[sflag:s19] =	ssyncadd.s32 $0xFFFFFD80  }
0x22: {  	s3 =	rddreg [dreg:$0x1]  }
0x23: {  	[tilespmem:s22], [sflag:$0x1] =	stream.linear.gather [hbm4b:s3+s6], $0x80, $0x38;
	[tilespmem:$0xAC20] =	vst v63  }
0x24: {  	_ =	swait.ge [sflag:s19], $0x80  }
0x25: {  	[sflag:s19] =	ssyncset.done $0x0  }
0x26: {  	[sflag:s19] =	ssyncadd.s32 $0xFFFFFF80  }
0x27: {  	[tilespmem:s23], [sflag:$0x1] =	stream.linear.gather [hbm4b:s7+s6], $0x280, $0x38;
	[tilespmem:$0xAC20] =	vst v63  }
0x28: {  	_ =	swait.ge [sflag:s19], $0x280  }
0x29: {  	[sflag:s19] =	ssyncset.done $0x0  }
0x2a: {  	[sflag:s19] =	ssyncadd.s32 $0xFFFFFD80  }
0x2b: {  	[spmem:s11] =	stream.linear.scatter [tilespmem:s23], [sflag:$0x1], $0x280, $0x38;
	[tilespmem:$0xAC20] =	vst v63  }
0x2c: {  	_ =	swait.ge [sflag:s19], $0x280  }
0x2d: {  	[sflag:s19] =	ssyncset.done $0x0  }
0x2e: {  	[sflag:s19] =	ssyncadd.s32 $0xFFFFFD80  }
0x2f: {  	[spmem:s12] =	stream.linear.scatter [tilespmem:s23], [sflag:$0x1], $0x280, $0x38;
	[tilespmem:$0xAC20] =	vst v63  }
0x30: {  	_ =	swait.ge [sflag:s19], $0x280  }
0x31: {  	[sflag:s19] =	ssyncset.done $0x0  }
0x32: {  	[sflag:s19] =	ssyncadd.s32 $0xFFFFFD80  }
0x33: {  	[spmem:s13] =	stream.linear.scatter [tilespmem:s23], [sflag:$0x1], $0x20, $0x38;
	[tilespmem:$0xAC20] =	vst v63  }
0x34: {  	_ =	swait.ge [sflag:s19], $0x20  }
0x35: {  	[sflag:s19] =	ssyncset.done $0x0  }
0x36: {  	[sflag:s19] =	ssyncadd.s32 $0xFFFFFFE0  }
0x37: {  	s2 =	simm.s32 $0x0;
	[bflag:$0x0] =	sbarrier.arrive $0xFFFF  }
0x38: {  	[spmem:s1] =	stream.indirect.scatter.add.f32 [tilespmem:s22], [sflag:$0x1], $0x1, s2, s24, $0xb8;
	[tilespmem:$0xAC20] =	vst v63  }
0x39: {  	_ =	swait.ge [sflag:s19], $0x80  }
0x3a: {  	[sflag:s19] =	ssyncset.done $0x0  }
0x3b: {  	s20 =	simm.s32 $0x5000;
	[sflag:s19] =	ssyncadd.s32 $0xFFFFFF80  }
0x3c: {  	[spmem:s4] =	stream.indirect.scatter.add.f32 [tilespmem:s22], [sflag:$0x1], $0x1, s20, s24, $0xb8;
	[tilespmem:$0xAC20] =	vst v63  }
0x3d: {  	_ =	swait.ge [sflag:s19], $0x80  }
0x3e: {  	s3 =	simm.s32 $0x400;
	s2 =	simm.s32 $0x200;
	[sflag:s19] =	ssyncset.done $0x0  }
.LBB2_2:
0x3f: {  	s0 =	sshra.s32 s2, $0x2  }
0x40: {  	[sflag:s19] =	ssyncadd.s32 $0xFFFFFF80;
	s2 =	smov.u32 s3;
	s20 =	sadd.s32 $0x200, s3  }
0x41: {  	[spmem:s1] =	stream.indirect.scatter.add.f32 [tilespmem:s22], [sflag:$0x1], $0x1, s0, s24, $0xb8;
	[tilespmem:$0xAC20] =	vst v63  }
0x42: {  	p1 =	sne.s32 s3, $0x13E00;
	_ =	swait.ge [sflag:s19], $0x80  }
.Ltmp0:
0x43: {  	[sflag:s19] =	ssyncset.done $0x0;
	(pc) =	sbr.rel @p1 .LBB2_2-.Ltmp0, $4  }
0x44: {  	s0 =	sadd.s32 $0x5000, s0;
	[sflag:s19] =	ssyncadd.s32 $0xFFFFFF80  }
0x45: {  	[spmem:s4] =	stream.indirect.scatter.add.f32 [tilespmem:s22], [sflag:$0x1], $0x1, s0, s24, $0xb8;
	[tilespmem:$0xAC20] =	vst v63  }
0x46: {  	_ =	swait.ge [sflag:s19], $0x80  }
0x47: {  	s3 =	smov.u32 s20;
	[sflag:s19] =	ssyncset.done $0x0  }
0x48: {  	s0 =	sshra.s32 s2, $0x2;
	[sflag:s19] =	ssyncadd.s32 $0xFFFFFF80  }
0x49: {  	[spmem:s1] =	stream.indirect.scatter.add.f32 [tilespmem:s22], [sflag:$0x1], $0x1, s0, s24, $0xb8;
	[tilespmem:$0xAC20] =	vst v63  }
0x4a: {  	_ =	swait.ge [sflag:s19], $0x80  }
0x4b: {  	[sflag:s19] =	ssyncset.done $0x0  }
0x4c: {  	s0 =	sadd.s32 $0x5000, s0;
	[sflag:s19] =	ssyncadd.s32 $0xFFFFFF80  }
0x4d: {  	[spmem:s4] =	stream.indirect.scatter.add.f32 [tilespmem:s22], [sflag:$0x1], $0x1, s0, s24, $0xb8;
	[tilespmem:$0xAC20] =	vst v63  }
0x4e: {  	_ =	swait.ge [sflag:s19], $0x80  }
0x4f: {  	[sflag:s19] =	ssyncset.done $0x0  }
0x50: {  	[sflag:s19] =	ssyncadd.s32 $0xFFFFFF80  }
0x51: {  	[spmem:s5] =	stream.indirect.scatter.add.f32 [tilespmem:s22], [sflag:$0x1], $0x1, s21, s24, $0xb8;
	[tilespmem:$0xAC20] =	vst v63  }
0x52: {  	_ =	swait.ge [sflag:s19], $0x80  }
0x53: {  	[sflag:s19] =	ssyncset.done $0x0  }
0x54: {  	[sflag:s19] =	ssyncadd.s32 $0xFFFFFF80  }
0x55: {  	[spmem:s5] =	stream.indirect.scatter.add.f32 [tilespmem:s22], [sflag:$0x1], $0x1, s25, s24, $0xb8;
	[tilespmem:$0xAC20] =	vst v63  }
0x56: {  	_ =	swait.ge [sflag:s19], $0x80  }
0x57: {  	[sflag:s19] =	ssyncset.done $0x0  }
0x58: {  	[sflag:s19] =	ssyncadd.s32 $0xFFFFFF80  }
0x59: {  	[spmem:s5] =	stream.indirect.scatter.add.f32 [tilespmem:s22], [sflag:$0x1], $0x1, s26, s24, $0xb8;
	[tilespmem:$0xAC20] =	vst v63  }
0x5a: {  	_ =	swait.ge [sflag:s19], $0x80  }
0x5b: {  	[sflag:s19] =	ssyncset.done $0x0  }
0x5c: {  	[sflag:s19] =	ssyncadd.s32 $0xFFFFFF80  }
0x5d: {  	[spmem:s5] =	stream.indirect.scatter.add.f32 [tilespmem:s22], [sflag:$0x1], $0x1, s28, s24, $0xb8;
	[tilespmem:$0xAC20] =	vst v63  }
0x5e: {  	_ =	swait.ge [sflag:s19], $0x80  }
0x5f: {  	[sflag:s19] =	ssyncset.done $0x0  }
0x60: {  	[sflag:s19] =	ssyncadd.s32 $0xFFFFFF80  }
0x61: {  	[spmem:s5] =	stream.indirect.scatter.add.f32 [tilespmem:s22], [sflag:$0x1], $0x1, s29, s24, $0xb8;
	[tilespmem:$0xAC20] =	vst v63  }
0x62: {  	_ =	swait.ge [sflag:s19], $0x80  }
0x63: {  	[sflag:s19] =	ssyncset.done $0x0  }
0x64: {  	[sflag:s19] =	ssyncadd.s32 $0xFFFFFF80  }
0x65: {  	[bflag:$0x0] =	sbarrier.arrive $0xFFFF  }
0x66: {  	[tilespmem:s23], [sflag:$0x1] =	stream.linear.gather [spmem:s11], $0x280, $0x38;
	[tilespmem:$0xAC20] =	vst v63  }
0x67: {  	_ =	swait.ge [sflag:s19], $0x280  }
0x68: {  	[sflag:s19] =	ssyncset.done $0x0  }
0x69: {  	[sflag:s19] =	ssyncadd.s32 $0xFFFFFD80  }
0x6a: {  	[hbm4b:s14+s24] =	stream.strided.scatter [tilespmem:s23], [sflag:$0x1], $0x280, s30, s24, $0x38;
	[tilespmem:$0xAC20] =	vst v63  }
0x6b: {  	_ =	swait.ge [sflag:s19], $0x280  }
0x6c: {  	[sflag:s19] =	ssyncset.done $0x0  }
0x6d: {  	[sflag:s19] =	ssyncadd.s32 $0xFFFFFD80  }
0x6e: {  	[tilespmem:s23], [sflag:$0x1] =	stream.linear.gather [spmem:s12], $0x280, $0x38;
	[tilespmem:$0xAC20] =	vst v63  }
0x6f: {  	_ =	swait.ge [sflag:s19], $0x280  }
0x70: {  	[sflag:s19] =	ssyncset.done $0x0  }
0x71: {  	[sflag:s19] =	ssyncadd.s32 $0xFFFFFD80  }
0x72: {  	[hbm4b:s15+s24] =	stream.strided.scatter [tilespmem:s23], [sflag:$0x1], $0x280, s30, s24, $0x38;
	[tilespmem:$0xAC20] =	vst v63  }
0x73: {  	_ =	swait.ge [sflag:s19], $0x280  }
0x74: {  	[sflag:s19] =	ssyncset.done $0x0  }
0x75: {  	s2 =	simm.s32 @!p0 $0x1;
	s0 =	simm.s32 @!p0 $0xA480;
	[sflag:s19] =	ssyncadd.s32 $0xFFFFFD80  }
0x76: {  	[tilespmem:s0], [sflag:$0x1] =	stream.linear.gather @!p0 [spmem:s16], $0x80, $0x38;
	[tilespmem:$0xAC20] =	vst v63  }
0x77: {  	s31 =	sadd.s32 $0x1, s31;
	_ =	swait.ge @!p0 [sflag:s2], $0x80  }
0x78: {  	p1 =	sne.s32 s31, s18;
	[sflag:s2] =	ssyncset.done @!p0 $0x0  }
.Ltmp1:
0x79: {  	s3 =	simm.s32 @!p0 $0x0;
	[sflag:s2] =	ssyncadd.s32 @!p0 $0xFFFFFF80;
	(pc) =	sbr.rel @p1 .LBB2_1-.Ltmp1, $4  }
0x7a: {  	[hbm4b:s17+s3] =	stream.linear.scatter @!p0 [tilespmem:s0], [sflag:$0x1], $0x80, $0x38;
	[tilespmem:$0xAC20] =	vst v63  }
0x7b: {  	_ =	swait.ge @!p0 [sflag:s2], $0x80  }
0x7c: {  	[sflag:s2] =	ssyncset.done @!p0 $0x0  }
0x7d: {  	[sflag:s2] =	ssyncadd.s32 @!p0 $0xFFFFFF80  }
0x7e: {  	_ =	sfence.sel $0x180000  }
0x7f: {  	[bflag:$0x0] =	sbarrier.arrive $0xFFFF  }
0x80: {  	_ =	strace $0x90000047  }
0x81: {  	s0 =	stileid.u32;
	[bflag:$0x2] =	sbarrier.arrive $0xFFFF  }
0x82: {  	p0 =	sne.s32 s0, $0x0;
	s0 =	rddreg [dreg:$0x5]  }
0x83: {  	s0 =	sadd.s32 @!p0 $0x100000, s0  }
0x84: {  	[sflag:s0] =	ssyncadd.tile.s32 @!p0 $0x1;
	_ =	shalt  }
.Lfunc_end2:
_tile_overlayer_lowered:
.L_overlay_start_2:
0x85: {  	(tag) =	ssettag $0x2  }
0x86: {  	s0 =	rddreg [dreg:$0x0];
	s2 =	stileid.u32  }
0x87: {  	s1 =	rddreg [dreg:$0x1];
	p0 =	sne.s32 s2, $0x0  }
0x88: {  	s3 =	rddreg [dreg:$0x2];
	[bflag:$0x3] =	sbarrier.arrive $0xFFFF;
	s2 =	simm.s32 @!p0 $0x1C01  }
0x89: {  	[timem:s3], [sflag:s2] =	dma.local @!p0 [hbm:s0], s1  }
0x8a: {  	s0 =	simm.s32 @!p0 $0x1  }
0x8b: {  	_ =	swait.ge @!p0 [sflag:s0], s1  }
0x8c: {  	s1 =	ssub.s32 @!p0 $0x0, s1;
	[sflag:s0] =	ssyncset.done @!p0 $0x0  }
0x8d: {  	[sflag:s0] =	ssyncadd.s32 @!p0 s1  }
0x8e: {  	[bflag:$0x3] =	sbarrier.arrive $0xFFFF  }
0x8f: {  	_ =	shalt  }

</sc_bundles>
